<compile_context>
chip_gen: v7x
topology: tpu7x:2x2x1
jax: 0.10.2.dev20260603
libtpu: 0.0.44.dev20260713+nightly
codegen_flags: <defaults>
</compile_context>

<pallas_src>
import numpy as np
import jax
import jax.numpy as jnp
from jax import lax
from jax.experimental import pallas as pl
from jax.experimental.pallas import tpu as pltpu
from jax.experimental.pallas import tpu_sc as plsc

_ATTR_DIM = 12
_NFREQ = 6
_FOUR_DIM = 4 * _NFREQ
_OUT_DIM = _ATTR_DIM + _FOUR_DIM + 1
_MU = 11.0

_B, _T = 16384, 200
_P = _B * _T

_NC, _NS = 2, 16
_NW = _NC * _NS
_PER_W = _P // _NW
_E = 1280
_CHUNKS = _PER_W // _E
_G = 16


def _make_fourier_lut() -> np.ndarray:
    byte = np.arange(256, dtype=np.int64)
    x = ((byte >> 4) & 15).astype(np.float32)
    y = (byte & 15).astype(np.float32)
    xn = (x / np.float32(_MU - 1.0) * np.float32(2.0) - np.float32(1.0))
    yn = (y / np.float32(_MU - 1.0) * np.float32(2.0) - np.float32(1.0))
    freqs = (2.0 ** np.arange(_NFREQ)).astype(np.float32)
    xs = (xn[:, None] * freqs[None, :]).astype(np.float32).astype(np.float64)
    ys = (yn[:, None] * freqs[None, :]).astype(np.float32).astype(np.float64)
    lut = np.concatenate(
        [np.cos(xs), np.sin(xs), np.cos(ys), np.sin(ys)], axis=1)
    return lut.astype(np.float32)


_FOURIER_LUT = _make_fourier_lut()


def _body(obs_hbm, attr_hbm, four_hbm, out_hbm,
          obs_a, obs_b, out_a, out_b, attr_v, four_v,
          sin_a, sin_b, sout_a, sout_b):
    wid = lax.axis_index("s") * _NC + lax.axis_index("c")
    pw0 = wid * _PER_W
    pltpu.sync_copy(attr_hbm, attr_v)
    pltpu.sync_copy(four_hbm, four_v)
    bufs = ((obs_a, out_a, sin_a, sout_a), (obs_b, out_b, sin_b, sout_b))

    def start_in(c, obs_v, sem):
        p0 = pw0 + c * _E
        for f in range(3):
            pltpu.async_copy(obs_hbm.at[pl.ds(f * _P + p0, _E)],
                             obs_v.at[pl.ds(f * _E, _E)], sem)

    def wait_in(obs_v, sem):
        pltpu.make_async_copy(obs_hbm.at[pl.ds(0, 3 * _E)], obs_v, sem).wait()

    def start_out(c, out_v, sem):
        p0 = pw0 + c * _E
        for ch in range(_OUT_DIM):
            pltpu.async_copy(out_v.at[pl.ds(ch * _E, _E)],
                             out_hbm.at[pl.ds(ch * _P + p0, _E)], sem)

    def wait_out(out_v, sem):
        pltpu.make_async_copy(out_hbm.at[pl.ds(0, _OUT_DIM * _E)],
                              out_v, sem).wait()

    def compute(obs_v, out_v):
        @plsc.parallel_loop(0, _E // _G, unroll=16)
        def group(g):
            base = g * _G
            cb = obs_v[pl.ds(base, _G)]
            ai = obs_v[pl.ds(_E + base, _G)]
            vv = obs_v[pl.ds(2 * _E + base, _G)]
            ab = ai * (_ATTR_DIM // 2)
            fb = cb * (_FOUR_DIM // 2)
            for cp in range(_ATTR_DIM // 2):
                w = plsc.load_gather(attr_v, [ab + cp])
                lo, hi = plsc.unpack(plsc.bitcast(w, jnp.bfloat16),
                                     format=plsc.PackFormat.INTERLEAVED)
                out_v[pl.ds((2 * cp) * _E + base, _G)] = lo
                out_v[pl.ds((2 * cp + 1) * _E + base, _G)] = hi
            for cp in range(_FOUR_DIM // 2):
                w = plsc.load_gather(four_v, [fb + cp])
                lo, hi = plsc.unpack(plsc.bitcast(w, jnp.bfloat16),
                                     format=plsc.PackFormat.INTERLEAVED)
                out_v[pl.ds((_ATTR_DIM + 2 * cp) * _E + base, _G)] = lo
                out_v[pl.ds((_ATTR_DIM + 2 * cp + 1) * _E + base, _G)] = hi
            out_v[pl.ds((_OUT_DIM - 1) * _E + base, _G)] = (
                vv.astype(jnp.float32))

    start_in(0, obs_a, sin_a)

    def pair(i, _):
        for par in range(2):
            obs_v, out_v, s_in, s_out = bufs[par]
            obs_n, _, s_in_n, _ = bufs[1 - par]
            c = 2 * i + par
            @pl.when(c + 1 < _CHUNKS)
            def _():
                start_in(c + 1, obs_n, s_in_n)
            wait_in(obs_v, s_in)
            @pl.when(c >= 2)
            def _():
                wait_out(out_v, s_out)
            compute(obs_v, out_v)
            start_out(c, out_v, s_out)
        return 0

    lax.fori_loop(0, _CHUNKS // 2, pair, 0)
    wait_out(out_a, sout_a)
    wait_out(out_b, sout_b)


def kernel(observations, table):
    obs_lin = (jnp.transpose(observations, (2, 1, 0))
               .reshape(3, _T // 8, 8, _B // 128, 128)
               .transpose(0, 1, 3, 2, 4)
               .reshape(-1))

    def pack_pairs(tbl):
        t16 = tbl.astype(jnp.bfloat16)
        return lax.bitcast_convert_type(
            t16.reshape(256, -1, 2), jnp.int32).reshape(-1)

    attr_flat = pack_pairs(table)
    four_flat = pack_pairs(jnp.asarray(_FOURIER_LUT))
    mesh = plsc.VectorSubcoreMesh(core_axis_name="c", subcore_axis_name="s",
                                  num_cores=_NC, num_subcores=_NS)
    out = pl.kernel(
        _body,
        out_type=jax.ShapeDtypeStruct((_OUT_DIM * _P,), jnp.float32),
        mesh=mesh,
        compiler_params=pltpu.CompilerParams(needs_layout_passes=False),
        scratch_types=[
            pltpu.VMEM((3 * _E,), jnp.int32),
            pltpu.VMEM((3 * _E,), jnp.int32),
            pltpu.VMEM((_OUT_DIM * _E,), jnp.float32),
            pltpu.VMEM((_OUT_DIM * _E,), jnp.float32),
            pltpu.VMEM((256 * _ATTR_DIM // 2,), jnp.int32),
            pltpu.VMEM((256 * _FOUR_DIM // 2,), jnp.int32),
            pltpu.SemaphoreType.DMA,
            pltpu.SemaphoreType.DMA,
            pltpu.SemaphoreType.DMA,
            pltpu.SemaphoreType.DMA,
        ],
    )(obs_lin, attr_flat, four_flat)
    out3 = (out.reshape(_OUT_DIM, _T // 8, _B // 128, 8, 128)
            .transpose(0, 1, 3, 2, 4)
            .reshape(_OUT_DIM, _T, _B))
    return jnp.transpose(out3, (2, 1, 0))

# --- scband reference (transcript-rebuilt; emitter-appended) ---
"""Pipeline reference for scband-obs-attr-embed-fourier-61306363183582 (READ-ONLY COPY).

The authoritative reference and input builder live on the scoring server;
editing this copy changes nothing except your own understanding.
"""

import jax, jax.numpy as jnp
import numpy as np

ATTR_EMBED_DIM = 12
NUM_FREQS = 6
MAX_EMBEDS = 256
MU = 11.0


def setup_inputs(seed: int = 0) -> dict:
    key = jax.random.key(seed)
    k1, k2 = jax.random.split(key)
    observations = jax.random.randint(k1, (16384, 200, 3), 0, 256, dtype=jnp.int32)
    table = jax.random.normal(k2, (MAX_EMBEDS, ATTR_EMBED_DIM), dtype=jnp.float32) * 0.02
    table = table.at[255].set(0.0)  # padding_idx=255
    return {"observations": observations, "table": table}


def reference(observations, table):
    freqs = (2.0 ** jnp.arange(NUM_FREQS, dtype=jnp.float32)).reshape(1, 1, -1)
    attr_indices = observations[..., 1]
    attr_embeds = jnp.take(table, attr_indices, axis=0)
    coords_byte = observations[..., 0].astype(jnp.uint8)
    x_coord = ((coords_byte >> 4) & 15).astype(jnp.float32)
    y_coord = (coords_byte & 15).astype(jnp.float32)
    x_norm = (x_coord / (MU - 1.0) * 2.0 - 1.0)[..., None]
    y_norm = (y_coord / (MU - 1.0) * 2.0 - 1.0)[..., None]
    x_scaled = x_norm * freqs
    y_scaled = y_norm * freqs
    attr_values = observations[..., 2].astype(jnp.float32)[..., None]
    feat = jnp.concatenate([
        attr_embeds,
        jnp.cos(x_scaled), jnp.sin(x_scaled),
        jnp.cos(y_scaled), jnp.sin(y_scaled),
        attr_values,
    ], axis=-1)
    return feat

if __name__ == "__main__":
    import jax
    _d = setup_inputs()
    print(jax.jit(kernel)(*tuple(_d.values())))

</pallas_src>

<mosaic_0001>
#map = affine_map<(d0, d1) -> (0)>
module attributes {stable_mosaic.version = 14 : i64} {
  func.func @_body(%arg0: i32, %arg1: i32, %arg2: memref<9830400xi32, #tpu.memory_space<hbm>>, %arg3: memref<1536xi32, #tpu.memory_space<hbm>>, %arg4: memref<3072xi32, #tpu.memory_space<hbm>>, %arg5: memref<121241600xf32, #tpu.memory_space<hbm>>, %arg6: memref<3840xi32, #tpu.memory_space<vmem>>, %arg7: memref<3840xi32, #tpu.memory_space<vmem>>, %arg8: memref<47360xf32, #tpu.memory_space<vmem>>, %arg9: memref<47360xf32, #tpu.memory_space<vmem>>, %arg10: memref<1536xi32, #tpu.memory_space<vmem>>, %arg11: memref<3072xi32, #tpu.memory_space<vmem>>, %arg12: memref<!tpu.dma_semaphore, #tpu.memory_space<semaphore_mem>>, %arg13: memref<!tpu.dma_semaphore, #tpu.memory_space<semaphore_mem>>, %arg14: memref<!tpu.dma_semaphore, #tpu.memory_space<semaphore_mem>>, %arg15: memref<!tpu.dma_semaphore, #tpu.memory_space<semaphore_mem>>) attributes {dimension_semantics = [#tpu.dimension_semantics<core_parallel>, #tpu.dimension_semantics<subcore_parallel>], iteration_bounds = array<i64: 2, 16>, scalar_prefetch = 0 : i64, scratch_operands = 10 : i64, tpu.core_type = #tpu.core_type<sc_vector_subcore>, window_params = [{transform_indices = #map}, {transform_indices = #map}, {transform_indices = #map}, {transform_indices = #map}]} {
    %mul3A = arith.constant 2 : i32
    %mul3A_0 = arith.muli %arg1, %mul3A : i32
    %add3A = arith.addi %mul3A_0, %arg0 : i32
    %mul3A_1 = arith.constant 102400 : i32
    %mul3A_2 = arith.muli %add3A, %mul3A_1 : i32
    "tpu.region"() ({
      %run_scoped3A = tpu.sem_alloc : memref<!tpu.dma_semaphore, #tpu.memory_space<semaphore_mem>>
      tpu.enqueue_dma source(%arg3 : memref<1536xi32, #tpu.memory_space<hbm>>) target(%arg10 : memref<1536xi32, #tpu.memory_space<vmem>>) target_semaphore(%run_scoped3A : memref<!tpu.dma_semaphore, #tpu.memory_space<semaphore_mem>>)
      tpu.wait_dma2 semaphore(%run_scoped3A : memref<!tpu.dma_semaphore, #tpu.memory_space<semaphore_mem>>) src(%arg3 : memref<1536xi32, #tpu.memory_space<hbm>>) dst(%arg10 : memref<1536xi32, #tpu.memory_space<vmem>>)
      tpu.yield
    }) : () -> ()
    "tpu.region"() ({
      %run_scoped3A = tpu.sem_alloc : memref<!tpu.dma_semaphore, #tpu.memory_space<semaphore_mem>>
      tpu.enqueue_dma source(%arg4 : memref<3072xi32, #tpu.memory_space<hbm>>) target(%arg11 : memref<3072xi32, #tpu.memory_space<vmem>>) target_semaphore(%run_scoped3A : memref<!tpu.dma_semaphore, #tpu.memory_space<semaphore_mem>>)
      tpu.wait_dma2 semaphore(%run_scoped3A : memref<!tpu.dma_semaphore, #tpu.memory_space<semaphore_mem>>) src(%arg4 : memref<3072xi32, #tpu.memory_space<hbm>>) dst(%arg11 : memref<3072xi32, #tpu.memory_space<vmem>>)
      tpu.yield
    }) : () -> ()
    %add3A_3 = arith.constant 0 : i32
    %add3A_4 = arith.addi %mul3A_2, %add3A_3 : i32
    %add3A_5 = arith.constant 0 : i32
    %add3A_6 = arith.addi %add3A_5, %add3A_4 : i32
    %dma_start3A = arith.constant 0 : i32
    %dma_start3A_7 = tpu.memref_slice %arg6[%dma_start3A] : memref<3840xi32, #tpu.memory_space<vmem>> -> memref<1280xi32, #tpu.memory_space<vmem>>
    %dma_start3A_8 = tpu.memref_slice %arg2[%add3A_6] : memref<9830400xi32, #tpu.memory_space<hbm>> -> memref<1280xi32, #tpu.memory_space<hbm>>
    %dma_start3A_9 = arith.constant 0 : i32
    %dma_start3A_10 = tpu.memref_slice %arg6[%dma_start3A_9] : memref<3840xi32, #tpu.memory_space<vmem>> -> memref<1280xi32, #tpu.memory_space<vmem>>
    %dma_start3A_11 = tpu.memref_slice %arg2[%add3A_6] : memref<9830400xi32, #tpu.memory_space<hbm>> -> memref<1280xi32, #tpu.memory_space<hbm>>
    tpu.enqueue_dma source(%dma_start3A_11 : memref<1280xi32, #tpu.memory_space<hbm>>) target(%dma_start3A_10 : memref<1280xi32, #tpu.memory_space<vmem>>) target_semaphore(%arg12 : memref<!tpu.dma_semaphore, #tpu.memory_space<semaphore_mem>>)
    %add3A_12 = arith.constant 3276800 : i32
    %add3A_13 = arith.addi %add3A_12, %add3A_4 : i32
    %dma_start3A_14 = arith.constant 1280 : i32
    %dma_start3A_15 = tpu.memref_slice %arg6[%dma_start3A_14] : memref<3840xi32, #tpu.memory_space<vmem>> -> memref<1280xi32, #tpu.memory_space<vmem>>
    %dma_start3A_16 = tpu.memref_slice %arg2[%add3A_13] : memref<9830400xi32, #tpu.memory_space<hbm>> -> memref<1280xi32, #tpu.memory_space<hbm>>
    %dma_start3A_17 = arith.constant 1280 : i32
    %dma_start3A_18 = tpu.memref_slice %arg6[%dma_start3A_17] : memref<3840xi32, #tpu.memory_space<vmem>> -> memref<1280xi32, #tpu.memory_space<vmem>>
    %dma_start3A_19 = tpu.memref_slice %arg2[%add3A_13] : memref<9830400xi32, #tpu.memory_space<hbm>> -> memref<1280xi32, #tpu.memory_space<hbm>>
    tpu.enqueue_dma source(%dma_start3A_19 : memref<1280xi32, #tpu.memory_space<hbm>>) target(%dma_start3A_18 : memref<1280xi32, #tpu.memory_space<vmem>>) target_semaphore(%arg12 : memref<!tpu.dma_semaphore, #tpu.memory_space<semaphore_mem>>)
    %add3A_20 = arith.constant 6553600 : i32
    %add3A_21 = arith.addi %add3A_20, %add3A_4 : i32
    %dma_start3A_22 = arith.constant 2560 : i32
    %dma_start3A_23 = tpu.memref_slice %arg6[%dma_start3A_22] : memref<3840xi32, #tpu.memory_space<vmem>> -> memref<1280xi32, #tpu.memory_space<vmem>>
    %dma_start3A_24 = tpu.memref_slice %arg2[%add3A_21] : memref<9830400xi32, #tpu.memory_space<hbm>> -> memref<1280xi32, #tpu.memory_space<hbm>>
    %dma_start3A_25 = arith.constant 2560 : i32
    %dma_start3A_26 = tpu.memref_slice %arg6[%dma_start3A_25] : memref<3840xi32, #tpu.memory_space<vmem>> -> memref<1280xi32, #tpu.memory_space<vmem>>
    %dma_start3A_27 = tpu.memref_slice %arg2[%add3A_21] : memref<9830400xi32, #tpu.memory_space<hbm>> -> memref<1280xi32, #tpu.memory_space<hbm>>
    tpu.enqueue_dma source(%dma_start3A_27 : memref<1280xi32, #tpu.memory_space<hbm>>) target(%dma_start3A_26 : memref<1280xi32, #tpu.memory_space<vmem>>) target_semaphore(%arg12 : memref<!tpu.dma_semaphore, #tpu.memory_space<semaphore_mem>>)
    %scan3A = arith.constant 0 : i32
    %scan3A_28 = arith.constant 0 : i32
    %scan3A_29 = arith.constant 40 : i32
    %scan3A_30 = arith.addi %scan3A_28, %scan3A_29 : i32
    %scan3A_31 = arith.constant 1 : i32
    %scan3A_32 = scf.for %scan3A_41 = %scan3A_28 to %scan3A_30 step %scan3A_31 iter_args(%scan3A_42 = %scan3A) -> (i32)  : i32 {
      %mul3A_43 = arith.constant 2 : i32
      %mul3A_44 = arith.muli %mul3A_43, %scan3A_41 : i32
      %add3A_45 = arith.constant 0 : i32
      %add3A_46 = arith.addi %mul3A_44, %add3A_45 : i32
      %add3A_47 = arith.constant 1 : i32
      %add3A_48 = arith.addi %add3A_46, %add3A_47 : i32
      %lt3A = arith.constant 80 : i32
      %lt3A_49 = arith.cmpi slt, %add3A_48, %lt3A : i32
      %convert_element_type3A = arith.extui %lt3A_49 : i1 to i32
      %cond3A = arith.constant 0 : i32
      %cond3A_50 = arith.cmpi ne, %convert_element_type3A, %cond3A : i32
      scf.if %cond3A_50 {
        %add3A_683 = arith.constant 1 : i32
        %add3A_684 = arith.addi %add3A_46, %add3A_683 : i32
        %mul3A_685 = arith.constant 1280 : i32
        %mul3A_686 = arith.muli %add3A_684, %mul3A_685 : i32
        %add3A_687 = arith.addi %mul3A_2, %mul3A_686 : i32
        %add3A_688 = arith.constant 0 : i32
        %add3A_689 = arith.addi %add3A_688, %add3A_687 : i32
        %dma_start3A_690 = arith.constant 0 : i32
        %dma_start3A_691 = tpu.memref_slice %arg7[%dma_start3A_690] : memref<3840xi32, #tpu.memory_space<vmem>> -> memref<1280xi32, #tpu.memory_space<vmem>>
        %dma_start3A_692 = tpu.memref_slice %arg2[%add3A_689] : memref<9830400xi32, #tpu.memory_space<hbm>> -> memref<1280xi32, #tpu.memory_space<hbm>>
        %dma_start3A_693 = arith.constant 0 : i32
        %dma_start3A_694 = tpu.memref_slice %arg7[%dma_start3A_693] : memref<3840xi32, #tpu.memory_space<vmem>> -> memref<1280xi32, #tpu.memory_space<vmem>>
        %dma_start3A_695 = tpu.memref_slice %arg2[%add3A_689] : memref<9830400xi32, #tpu.memory_space<hbm>> -> memref<1280xi32, #tpu.memory_space<hbm>>
        tpu.enqueue_dma source(%dma_start3A_695 : memref<1280xi32, #tpu.memory_space<hbm>>) target(%dma_start3A_694 : memref<1280xi32, #tpu.memory_space<vmem>>) target_semaphore(%arg13 : memref<!tpu.dma_semaphore, #tpu.memory_space<semaphore_mem>>)
        %add3A_696 = arith.constant 3276800 : i32
        %add3A_697 = arith.addi %add3A_696, %add3A_687 : i32
        %dma_start3A_698 = arith.constant 1280 : i32
        %dma_start3A_699 = tpu.memref_slice %arg7[%dma_start3A_698] : memref<3840xi32, #tpu.memory_space<vmem>> -> memref<1280xi32, #tpu.memory_space<vmem>>
        %dma_start3A_700 = tpu.memref_slice %arg2[%add3A_697] : memref<9830400xi32, #tpu.memory_space<hbm>> -> memref<1280xi32, #tpu.memory_space<hbm>>
        %dma_start3A_701 = arith.constant 1280 : i32
        %dma_start3A_702 = tpu.memref_slice %arg7[%dma_start3A_701] : memref<3840xi32, #tpu.memory_space<vmem>> -> memref<1280xi32, #tpu.memory_space<vmem>>
        %dma_start3A_703 = tpu.memref_slice %arg2[%add3A_697] : memref<9830400xi32, #tpu.memory_space<hbm>> -> memref<1280xi32, #tpu.memory_space<hbm>>
        tpu.enqueue_dma source(%dma_start3A_703 : memref<1280xi32, #tpu.memory_space<hbm>>) target(%dma_start3A_702 : memref<1280xi32, #tpu.memory_space<vmem>>) target_semaphore(%arg13 : memref<!tpu.dma_semaphore, #tpu.memory_space<semaphore_mem>>)
        %add3A_704 = arith.constant 6553600 : i32
        %add3A_705 = arith.addi %add3A_704, %add3A_687 : i32
        %dma_start3A_706 = arith.constant 2560 : i32
        %dma_start3A_707 = tpu.memref_slice %arg7[%dma_start3A_706] : memref<3840xi32, #tpu.memory_space<vmem>> -> memref<1280xi32, #tpu.memory_space<vmem>>
        %dma_start3A_708 = tpu.memref_slice %arg2[%add3A_705] : memref<9830400xi32, #tpu.memory_space<hbm>> -> memref<1280xi32, #tpu.memory_space<hbm>>
        %dma_start3A_709 = arith.constant 2560 : i32
        %dma_start3A_710 = tpu.memref_slice %arg7[%dma_start3A_709] : memref<3840xi32, #tpu.memory_space<vmem>> -> memref<1280xi32, #tpu.memory_space<vmem>>
        %dma_start3A_711 = tpu.memref_slice %arg2[%add3A_705] : memref<9830400xi32, #tpu.memory_space<hbm>> -> memref<1280xi32, #tpu.memory_space<hbm>>
        tpu.enqueue_dma source(%dma_start3A_711 : memref<1280xi32, #tpu.memory_space<hbm>>) target(%dma_start3A_710 : memref<1280xi32, #tpu.memory_space<vmem>>) target_semaphore(%arg13 : memref<!tpu.dma_semaphore, #tpu.memory_space<semaphore_mem>>)
      } else {
      }
      %dma_wait3A_51 = arith.constant 0 : i32
      %dma_wait3A_52 = tpu.memref_slice %arg2[%dma_wait3A_51] : memref<9830400xi32, #tpu.memory_space<hbm>> -> memref<3840xi32, #tpu.memory_space<hbm>>
      %dma_wait3A_53 = arith.constant 0 : i32
      %dma_wait3A_54 = tpu.memref_slice %arg2[%dma_wait3A_53] : memref<9830400xi32, #tpu.memory_space<hbm>> -> memref<3840xi32, #tpu.memory_space<hbm>>
      tpu.wait_dma2 semaphore(%arg12 : memref<!tpu.dma_semaphore, #tpu.memory_space<semaphore_mem>>) src(%dma_wait3A_54 : memref<3840xi32, #tpu.memory_space<hbm>>) dst(%arg6 : memref<3840xi32, #tpu.memory_space<vmem>>)
      %ge3A = arith.constant 2 : i32
      %ge3A_55 = arith.cmpi sge, %add3A_46, %ge3A : i32
      %convert_element_type3A_56 = arith.extui %ge3A_55 : i1 to i32
      %cond3A_57 = arith.constant 0 : i32
      %cond3A_58 = arith.cmpi ne, %convert_element_type3A_56, %cond3A_57 : i32
      scf.if %cond3A_58 {
        %dma_wait3A_683 = arith.constant 0 : i32
        %dma_wait3A_684 = tpu.memref_slice %arg5[%dma_wait3A_683] : memref<121241600xf32, #tpu.memory_space<hbm>> -> memref<47360xf32, #tpu.memory_space<hbm>>
        %dma_wait3A_685 = arith.constant 0 : i32
        %dma_wait3A_686 = tpu.memref_slice %arg5[%dma_wait3A_685] : memref<121241600xf32, #tpu.memory_space<hbm>> -> memref<47360xf32, #tpu.memory_space<hbm>>
        tpu.wait_dma2 semaphore(%arg14 : memref<!tpu.dma_semaphore, #tpu.memory_space<semaphore_mem>>) src(%dma_wait3A_686 : memref<47360xf32, #tpu.memory_space<hbm>>) dst(%arg8 : memref<47360xf32, #tpu.memory_space<vmem>>)
      } else {
      }
      %parallel_loop3A = arith.constant 0 : i32
      %parallel_loop3A_59 = arith.constant 80 : i32
      %parallel_loop3A_60 = arith.constant 1 : i32
      scf.for %parallel_loop3A_683 = %parallel_loop3A to %parallel_loop3A_59 step %parallel_loop3A_60  : i32 {
        %parallel_loop3A_684 = arith.constant 16 : i32
        %parallel_loop3A_685 = arith.muli %parallel_loop3A_683, %parallel_loop3A_684 : i32
        %parallel_loop3A_686 = arith.index_cast %parallel_loop3A_685 : i32 to index
        %parallel_loop3A_687 = tpu.vector_load %arg6[%parallel_loop3A_686] {strides = array<i32>} : memref<3840xi32, #tpu.memory_space<vmem>>, vector<16xi32>,
        %parallel_loop3A_688 = arith.constant 1280 : i32
        %parallel_loop3A_689 = arith.addi %parallel_loop3A_688, %parallel_loop3A_685 : i32
        %parallel_loop3A_690 = arith.index_cast %parallel_loop3A_689 : i32 to index
        %parallel_loop3A_691 = tpu.vector_load %arg6[%parallel_loop3A_690] {strides = array<i32>} : memref<3840xi32, #tpu.memory_space<vmem>>, vector<16xi32>,
        %parallel_loop3A_692 = arith.constant 2560 : i32
        %parallel_loop3A_693 = arith.addi %parallel_loop3A_692, %parallel_loop3A_685 : i32
        %parallel_loop3A_694 = arith.index_cast %parallel_loop3A_693 : i32 to index
        %parallel_loop3A_695 = tpu.vector_load %arg6[%parallel_loop3A_694] {strides = array<i32>} : memref<3840xi32, #tpu.memory_space<vmem>>, vector<16xi32>,
        %parallel_loop3A_696 = arith.constant 6 : i32
        %parallel_loop3A_697 = vector.broadcast %parallel_loop3A_696 : i32 to vector<16xi32>
        %parallel_loop3A_698 = arith.muli %parallel_loop3A_691, %parallel_loop3A_697 : vector<16xi32>
        %parallel_loop3A_699 = arith.constant 12 : i32
        %parallel_loop3A_700 = vector.broadcast %parallel_loop3A_699 : i32 to vector<16xi32>
        %parallel_loop3A_701 = arith.muli %parallel_loop3A_687, %parallel_loop3A_700 : vector<16xi32>
        %parallel_loop3A_702 = arith.constant 0 : i32
        %parallel_loop3A_703 = vector.broadcast %parallel_loop3A_702 : i32 to vector<16xi32>
        %parallel_loop3A_704 = arith.addi %parallel_loop3A_698, %parallel_loop3A_703 : vector<16xi32>
        %parallel_loop3A_705 = tpu.vector_load_idx %arg10[%parallel_loop3A_704] : memref<1536xi32, #tpu.memory_space<vmem>>[vector<16xi32>], vector<16xi32>,
        %parallel_loop3A_706 = vector.bitcast %parallel_loop3A_705 : vector<16xi32> to vector<32xbf16>
        %parallel_loop3A_707 = tpu.unpack_subelements %parallel_loop3A_706, 0 {pack_format = #tpu.pack_format<interleaved>} : vector<32xbf16> -> vector<16xf32>
        %parallel_loop3A_708 = tpu.unpack_subelements %parallel_loop3A_706, 1 {pack_format = #tpu.pack_format<interleaved>} : vector<32xbf16> -> vector<16xf32>
        %parallel_loop3A_709 = arith.constant 0 : i32
        %parallel_loop3A_710 = arith.addi %parallel_loop3A_709, %parallel_loop3A_685 : i32
        %parallel_loop3A_711 = arith.index_cast %parallel_loop3A_710 : i32 to index
        %parallel_loop3A_712 = tpu.vector_load %arg8[%parallel_loop3A_711] {strides = array<i32>} : memref<47360xf32, #tpu.memory_space<vmem>>, vector<16xf32>,
        tpu.vector_store %arg8[%parallel_loop3A_711], %parallel_loop3A_707 {strides = array<i32>} : memref<47360xf32, #tpu.memory_space<vmem>>, vector<16xf32>,
        %parallel_loop3A_713 = arith.constant 1280 : i32
        %parallel_loop3A_714 = arith.addi %parallel_loop3A_713, %parallel_loop3A_685 : i32
        %parallel_loop3A_715 = arith.index_cast %parallel_loop3A_714 : i32 to index
        %parallel_loop3A_716 = tpu.vector_load %arg8[%parallel_loop3A_715] {strides = array<i32>} : memref<47360xf32, #tpu.memory_space<vmem>>, vector<16xf32>,
        tpu.vector_store %arg8[%parallel_loop3A_715], %parallel_loop3A_708 {strides = array<i32>} : memref<47360xf32, #tpu.memory_space<vmem>>, vector<16xf32>,
        %parallel_loop3A_717 = arith.constant 1 : i32
        %parallel_loop3A_718 = vector.broadcast %parallel_loop3A_717 : i32 to vector<16xi32>
        %parallel_loop3A_719 = arith.addi %parallel_loop3A_698, %parallel_loop3A_718 : vector<16xi32>
        %parallel_loop3A_720 = tpu.vector_load_idx %arg10[%parallel_loop3A_719] : memref<1536xi32, #tpu.memory_space<vmem>>[vector<16xi32>], vector<16xi32>,
        %parallel_loop3A_721 = vector.bitcast %parallel_loop3A_720 : vector<16xi32> to vector<32xbf16>
        %parallel_loop3A_722 = tpu.unpack_subelements %parallel_loop3A_721, 0 {pack_format = #tpu.pack_format<interleaved>} : vector<32xbf16> -> vector<16xf32>
        %parallel_loop3A_723 = tpu.unpack_subelements %parallel_loop3A_721, 1 {pack_format = #tpu.pack_format<interleaved>} : vector<32xbf16> -> vector<16xf32>
        %parallel_loop3A_724 = arith.constant 2560 : i32
        %parallel_loop3A_725 = arith.addi %parallel_loop3A_724, %parallel_loop3A_685 : i32
        %parallel_loop3A_726 = arith.index_cast %parallel_loop3A_725 : i32 to index
        %parallel_loop3A_727 = tpu.vector_load %arg8[%parallel_loop3A_726] {strides = array<i32>} : memref<47360xf32, #tpu.memory_space<vmem>>, vector<16xf32>,
        tpu.vector_store %arg8[%parallel_loop3A_726], %parallel_loop3A_722 {strides = array<i32>} : memref<47360xf32, #tpu.memory_space<vmem>>, vector<16xf32>,
        %parallel_loop3A_728 = arith.constant 3840 : i32
        %parallel_loop3A_729 = arith.addi %parallel_loop3A_728, %parallel_loop3A_685 : i32
        %parallel_loop3A_730 = arith.index_cast %parallel_loop3A_729 : i32 to index
        %parallel_loop3A_731 = tpu.vector_load %arg8[%parallel_loop3A_730] {strides = array<i32>} : memref<47360xf32, #tpu.memory_space<vmem>>, vector<16xf32>,
        tpu.vector_store %arg8[%parallel_loop3A_730], %parallel_loop3A_723 {strides = array<i32>} : memref<47360xf32, #tpu.memory_space<vmem>>, vector<16xf32>,
        %parallel_loop3A_732 = arith.constant 2 : i32
        %parallel_loop3A_733 = vector.broadcast %parallel_loop3A_732 : i32 to vector<16xi32>
        %parallel_loop3A_734 = arith.addi %parallel_loop3A_698, %parallel_loop3A_733 : vector<16xi32>
        %parallel_loop3A_735 = tpu.vector_load_idx %arg10[%parallel_loop3A_734] : memref<1536xi32, #tpu.memory_space<vmem>>[vector<16xi32>], vector<16xi32>,
        %parallel_loop3A_736 = vector.bitcast %parallel_loop3A_735 : vector<16xi32> to vector<32xbf16>
        %parallel_loop3A_737 = tpu.unpack_subelements %parallel_loop3A_736, 0 {pack_format = #tpu.pack_format<interleaved>} : vector<32xbf16> -> vector<16xf32>
        %parallel_loop3A_738 = tpu.unpack_subelements %parallel_loop3A_736, 1 {pack_format = #tpu.pack_format<interleaved>} : vector<32xbf16> -> vector<16xf32>
        %parallel_loop3A_739 = arith.constant 5120 : i32
        %parallel_loop3A_740 = arith.addi %parallel_loop3A_739, %parallel_loop3A_685 : i32
        %parallel_loop3A_741 = arith.index_cast %parallel_loop3A_740 : i32 to index
        %parallel_loop3A_742 = tpu.vector_load %arg8[%parallel_loop3A_741] {strides = array<i32>} : memref<47360xf32, #tpu.memory_space<vmem>>, vector<16xf32>,
        tpu.vector_store %arg8[%parallel_loop3A_741], %parallel_loop3A_737 {strides = array<i32>} : memref<47360xf32, #tpu.memory_space<vmem>>, vector<16xf32>,
        %parallel_loop3A_743 = arith.constant 6400 : i32
        %parallel_loop3A_744 = arith.addi %parallel_loop3A_743, %parallel_loop3A_685 : i32
        %parallel_loop3A_745 = arith.index_cast %parallel_loop3A_744 : i32 to index
        %parallel_loop3A_746 = tpu.vector_load %arg8[%parallel_loop3A_745] {strides = array<i32>} : memref<47360xf32, #tpu.memory_space<vmem>>, vector<16xf32>,
        tpu.vector_store %arg8[%parallel_loop3A_745], %parallel_loop3A_738 {strides = array<i32>} : memref<47360xf32, #tpu.memory_space<vmem>>, vector<16xf32>,
        %parallel_loop3A_747 = arith.constant 3 : i32
        %parallel_loop3A_748 = vector.broadcast %parallel_loop3A_747 : i32 to vector<16xi32>
        %parallel_loop3A_749 = arith.addi %parallel_loop3A_698, %parallel_loop3A_748 : vector<16xi32>
        %parallel_loop3A_750 = tpu.vector_load_idx %arg10[%parallel_loop3A_749] : memref<1536xi32, #tpu.memory_space<vmem>>[vector<16xi32>], vector<16xi32>,
        %parallel_loop3A_751 = vector.bitcast %parallel_loop3A_750 : vector<16xi32> to vector<32xbf16>
        %parallel_loop3A_752 = tpu.unpack_subelements %parallel_loop3A_751, 0 {pack_format = #tpu.pack_format<interleaved>} : vector<32xbf16> -> vector<16xf32>
        %parallel_loop3A_753 = tpu.unpack_subelements %parallel_loop3A_751, 1 {pack_format = #tpu.pack_format<interleaved>} : vector<32xbf16> -> vector<16xf32>
        %parallel_loop3A_754 = arith.constant 7680 : i32
        %parallel_loop3A_755 = arith.addi %parallel_loop3A_754, %parallel_loop3A_685 : i32
        %parallel_loop3A_756 = arith.index_cast %parallel_loop3A_755 : i32 to index
        %parallel_loop3A_757 = tpu.vector_load %arg8[%parallel_loop3A_756] {strides = array<i32>} : memref<47360xf32, #tpu.memory_space<vmem>>, vector<16xf32>,
        tpu.vector_store %arg8[%parallel_loop3A_756], %parallel_loop3A_752 {strides = array<i32>} : memref<47360xf32, #tpu.memory_space<vmem>>, vector<16xf32>,
        %parallel_loop3A_758 = arith.constant 8960 : i32
        %parallel_loop3A_759 = arith.addi %parallel_loop3A_758, %parallel_loop3A_685 : i32
        %parallel_loop3A_760 = arith.index_cast %parallel_loop3A_759 : i32 to index
        %parallel_loop3A_761 = tpu.vector_load %arg8[%parallel_loop3A_760] {strides = array<i32>} : memref<47360xf32, #tpu.memory_space<vmem>>, vector<16xf32>,
        tpu.vector_store %arg8[%parallel_loop3A_760], %parallel_loop3A_753 {strides = array<i32>} : memref<47360xf32, #tpu.memory_space<vmem>>, vector<16xf32>,
        %parallel_loop3A_762 = arith.constant 4 : i32
        %parallel_loop3A_763 = vector.broadcast %parallel_loop3A_762 : i32 to vector<16xi32>
        %parallel_loop3A_764 = arith.addi %parallel_loop3A_698, %parallel_loop3A_763 : vector<16xi32>
        %parallel_loop3A_765 = tpu.vector_load_idx %arg10[%parallel_loop3A_764] : memref<1536xi32, #tpu.memory_space<vmem>>[vector<16xi32>], vector<16xi32>,
        %parallel_loop3A_766 = vector.bitcast %parallel_loop3A_765 : vector<16xi32> to vector<32xbf16>
        %parallel_loop3A_767 = tpu.unpack_subelements %parallel_loop3A_766, 0 {pack_format = #tpu.pack_format<interleaved>} : vector<32xbf16> -> vector<16xf32>
        %parallel_loop3A_768 = tpu.unpack_subelements %parallel_loop3A_766, 1 {pack_format = #tpu.pack_format<interleaved>} : vector<32xbf16> -> vector<16xf32>
        %parallel_loop3A_769 = arith.constant 10240 : i32
        %parallel_loop3A_770 = arith.addi %parallel_loop3A_769, %parallel_loop3A_685 : i32
        %parallel_loop3A_771 = arith.index_cast %parallel_loop3A_770 : i32 to index
        %parallel_loop3A_772 = tpu.vector_load %arg8[%parallel_loop3A_771] {strides = array<i32>} : memref<47360xf32, #tpu.memory_space<vmem>>, vector<16xf32>,
        tpu.vector_store %arg8[%parallel_loop3A_771], %parallel_loop3A_767 {strides = array<i32>} : memref<47360xf32, #tpu.memory_space<vmem>>, vector<16xf32>,
        %parallel_loop3A_773 = arith.constant 11520 : i32
        %parallel_loop3A_774 = arith.addi %parallel_loop3A_773, %parallel_loop3A_685 : i32
        %parallel_loop3A_775 = arith.index_cast %parallel_loop3A_774 : i32 to index
        %parallel_loop3A_776 = tpu.vector_load %arg8[%parallel_loop3A_775] {strides = array<i32>} : memref<47360xf32, #tpu.memory_space<vmem>>, vector<16xf32>,
        tpu.vector_store %arg8[%parallel_loop3A_775], %parallel_loop3A_768 {strides = array<i32>} : memref<47360xf32, #tpu.memory_space<vmem>>, vector<16xf32>,
        %parallel_loop3A_777 = arith.constant 5 : i32
        %parallel_loop3A_778 = vector.broadcast %parallel_loop3A_777 : i32 to vector<16xi32>
        %parallel_loop3A_779 = arith.addi %parallel_loop3A_698, %parallel_loop3A_778 : vector<16xi32>
        %parallel_loop3A_780 = tpu.vector_load_idx %arg10[%parallel_loop3A_779] : memref<1536xi32, #tpu.memory_space<vmem>>[vector<16xi32>], vector<16xi32>,
        %parallel_loop3A_781 = vector.bitcast %parallel_loop3A_780 : vector<16xi32> to vector<32xbf16>
        %parallel_loop3A_782 = tpu.unpack_subelements %parallel_loop3A_781, 0 {pack_format = #tpu.pack_format<interleaved>} : vector<32xbf16> -> vector<16xf32>
        %parallel_loop3A_783 = tpu.unpack_subelements %parallel_loop3A_781, 1 {pack_format = #tpu.pack_format<interleaved>} : vector<32xbf16> -> vector<16xf32>
        %parallel_loop3A_784 = arith.constant 12800 : i32
        %parallel_loop3A_785 = arith.addi %parallel_loop3A_784, %parallel_loop3A_685 : i32
        %parallel_loop3A_786 = arith.index_cast %parallel_loop3A_785 : i32 to index
        %parallel_loop3A_787 = tpu.vector_load %arg8[%parallel_loop3A_786] {strides = array<i32>} : memref<47360xf32, #tpu.memory_space<vmem>>, vector<16xf32>,
        tpu.vector_store %arg8[%parallel_loop3A_786], %parallel_loop3A_782 {strides = array<i32>} : memref<47360xf32, #tpu.memory_space<vmem>>, vector<16xf32>,
        %parallel_loop3A_788 = arith.constant 14080 : i32
        %parallel_loop3A_789 = arith.addi %parallel_loop3A_788, %parallel_loop3A_685 : i32
        %parallel_loop3A_790 = arith.index_cast %parallel_loop3A_789 : i32 to index
        %parallel_loop3A_791 = tpu.vector_load %arg8[%parallel_loop3A_790] {strides = array<i32>} : memref<47360xf32, #tpu.memory_space<vmem>>, vector<16xf32>,
        tpu.vector_store %arg8[%parallel_loop3A_790], %parallel_loop3A_783 {strides = array<i32>} : memref<47360xf32, #tpu.memory_space<vmem>>, vector<16xf32>,
        %parallel_loop3A_792 = arith.constant 0 : i32
        %parallel_loop3A_793 = vector.broadcast %parallel_loop3A_792 : i32 to vector<16xi32>
        %parallel_loop3A_794 = arith.addi %parallel_loop3A_701, %parallel_loop3A_793 : vector<16xi32>
        %parallel_loop3A_795 = tpu.vector_load_idx %arg11[%parallel_loop3A_794] : memref<3072xi32, #tpu.memory_space<vmem>>[vector<16xi32>], vector<16xi32>,
        %parallel_loop3A_796 = vector.bitcast %parallel_loop3A_795 : vector<16xi32> to vector<32xbf16>
        %parallel_loop3A_797 = tpu.unpack_subelements %parallel_loop3A_796, 0 {pack_format = #tpu.pack_format<interleaved>} : vector<32xbf16> -> vector<16xf32>
        %parallel_loop3A_798 = tpu.unpack_subelements %parallel_loop3A_796, 1 {pack_format = #tpu.pack_format<interleaved>} : vector<32xbf16> -> vector<16xf32>
        %parallel_loop3A_799 = arith.constant 15360 : i32
        %parallel_loop3A_800 = arith.addi %parallel_loop3A_799, %parallel_loop3A_685 : i32
        %parallel_loop3A_801 = arith.index_cast %parallel_loop3A_800 : i32 to index
        %parallel_loop3A_802 = tpu.vector_load %arg8[%parallel_loop3A_801] {strides = array<i32>} : memref<47360xf32, #tpu.memory_space<vmem>>, vector<16xf32>,
        tpu.vector_store %arg8[%parallel_loop3A_801], %parallel_loop3A_797 {strides = array<i32>} : memref<47360xf32, #tpu.memory_space<vmem>>, vector<16xf32>,
        %parallel_loop3A_803 = arith.constant 16640 : i32
        %parallel_loop3A_804 = arith.addi %parallel_loop3A_803, %parallel_loop3A_685 : i32
        %parallel_loop3A_805 = arith.index_cast %parallel_loop3A_804 : i32 to index
        %parallel_loop3A_806 = tpu.vector_load %arg8[%parallel_loop3A_805] {strides = array<i32>} : memref<47360xf32, #tpu.memory_space<vmem>>, vector<16xf32>,
        tpu.vector_store %arg8[%parallel_loop3A_805], %parallel_loop3A_798 {strides = array<i32>} : memref<47360xf32, #tpu.memory_space<vmem>>, vector<16xf32>,
        %parallel_loop3A_807 = arith.constant 1 : i32
        %parallel_loop3A_808 = vector.broadcast %parallel_loop3A_807 : i32 to vector<16xi32>
        %parallel_loop3A_809 = arith.addi %parallel_loop3A_701, %parallel_loop3A_808 : vector<16xi32>
        %parallel_loop3A_810 = tpu.vector_load_idx %arg11[%parallel_loop3A_809] : memref<3072xi32, #tpu.memory_space<vmem>>[vector<16xi32>], vector<16xi32>,
        %parallel_loop3A_811 = vector.bitcast %parallel_loop3A_810 : vector<16xi32> to vector<32xbf16>
        %parallel_loop3A_812 = tpu.unpack_subelements %parallel_loop3A_811, 0 {pack_format = #tpu.pack_format<interleaved>} : vector<32xbf16> -> vector<16xf32>
        %parallel_loop3A_813 = tpu.unpack_subelements %parallel_loop3A_811, 1 {pack_format = #tpu.pack_format<interleaved>} : vector<32xbf16> -> vector<16xf32>
        %parallel_loop3A_814 = arith.constant 17920 : i32
        %parallel_loop3A_815 = arith.addi %parallel_loop3A_814, %parallel_loop3A_685 : i32
        %parallel_loop3A_816 = arith.index_cast %parallel_loop3A_815 : i32 to index
        %parallel_loop3A_817 = tpu.vector_load %arg8[%parallel_loop3A_816] {strides = array<i32>} : memref<47360xf32, #tpu.memory_space<vmem>>, vector<16xf32>,
        tpu.vector_store %arg8[%parallel_loop3A_816], %parallel_loop3A_812 {strides = array<i32>} : memref<47360xf32, #tpu.memory_space<vmem>>, vector<16xf32>,
        %parallel_loop3A_818 = arith.constant 19200 : i32
        %parallel_loop3A_819 = arith.addi %parallel_loop3A_818, %parallel_loop3A_685 : i32
        %parallel_loop3A_820 = arith.index_cast %parallel_loop3A_819 : i32 to index
        %parallel_loop3A_821 = tpu.vector_load %arg8[%parallel_loop3A_820] {strides = array<i32>} : memref<47360xf32, #tpu.memory_space<vmem>>, vector<16xf32>,
        tpu.vector_store %arg8[%parallel_loop3A_820], %parallel_loop3A_813 {strides = array<i32>} : memref<47360xf32, #tpu.memory_space<vmem>>, vector<16xf32>,
        %parallel_loop3A_822 = arith.constant 2 : i32
        %parallel_loop3A_823 = vector.broadcast %parallel_loop3A_822 : i32 to vector<16xi32>
        %parallel_loop3A_824 = arith.addi %parallel_loop3A_701, %parallel_loop3A_823 : vector<16xi32>
        %parallel_loop3A_825 = tpu.vector_load_idx %arg11[%parallel_loop3A_824] : memref<3072xi32, #tpu.memory_space<vmem>>[vector<16xi32>], vector<16xi32>,
        %parallel_loop3A_826 = vector.bitcast %parallel_loop3A_825 : vector<16xi32> to vector<32xbf16>
        %parallel_loop3A_827 = tpu.unpack_subelements %parallel_loop3A_826, 0 {pack_format = #tpu.pack_format<interleaved>} : vector<32xbf16> -> vector<16xf32>
        %parallel_loop3A_828 = tpu.unpack_subelements %parallel_loop3A_826, 1 {pack_format = #tpu.pack_format<interleaved>} : vector<32xbf16> -> vector<16xf32>
        %parallel_loop3A_829 = arith.constant 20480 : i32
        %parallel_loop3A_830 = arith.addi %parallel_loop3A_829, %parallel_loop3A_685 : i32
        %parallel_loop3A_831 = arith.index_cast %parallel_loop3A_830 : i32 to index
        %parallel_loop3A_832 = tpu.vector_load %arg8[%parallel_loop3A_831] {strides = array<i32>} : memref<47360xf32, #tpu.memory_space<vmem>>, vector<16xf32>,
        tpu.vector_store %arg8[%parallel_loop3A_831], %parallel_loop3A_827 {strides = array<i32>} : memref<47360xf32, #tpu.memory_space<vmem>>, vector<16xf32>,
        %parallel_loop3A_833 = arith.constant 21760 : i32
        %parallel_loop3A_834 = arith.addi %parallel_loop3A_833, %parallel_loop3A_685 : i32
        %parallel_loop3A_835 = arith.index_cast %parallel_loop3A_834 : i32 to index
        %parallel_loop3A_836 = tpu.vector_load %arg8[%parallel_loop3A_835] {strides = array<i32>} : memref<47360xf32, #tpu.memory_space<vmem>>, vector<16xf32>,
        tpu.vector_store %arg8[%parallel_loop3A_835], %parallel_loop3A_828 {strides = array<i32>} : memref<47360xf32, #tpu.memory_space<vmem>>, vector<16xf32>,
        %parallel_loop3A_837 = arith.constant 3 : i32
        %parallel_loop3A_838 = vector.broadcast %parallel_loop3A_837 : i32 to vector<16xi32>
        %parallel_loop3A_839 = arith.addi %parallel_loop3A_701, %parallel_loop3A_838 : vector<16xi32>
        %parallel_loop3A_840 = tpu.vector_load_idx %arg11[%parallel_loop3A_839] : memref<3072xi32, #tpu.memory_space<vmem>>[vector<16xi32>], vector<16xi32>,
        %parallel_loop3A_841 = vector.bitcast %parallel_loop3A_840 : vector<16xi32> to vector<32xbf16>
        %parallel_loop3A_842 = tpu.unpack_subelements %parallel_loop3A_841, 0 {pack_format = #tpu.pack_format<interleaved>} : vector<32xbf16> -> vector<16xf32>
        %parallel_loop3A_843 = tpu.unpack_subelements %parallel_loop3A_841, 1 {pack_format = #tpu.pack_format<interleaved>} : vector<32xbf16> -> vector<16xf32>
        %parallel_loop3A_844 = arith.constant 23040 : i32
        %parallel_loop3A_845 = arith.addi %parallel_loop3A_844, %parallel_loop3A_685 : i32
        %parallel_loop3A_846 = arith.index_cast %parallel_loop3A_845 : i32 to index
        %parallel_loop3A_847 = tpu.vector_load %arg8[%parallel_loop3A_846] {strides = array<i32>} : memref<47360xf32, #tpu.memory_space<vmem>>, vector<16xf32>,
        tpu.vector_store %arg8[%parallel_loop3A_846], %parallel_loop3A_842 {strides = array<i32>} : memref<47360xf32, #tpu.memory_space<vmem>>, vector<16xf32>,
        %parallel_loop3A_848 = arith.constant 24320 : i32
        %parallel_loop3A_849 = arith.addi %parallel_loop3A_848, %parallel_loop3A_685 : i32
        %parallel_loop3A_850 = arith.index_cast %parallel_loop3A_849 : i32 to index
        %parallel_loop3A_851 = tpu.vector_load %arg8[%parallel_loop3A_850] {strides = array<i32>} : memref<47360xf32, #tpu.memory_space<vmem>>, vector<16xf32>,
        tpu.vector_store %arg8[%parallel_loop3A_850], %parallel_loop3A_843 {strides = array<i32>} : memref<47360xf32, #tpu.memory_space<vmem>>, vector<16xf32>,
        %parallel_loop3A_852 = arith.constant 4 : i32
        %parallel_loop3A_853 = vector.broadcast %parallel_loop3A_852 : i32 to vector<16xi32>
        %parallel_loop3A_854 = arith.addi %parallel_loop3A_701, %parallel_loop3A_853 : vector<16xi32>
        %parallel_loop3A_855 = tpu.vector_load_idx %arg11[%parallel_loop3A_854] : memref<3072xi32, #tpu.memory_space<vmem>>[vector<16xi32>], vector<16xi32>,
        %parallel_loop3A_856 = vector.bitcast %parallel_loop3A_855 : vector<16xi32> to vector<32xbf16>
        %parallel_loop3A_857 = tpu.unpack_subelements %parallel_loop3A_856, 0 {pack_format = #tpu.pack_format<interleaved>} : vector<32xbf16> -> vector<16xf32>
        %parallel_loop3A_858 = tpu.unpack_subelements %parallel_loop3A_856, 1 {pack_format = #tpu.pack_format<interleaved>} : vector<32xbf16> -> vector<16xf32>
        %parallel_loop3A_859 = arith.constant 25600 : i32
        %parallel_loop3A_860 = arith.addi %parallel_loop3A_859, %parallel_loop3A_685 : i32
        %parallel_loop3A_861 = arith.index_cast %parallel_loop3A_860 : i32 to index
        %parallel_loop3A_862 = tpu.vector_load %arg8[%parallel_loop3A_861] {strides = array<i32>} : memref<47360xf32, #tpu.memory_space<vmem>>, vector<16xf32>,
        tpu.vector_store %arg8[%parallel_loop3A_861], %parallel_loop3A_857 {strides = array<i32>} : memref<47360xf32, #tpu.memory_space<vmem>>, vector<16xf32>,
        %parallel_loop3A_863 = arith.constant 26880 : i32
        %parallel_loop3A_864 = arith.addi %parallel_loop3A_863, %parallel_loop3A_685 : i32
        %parallel_loop3A_865 = arith.index_cast %parallel_loop3A_864 : i32 to index
        %parallel_loop3A_866 = tpu.vector_load %arg8[%parallel_loop3A_865] {strides = array<i32>} : memref<47360xf32, #tpu.memory_space<vmem>>, vector<16xf32>,
        tpu.vector_store %arg8[%parallel_loop3A_865], %parallel_loop3A_858 {strides = array<i32>} : memref<47360xf32, #tpu.memory_space<vmem>>, vector<16xf32>,
        %parallel_loop3A_867 = arith.constant 5 : i32
        %parallel_loop3A_868 = vector.broadcast %parallel_loop3A_867 : i32 to vector<16xi32>
        %parallel_loop3A_869 = arith.addi %parallel_loop3A_701, %parallel_loop3A_868 : vector<16xi32>
        %parallel_loop3A_870 = tpu.vector_load_idx %arg11[%parallel_loop3A_869] : memref<3072xi32, #tpu.memory_space<vmem>>[vector<16xi32>], vector<16xi32>,
        %parallel_loop3A_871 = vector.bitcast %parallel_loop3A_870 : vector<16xi32> to vector<32xbf16>
        %parallel_loop3A_872 = tpu.unpack_subelements %parallel_loop3A_871, 0 {pack_format = #tpu.pack_format<interleaved>} : vector<32xbf16> -> vector<16xf32>
        %parallel_loop3A_873 = tpu.unpack_subelements %parallel_loop3A_871, 1 {pack_format = #tpu.pack_format<interleaved>} : vector<32xbf16> -> vector<16xf32>
        %parallel_loop3A_874 = arith.constant 28160 : i32
        %parallel_loop3A_875 = arith.addi %parallel_loop3A_874, %parallel_loop3A_685 : i32
        %parallel_loop3A_876 = arith.index_cast %parallel_loop3A_875 : i32 to index
        %parallel_loop3A_877 = tpu.vector_load %arg8[%parallel_loop3A_876] {strides = array<i32>} : memref<47360xf32, #tpu.memory_space<vmem>>, vector<16xf32>,
        tpu.vector_store %arg8[%parallel_loop3A_876], %parallel_loop3A_872 {strides = array<i32>} : memref<47360xf32, #tpu.memory_space<vmem>>, vector<16xf32>,
        %parallel_loop3A_878 = arith.constant 29440 : i32
        %parallel_loop3A_879 = arith.addi %parallel_loop3A_878, %parallel_loop3A_685 : i32
        %parallel_loop3A_880 = arith.index_cast %parallel_loop3A_879 : i32 to index
        %parallel_loop3A_881 = tpu.vector_load %arg8[%parallel_loop3A_880] {strides = array<i32>} : memref<47360xf32, #tpu.memory_space<vmem>>, vector<16xf32>,
        tpu.vector_store %arg8[%parallel_loop3A_880], %parallel_loop3A_873 {strides = array<i32>} : memref<47360xf32, #tpu.memory_space<vmem>>, vector<16xf32>,
        %parallel_loop3A_882 = arith.constant 6 : i32
        %parallel_loop3A_883 = vector.broadcast %parallel_loop3A_882 : i32 to vector<16xi32>
        %parallel_loop3A_884 = arith.addi %parallel_loop3A_701, %parallel_loop3A_883 : vector<16xi32>
        %parallel_loop3A_885 = tpu.vector_load_idx %arg11[%parallel_loop3A_884] : memref<3072xi32, #tpu.memory_space<vmem>>[vector<16xi32>], vector<16xi32>,
        %parallel_loop3A_886 = vector.bitcast %parallel_loop3A_885 : vector<16xi32> to vector<32xbf16>
        %parallel_loop3A_887 = tpu.unpack_subelements %parallel_loop3A_886, 0 {pack_format = #tpu.pack_format<interleaved>} : vector<32xbf16> -> vector<16xf32>
        %parallel_loop3A_888 = tpu.unpack_subelements %parallel_loop3A_886, 1 {pack_format = #tpu.pack_format<interleaved>} : vector<32xbf16> -> vector<16xf32>
        %parallel_loop3A_889 = arith.constant 30720 : i32
        %parallel_loop3A_890 = arith.addi %parallel_loop3A_889, %parallel_loop3A_685 : i32
        %parallel_loop3A_891 = arith.index_cast %parallel_loop3A_890 : i32 to index
        %parallel_loop3A_892 = tpu.vector_load %arg8[%parallel_loop3A_891] {strides = array<i32>} : memref<47360xf32, #tpu.memory_space<vmem>>, vector<16xf32>,
        tpu.vector_store %arg8[%parallel_loop3A_891], %parallel_loop3A_887 {strides = array<i32>} : memref<47360xf32, #tpu.memory_space<vmem>>, vector<16xf32>,
        %parallel_loop3A_893 = arith.constant 32000 : i32
        %parallel_loop3A_894 = arith.addi %parallel_loop3A_893, %parallel_loop3A_685 : i32
        %parallel_loop3A_895 = arith.index_cast %parallel_loop3A_894 : i32 to index
        %parallel_loop3A_896 = tpu.vector_load %arg8[%parallel_loop3A_895] {strides = array<i32>} : memref<47360xf32, #tpu.memory_space<vmem>>, vector<16xf32>,
        tpu.vector_store %arg8[%parallel_loop3A_895], %parallel_loop3A_888 {strides = array<i32>} : memref<47360xf32, #tpu.memory_space<vmem>>, vector<16xf32>,
        %parallel_loop3A_897 = arith.constant 7 : i32
        %parallel_loop3A_898 = vector.broadcast %parallel_loop3A_897 : i32 to vector<16xi32>
        %parallel_loop3A_899 = arith.addi %parallel_loop3A_701, %parallel_loop3A_898 : vector<16xi32>
        %parallel_loop3A_900 = tpu.vector_load_idx %arg11[%parallel_loop3A_899] : memref<3072xi32, #tpu.memory_space<vmem>>[vector<16xi32>], vector<16xi32>,
        %parallel_loop3A_901 = vector.bitcast %parallel_loop3A_900 : vector<16xi32> to vector<32xbf16>
        %parallel_loop3A_902 = tpu.unpack_subelements %parallel_loop3A_901, 0 {pack_format = #tpu.pack_format<interleaved>} : vector<32xbf16> -> vector<16xf32>
        %parallel_loop3A_903 = tpu.unpack_subelements %parallel_loop3A_901, 1 {pack_format = #tpu.pack_format<interleaved>} : vector<32xbf16> -> vector<16xf32>
        %parallel_loop3A_904 = arith.constant 33280 : i32
        %parallel_loop3A_905 = arith.addi %parallel_loop3A_904, %parallel_loop3A_685 : i32
        %parallel_loop3A_906 = arith.index_cast %parallel_loop3A_905 : i32 to index
        %parallel_loop3A_907 = tpu.vector_load %arg8[%parallel_loop3A_906] {strides = array<i32>} : memref<47360xf32, #tpu.memory_space<vmem>>, vector<16xf32>,
        tpu.vector_store %arg8[%parallel_loop3A_906], %parallel_loop3A_902 {strides = array<i32>} : memref<47360xf32, #tpu.memory_space<vmem>>, vector<16xf32>,
        %parallel_loop3A_908 = arith.constant 34560 : i32
        %parallel_loop3A_909 = arith.addi %parallel_loop3A_908, %parallel_loop3A_685 : i32
        %parallel_loop3A_910 = arith.index_cast %parallel_loop3A_909 : i32 to index
        %parallel_loop3A_911 = tpu.vector_load %arg8[%parallel_loop3A_910] {strides = array<i32>} : memref<47360xf32, #tpu.memory_space<vmem>>, vector<16xf32>,
        tpu.vector_store %arg8[%parallel_loop3A_910], %parallel_loop3A_903 {strides = array<i32>} : memref<47360xf32, #tpu.memory_space<vmem>>, vector<16xf32>,
        %parallel_loop3A_912 = arith.constant 8 : i32
        %parallel_loop3A_913 = vector.broadcast %parallel_loop3A_912 : i32 to vector<16xi32>
        %parallel_loop3A_914 = arith.addi %parallel_loop3A_701, %parallel_loop3A_913 : vector<16xi32>
        %parallel_loop3A_915 = tpu.vector_load_idx %arg11[%parallel_loop3A_914] : memref<3072xi32, #tpu.memory_space<vmem>>[vector<16xi32>], vector<16xi32>,
        %parallel_loop3A_916 = vector.bitcast %parallel_loop3A_915 : vector<16xi32> to vector<32xbf16>
        %parallel_loop3A_917 = tpu.unpack_subelements %parallel_loop3A_916, 0 {pack_format = #tpu.pack_format<interleaved>} : vector<32xbf16> -> vector<16xf32>
        %parallel_loop3A_918 = tpu.unpack_subelements %parallel_loop3A_916, 1 {pack_format = #tpu.pack_format<interleaved>} : vector<32xbf16> -> vector<16xf32>
        %parallel_loop3A_919 = arith.constant 35840 : i32
        %parallel_loop3A_920 = arith.addi %parallel_loop3A_919, %parallel_loop3A_685 : i32
        %parallel_loop3A_921 = arith.index_cast %parallel_loop3A_920 : i32 to index
        %parallel_loop3A_922 = tpu.vector_load %arg8[%parallel_loop3A_921] {strides = array<i32>} : memref<47360xf32, #tpu.memory_space<vmem>>, vector<16xf32>,
        tpu.vector_store %arg8[%parallel_loop3A_921], %parallel_loop3A_917 {strides = array<i32>} : memref<47360xf32, #tpu.memory_space<vmem>>, vector<16xf32>,
        %parallel_loop3A_923 = arith.constant 37120 : i32
        %parallel_loop3A_924 = arith.addi %parallel_loop3A_923, %parallel_loop3A_685 : i32
        %parallel_loop3A_925 = arith.index_cast %parallel_loop3A_924 : i32 to index
        %parallel_loop3A_926 = tpu.vector_load %arg8[%parallel_loop3A_925] {strides = array<i32>} : memref<47360xf32, #tpu.memory_space<vmem>>, vector<16xf32>,
        tpu.vector_store %arg8[%parallel_loop3A_925], %parallel_loop3A_918 {strides = array<i32>} : memref<47360xf32, #tpu.memory_space<vmem>>, vector<16xf32>,
        %parallel_loop3A_927 = arith.constant 9 : i32
        %parallel_loop3A_928 = vector.broadcast %parallel_loop3A_927 : i32 to vector<16xi32>
        %parallel_loop3A_929 = arith.addi %parallel_loop3A_701, %parallel_loop3A_928 : vector<16xi32>
        %parallel_loop3A_930 = tpu.vector_load_idx %arg11[%parallel_loop3A_929] : memref<3072xi32, #tpu.memory_space<vmem>>[vector<16xi32>], vector<16xi32>,
        %parallel_loop3A_931 = vector.bitcast %parallel_loop3A_930 : vector<16xi32> to vector<32xbf16>
        %parallel_loop3A_932 = tpu.unpack_subelements %parallel_loop3A_931, 0 {pack_format = #tpu.pack_format<interleaved>} : vector<32xbf16> -> vector<16xf32>
        %parallel_loop3A_933 = tpu.unpack_subelements %parallel_loop3A_931, 1 {pack_format = #tpu.pack_format<interleaved>} : vector<32xbf16> -> vector<16xf32>
        %parallel_loop3A_934 = arith.constant 38400 : i32
        %parallel_loop3A_935 = arith.addi %parallel_loop3A_934, %parallel_loop3A_685 : i32
        %parallel_loop3A_936 = arith.index_cast %parallel_loop3A_935 : i32 to index
        %parallel_loop3A_937 = tpu.vector_load %arg8[%parallel_loop3A_936] {strides = array<i32>} : memref<47360xf32, #tpu.memory_space<vmem>>, vector<16xf32>,
        tpu.vector_store %arg8[%parallel_loop3A_936], %parallel_loop3A_932 {strides = array<i32>} : memref<47360xf32, #tpu.memory_space<vmem>>, vector<16xf32>,
        %parallel_loop3A_938 = arith.constant 39680 : i32
        %parallel_loop3A_939 = arith.addi %parallel_loop3A_938, %parallel_loop3A_685 : i32
        %parallel_loop3A_940 = arith.index_cast %parallel_loop3A_939 : i32 to index
        %parallel_loop3A_941 = tpu.vector_load %arg8[%parallel_loop3A_940] {strides = array<i32>} : memref<47360xf32, #tpu.memory_space<vmem>>, vector<16xf32>,
        tpu.vector_store %arg8[%parallel_loop3A_940], %parallel_loop3A_933 {strides = array<i32>} : memref<47360xf32, #tpu.memory_space<vmem>>, vector<16xf32>,
        %parallel_loop3A_942 = arith.constant 10 : i32
        %parallel_loop3A_943 = vector.broadcast %parallel_loop3A_942 : i32 to vector<16xi32>
        %parallel_loop3A_944 = arith.addi %parallel_loop3A_701, %parallel_loop3A_943 : vector<16xi32>
        %parallel_loop3A_945 = tpu.vector_load_idx %arg11[%parallel_loop3A_944] : memref<3072xi32, #tpu.memory_space<vmem>>[vector<16xi32>], vector<16xi32>,
        %parallel_loop3A_946 = vector.bitcast %parallel_loop3A_945 : vector<16xi32> to vector<32xbf16>
        %parallel_loop3A_947 = tpu.unpack_subelements %parallel_loop3A_946, 0 {pack_format = #tpu.pack_format<interleaved>} : vector<32xbf16> -> vector<16xf32>
        %parallel_loop3A_948 = tpu.unpack_subelements %parallel_loop3A_946, 1 {pack_format = #tpu.pack_format<interleaved>} : vector<32xbf16> -> vector<16xf32>
        %parallel_loop3A_949 = arith.constant 40960 : i32
        %parallel_loop3A_950 = arith.addi %parallel_loop3A_949, %parallel_loop3A_685 : i32
        %parallel_loop3A_951 = arith.index_cast %parallel_loop3A_950 : i32 to index
        %parallel_loop3A_952 = tpu.vector_load %arg8[%parallel_loop3A_951] {strides = array<i32>} : memref<47360xf32, #tpu.memory_space<vmem>>, vector<16xf32>,
        tpu.vector_store %arg8[%parallel_loop3A_951], %parallel_loop3A_947 {strides = array<i32>} : memref<47360xf32, #tpu.memory_space<vmem>>, vector<16xf32>,
        %parallel_loop3A_953 = arith.constant 42240 : i32
        %parallel_loop3A_954 = arith.addi %parallel_loop3A_953, %parallel_loop3A_685 : i32
        %parallel_loop3A_955 = arith.index_cast %parallel_loop3A_954 : i32 to index
        %parallel_loop3A_956 = tpu.vector_load %arg8[%parallel_loop3A_955] {strides = array<i32>} : memref<47360xf32, #tpu.memory_space<vmem>>, vector<16xf32>,
        tpu.vector_store %arg8[%parallel_loop3A_955], %parallel_loop3A_948 {strides = array<i32>} : memref<47360xf32, #tpu.memory_space<vmem>>, vector<16xf32>,
        %parallel_loop3A_957 = arith.constant 11 : i32
        %parallel_loop3A_958 = vector.broadcast %parallel_loop3A_957 : i32 to vector<16xi32>
        %parallel_loop3A_959 = arith.addi %parallel_loop3A_701, %parallel_loop3A_958 : vector<16xi32>
        %parallel_loop3A_960 = tpu.vector_load_idx %arg11[%parallel_loop3A_959] : memref<3072xi32, #tpu.memory_space<vmem>>[vector<16xi32>], vector<16xi32>,
        %parallel_loop3A_961 = vector.bitcast %parallel_loop3A_960 : vector<16xi32> to vector<32xbf16>
        %parallel_loop3A_962 = tpu.unpack_subelements %parallel_loop3A_961, 0 {pack_format = #tpu.pack_format<interleaved>} : vector<32xbf16> -> vector<16xf32>
        %parallel_loop3A_963 = tpu.unpack_subelements %parallel_loop3A_961, 1 {pack_format = #tpu.pack_format<interleaved>} : vector<32xbf16> -> vector<16xf32>
        %parallel_loop3A_964 = arith.constant 43520 : i32
        %parallel_loop3A_965 = arith.addi %parallel_loop3A_964, %parallel_loop3A_685 : i32
        %parallel_loop3A_966 = arith.index_cast %parallel_loop3A_965 : i32 to index
        %parallel_loop3A_967 = tpu.vector_load %arg8[%parallel_loop3A_966] {strides = array<i32>} : memref<47360xf32, #tpu.memory_space<vmem>>, vector<16xf32>,
        tpu.vector_store %arg8[%parallel_loop3A_966], %parallel_loop3A_962 {strides = array<i32>} : memref<47360xf32, #tpu.memory_space<vmem>>, vector<16xf32>,
        %parallel_loop3A_968 = arith.constant 44800 : i32
        %parallel_loop3A_969 = arith.addi %parallel_loop3A_968, %parallel_loop3A_685 : i32
        %parallel_loop3A_970 = arith.index_cast %parallel_loop3A_969 : i32 to index
        %parallel_loop3A_971 = tpu.vector_load %arg8[%parallel_loop3A_970] {strides = array<i32>} : memref<47360xf32, #tpu.memory_space<vmem>>, vector<16xf32>,
        tpu.vector_store %arg8[%parallel_loop3A_970], %parallel_loop3A_963 {strides = array<i32>} : memref<47360xf32, #tpu.memory_space<vmem>>, vector<16xf32>,
        %parallel_loop3A_972 = arith.sitofp %parallel_loop3A_695 : vector<16xi32> to vector<16xf32>
        %parallel_loop3A_973 = arith.constant 46080 : i32
        %parallel_loop3A_974 = arith.addi %parallel_loop3A_973, %parallel_loop3A_685 : i32
        %parallel_loop3A_975 = arith.index_cast %parallel_loop3A_974 : i32 to index
        %parallel_loop3A_976 = tpu.vector_load %arg8[%parallel_loop3A_975] {strides = array<i32>} : memref<47360xf32, #tpu.memory_space<vmem>>, vector<16xf32>,
        tpu.vector_store %arg8[%parallel_loop3A_975], %parallel_loop3A_972 {strides = array<i32>} : memref<47360xf32, #tpu.memory_space<vmem>>, vector<16xf32>,
      } {sc.loop_unroll_factor = 16 : i64, sc.parallel_access}
      %mul3A_61 = arith.constant 1280 : i32
      %mul3A_62 = arith.muli %add3A_46, %mul3A_61 : i32
      %add3A_63 = arith.addi %mul3A_2, %mul3A_62 : i32
      %add3A_64 = arith.constant 0 : i32
      %add3A_65 = arith.addi %add3A_64, %add3A_63 : i32
      %dma_start3A_66 = arith.constant 0 : i32
      %dma_start3A_67 = tpu.memref_slice %arg8[%dma_start3A_66] : memref<47360xf32, #tpu.memory_space<vmem>> -> memref<1280xf32, #tpu.memory_space<vmem>>
      %dma_start3A_68 = tpu.memref_slice %arg5[%add3A_65] : memref<121241600xf32, #tpu.memory_space<hbm>> -> memref<1280xf32, #tpu.memory_space<hbm>>
      %dma_start3A_69 = tpu.memref_slice %arg5[%add3A_65] : memref<121241600xf32, #tpu.memory_space<hbm>> -> memref<1280xf32, #tpu.memory_space<hbm>>
      %dma_start3A_70 = arith.constant 0 : i32
      %dma_start3A_71 = tpu.memref_slice %arg8[%dma_start3A_70] : memref<47360xf32, #tpu.memory_space<vmem>> -> memref<1280xf32, #tpu.memory_space<vmem>>
      tpu.enqueue_dma source(%dma_start3A_71 : memref<1280xf32, #tpu.memory_space<vmem>>) target(%dma_start3A_69 : memref<1280xf32, #tpu.memory_space<hbm>>) target_semaphore(%arg14 : memref<!tpu.dma_semaphore, #tpu.memory_space<semaphore_mem>>)
      %add3A_72 = arith.constant 3276800 : i32
      %add3A_73 = arith.addi %add3A_72, %add3A_63 : i32
      %dma_start3A_74 = arith.constant 1280 : i32
      %dma_start3A_75 = tpu.memref_slice %arg8[%dma_start3A_74] : memref<47360xf32, #tpu.memory_space<vmem>> -> memref<1280xf32, #tpu.memory_space<vmem>>
      %dma_start3A_76 = tpu.memref_slice %arg5[%add3A_73] : memref<121241600xf32, #tpu.memory_space<hbm>> -> memref<1280xf32, #tpu.memory_space<hbm>>
      %dma_start3A_77 = tpu.memref_slice %arg5[%add3A_73] : memref<121241600xf32, #tpu.memory_space<hbm>> -> memref<1280xf32, #tpu.memory_space<hbm>>
      %dma_start3A_78 = arith.constant 1280 : i32
      %dma_start3A_79 = tpu.memref_slice %arg8[%dma_start3A_78] : memref<47360xf32, #tpu.memory_space<vmem>> -> memref<1280xf32, #tpu.memory_space<vmem>>
      tpu.enqueue_dma source(%dma_start3A_79 : memref<1280xf32, #tpu.memory_space<vmem>>) target(%dma_start3A_77 : memref<1280xf32, #tpu.memory_space<hbm>>) target_semaphore(%arg14 : memref<!tpu.dma_semaphore, #tpu.memory_space<semaphore_mem>>)
      %add3A_80 = arith.constant 6553600 : i32
      %add3A_81 = arith.addi %add3A_80, %add3A_63 : i32
      %dma_start3A_82 = arith.constant 2560 : i32
      %dma_start3A_83 = tpu.memref_slice %arg8[%dma_start3A_82] : memref<47360xf32, #tpu.memory_space<vmem>> -> memref<1280xf32, #tpu.memory_space<vmem>>
      %dma_start3A_84 = tpu.memref_slice %arg5[%add3A_81] : memref<121241600xf32, #tpu.memory_space<hbm>> -> memref<1280xf32, #tpu.memory_space<hbm>>
      %dma_start3A_85 = tpu.memref_slice %arg5[%add3A_81] : memref<121241600xf32, #tpu.memory_space<hbm>> -> memref<1280xf32, #tpu.memory_space<hbm>>
      %dma_start3A_86 = arith.constant 2560 : i32
      %dma_start3A_87 = tpu.memref_slice %arg8[%dma_start3A_86] : memref<47360xf32, #tpu.memory_space<vmem>> -> memref<1280xf32, #tpu.memory_space<vmem>>
      tpu.enqueue_dma source(%dma_start3A_87 : memref<1280xf32, #tpu.memory_space<vmem>>) target(%dma_start3A_85 : memref<1280xf32, #tpu.memory_space<hbm>>) target_semaphore(%arg14 : memref<!tpu.dma_semaphore, #tpu.memory_space<semaphore_mem>>)
      %add3A_88 = arith.constant 9830400 : i32
      %add3A_89 = arith.addi %add3A_88, %add3A_63 : i32
      %dma_start3A_90 = arith.constant 3840 : i32
      %dma_start3A_91 = tpu.memref_slice %arg8[%dma_start3A_90] : memref<47360xf32, #tpu.memory_space<vmem>> -> memref<1280xf32, #tpu.memory_space<vmem>>
      %dma_start3A_92 = tpu.memref_slice %arg5[%add3A_89] : memref<121241600xf32, #tpu.memory_space<hbm>> -> memref<1280xf32, #tpu.memory_space<hbm>>
      %dma_start3A_93 = tpu.memref_slice %arg5[%add3A_89] : memref<121241600xf32, #tpu.memory_space<hbm>> -> memref<1280xf32, #tpu.memory_space<hbm>>
      %dma_start3A_94 = arith.constant 3840 : i32
      %dma_start3A_95 = tpu.memref_slice %arg8[%dma_start3A_94] : memref<47360xf32, #tpu.memory_space<vmem>> -> memref<1280xf32, #tpu.memory_space<vmem>>
      tpu.enqueue_dma source(%dma_start3A_95 : memref<1280xf32, #tpu.memory_space<vmem>>) target(%dma_start3A_93 : memref<1280xf32, #tpu.memory_space<hbm>>) target_semaphore(%arg14 : memref<!tpu.dma_semaphore, #tpu.memory_space<semaphore_mem>>)
      %add3A_96 = arith.constant 13107200 : i32
      %add3A_97 = arith.addi %add3A_96, %add3A_63 : i32
      %dma_start3A_98 = arith.constant 5120 : i32
      %dma_start3A_99 = tpu.memref_slice %arg8[%dma_start3A_98] : memref<47360xf32, #tpu.memory_space<vmem>> -> memref<1280xf32, #tpu.memory_space<vmem>>
      %dma_start3A_100 = tpu.memref_slice %arg5[%add3A_97] : memref<121241600xf32, #tpu.memory_space<hbm>> -> memref<1280xf32, #tpu.memory_space<hbm>>
      %dma_start3A_101 = tpu.memref_slice %arg5[%add3A_97] : memref<121241600xf32, #tpu.memory_space<hbm>> -> memref<1280xf32, #tpu.memory_space<hbm>>
      %dma_start3A_102 = arith.constant 5120 : i32
      %dma_start3A_103 = tpu.memref_slice %arg8[%dma_start3A_102] : memref<47360xf32, #tpu.memory_space<vmem>> -> memref<1280xf32, #tpu.memory_space<vmem>>
      tpu.enqueue_dma source(%dma_start3A_103 : memref<1280xf32, #tpu.memory_space<vmem>>) target(%dma_start3A_101 : memref<1280xf32, #tpu.memory_space<hbm>>) target_semaphore(%arg14 : memref<!tpu.dma_semaphore, #tpu.memory_space<semaphore_mem>>)
      %add3A_104 = arith.constant 16384000 : i32
      %add3A_105 = arith.addi %add3A_104, %add3A_63 : i32
      %dma_start3A_106 = arith.constant 6400 : i32
      %dma_start3A_107 = tpu.memref_slice %arg8[%dma_start3A_106] : memref<47360xf32, #tpu.memory_space<vmem>> -> memref<1280xf32, #tpu.memory_space<vmem>>
      %dma_start3A_108 = tpu.memref_slice %arg5[%add3A_105] : memref<121241600xf32, #tpu.memory_space<hbm>> -> memref<1280xf32, #tpu.memory_space<hbm>>
      %dma_start3A_109 = tpu.memref_slice %arg5[%add3A_105] : memref<121241600xf32, #tpu.memory_space<hbm>> -> memref<1280xf32, #tpu.memory_space<hbm>>
      %dma_start3A_110 = arith.constant 6400 : i32
      %dma_start3A_111 = tpu.memref_slice %arg8[%dma_start3A_110] : memref<47360xf32, #tpu.memory_space<vmem>> -> memref<1280xf32, #tpu.memory_space<vmem>>
      tpu.enqueue_dma source(%dma_start3A_111 : memref<1280xf32, #tpu.memory_space<vmem>>) target(%dma_start3A_109 : memref<1280xf32, #tpu.memory_space<hbm>>) target_semaphore(%arg14 : memref<!tpu.dma_semaphore, #tpu.memory_space<semaphore_mem>>)
      %add3A_112 = arith.constant 19660800 : i32
      %add3A_113 = arith.addi %add3A_112, %add3A_63 : i32
      %dma_start3A_114 = arith.constant 7680 : i32
      %dma_start3A_115 = tpu.memref_slice %arg8[%dma_start3A_114] : memref<47360xf32, #tpu.memory_space<vmem>> -> memref<1280xf32, #tpu.memory_space<vmem>>
      %dma_start3A_116 = tpu.memref_slice %arg5[%add3A_113] : memref<121241600xf32, #tpu.memory_space<hbm>> -> memref<1280xf32, #tpu.memory_space<hbm>>
      %dma_start3A_117 = tpu.memref_slice %arg5[%add3A_113] : memref<121241600xf32, #tpu.memory_space<hbm>> -> memref<1280xf32, #tpu.memory_space<hbm>>
      %dma_start3A_118 = arith.constant 7680 : i32
      %dma_start3A_119 = tpu.memref_slice %arg8[%dma_start3A_118] : memref<47360xf32, #tpu.memory_space<vmem>> -> memref<1280xf32, #tpu.memory_space<vmem>>
      tpu.enqueue_dma source(%dma_start3A_119 : memref<1280xf32, #tpu.memory_space<vmem>>) target(%dma_start3A_117 : memref<1280xf32, #tpu.memory_space<hbm>>) target_semaphore(%arg14 : memref<!tpu.dma_semaphore, #tpu.memory_space<semaphore_mem>>)
      %add3A_120 = arith.constant 22937600 : i32
      %add3A_121 = arith.addi %add3A_120, %add3A_63 : i32
      %dma_start3A_122 = arith.constant 8960 : i32
      %dma_start3A_123 = tpu.memref_slice %arg8[%dma_start3A_122] : memref<47360xf32, #tpu.memory_space<vmem>> -> memref<1280xf32, #tpu.memory_space<vmem>>
      %dma_start3A_124 = tpu.memref_slice %arg5[%add3A_121] : memref<121241600xf32, #tpu.memory_space<hbm>> -> memref<1280xf32, #tpu.memory_space<hbm>>
      %dma_start3A_125 = tpu.memref_slice %arg5[%add3A_121] : memref<121241600xf32, #tpu.memory_space<hbm>> -> memref<1280xf32, #tpu.memory_space<hbm>>
      %dma_start3A_126 = arith.constant 8960 : i32
      %dma_start3A_127 = tpu.memref_slice %arg8[%dma_start3A_126] : memref<47360xf32, #tpu.memory_space<vmem>> -> memref<1280xf32, #tpu.memory_space<vmem>>
      tpu.enqueue_dma source(%dma_start3A_127 : memref<1280xf32, #tpu.memory_space<vmem>>) target(%dma_start3A_125 : memref<1280xf32, #tpu.memory_space<hbm>>) target_semaphore(%arg14 : memref<!tpu.dma_semaphore, #tpu.memory_space<semaphore_mem>>)
      %add3A_128 = arith.constant 26214400 : i32
      %add3A_129 = arith.addi %add3A_128, %add3A_63 : i32
      %dma_start3A_130 = arith.constant 10240 : i32
      %dma_start3A_131 = tpu.memref_slice %arg8[%dma_start3A_130] : memref<47360xf32, #tpu.memory_space<vmem>> -> memref<1280xf32, #tpu.memory_space<vmem>>
      %dma_start3A_132 = tpu.memref_slice %arg5[%add3A_129] : memref<121241600xf32, #tpu.memory_space<hbm>> -> memref<1280xf32, #tpu.memory_space<hbm>>
      %dma_start3A_133 = tpu.memref_slice %arg5[%add3A_129] : memref<121241600xf32, #tpu.memory_space<hbm>> -> memref<1280xf32, #tpu.memory_space<hbm>>
      %dma_start3A_134 = arith.constant 10240 : i32
      %dma_start3A_135 = tpu.memref_slice %arg8[%dma_start3A_134] : memref<47360xf32, #tpu.memory_space<vmem>> -> memref<1280xf32, #tpu.memory_space<vmem>>
      tpu.enqueue_dma source(%dma_start3A_135 : memref<1280xf32, #tpu.memory_space<vmem>>) target(%dma_start3A_133 : memref<1280xf32, #tpu.memory_space<hbm>>) target_semaphore(%arg14 : memref<!tpu.dma_semaphore, #tpu.memory_space<semaphore_mem>>)
      %add3A_136 = arith.constant 29491200 : i32
      %add3A_137 = arith.addi %add3A_136, %add3A_63 : i32
      %dma_start3A_138 = arith.constant 11520 : i32
      %dma_start3A_139 = tpu.memref_slice %arg8[%dma_start3A_138] : memref<47360xf32, #tpu.memory_space<vmem>> -> memref<1280xf32, #tpu.memory_space<vmem>>
      %dma_start3A_140 = tpu.memref_slice %arg5[%add3A_137] : memref<121241600xf32, #tpu.memory_space<hbm>> -> memref<1280xf32, #tpu.memory_space<hbm>>
      %dma_start3A_141 = tpu.memref_slice %arg5[%add3A_137] : memref<121241600xf32, #tpu.memory_space<hbm>> -> memref<1280xf32, #tpu.memory_space<hbm>>
      %dma_start3A_142 = arith.constant 11520 : i32
      %dma_start3A_143 = tpu.memref_slice %arg8[%dma_start3A_142] : memref<47360xf32, #tpu.memory_space<vmem>> -> memref<1280xf32, #tpu.memory_space<vmem>>
      tpu.enqueue_dma source(%dma_start3A_143 : memref<1280xf32, #tpu.memory_space<vmem>>) target(%dma_start3A_141 : memref<1280xf32, #tpu.memory_space<hbm>>) target_semaphore(%arg14 : memref<!tpu.dma_semaphore, #tpu.memory_space<semaphore_mem>>)
      %add3A_144 = arith.constant 32768000 : i32
      %add3A_145 = arith.addi %add3A_144, %add3A_63 : i32
      %dma_start3A_146 = arith.constant 12800 : i32
      %dma_start3A_147 = tpu.memref_slice %arg8[%dma_start3A_146] : memref<47360xf32, #tpu.memory_space<vmem>> -> memref<1280xf32, #tpu.memory_space<vmem>>
      %dma_start3A_148 = tpu.memref_slice %arg5[%add3A_145] : memref<121241600xf32, #tpu.memory_space<hbm>> -> memref<1280xf32, #tpu.memory_space<hbm>>
      %dma_start3A_149 = tpu.memref_slice %arg5[%add3A_145] : memref<121241600xf32, #tpu.memory_space<hbm>> -> memref<1280xf32, #tpu.memory_space<hbm>>
      %dma_start3A_150 = arith.constant 12800 : i32
      %dma_start3A_151 = tpu.memref_slice %arg8[%dma_start3A_150] : memref<47360xf32, #tpu.memory_space<vmem>> -> memref<1280xf32, #tpu.memory_space<vmem>>
      tpu.enqueue_dma source(%dma_start3A_151 : memref<1280xf32, #tpu.memory_space<vmem>>) target(%dma_start3A_149 : memref<1280xf32, #tpu.memory_space<hbm>>) target_semaphore(%arg14 : memref<!tpu.dma_semaphore, #tpu.memory_space<semaphore_mem>>)
      %add3A_152 = arith.constant 36044800 : i32
      %add3A_153 = arith.addi %add3A_152, %add3A_63 : i32
      %dma_start3A_154 = arith.constant 14080 : i32
      %dma_start3A_155 = tpu.memref_slice %arg8[%dma_start3A_154] : memref<47360xf32, #tpu.memory_space<vmem>> -> memref<1280xf32, #tpu.memory_space<vmem>>
      %dma_start3A_156 = tpu.memref_slice %arg5[%add3A_153] : memref<121241600xf32, #tpu.memory_space<hbm>> -> memref<1280xf32, #tpu.memory_space<hbm>>
      %dma_start3A_157 = tpu.memref_slice %arg5[%add3A_153] : memref<121241600xf32, #tpu.memory_space<hbm>> -> memref<1280xf32, #tpu.memory_space<hbm>>
      %dma_start3A_158 = arith.constant 14080 : i32
      %dma_start3A_159 = tpu.memref_slice %arg8[%dma_start3A_158] : memref<47360xf32, #tpu.memory_space<vmem>> -> memref<1280xf32, #tpu.memory_space<vmem>>
      tpu.enqueue_dma source(%dma_start3A_159 : memref<1280xf32, #tpu.memory_space<vmem>>) target(%dma_start3A_157 : memref<1280xf32, #tpu.memory_space<hbm>>) target_semaphore(%arg14 : memref<!tpu.dma_semaphore, #tpu.memory_space<semaphore_mem>>)
      %add3A_160 = arith.constant 39321600 : i32
      %add3A_161 = arith.addi %add3A_160, %add3A_63 : i32
      %dma_start3A_162 = arith.constant 15360 : i32
      %dma_start3A_163 = tpu.memref_slice %arg8[%dma_start3A_162] : memref<47360xf32, #tpu.memory_space<vmem>> -> memref<1280xf32, #tpu.memory_space<vmem>>
      %dma_start3A_164 = tpu.memref_slice %arg5[%add3A_161] : memref<121241600xf32, #tpu.memory_space<hbm>> -> memref<1280xf32, #tpu.memory_space<hbm>>
      %dma_start3A_165 = tpu.memref_slice %arg5[%add3A_161] : memref<121241600xf32, #tpu.memory_space<hbm>> -> memref<1280xf32, #tpu.memory_space<hbm>>
      %dma_start3A_166 = arith.constant 15360 : i32
      %dma_start3A_167 = tpu.memref_slice %arg8[%dma_start3A_166] : memref<47360xf32, #tpu.memory_space<vmem>> -> memref<1280xf32, #tpu.memory_space<vmem>>
      tpu.enqueue_dma source(%dma_start3A_167 : memref<1280xf32, #tpu.memory_space<vmem>>) target(%dma_start3A_165 : memref<1280xf32, #tpu.memory_space<hbm>>) target_semaphore(%arg14 : memref<!tpu.dma_semaphore, #tpu.memory_space<semaphore_mem>>)
      %add3A_168 = arith.constant 42598400 : i32
      %add3A_169 = arith.addi %add3A_168, %add3A_63 : i32
      %dma_start3A_170 = arith.constant 16640 : i32
      %dma_start3A_171 = tpu.memref_slice %arg8[%dma_start3A_170] : memref<47360xf32, #tpu.memory_space<vmem>> -> memref<1280xf32, #tpu.memory_space<vmem>>
      %dma_start3A_172 = tpu.memref_slice %arg5[%add3A_169] : memref<121241600xf32, #tpu.memory_space<hbm>> -> memref<1280xf32, #tpu.memory_space<hbm>>
      %dma_start3A_173 = tpu.memref_slice %arg5[%add3A_169] : memref<121241600xf32, #tpu.memory_space<hbm>> -> memref<1280xf32, #tpu.memory_space<hbm>>
      %dma_start3A_174 = arith.constant 16640 : i32
      %dma_start3A_175 = tpu.memref_slice %arg8[%dma_start3A_174] : memref<47360xf32, #tpu.memory_space<vmem>> -> memref<1280xf32, #tpu.memory_space<vmem>>
      tpu.enqueue_dma source(%dma_start3A_175 : memref<1280xf32, #tpu.memory_space<vmem>>) target(%dma_start3A_173 : memref<1280xf32, #tpu.memory_space<hbm>>) target_semaphore(%arg14 : memref<!tpu.dma_semaphore, #tpu.memory_space<semaphore_mem>>)
      %add3A_176 = arith.constant 45875200 : i32
      %add3A_177 = arith.addi %add3A_176, %add3A_63 : i32
      %dma_start3A_178 = arith.constant 17920 : i32
      %dma_start3A_179 = tpu.memref_slice %arg8[%dma_start3A_178] : memref<47360xf32, #tpu.memory_space<vmem>> -> memref<1280xf32, #tpu.memory_space<vmem>>
      %dma_start3A_180 = tpu.memref_slice %arg5[%add3A_177] : memref<121241600xf32, #tpu.memory_space<hbm>> -> memref<1280xf32, #tpu.memory_space<hbm>>
      %dma_start3A_181 = tpu.memref_slice %arg5[%add3A_177] : memref<121241600xf32, #tpu.memory_space<hbm>> -> memref<1280xf32, #tpu.memory_space<hbm>>
      %dma_start3A_182 = arith.constant 17920 : i32
      %dma_start3A_183 = tpu.memref_slice %arg8[%dma_start3A_182] : memref<47360xf32, #tpu.memory_space<vmem>> -> memref<1280xf32, #tpu.memory_space<vmem>>
      tpu.enqueue_dma source(%dma_start3A_183 : memref<1280xf32, #tpu.memory_space<vmem>>) target(%dma_start3A_181 : memref<1280xf32, #tpu.memory_space<hbm>>) target_semaphore(%arg14 : memref<!tpu.dma_semaphore, #tpu.memory_space<semaphore_mem>>)
      %add3A_184 = arith.constant 49152000 : i32
      %add3A_185 = arith.addi %add3A_184, %add3A_63 : i32
      %dma_start3A_186 = arith.constant 19200 : i32
      %dma_start3A_187 = tpu.memref_slice %arg8[%dma_start3A_186] : memref<47360xf32, #tpu.memory_space<vmem>> -> memref<1280xf32, #tpu.memory_space<vmem>>
      %dma_start3A_188 = tpu.memref_slice %arg5[%add3A_185] : memref<121241600xf32, #tpu.memory_space<hbm>> -> memref<1280xf32, #tpu.memory_space<hbm>>
      %dma_start3A_189 = tpu.memref_slice %arg5[%add3A_185] : memref<121241600xf32, #tpu.memory_space<hbm>> -> memref<1280xf32, #tpu.memory_space<hbm>>
      %dma_start3A_190 = arith.constant 19200 : i32
      %dma_start3A_191 = tpu.memref_slice %arg8[%dma_start3A_190] : memref<47360xf32, #tpu.memory_space<vmem>> -> memref<1280xf32, #tpu.memory_space<vmem>>
      tpu.enqueue_dma source(%dma_start3A_191 : memref<1280xf32, #tpu.memory_space<vmem>>) target(%dma_start3A_189 : memref<1280xf32, #tpu.memory_space<hbm>>) target_semaphore(%arg14 : memref<!tpu.dma_semaphore, #tpu.memory_space<semaphore_mem>>)
      %add3A_192 = arith.constant 52428800 : i32
      %add3A_193 = arith.addi %add3A_192, %add3A_63 : i32
      %dma_start3A_194 = arith.constant 20480 : i32
      %dma_start3A_195 = tpu.memref_slice %arg8[%dma_start3A_194] : memref<47360xf32, #tpu.memory_space<vmem>> -> memref<1280xf32, #tpu.memory_space<vmem>>
      %dma_start3A_196 = tpu.memref_slice %arg5[%add3A_193] : memref<121241600xf32, #tpu.memory_space<hbm>> -> memref<1280xf32, #tpu.memory_space<hbm>>
      %dma_start3A_197 = tpu.memref_slice %arg5[%add3A_193] : memref<121241600xf32, #tpu.memory_space<hbm>> -> memref<1280xf32, #tpu.memory_space<hbm>>
      %dma_start3A_198 = arith.constant 20480 : i32
      %dma_start3A_199 = tpu.memref_slice %arg8[%dma_start3A_198] : memref<47360xf32, #tpu.memory_space<vmem>> -> memref<1280xf32, #tpu.memory_space<vmem>>
      tpu.enqueue_dma source(%dma_start3A_199 : memref<1280xf32, #tpu.memory_space<vmem>>) target(%dma_start3A_197 : memref<1280xf32, #tpu.memory_space<hbm>>) target_semaphore(%arg14 : memref<!tpu.dma_semaphore, #tpu.memory_space<semaphore_mem>>)
      %add3A_200 = arith.constant 55705600 : i32
      %add3A_201 = arith.addi %add3A_200, %add3A_63 : i32
      %dma_start3A_202 = arith.constant 21760 : i32
      %dma_start3A_203 = tpu.memref_slice %arg8[%dma_start3A_202] : memref<47360xf32, #tpu.memory_space<vmem>> -> memref<1280xf32, #tpu.memory_space<vmem>>
      %dma_start3A_204 = tpu.memref_slice %arg5[%add3A_201] : memref<121241600xf32, #tpu.memory_space<hbm>> -> memref<1280xf32, #tpu.memory_space<hbm>>
      %dma_start3A_205 = tpu.memref_slice %arg5[%add3A_201] : memref<121241600xf32, #tpu.memory_space<hbm>> -> memref<1280xf32, #tpu.memory_space<hbm>>
      %dma_start3A_206 = arith.constant 21760 : i32
      %dma_start3A_207 = tpu.memref_slice %arg8[%dma_start3A_206] : memref<47360xf32, #tpu.memory_space<vmem>> -> memref<1280xf32, #tpu.memory_space<vmem>>
      tpu.enqueue_dma source(%dma_start3A_207 : memref<1280xf32, #tpu.memory_space<vmem>>) target(%dma_start3A_205 : memref<1280xf32, #tpu.memory_space<hbm>>) target_semaphore(%arg14 : memref<!tpu.dma_semaphore, #tpu.memory_space<semaphore_mem>>)
      %add3A_208 = arith.constant 58982400 : i32
      %add3A_209 = arith.addi %add3A_208, %add3A_63 : i32
      %dma_start3A_210 = arith.constant 23040 : i32
      %dma_start3A_211 = tpu.memref_slice %arg8[%dma_start3A_210] : memref<47360xf32, #tpu.memory_space<vmem>> -> memref<1280xf32, #tpu.memory_space<vmem>>
      %dma_start3A_212 = tpu.memref_slice %arg5[%add3A_209] : memref<121241600xf32, #tpu.memory_space<hbm>> -> memref<1280xf32, #tpu.memory_space<hbm>>
      %dma_start3A_213 = tpu.memref_slice %arg5[%add3A_209] : memref<121241600xf32, #tpu.memory_space<hbm>> -> memref<1280xf32, #tpu.memory_space<hbm>>
      %dma_start3A_214 = arith.constant 23040 : i32
      %dma_start3A_215 = tpu.memref_slice %arg8[%dma_start3A_214] : memref<47360xf32, #tpu.memory_space<vmem>> -> memref<1280xf32, #tpu.memory_space<vmem>>
      tpu.enqueue_dma source(%dma_start3A_215 : memref<1280xf32, #tpu.memory_space<vmem>>) target(%dma_start3A_213 : memref<1280xf32, #tpu.memory_space<hbm>>) target_semaphore(%arg14 : memref<!tpu.dma_semaphore, #tpu.memory_space<semaphore_mem>>)
      %add3A_216 = arith.constant 62259200 : i32
      %add3A_217 = arith.addi %add3A_216, %add3A_63 : i32
      %dma_start3A_218 = arith.constant 24320 : i32
      %dma_start3A_219 = tpu.memref_slice %arg8[%dma_start3A_218] : memref<47360xf32, #tpu.memory_space<vmem>> -> memref<1280xf32, #tpu.memory_space<vmem>>
      %dma_start3A_220 = tpu.memref_slice %arg5[%add3A_217] : memref<121241600xf32, #tpu.memory_space<hbm>> -> memref<1280xf32, #tpu.memory_space<hbm>>
      %dma_start3A_221 = tpu.memref_slice %arg5[%add3A_217] : memref<121241600xf32, #tpu.memory_space<hbm>> -> memref<1280xf32, #tpu.memory_space<hbm>>
      %dma_start3A_222 = arith.constant 24320 : i32
      %dma_start3A_223 = tpu.memref_slice %arg8[%dma_start3A_222] : memref<47360xf32, #tpu.memory_space<vmem>> -> memref<1280xf32, #tpu.memory_space<vmem>>
      tpu.enqueue_dma source(%dma_start3A_223 : memref<1280xf32, #tpu.memory_space<vmem>>) target(%dma_start3A_221 : memref<1280xf32, #tpu.memory_space<hbm>>) target_semaphore(%arg14 : memref<!tpu.dma_semaphore, #tpu.memory_space<semaphore_mem>>)
      %add3A_224 = arith.constant 65536000 : i32
      %add3A_225 = arith.addi %add3A_224, %add3A_63 : i32
      %dma_start3A_226 = arith.constant 25600 : i32
      %dma_start3A_227 = tpu.memref_slice %arg8[%dma_start3A_226] : memref<47360xf32, #tpu.memory_space<vmem>> -> memref<1280xf32, #tpu.memory_space<vmem>>
      %dma_start3A_228 = tpu.memref_slice %arg5[%add3A_225] : memref<121241600xf32, #tpu.memory_space<hbm>> -> memref<1280xf32, #tpu.memory_space<hbm>>
      %dma_start3A_229 = tpu.memref_slice %arg5[%add3A_225] : memref<121241600xf32, #tpu.memory_space<hbm>> -> memref<1280xf32, #tpu.memory_space<hbm>>
      %dma_start3A_230 = arith.constant 25600 : i32
      %dma_start3A_231 = tpu.memref_slice %arg8[%dma_start3A_230] : memref<47360xf32, #tpu.memory_space<vmem>> -> memref<1280xf32, #tpu.memory_space<vmem>>
      tpu.enqueue_dma source(%dma_start3A_231 : memref<1280xf32, #tpu.memory_space<vmem>>) target(%dma_start3A_229 : memref<1280xf32, #tpu.memory_space<hbm>>) target_semaphore(%arg14 : memref<!tpu.dma_semaphore, #tpu.memory_space<semaphore_mem>>)
      %add3A_232 = arith.constant 68812800 : i32
      %add3A_233 = arith.addi %add3A_232, %add3A_63 : i32
      %dma_start3A_234 = arith.constant 26880 : i32
      %dma_start3A_235 = tpu.memref_slice %arg8[%dma_start3A_234] : memref<47360xf32, #tpu.memory_space<vmem>> -> memref<1280xf32, #tpu.memory_space<vmem>>
      %dma_start3A_236 = tpu.memref_slice %arg5[%add3A_233] : memref<121241600xf32, #tpu.memory_space<hbm>> -> memref<1280xf32, #tpu.memory_space<hbm>>
      %dma_start3A_237 = tpu.memref_slice %arg5[%add3A_233] : memref<121241600xf32, #tpu.memory_space<hbm>> -> memref<1280xf32, #tpu.memory_space<hbm>>
      %dma_start3A_238 = arith.constant 26880 : i32
      %dma_start3A_239 = tpu.memref_slice %arg8[%dma_start3A_238] : memref<47360xf32, #tpu.memory_space<vmem>> -> memref<1280xf32, #tpu.memory_space<vmem>>
      tpu.enqueue_dma source(%dma_start3A_239 : memref<1280xf32, #tpu.memory_space<vmem>>) target(%dma_start3A_237 : memref<1280xf32, #tpu.memory_space<hbm>>) target_semaphore(%arg14 : memref<!tpu.dma_semaphore, #tpu.memory_space<semaphore_mem>>)
      %add3A_240 = arith.constant 72089600 : i32
      %add3A_241 = arith.addi %add3A_240, %add3A_63 : i32
      %dma_start3A_242 = arith.constant 28160 : i32
      %dma_start3A_243 = tpu.memref_slice %arg8[%dma_start3A_242] : memref<47360xf32, #tpu.memory_space<vmem>> -> memref<1280xf32, #tpu.memory_space<vmem>>
      %dma_start3A_244 = tpu.memref_slice %arg5[%add3A_241] : memref<121241600xf32, #tpu.memory_space<hbm>> -> memref<1280xf32, #tpu.memory_space<hbm>>
      %dma_start3A_245 = tpu.memref_slice %arg5[%add3A_241] : memref<121241600xf32, #tpu.memory_space<hbm>> -> memref<1280xf32, #tpu.memory_space<hbm>>
      %dma_start3A_246 = arith.constant 28160 : i32
      %dma_start3A_247 = tpu.memref_slice %arg8[%dma_start3A_246] : memref<47360xf32, #tpu.memory_space<vmem>> -> memref<1280xf32, #tpu.memory_space<vmem>>
      tpu.enqueue_dma source(%dma_start3A_247 : memref<1280xf32, #tpu.memory_space<vmem>>) target(%dma_start3A_245 : memref<1280xf32, #tpu.memory_space<hbm>>) target_semaphore(%arg14 : memref<!tpu.dma_semaphore, #tpu.memory_space<semaphore_mem>>)
      %add3A_248 = arith.constant 75366400 : i32
      %add3A_249 = arith.addi %add3A_248, %add3A_63 : i32
      %dma_start3A_250 = arith.constant 29440 : i32
      %dma_start3A_251 = tpu.memref_slice %arg8[%dma_start3A_250] : memref<47360xf32, #tpu.memory_space<vmem>> -> memref<1280xf32, #tpu.memory_space<vmem>>
      %dma_start3A_252 = tpu.memref_slice %arg5[%add3A_249] : memref<121241600xf32, #tpu.memory_space<hbm>> -> memref<1280xf32, #tpu.memory_space<hbm>>
      %dma_start3A_253 = tpu.memref_slice %arg5[%add3A_249] : memref<121241600xf32, #tpu.memory_space<hbm>> -> memref<1280xf32, #tpu.memory_space<hbm>>
      %dma_start3A_254 = arith.constant 29440 : i32
      %dma_start3A_255 = tpu.memref_slice %arg8[%dma_start3A_254] : memref<47360xf32, #tpu.memory_space<vmem>> -> memref<1280xf32, #tpu.memory_space<vmem>>
      tpu.enqueue_dma source(%dma_start3A_255 : memref<1280xf32, #tpu.memory_space<vmem>>) target(%dma_start3A_253 : memref<1280xf32, #tpu.memory_space<hbm>>) target_semaphore(%arg14 : memref<!tpu.dma_semaphore, #tpu.memory_space<semaphore_mem>>)
      %add3A_256 = arith.constant 78643200 : i32
      %add3A_257 = arith.addi %add3A_256, %add3A_63 : i32
      %dma_start3A_258 = arith.constant 30720 : i32
      %dma_start3A_259 = tpu.memref_slice %arg8[%dma_start3A_258] : memref<47360xf32, #tpu.memory_space<vmem>> -> memref<1280xf32, #tpu.memory_space<vmem>>
      %dma_start3A_260 = tpu.memref_slice %arg5[%add3A_257] : memref<121241600xf32, #tpu.memory_space<hbm>> -> memref<1280xf32, #tpu.memory_space<hbm>>
      %dma_start3A_261 = tpu.memref_slice %arg5[%add3A_257] : memref<121241600xf32, #tpu.memory_space<hbm>> -> memref<1280xf32, #tpu.memory_space<hbm>>
      %dma_start3A_262 = arith.constant 30720 : i32
      %dma_start3A_263 = tpu.memref_slice %arg8[%dma_start3A_262] : memref<47360xf32, #tpu.memory_space<vmem>> -> memref<1280xf32, #tpu.memory_space<vmem>>
      tpu.enqueue_dma source(%dma_start3A_263 : memref<1280xf32, #tpu.memory_space<vmem>>) target(%dma_start3A_261 : memref<1280xf32, #tpu.memory_space<hbm>>) target_semaphore(%arg14 : memref<!tpu.dma_semaphore, #tpu.memory_space<semaphore_mem>>)
      %add3A_264 = arith.constant 81920000 : i32
      %add3A_265 = arith.addi %add3A_264, %add3A_63 : i32
      %dma_start3A_266 = arith.constant 32000 : i32
      %dma_start3A_267 = tpu.memref_slice %arg8[%dma_start3A_266] : memref<47360xf32, #tpu.memory_space<vmem>> -> memref<1280xf32, #tpu.memory_space<vmem>>
      %dma_start3A_268 = tpu.memref_slice %arg5[%add3A_265] : memref<121241600xf32, #tpu.memory_space<hbm>> -> memref<1280xf32, #tpu.memory_space<hbm>>
      %dma_start3A_269 = tpu.memref_slice %arg5[%add3A_265] : memref<121241600xf32, #tpu.memory_space<hbm>> -> memref<1280xf32, #tpu.memory_space<hbm>>
      %dma_start3A_270 = arith.constant 32000 : i32
      %dma_start3A_271 = tpu.memref_slice %arg8[%dma_start3A_270] : memref<47360xf32, #tpu.memory_space<vmem>> -> memref<1280xf32, #tpu.memory_space<vmem>>
      tpu.enqueue_dma source(%dma_start3A_271 : memref<1280xf32, #tpu.memory_space<vmem>>) target(%dma_start3A_269 : memref<1280xf32, #tpu.memory_space<hbm>>) target_semaphore(%arg14 : memref<!tpu.dma_semaphore, #tpu.memory_space<semaphore_mem>>)
      %add3A_272 = arith.constant 85196800 : i32
      %add3A_273 = arith.addi %add3A_272, %add3A_63 : i32
      %dma_start3A_274 = arith.constant 33280 : i32
      %dma_start3A_275 = tpu.memref_slice %arg8[%dma_start3A_274] : memref<47360xf32, #tpu.memory_space<vmem>> -> memref<1280xf32, #tpu.memory_space<vmem>>
      %dma_start3A_276 = tpu.memref_slice %arg5[%add3A_273] : memref<121241600xf32, #tpu.memory_space<hbm>> -> memref<1280xf32, #tpu.memory_space<hbm>>
      %dma_start3A_277 = tpu.memref_slice %arg5[%add3A_273] : memref<121241600xf32, #tpu.memory_space<hbm>> -> memref<1280xf32, #tpu.memory_space<hbm>>
      %dma_start3A_278 = arith.constant 33280 : i32
      %dma_start3A_279 = tpu.memref_slice %arg8[%dma_start3A_278] : memref<47360xf32, #tpu.memory_space<vmem>> -> memref<1280xf32, #tpu.memory_space<vmem>>
      tpu.enqueue_dma source(%dma_start3A_279 : memref<1280xf32, #tpu.memory_space<vmem>>) target(%dma_start3A_277 : memref<1280xf32, #tpu.memory_space<hbm>>) target_semaphore(%arg14 : memref<!tpu.dma_semaphore, #tpu.memory_space<semaphore_mem>>)
      %add3A_280 = arith.constant 88473600 : i32
      %add3A_281 = arith.addi %add3A_280, %add3A_63 : i32
      %dma_start3A_282 = arith.constant 34560 : i32
      %dma_start3A_283 = tpu.memref_slice %arg8[%dma_start3A_282] : memref<47360xf32, #tpu.memory_space<vmem>> -> memref<1280xf32, #tpu.memory_space<vmem>>
      %dma_start3A_284 = tpu.memref_slice %arg5[%add3A_281] : memref<121241600xf32, #tpu.memory_space<hbm>> -> memref<1280xf32, #tpu.memory_space<hbm>>
      %dma_start3A_285 = tpu.memref_slice %arg5[%add3A_281] : memref<121241600xf32, #tpu.memory_space<hbm>> -> memref<1280xf32, #tpu.memory_space<hbm>>
      %dma_start3A_286 = arith.constant 34560 : i32
      %dma_start3A_287 = tpu.memref_slice %arg8[%dma_start3A_286] : memref<47360xf32, #tpu.memory_space<vmem>> -> memref<1280xf32, #tpu.memory_space<vmem>>
      tpu.enqueue_dma source(%dma_start3A_287 : memref<1280xf32, #tpu.memory_space<vmem>>) target(%dma_start3A_285 : memref<1280xf32, #tpu.memory_space<hbm>>) target_semaphore(%arg14 : memref<!tpu.dma_semaphore, #tpu.memory_space<semaphore_mem>>)
      %add3A_288 = arith.constant 91750400 : i32
      %add3A_289 = arith.addi %add3A_288, %add3A_63 : i32
      %dma_start3A_290 = arith.constant 35840 : i32
      %dma_start3A_291 = tpu.memref_slice %arg8[%dma_start3A_290] : memref<47360xf32, #tpu.memory_space<vmem>> -> memref<1280xf32, #tpu.memory_space<vmem>>
      %dma_start3A_292 = tpu.memref_slice %arg5[%add3A_289] : memref<121241600xf32, #tpu.memory_space<hbm>> -> memref<1280xf32, #tpu.memory_space<hbm>>
      %dma_start3A_293 = tpu.memref_slice %arg5[%add3A_289] : memref<121241600xf32, #tpu.memory_space<hbm>> -> memref<1280xf32, #tpu.memory_space<hbm>>
      %dma_start3A_294 = arith.constant 35840 : i32
      %dma_start3A_295 = tpu.memref_slice %arg8[%dma_start3A_294] : memref<47360xf32, #tpu.memory_space<vmem>> -> memref<1280xf32, #tpu.memory_space<vmem>>
      tpu.enqueue_dma source(%dma_start3A_295 : memref<1280xf32, #tpu.memory_space<vmem>>) target(%dma_start3A_293 : memref<1280xf32, #tpu.memory_space<hbm>>) target_semaphore(%arg14 : memref<!tpu.dma_semaphore, #tpu.memory_space<semaphore_mem>>)
      %add3A_296 = arith.constant 95027200 : i32
      %add3A_297 = arith.addi %add3A_296, %add3A_63 : i32
      %dma_start3A_298 = arith.constant 37120 : i32
      %dma_start3A_299 = tpu.memref_slice %arg8[%dma_start3A_298] : memref<47360xf32, #tpu.memory_space<vmem>> -> memref<1280xf32, #tpu.memory_space<vmem>>
      %dma_start3A_300 = tpu.memref_slice %arg5[%add3A_297] : memref<121241600xf32, #tpu.memory_space<hbm>> -> memref<1280xf32, #tpu.memory_space<hbm>>
      %dma_start3A_301 = tpu.memref_slice %arg5[%add3A_297] : memref<121241600xf32, #tpu.memory_space<hbm>> -> memref<1280xf32, #tpu.memory_space<hbm>>
      %dma_start3A_302 = arith.constant 37120 : i32
      %dma_start3A_303 = tpu.memref_slice %arg8[%dma_start3A_302] : memref<47360xf32, #tpu.memory_space<vmem>> -> memref<1280xf32, #tpu.memory_space<vmem>>
      tpu.enqueue_dma source(%dma_start3A_303 : memref<1280xf32, #tpu.memory_space<vmem>>) target(%dma_start3A_301 : memref<1280xf32, #tpu.memory_space<hbm>>) target_semaphore(%arg14 : memref<!tpu.dma_semaphore, #tpu.memory_space<semaphore_mem>>)
      %add3A_304 = arith.constant 98304000 : i32
      %add3A_305 = arith.addi %add3A_304, %add3A_63 : i32
      %dma_start3A_306 = arith.constant 38400 : i32
      %dma_start3A_307 = tpu.memref_slice %arg8[%dma_start3A_306] : memref<47360xf32, #tpu.memory_space<vmem>> -> memref<1280xf32, #tpu.memory_space<vmem>>
      %dma_start3A_308 = tpu.memref_slice %arg5[%add3A_305] : memref<121241600xf32, #tpu.memory_space<hbm>> -> memref<1280xf32, #tpu.memory_space<hbm>>
      %dma_start3A_309 = tpu.memref_slice %arg5[%add3A_305] : memref<121241600xf32, #tpu.memory_space<hbm>> -> memref<1280xf32, #tpu.memory_space<hbm>>
      %dma_start3A_310 = arith.constant 38400 : i32
      %dma_start3A_311 = tpu.memref_slice %arg8[%dma_start3A_310] : memref<47360xf32, #tpu.memory_space<vmem>> -> memref<1280xf32, #tpu.memory_space<vmem>>
      tpu.enqueue_dma source(%dma_start3A_311 : memref<1280xf32, #tpu.memory_space<vmem>>) target(%dma_start3A_309 : memref<1280xf32, #tpu.memory_space<hbm>>) target_semaphore(%arg14 : memref<!tpu.dma_semaphore, #tpu.memory_space<semaphore_mem>>)
      %add3A_312 = arith.constant 101580800 : i32
      %add3A_313 = arith.addi %add3A_312, %add3A_63 : i32
      %dma_start3A_314 = arith.constant 39680 : i32
      %dma_start3A_315 = tpu.memref_slice %arg8[%dma_start3A_314] : memref<47360xf32, #tpu.memory_space<vmem>> -> memref<1280xf32, #tpu.memory_space<vmem>>
      %dma_start3A_316 = tpu.memref_slice %arg5[%add3A_313] : memref<121241600xf32, #tpu.memory_space<hbm>> -> memref<1280xf32, #tpu.memory_space<hbm>>
      %dma_start3A_317 = tpu.memref_slice %arg5[%add3A_313] : memref<121241600xf32, #tpu.memory_space<hbm>> -> memref<1280xf32, #tpu.memory_space<hbm>>
      %dma_start3A_318 = arith.constant 39680 : i32
      %dma_start3A_319 = tpu.memref_slice %arg8[%dma_start3A_318] : memref<47360xf32, #tpu.memory_space<vmem>> -> memref<1280xf32, #tpu.memory_space<vmem>>
      tpu.enqueue_dma source(%dma_start3A_319 : memref<1280xf32, #tpu.memory_space<vmem>>) target(%dma_start3A_317 : memref<1280xf32, #tpu.memory_space<hbm>>) target_semaphore(%arg14 : memref<!tpu.dma_semaphore, #tpu.memory_space<semaphore_mem>>)
      %add3A_320 = arith.constant 104857600 : i32
      %add3A_321 = arith.addi %add3A_320, %add3A_63 : i32
      %dma_start3A_322 = arith.constant 40960 : i32
      %dma_start3A_323 = tpu.memref_slice %arg8[%dma_start3A_322] : memref<47360xf32, #tpu.memory_space<vmem>> -> memref<1280xf32, #tpu.memory_space<vmem>>
      %dma_start3A_324 = tpu.memref_slice %arg5[%add3A_321] : memref<121241600xf32, #tpu.memory_space<hbm>> -> memref<1280xf32, #tpu.memory_space<hbm>>
      %dma_start3A_325 = tpu.memref_slice %arg5[%add3A_321] : memref<121241600xf32, #tpu.memory_space<hbm>> -> memref<1280xf32, #tpu.memory_space<hbm>>
      %dma_start3A_326 = arith.constant 40960 : i32
      %dma_start3A_327 = tpu.memref_slice %arg8[%dma_start3A_326] : memref<47360xf32, #tpu.memory_space<vmem>> -> memref<1280xf32, #tpu.memory_space<vmem>>
      tpu.enqueue_dma source(%dma_start3A_327 : memref<1280xf32, #tpu.memory_space<vmem>>) target(%dma_start3A_325 : memref<1280xf32, #tpu.memory_space<hbm>>) target_semaphore(%arg14 : memref<!tpu.dma_semaphore, #tpu.memory_space<semaphore_mem>>)
      %add3A_328 = arith.constant 108134400 : i32
      %add3A_329 = arith.addi %add3A_328, %add3A_63 : i32
      %dma_start3A_330 = arith.constant 42240 : i32
      %dma_start3A_331 = tpu.memref_slice %arg8[%dma_start3A_330] : memref<47360xf32, #tpu.memory_space<vmem>> -> memref<1280xf32, #tpu.memory_space<vmem>>
      %dma_start3A_332 = tpu.memref_slice %arg5[%add3A_329] : memref<121241600xf32, #tpu.memory_space<hbm>> -> memref<1280xf32, #tpu.memory_space<hbm>>
      %dma_start3A_333 = tpu.memref_slice %arg5[%add3A_329] : memref<121241600xf32, #tpu.memory_space<hbm>> -> memref<1280xf32, #tpu.memory_space<hbm>>
      %dma_start3A_334 = arith.constant 42240 : i32
      %dma_start3A_335 = tpu.memref_slice %arg8[%dma_start3A_334] : memref<47360xf32, #tpu.memory_space<vmem>> -> memref<1280xf32, #tpu.memory_space<vmem>>
      tpu.enqueue_dma source(%dma_start3A_335 : memref<1280xf32, #tpu.memory_space<vmem>>) target(%dma_start3A_333 : memref<1280xf32, #tpu.memory_space<hbm>>) target_semaphore(%arg14 : memref<!tpu.dma_semaphore, #tpu.memory_space<semaphore_mem>>)
      %add3A_336 = arith.constant 111411200 : i32
      %add3A_337 = arith.addi %add3A_336, %add3A_63 : i32
      %dma_start3A_338 = arith.constant 43520 : i32
      %dma_start3A_339 = tpu.memref_slice %arg8[%dma_start3A_338] : memref<47360xf32, #tpu.memory_space<vmem>> -> memref<1280xf32, #tpu.memory_space<vmem>>
      %dma_start3A_340 = tpu.memref_slice %arg5[%add3A_337] : memref<121241600xf32, #tpu.memory_space<hbm>> -> memref<1280xf32, #tpu.memory_space<hbm>>
      %dma_start3A_341 = tpu.memref_slice %arg5[%add3A_337] : memref<121241600xf32, #tpu.memory_space<hbm>> -> memref<1280xf32, #tpu.memory_space<hbm>>
      %dma_start3A_342 = arith.constant 43520 : i32
      %dma_start3A_343 = tpu.memref_slice %arg8[%dma_start3A_342] : memref<47360xf32, #tpu.memory_space<vmem>> -> memref<1280xf32, #tpu.memory_space<vmem>>
      tpu.enqueue_dma source(%dma_start3A_343 : memref<1280xf32, #tpu.memory_space<vmem>>) target(%dma_start3A_341 : memref<1280xf32, #tpu.memory_space<hbm>>) target_semaphore(%arg14 : memref<!tpu.dma_semaphore, #tpu.memory_space<semaphore_mem>>)
      %add3A_344 = arith.constant 114688000 : i32
      %add3A_345 = arith.addi %add3A_344, %add3A_63 : i32
      %dma_start3A_346 = arith.constant 44800 : i32
      %dma_start3A_347 = tpu.memref_slice %arg8[%dma_start3A_346] : memref<47360xf32, #tpu.memory_space<vmem>> -> memref<1280xf32, #tpu.memory_space<vmem>>
      %dma_start3A_348 = tpu.memref_slice %arg5[%add3A_345] : memref<121241600xf32, #tpu.memory_space<hbm>> -> memref<1280xf32, #tpu.memory_space<hbm>>
      %dma_start3A_349 = tpu.memref_slice %arg5[%add3A_345] : memref<121241600xf32, #tpu.memory_space<hbm>> -> memref<1280xf32, #tpu.memory_space<hbm>>
      %dma_start3A_350 = arith.constant 44800 : i32
      %dma_start3A_351 = tpu.memref_slice %arg8[%dma_start3A_350] : memref<47360xf32, #tpu.memory_space<vmem>> -> memref<1280xf32, #tpu.memory_space<vmem>>
      tpu.enqueue_dma source(%dma_start3A_351 : memref<1280xf32, #tpu.memory_space<vmem>>) target(%dma_start3A_349 : memref<1280xf32, #tpu.memory_space<hbm>>) target_semaphore(%arg14 : memref<!tpu.dma_semaphore, #tpu.memory_space<semaphore_mem>>)
      %add3A_352 = arith.constant 117964800 : i32
      %add3A_353 = arith.addi %add3A_352, %add3A_63 : i32
      %dma_start3A_354 = arith.constant 46080 : i32
      %dma_start3A_355 = tpu.memref_slice %arg8[%dma_start3A_354] : memref<47360xf32, #tpu.memory_space<vmem>> -> memref<1280xf32, #tpu.memory_space<vmem>>
      %dma_start3A_356 = tpu.memref_slice %arg5[%add3A_353] : memref<121241600xf32, #tpu.memory_space<hbm>> -> memref<1280xf32, #tpu.memory_space<hbm>>
      %dma_start3A_357 = tpu.memref_slice %arg5[%add3A_353] : memref<121241600xf32, #tpu.memory_space<hbm>> -> memref<1280xf32, #tpu.memory_space<hbm>>
      %dma_start3A_358 = arith.constant 46080 : i32
      %dma_start3A_359 = tpu.memref_slice %arg8[%dma_start3A_358] : memref<47360xf32, #tpu.memory_space<vmem>> -> memref<1280xf32, #tpu.memory_space<vmem>>
      tpu.enqueue_dma source(%dma_start3A_359 : memref<1280xf32, #tpu.memory_space<vmem>>) target(%dma_start3A_357 : memref<1280xf32, #tpu.memory_space<hbm>>) target_semaphore(%arg14 : memref<!tpu.dma_semaphore, #tpu.memory_space<semaphore_mem>>)
      %mul3A_360 = arith.constant 2 : i32
      %mul3A_361 = arith.muli %mul3A_360, %scan3A_41 : i32
      %add3A_362 = arith.constant 1 : i32
      %add3A_363 = arith.addi %mul3A_361, %add3A_362 : i32
      %add3A_364 = arith.constant 1 : i32
      %add3A_365 = arith.addi %add3A_363, %add3A_364 : i32
      %lt3A_366 = arith.constant 80 : i32
      %lt3A_367 = arith.cmpi slt, %add3A_365, %lt3A_366 : i32
      %convert_element_type3A_368 = arith.extui %lt3A_367 : i1 to i32
      %cond3A_369 = arith.constant 0 : i32
      %cond3A_370 = arith.cmpi ne, %convert_element_type3A_368, %cond3A_369 : i32
      scf.if %cond3A_370 {
        %add3A_683 = arith.constant 1 : i32
        %add3A_684 = arith.addi %add3A_363, %add3A_683 : i32
        %mul3A_685 = arith.constant 1280 : i32
        %mul3A_686 = arith.muli %add3A_684, %mul3A_685 : i32
        %add3A_687 = arith.addi %mul3A_2, %mul3A_686 : i32
        %add3A_688 = arith.constant 0 : i32
        %add3A_689 = arith.addi %add3A_688, %add3A_687 : i32
        %dma_start3A_690 = arith.constant 0 : i32
        %dma_start3A_691 = tpu.memref_slice %arg6[%dma_start3A_690] : memref<3840xi32, #tpu.memory_space<vmem>> -> memref<1280xi32, #tpu.memory_space<vmem>>
        %dma_start3A_692 = tpu.memref_slice %arg2[%add3A_689] : memref<9830400xi32, #tpu.memory_space<hbm>> -> memref<1280xi32, #tpu.memory_space<hbm>>
        %dma_start3A_693 = arith.constant 0 : i32
        %dma_start3A_694 = tpu.memref_slice %arg6[%dma_start3A_693] : memref<3840xi32, #tpu.memory_space<vmem>> -> memref<1280xi32, #tpu.memory_space<vmem>>
        %dma_start3A_695 = tpu.memref_slice %arg2[%add3A_689] : memref<9830400xi32, #tpu.memory_space<hbm>> -> memref<1280xi32, #tpu.memory_space<hbm>>
        tpu.enqueue_dma source(%dma_start3A_695 : memref<1280xi32, #tpu.memory_space<hbm>>) target(%dma_start3A_694 : memref<1280xi32, #tpu.memory_space<vmem>>) target_semaphore(%arg12 : memref<!tpu.dma_semaphore, #tpu.memory_space<semaphore_mem>>)
        %add3A_696 = arith.constant 3276800 : i32
        %add3A_697 = arith.addi %add3A_696, %add3A_687 : i32
        %dma_start3A_698 = arith.constant 1280 : i32
        %dma_start3A_699 = tpu.memref_slice %arg6[%dma_start3A_698] : memref<3840xi32, #tpu.memory_space<vmem>> -> memref<1280xi32, #tpu.memory_space<vmem>>
        %dma_start3A_700 = tpu.memref_slice %arg2[%add3A_697] : memref<9830400xi32, #tpu.memory_space<hbm>> -> memref<1280xi32, #tpu.memory_space<hbm>>
        %dma_start3A_701 = arith.constant 1280 : i32
        %dma_start3A_702 = tpu.memref_slice %arg6[%dma_start3A_701] : memref<3840xi32, #tpu.memory_space<vmem>> -> memref<1280xi32, #tpu.memory_space<vmem>>
        %dma_start3A_703 = tpu.memref_slice %arg2[%add3A_697] : memref<9830400xi32, #tpu.memory_space<hbm>> -> memref<1280xi32, #tpu.memory_space<hbm>>
        tpu.enqueue_dma source(%dma_start3A_703 : memref<1280xi32, #tpu.memory_space<hbm>>) target(%dma_start3A_702 : memref<1280xi32, #tpu.memory_space<vmem>>) target_semaphore(%arg12 : memref<!tpu.dma_semaphore, #tpu.memory_space<semaphore_mem>>)
        %add3A_704 = arith.constant 6553600 : i32
        %add3A_705 = arith.addi %add3A_704, %add3A_687 : i32
        %dma_start3A_706 = arith.constant 2560 : i32
        %dma_start3A_707 = tpu.memref_slice %arg6[%dma_start3A_706] : memref<3840xi32, #tpu.memory_space<vmem>> -> memref<1280xi32, #tpu.memory_space<vmem>>
        %dma_start3A_708 = tpu.memref_slice %arg2[%add3A_705] : memref<9830400xi32, #tpu.memory_space<hbm>> -> memref<1280xi32, #tpu.memory_space<hbm>>
        %dma_start3A_709 = arith.constant 2560 : i32
        %dma_start3A_710 = tpu.memref_slice %arg6[%dma_start3A_709] : memref<3840xi32, #tpu.memory_space<vmem>> -> memref<1280xi32, #tpu.memory_space<vmem>>
        %dma_start3A_711 = tpu.memref_slice %arg2[%add3A_705] : memref<9830400xi32, #tpu.memory_space<hbm>> -> memref<1280xi32, #tpu.memory_space<hbm>>
        tpu.enqueue_dma source(%dma_start3A_711 : memref<1280xi32, #tpu.memory_space<hbm>>) target(%dma_start3A_710 : memref<1280xi32, #tpu.memory_space<vmem>>) target_semaphore(%arg12 : memref<!tpu.dma_semaphore, #tpu.memory_space<semaphore_mem>>)
      } else {
      }
      %dma_wait3A_371 = arith.constant 0 : i32
      %dma_wait3A_372 = tpu.memref_slice %arg2[%dma_wait3A_371] : memref<9830400xi32, #tpu.memory_space<hbm>> -> memref<3840xi32, #tpu.memory_space<hbm>>
      %dma_wait3A_373 = arith.constant 0 : i32
      %dma_wait3A_374 = tpu.memref_slice %arg2[%dma_wait3A_373] : memref<9830400xi32, #tpu.memory_space<hbm>> -> memref<3840xi32, #tpu.memory_space<hbm>>
      tpu.wait_dma2 semaphore(%arg13 : memref<!tpu.dma_semaphore, #tpu.memory_space<semaphore_mem>>) src(%dma_wait3A_374 : memref<3840xi32, #tpu.memory_space<hbm>>) dst(%arg7 : memref<3840xi32, #tpu.memory_space<vmem>>)
      %ge3A_375 = arith.constant 2 : i32
      %ge3A_376 = arith.cmpi sge, %add3A_363, %ge3A_375 : i32
      %convert_element_type3A_377 = arith.extui %ge3A_376 : i1 to i32
      %cond3A_378 = arith.constant 0 : i32
      %cond3A_379 = arith.cmpi ne, %convert_element_type3A_377, %cond3A_378 : i32
      scf.if %cond3A_379 {
        %dma_wait3A_683 = arith.constant 0 : i32
        %dma_wait3A_684 = tpu.memref_slice %arg5[%dma_wait3A_683] : memref<121241600xf32, #tpu.memory_space<hbm>> -> memref<47360xf32, #tpu.memory_space<hbm>>
        %dma_wait3A_685 = arith.constant 0 : i32
        %dma_wait3A_686 = tpu.memref_slice %arg5[%dma_wait3A_685] : memref<121241600xf32, #tpu.memory_space<hbm>> -> memref<47360xf32, #tpu.memory_space<hbm>>
        tpu.wait_dma2 semaphore(%arg15 : memref<!tpu.dma_semaphore, #tpu.memory_space<semaphore_mem>>) src(%dma_wait3A_686 : memref<47360xf32, #tpu.memory_space<hbm>>) dst(%arg9 : memref<47360xf32, #tpu.memory_space<vmem>>)
      } else {
      }
      %parallel_loop3A_380 = arith.constant 0 : i32
      %parallel_loop3A_381 = arith.constant 80 : i32
      %parallel_loop3A_382 = arith.constant 1 : i32
      scf.for %parallel_loop3A_683 = %parallel_loop3A_380 to %parallel_loop3A_381 step %parallel_loop3A_382  : i32 {
        %parallel_loop3A_684 = arith.constant 16 : i32
        %parallel_loop3A_685 = arith.muli %parallel_loop3A_683, %parallel_loop3A_684 : i32
        %parallel_loop3A_686 = arith.index_cast %parallel_loop3A_685 : i32 to index
        %parallel_loop3A_687 = tpu.vector_load %arg7[%parallel_loop3A_686] {strides = array<i32>} : memref<3840xi32, #tpu.memory_space<vmem>>, vector<16xi32>,
        %parallel_loop3A_688 = arith.constant 1280 : i32
        %parallel_loop3A_689 = arith.addi %parallel_loop3A_688, %parallel_loop3A_685 : i32
        %parallel_loop3A_690 = arith.index_cast %parallel_loop3A_689 : i32 to index
        %parallel_loop3A_691 = tpu.vector_load %arg7[%parallel_loop3A_690] {strides = array<i32>} : memref<3840xi32, #tpu.memory_space<vmem>>, vector<16xi32>,
        %parallel_loop3A_692 = arith.constant 2560 : i32
        %parallel_loop3A_693 = arith.addi %parallel_loop3A_692, %parallel_loop3A_685 : i32
        %parallel_loop3A_694 = arith.index_cast %parallel_loop3A_693 : i32 to index
        %parallel_loop3A_695 = tpu.vector_load %arg7[%parallel_loop3A_694] {strides = array<i32>} : memref<3840xi32, #tpu.memory_space<vmem>>, vector<16xi32>,
        %parallel_loop3A_696 = arith.constant 6 : i32
        %parallel_loop3A_697 = vector.broadcast %parallel_loop3A_696 : i32 to vector<16xi32>
        %parallel_loop3A_698 = arith.muli %parallel_loop3A_691, %parallel_loop3A_697 : vector<16xi32>
        %parallel_loop3A_699 = arith.constant 12 : i32
        %parallel_loop3A_700 = vector.broadcast %parallel_loop3A_699 : i32 to vector<16xi32>
        %parallel_loop3A_701 = arith.muli %parallel_loop3A_687, %parallel_loop3A_700 : vector<16xi32>
        %parallel_loop3A_702 = arith.constant 0 : i32
        %parallel_loop3A_703 = vector.broadcast %parallel_loop3A_702 : i32 to vector<16xi32>
        %parallel_loop3A_704 = arith.addi %parallel_loop3A_698, %parallel_loop3A_703 : vector<16xi32>
        %parallel_loop3A_705 = tpu.vector_load_idx %arg10[%parallel_loop3A_704] : memref<1536xi32, #tpu.memory_space<vmem>>[vector<16xi32>], vector<16xi32>,
        %parallel_loop3A_706 = vector.bitcast %parallel_loop3A_705 : vector<16xi32> to vector<32xbf16>
        %parallel_loop3A_707 = tpu.unpack_subelements %parallel_loop3A_706, 0 {pack_format = #tpu.pack_format<interleaved>} : vector<32xbf16> -> vector<16xf32>
        %parallel_loop3A_708 = tpu.unpack_subelements %parallel_loop3A_706, 1 {pack_format = #tpu.pack_format<interleaved>} : vector<32xbf16> -> vector<16xf32>
        %parallel_loop3A_709 = arith.constant 0 : i32
        %parallel_loop3A_710 = arith.addi %parallel_loop3A_709, %parallel_loop3A_685 : i32
        %parallel_loop3A_711 = arith.index_cast %parallel_loop3A_710 : i32 to index
        %parallel_loop3A_712 = tpu.vector_load %arg9[%parallel_loop3A_711] {strides = array<i32>} : memref<47360xf32, #tpu.memory_space<vmem>>, vector<16xf32>,
        tpu.vector_store %arg9[%parallel_loop3A_711], %parallel_loop3A_707 {strides = array<i32>} : memref<47360xf32, #tpu.memory_space<vmem>>, vector<16xf32>,
        %parallel_loop3A_713 = arith.constant 1280 : i32
        %parallel_loop3A_714 = arith.addi %parallel_loop3A_713, %parallel_loop3A_685 : i32
        %parallel_loop3A_715 = arith.index_cast %parallel_loop3A_714 : i32 to index
        %parallel_loop3A_716 = tpu.vector_load %arg9[%parallel_loop3A_715] {strides = array<i32>} : memref<47360xf32, #tpu.memory_space<vmem>>, vector<16xf32>,
        tpu.vector_store %arg9[%parallel_loop3A_715], %parallel_loop3A_708 {strides = array<i32>} : memref<47360xf32, #tpu.memory_space<vmem>>, vector<16xf32>,
        %parallel_loop3A_717 = arith.constant 1 : i32
        %parallel_loop3A_718 = vector.broadcast %parallel_loop3A_717 : i32 to vector<16xi32>
        %parallel_loop3A_719 = arith.addi %parallel_loop3A_698, %parallel_loop3A_718 : vector<16xi32>
        %parallel_loop3A_720 = tpu.vector_load_idx %arg10[%parallel_loop3A_719] : memref<1536xi32, #tpu.memory_space<vmem>>[vector<16xi32>], vector<16xi32>,
        %parallel_loop3A_721 = vector.bitcast %parallel_loop3A_720 : vector<16xi32> to vector<32xbf16>
        %parallel_loop3A_722 = tpu.unpack_subelements %parallel_loop3A_721, 0 {pack_format = #tpu.pack_format<interleaved>} : vector<32xbf16> -> vector<16xf32>
        %parallel_loop3A_723 = tpu.unpack_subelements %parallel_loop3A_721, 1 {pack_format = #tpu.pack_format<interleaved>} : vector<32xbf16> -> vector<16xf32>
        %parallel_loop3A_724 = arith.constant 2560 : i32
        %parallel_loop3A_725 = arith.addi %parallel_loop3A_724, %parallel_loop3A_685 : i32
        %parallel_loop3A_726 = arith.index_cast %parallel_loop3A_725 : i32 to index
        %parallel_loop3A_727 = tpu.vector_load %arg9[%parallel_loop3A_726] {strides = array<i32>} : memref<47360xf32, #tpu.memory_space<vmem>>, vector<16xf32>,
        tpu.vector_store %arg9[%parallel_loop3A_726], %parallel_loop3A_722 {strides = array<i32>} : memref<47360xf32, #tpu.memory_space<vmem>>, vector<16xf32>,
        %parallel_loop3A_728 = arith.constant 3840 : i32
        %parallel_loop3A_729 = arith.addi %parallel_loop3A_728, %parallel_loop3A_685 : i32
        %parallel_loop3A_730 = arith.index_cast %parallel_loop3A_729 : i32 to index
        %parallel_loop3A_731 = tpu.vector_load %arg9[%parallel_loop3A_730] {strides = array<i32>} : memref<47360xf32, #tpu.memory_space<vmem>>, vector<16xf32>,
        tpu.vector_store %arg9[%parallel_loop3A_730], %parallel_loop3A_723 {strides = array<i32>} : memref<47360xf32, #tpu.memory_space<vmem>>, vector<16xf32>,
        %parallel_loop3A_732 = arith.constant 2 : i32
        %parallel_loop3A_733 = vector.broadcast %parallel_loop3A_732 : i32 to vector<16xi32>
        %parallel_loop3A_734 = arith.addi %parallel_loop3A_698, %parallel_loop3A_733 : vector<16xi32>
        %parallel_loop3A_735 = tpu.vector_load_idx %arg10[%parallel_loop3A_734] : memref<1536xi32, #tpu.memory_space<vmem>>[vector<16xi32>], vector<16xi32>,
        %parallel_loop3A_736 = vector.bitcast %parallel_loop3A_735 : vector<16xi32> to vector<32xbf16>
        %parallel_loop3A_737 = tpu.unpack_subelements %parallel_loop3A_736, 0 {pack_format = #tpu.pack_format<interleaved>} : vector<32xbf16> -> vector<16xf32>
        %parallel_loop3A_738 = tpu.unpack_subelements %parallel_loop3A_736, 1 {pack_format = #tpu.pack_format<interleaved>} : vector<32xbf16> -> vector<16xf32>
        %parallel_loop3A_739 = arith.constant 5120 : i32
        %parallel_loop3A_740 = arith.addi %parallel_loop3A_739, %parallel_loop3A_685 : i32
        %parallel_loop3A_741 = arith.index_cast %parallel_loop3A_740 : i32 to index
        %parallel_loop3A_742 = tpu.vector_load %arg9[%parallel_loop3A_741] {strides = array<i32>} : memref<47360xf32, #tpu.memory_space<vmem>>, vector<16xf32>,
        tpu.vector_store %arg9[%parallel_loop3A_741], %parallel_loop3A_737 {strides = array<i32>} : memref<47360xf32, #tpu.memory_space<vmem>>, vector<16xf32>,
        %parallel_loop3A_743 = arith.constant 6400 : i32
        %parallel_loop3A_744 = arith.addi %parallel_loop3A_743, %parallel_loop3A_685 : i32
        %parallel_loop3A_745 = arith.index_cast %parallel_loop3A_744 : i32 to index
        %parallel_loop3A_746 = tpu.vector_load %arg9[%parallel_loop3A_745] {strides = array<i32>} : memref<47360xf32, #tpu.memory_space<vmem>>, vector<16xf32>,
        tpu.vector_store %arg9[%parallel_loop3A_745], %parallel_loop3A_738 {strides = array<i32>} : memref<47360xf32, #tpu.memory_space<vmem>>, vector<16xf32>,
        %parallel_loop3A_747 = arith.constant 3 : i32
        %parallel_loop3A_748 = vector.broadcast %parallel_loop3A_747 : i32 to vector<16xi32>
        %parallel_loop3A_749 = arith.addi %parallel_loop3A_698, %parallel_loop3A_748 : vector<16xi32>
        %parallel_loop3A_750 = tpu.vector_load_idx %arg10[%parallel_loop3A_749] : memref<1536xi32, #tpu.memory_space<vmem>>[vector<16xi32>], vector<16xi32>,
        %parallel_loop3A_751 = vector.bitcast %parallel_loop3A_750 : vector<16xi32> to vector<32xbf16>
        %parallel_loop3A_752 = tpu.unpack_subelements %parallel_loop3A_751, 0 {pack_format = #tpu.pack_format<interleaved>} : vector<32xbf16> -> vector<16xf32>
        %parallel_loop3A_753 = tpu.unpack_subelements %parallel_loop3A_751, 1 {pack_format = #tpu.pack_format<interleaved>} : vector<32xbf16> -> vector<16xf32>
        %parallel_loop3A_754 = arith.constant 7680 : i32
        %parallel_loop3A_755 = arith.addi %parallel_loop3A_754, %parallel_loop3A_685 : i32
        %parallel_loop3A_756 = arith.index_cast %parallel_loop3A_755 : i32 to index
        %parallel_loop3A_757 = tpu.vector_load %arg9[%parallel_loop3A_756] {strides = array<i32>} : memref<47360xf32, #tpu.memory_space<vmem>>, vector<16xf32>,
        tpu.vector_store %arg9[%parallel_loop3A_756], %parallel_loop3A_752 {strides = array<i32>} : memref<47360xf32, #tpu.memory_space<vmem>>, vector<16xf32>,
        %parallel_loop3A_758 = arith.constant 8960 : i32
        %parallel_loop3A_759 = arith.addi %parallel_loop3A_758, %parallel_loop3A_685 : i32
        %parallel_loop3A_760 = arith.index_cast %parallel_loop3A_759 : i32 to index
        %parallel_loop3A_761 = tpu.vector_load %arg9[%parallel_loop3A_760] {strides = array<i32>} : memref<47360xf32, #tpu.memory_space<vmem>>, vector<16xf32>,
        tpu.vector_store %arg9[%parallel_loop3A_760], %parallel_loop3A_753 {strides = array<i32>} : memref<47360xf32, #tpu.memory_space<vmem>>, vector<16xf32>,
        %parallel_loop3A_762 = arith.constant 4 : i32
        %parallel_loop3A_763 = vector.broadcast %parallel_loop3A_762 : i32 to vector<16xi32>
        %parallel_loop3A_764 = arith.addi %parallel_loop3A_698, %parallel_loop3A_763 : vector<16xi32>
        %parallel_loop3A_765 = tpu.vector_load_idx %arg10[%parallel_loop3A_764] : memref<1536xi32, #tpu.memory_space<vmem>>[vector<16xi32>], vector<16xi32>,
        %parallel_loop3A_766 = vector.bitcast %parallel_loop3A_765 : vector<16xi32> to vector<32xbf16>
        %parallel_loop3A_767 = tpu.unpack_subelements %parallel_loop3A_766, 0 {pack_format = #tpu.pack_format<interleaved>} : vector<32xbf16> -> vector<16xf32>
        %parallel_loop3A_768 = tpu.unpack_subelements %parallel_loop3A_766, 1 {pack_format = #tpu.pack_format<interleaved>} : vector<32xbf16> -> vector<16xf32>
        %parallel_loop3A_769 = arith.constant 10240 : i32
        %parallel_loop3A_770 = arith.addi %parallel_loop3A_769, %parallel_loop3A_685 : i32
        %parallel_loop3A_771 = arith.index_cast %parallel_loop3A_770 : i32 to index
        %parallel_loop3A_772 = tpu.vector_load %arg9[%parallel_loop3A_771] {strides = array<i32>} : memref<47360xf32, #tpu.memory_space<vmem>>, vector<16xf32>,
        tpu.vector_store %arg9[%parallel_loop3A_771], %parallel_loop3A_767 {strides = array<i32>} : memref<47360xf32, #tpu.memory_space<vmem>>, vector<16xf32>,
        %parallel_loop3A_773 = arith.constant 11520 : i32
        %parallel_loop3A_774 = arith.addi %parallel_loop3A_773, %parallel_loop3A_685 : i32
        %parallel_loop3A_775 = arith.index_cast %parallel_loop3A_774 : i32 to index
        %parallel_loop3A_776 = tpu.vector_load %arg9[%parallel_loop3A_775] {strides = array<i32>} : memref<47360xf32, #tpu.memory_space<vmem>>, vector<16xf32>,
        tpu.vector_store %arg9[%parallel_loop3A_775], %parallel_loop3A_768 {strides = array<i32>} : memref<47360xf32, #tpu.memory_space<vmem>>, vector<16xf32>,
        %parallel_loop3A_777 = arith.constant 5 : i32
        %parallel_loop3A_778 = vector.broadcast %parallel_loop3A_777 : i32 to vector<16xi32>
        %parallel_loop3A_779 = arith.addi %parallel_loop3A_698, %parallel_loop3A_778 : vector<16xi32>
        %parallel_loop3A_780 = tpu.vector_load_idx %arg10[%parallel_loop3A_779] : memref<1536xi32, #tpu.memory_space<vmem>>[vector<16xi32>], vector<16xi32>,
        %parallel_loop3A_781 = vector.bitcast %parallel_loop3A_780 : vector<16xi32> to vector<32xbf16>
        %parallel_loop3A_782 = tpu.unpack_subelements %parallel_loop3A_781, 0 {pack_format = #tpu.pack_format<interleaved>} : vector<32xbf16> -> vector<16xf32>
        %parallel_loop3A_783 = tpu.unpack_subelements %parallel_loop3A_781, 1 {pack_format = #tpu.pack_format<interleaved>} : vector<32xbf16> -> vector<16xf32>
        %parallel_loop3A_784 = arith.constant 12800 : i32
        %parallel_loop3A_785 = arith.addi %parallel_loop3A_784, %parallel_loop3A_685 : i32
        %parallel_loop3A_786 = arith.index_cast %parallel_loop3A_785 : i32 to index
        %parallel_loop3A_787 = tpu.vector_load %arg9[%parallel_loop3A_786] {strides = array<i32>} : memref<47360xf32, #tpu.memory_space<vmem>>, vector<16xf32>,
        tpu.vector_store %arg9[%parallel_loop3A_786], %parallel_loop3A_782 {strides = array<i32>} : memref<47360xf32, #tpu.memory_space<vmem>>, vector<16xf32>,
        %parallel_loop3A_788 = arith.constant 14080 : i32
        %parallel_loop3A_789 = arith.addi %parallel_loop3A_788, %parallel_loop3A_685 : i32
        %parallel_loop3A_790 = arith.index_cast %parallel_loop3A_789 : i32 to index
        %parallel_loop3A_791 = tpu.vector_load %arg9[%parallel_loop3A_790] {strides = array<i32>} : memref<47360xf32, #tpu.memory_space<vmem>>, vector<16xf32>,
        tpu.vector_store %arg9[%parallel_loop3A_790], %parallel_loop3A_783 {strides = array<i32>} : memref<47360xf32, #tpu.memory_space<vmem>>, vector<16xf32>,
        %parallel_loop3A_792 = arith.constant 0 : i32
        %parallel_loop3A_793 = vector.broadcast %parallel_loop3A_792 : i32 to vector<16xi32>
        %parallel_loop3A_794 = arith.addi %parallel_loop3A_701, %parallel_loop3A_793 : vector<16xi32>
        %parallel_loop3A_795 = tpu.vector_load_idx %arg11[%parallel_loop3A_794] : memref<3072xi32, #tpu.memory_space<vmem>>[vector<16xi32>], vector<16xi32>,
        %parallel_loop3A_796 = vector.bitcast %parallel_loop3A_795 : vector<16xi32> to vector<32xbf16>
        %parallel_loop3A_797 = tpu.unpack_subelements %parallel_loop3A_796, 0 {pack_format = #tpu.pack_format<interleaved>} : vector<32xbf16> -> vector<16xf32>
        %parallel_loop3A_798 = tpu.unpack_subelements %parallel_loop3A_796, 1 {pack_format = #tpu.pack_format<interleaved>} : vector<32xbf16> -> vector<16xf32>
        %parallel_loop3A_799 = arith.constant 15360 : i32
        %parallel_loop3A_800 = arith.addi %parallel_loop3A_799, %parallel_loop3A_685 : i32
        %parallel_loop3A_801 = arith.index_cast %parallel_loop3A_800 : i32 to index
        %parallel_loop3A_802 = tpu.vector_load %arg9[%parallel_loop3A_801] {strides = array<i32>} : memref<47360xf32, #tpu.memory_space<vmem>>, vector<16xf32>,
        tpu.vector_store %arg9[%parallel_loop3A_801], %parallel_loop3A_797 {strides = array<i32>} : memref<47360xf32, #tpu.memory_space<vmem>>, vector<16xf32>,
        %parallel_loop3A_803 = arith.constant 16640 : i32
        %parallel_loop3A_804 = arith.addi %parallel_loop3A_803, %parallel_loop3A_685 : i32
        %parallel_loop3A_805 = arith.index_cast %parallel_loop3A_804 : i32 to index
        %parallel_loop3A_806 = tpu.vector_load %arg9[%parallel_loop3A_805] {strides = array<i32>} : memref<47360xf32, #tpu.memory_space<vmem>>, vector<16xf32>,
        tpu.vector_store %arg9[%parallel_loop3A_805], %parallel_loop3A_798 {strides = array<i32>} : memref<47360xf32, #tpu.memory_space<vmem>>, vector<16xf32>,
        %parallel_loop3A_807 = arith.constant 1 : i32
        %parallel_loop3A_808 = vector.broadcast %parallel_loop3A_807 : i32 to vector<16xi32>
        %parallel_loop3A_809 = arith.addi %parallel_loop3A_701, %parallel_loop3A_808 : vector<16xi32>
        %parallel_loop3A_810 = tpu.vector_load_idx %arg11[%parallel_loop3A_809] : memref<3072xi32, #tpu.memory_space<vmem>>[vector<16xi32>], vector<16xi32>,
        %parallel_loop3A_811 = vector.bitcast %parallel_loop3A_810 : vector<16xi32> to vector<32xbf16>
        %parallel_loop3A_812 = tpu.unpack_subelements %parallel_loop3A_811, 0 {pack_format = #tpu.pack_format<interleaved>} : vector<32xbf16> -> vector<16xf32>
        %parallel_loop3A_813 = tpu.unpack_subelements %parallel_loop3A_811, 1 {pack_format = #tpu.pack_format<interleaved>} : vector<32xbf16> -> vector<16xf32>
        %parallel_loop3A_814 = arith.constant 17920 : i32
        %parallel_loop3A_815 = arith.addi %parallel_loop3A_814, %parallel_loop3A_685 : i32
        %parallel_loop3A_816 = arith.index_cast %parallel_loop3A_815 : i32 to index
        %parallel_loop3A_817 = tpu.vector_load %arg9[%parallel_loop3A_816] {strides = array<i32>} : memref<47360xf32, #tpu.memory_space<vmem>>, vector<16xf32>,
        tpu.vector_store %arg9[%parallel_loop3A_816], %parallel_loop3A_812 {strides = array<i32>} : memref<47360xf32, #tpu.memory_space<vmem>>, vector<16xf32>,
        %parallel_loop3A_818 = arith.constant 19200 : i32
        %parallel_loop3A_819 = arith.addi %parallel_loop3A_818, %parallel_loop3A_685 : i32
        %parallel_loop3A_820 = arith.index_cast %parallel_loop3A_819 : i32 to index
        %parallel_loop3A_821 = tpu.vector_load %arg9[%parallel_loop3A_820] {strides = array<i32>} : memref<47360xf32, #tpu.memory_space<vmem>>, vector<16xf32>,
        tpu.vector_store %arg9[%parallel_loop3A_820], %parallel_loop3A_813 {strides = array<i32>} : memref<47360xf32, #tpu.memory_space<vmem>>, vector<16xf32>,
        %parallel_loop3A_822 = arith.constant 2 : i32
        %parallel_loop3A_823 = vector.broadcast %parallel_loop3A_822 : i32 to vector<16xi32>
        %parallel_loop3A_824 = arith.addi %parallel_loop3A_701, %parallel_loop3A_823 : vector<16xi32>
        %parallel_loop3A_825 = tpu.vector_load_idx %arg11[%parallel_loop3A_824] : memref<3072xi32, #tpu.memory_space<vmem>>[vector<16xi32>], vector<16xi32>,
        %parallel_loop3A_826 = vector.bitcast %parallel_loop3A_825 : vector<16xi32> to vector<32xbf16>
        %parallel_loop3A_827 = tpu.unpack_subelements %parallel_loop3A_826, 0 {pack_format = #tpu.pack_format<interleaved>} : vector<32xbf16> -> vector<16xf32>
        %parallel_loop3A_828 = tpu.unpack_subelements %parallel_loop3A_826, 1 {pack_format = #tpu.pack_format<interleaved>} : vector<32xbf16> -> vector<16xf32>
        %parallel_loop3A_829 = arith.constant 20480 : i32
        %parallel_loop3A_830 = arith.addi %parallel_loop3A_829, %parallel_loop3A_685 : i32
        %parallel_loop3A_831 = arith.index_cast %parallel_loop3A_830 : i32 to index
        %parallel_loop3A_832 = tpu.vector_load %arg9[%parallel_loop3A_831] {strides = array<i32>} : memref<47360xf32, #tpu.memory_space<vmem>>, vector<16xf32>,
        tpu.vector_store %arg9[%parallel_loop3A_831], %parallel_loop3A_827 {strides = array<i32>} : memref<47360xf32, #tpu.memory_space<vmem>>, vector<16xf32>,
        %parallel_loop3A_833 = arith.constant 21760 : i32
        %parallel_loop3A_834 = arith.addi %parallel_loop3A_833, %parallel_loop3A_685 : i32
        %parallel_loop3A_835 = arith.index_cast %parallel_loop3A_834 : i32 to index
        %parallel_loop3A_836 = tpu.vector_load %arg9[%parallel_loop3A_835] {strides = array<i32>} : memref<47360xf32, #tpu.memory_space<vmem>>, vector<16xf32>,
        tpu.vector_store %arg9[%parallel_loop3A_835], %parallel_loop3A_828 {strides = array<i32>} : memref<47360xf32, #tpu.memory_space<vmem>>, vector<16xf32>,
        %parallel_loop3A_837 = arith.constant 3 : i32
        %parallel_loop3A_838 = vector.broadcast %parallel_loop3A_837 : i32 to vector<16xi32>
        %parallel_loop3A_839 = arith.addi %parallel_loop3A_701, %parallel_loop3A_838 : vector<16xi32>
        %parallel_loop3A_840 = tpu.vector_load_idx %arg11[%parallel_loop3A_839] : memref<3072xi32, #tpu.memory_space<vmem>>[vector<16xi32>], vector<16xi32>,
        %parallel_loop3A_841 = vector.bitcast %parallel_loop3A_840 : vector<16xi32> to vector<32xbf16>
        %parallel_loop3A_842 = tpu.unpack_subelements %parallel_loop3A_841, 0 {pack_format = #tpu.pack_format<interleaved>} : vector<32xbf16> -> vector<16xf32>
        %parallel_loop3A_843 = tpu.unpack_subelements %parallel_loop3A_841, 1 {pack_format = #tpu.pack_format<interleaved>} : vector<32xbf16> -> vector<16xf32>
        %parallel_loop3A_844 = arith.constant 23040 : i32
        %parallel_loop3A_845 = arith.addi %parallel_loop3A_844, %parallel_loop3A_685 : i32
        %parallel_loop3A_846 = arith.index_cast %parallel_loop3A_845 : i32 to index
        %parallel_loop3A_847 = tpu.vector_load %arg9[%parallel_loop3A_846] {strides = array<i32>} : memref<47360xf32, #tpu.memory_space<vmem>>, vector<16xf32>,
        tpu.vector_store %arg9[%parallel_loop3A_846], %parallel_loop3A_842 {strides = array<i32>} : memref<47360xf32, #tpu.memory_space<vmem>>, vector<16xf32>,
        %parallel_loop3A_848 = arith.constant 24320 : i32
        %parallel_loop3A_849 = arith.addi %parallel_loop3A_848, %parallel_loop3A_685 : i32
        %parallel_loop3A_850 = arith.index_cast %parallel_loop3A_849 : i32 to index
        %parallel_loop3A_851 = tpu.vector_load %arg9[%parallel_loop3A_850] {strides = array<i32>} : memref<47360xf32, #tpu.memory_space<vmem>>, vector<16xf32>,
        tpu.vector_store %arg9[%parallel_loop3A_850], %parallel_loop3A_843 {strides = array<i32>} : memref<47360xf32, #tpu.memory_space<vmem>>, vector<16xf32>,
        %parallel_loop3A_852 = arith.constant 4 : i32
        %parallel_loop3A_853 = vector.broadcast %parallel_loop3A_852 : i32 to vector<16xi32>
        %parallel_loop3A_854 = arith.addi %parallel_loop3A_701, %parallel_loop3A_853 : vector<16xi32>
        %parallel_loop3A_855 = tpu.vector_load_idx %arg11[%parallel_loop3A_854] : memref<3072xi32, #tpu.memory_space<vmem>>[vector<16xi32>], vector<16xi32>,
        %parallel_loop3A_856 = vector.bitcast %parallel_loop3A_855 : vector<16xi32> to vector<32xbf16>
        %parallel_loop3A_857 = tpu.unpack_subelements %parallel_loop3A_856, 0 {pack_format = #tpu.pack_format<interleaved>} : vector<32xbf16> -> vector<16xf32>
        %parallel_loop3A_858 = tpu.unpack_subelements %parallel_loop3A_856, 1 {pack_format = #tpu.pack_format<interleaved>} : vector<32xbf16> -> vector<16xf32>
        %parallel_loop3A_859 = arith.constant 25600 : i32
        %parallel_loop3A_860 = arith.addi %parallel_loop3A_859, %parallel_loop3A_685 : i32
        %parallel_loop3A_861 = arith.index_cast %parallel_loop3A_860 : i32 to index
        %parallel_loop3A_862 = tpu.vector_load %arg9[%parallel_loop3A_861] {strides = array<i32>} : memref<47360xf32, #tpu.memory_space<vmem>>, vector<16xf32>,
        tpu.vector_store %arg9[%parallel_loop3A_861], %parallel_loop3A_857 {strides = array<i32>} : memref<47360xf32, #tpu.memory_space<vmem>>, vector<16xf32>,
        %parallel_loop3A_863 = arith.constant 26880 : i32
        %parallel_loop3A_864 = arith.addi %parallel_loop3A_863, %parallel_loop3A_685 : i32
        %parallel_loop3A_865 = arith.index_cast %parallel_loop3A_864 : i32 to index
        %parallel_loop3A_866 = tpu.vector_load %arg9[%parallel_loop3A_865] {strides = array<i32>} : memref<47360xf32, #tpu.memory_space<vmem>>, vector<16xf32>,
        tpu.vector_store %arg9[%parallel_loop3A_865], %parallel_loop3A_858 {strides = array<i32>} : memref<47360xf32, #tpu.memory_space<vmem>>, vector<16xf32>,
        %parallel_loop3A_867 = arith.constant 5 : i32
        %parallel_loop3A_868 = vector.broadcast %parallel_loop3A_867 : i32 to vector<16xi32>
        %parallel_loop3A_869 = arith.addi %parallel_loop3A_701, %parallel_loop3A_868 : vector<16xi32>
        %parallel_loop3A_870 = tpu.vector_load_idx %arg11[%parallel_loop3A_869] : memref<3072xi32, #tpu.memory_space<vmem>>[vector<16xi32>], vector<16xi32>,
        %parallel_loop3A_871 = vector.bitcast %parallel_loop3A_870 : vector<16xi32> to vector<32xbf16>
        %parallel_loop3A_872 = tpu.unpack_subelements %parallel_loop3A_871, 0 {pack_format = #tpu.pack_format<interleaved>} : vector<32xbf16> -> vector<16xf32>
        %parallel_loop3A_873 = tpu.unpack_subelements %parallel_loop3A_871, 1 {pack_format = #tpu.pack_format<interleaved>} : vector<32xbf16> -> vector<16xf32>
        %parallel_loop3A_874 = arith.constant 28160 : i32
        %parallel_loop3A_875 = arith.addi %parallel_loop3A_874, %parallel_loop3A_685 : i32
        %parallel_loop3A_876 = arith.index_cast %parallel_loop3A_875 : i32 to index
        %parallel_loop3A_877 = tpu.vector_load %arg9[%parallel_loop3A_876] {strides = array<i32>} : memref<47360xf32, #tpu.memory_space<vmem>>, vector<16xf32>,
        tpu.vector_store %arg9[%parallel_loop3A_876], %parallel_loop3A_872 {strides = array<i32>} : memref<47360xf32, #tpu.memory_space<vmem>>, vector<16xf32>,
        %parallel_loop3A_878 = arith.constant 29440 : i32
        %parallel_loop3A_879 = arith.addi %parallel_loop3A_878, %parallel_loop3A_685 : i32
        %parallel_loop3A_880 = arith.index_cast %parallel_loop3A_879 : i32 to index
        %parallel_loop3A_881 = tpu.vector_load %arg9[%parallel_loop3A_880] {strides = array<i32>} : memref<47360xf32, #tpu.memory_space<vmem>>, vector<16xf32>,
        tpu.vector_store %arg9[%parallel_loop3A_880], %parallel_loop3A_873 {strides = array<i32>} : memref<47360xf32, #tpu.memory_space<vmem>>, vector<16xf32>,
        %parallel_loop3A_882 = arith.constant 6 : i32
        %parallel_loop3A_883 = vector.broadcast %parallel_loop3A_882 : i32 to vector<16xi32>
        %parallel_loop3A_884 = arith.addi %parallel_loop3A_701, %parallel_loop3A_883 : vector<16xi32>
        %parallel_loop3A_885 = tpu.vector_load_idx %arg11[%parallel_loop3A_884] : memref<3072xi32, #tpu.memory_space<vmem>>[vector<16xi32>], vector<16xi32>,
        %parallel_loop3A_886 = vector.bitcast %parallel_loop3A_885 : vector<16xi32> to vector<32xbf16>
        %parallel_loop3A_887 = tpu.unpack_subelements %parallel_loop3A_886, 0 {pack_format = #tpu.pack_format<interleaved>} : vector<32xbf16> -> vector<16xf32>
        %parallel_loop3A_888 = tpu.unpack_subelements %parallel_loop3A_886, 1 {pack_format = #tpu.pack_format<interleaved>} : vector<32xbf16> -> vector<16xf32>
        %parallel_loop3A_889 = arith.constant 30720 : i32
        %parallel_loop3A_890 = arith.addi %parallel_loop3A_889, %parallel_loop3A_685 : i32
        %parallel_loop3A_891 = arith.index_cast %parallel_loop3A_890 : i32 to index
        %parallel_loop3A_892 = tpu.vector_load %arg9[%parallel_loop3A_891] {strides = array<i32>} : memref<47360xf32, #tpu.memory_space<vmem>>, vector<16xf32>,
        tpu.vector_store %arg9[%parallel_loop3A_891], %parallel_loop3A_887 {strides = array<i32>} : memref<47360xf32, #tpu.memory_space<vmem>>, vector<16xf32>,
        %parallel_loop3A_893 = arith.constant 32000 : i32
        %parallel_loop3A_894 = arith.addi %parallel_loop3A_893, %parallel_loop3A_685 : i32
        %parallel_loop3A_895 = arith.index_cast %parallel_loop3A_894 : i32 to index
        %parallel_loop3A_896 = tpu.vector_load %arg9[%parallel_loop3A_895] {strides = array<i32>} : memref<47360xf32, #tpu.memory_space<vmem>>, vector<16xf32>,
        tpu.vector_store %arg9[%parallel_loop3A_895], %parallel_loop3A_888 {strides = array<i32>} : memref<47360xf32, #tpu.memory_space<vmem>>, vector<16xf32>,
        %parallel_loop3A_897 = arith.constant 7 : i32
        %parallel_loop3A_898 = vector.broadcast %parallel_loop3A_897 : i32 to vector<16xi32>
        %parallel_loop3A_899 = arith.addi %parallel_loop3A_701, %parallel_loop3A_898 : vector<16xi32>
        %parallel_loop3A_900 = tpu.vector_load_idx %arg11[%parallel_loop3A_899] : memref<3072xi32, #tpu.memory_space<vmem>>[vector<16xi32>], vector<16xi32>,
        %parallel_loop3A_901 = vector.bitcast %parallel_loop3A_900 : vector<16xi32> to vector<32xbf16>
        %parallel_loop3A_902 = tpu.unpack_subelements %parallel_loop3A_901, 0 {pack_format = #tpu.pack_format<interleaved>} : vector<32xbf16> -> vector<16xf32>
        %parallel_loop3A_903 = tpu.unpack_subelements %parallel_loop3A_901, 1 {pack_format = #tpu.pack_format<interleaved>} : vector<32xbf16> -> vector<16xf32>
        %parallel_loop3A_904 = arith.constant 33280 : i32
        %parallel_loop3A_905 = arith.addi %parallel_loop3A_904, %parallel_loop3A_685 : i32
        %parallel_loop3A_906 = arith.index_cast %parallel_loop3A_905 : i32 to index
        %parallel_loop3A_907 = tpu.vector_load %arg9[%parallel_loop3A_906] {strides = array<i32>} : memref<47360xf32, #tpu.memory_space<vmem>>, vector<16xf32>,
        tpu.vector_store %arg9[%parallel_loop3A_906], %parallel_loop3A_902 {strides = array<i32>} : memref<47360xf32, #tpu.memory_space<vmem>>, vector<16xf32>,
        %parallel_loop3A_908 = arith.constant 34560 : i32
        %parallel_loop3A_909 = arith.addi %parallel_loop3A_908, %parallel_loop3A_685 : i32
        %parallel_loop3A_910 = arith.index_cast %parallel_loop3A_909 : i32 to index
        %parallel_loop3A_911 = tpu.vector_load %arg9[%parallel_loop3A_910] {strides = array<i32>} : memref<47360xf32, #tpu.memory_space<vmem>>, vector<16xf32>,
        tpu.vector_store %arg9[%parallel_loop3A_910], %parallel_loop3A_903 {strides = array<i32>} : memref<47360xf32, #tpu.memory_space<vmem>>, vector<16xf32>,
        %parallel_loop3A_912 = arith.constant 8 : i32
        %parallel_loop3A_913 = vector.broadcast %parallel_loop3A_912 : i32 to vector<16xi32>
        %parallel_loop3A_914 = arith.addi %parallel_loop3A_701, %parallel_loop3A_913 : vector<16xi32>
        %parallel_loop3A_915 = tpu.vector_load_idx %arg11[%parallel_loop3A_914] : memref<3072xi32, #tpu.memory_space<vmem>>[vector<16xi32>], vector<16xi32>,
        %parallel_loop3A_916 = vector.bitcast %parallel_loop3A_915 : vector<16xi32> to vector<32xbf16>
        %parallel_loop3A_917 = tpu.unpack_subelements %parallel_loop3A_916, 0 {pack_format = #tpu.pack_format<interleaved>} : vector<32xbf16> -> vector<16xf32>
        %parallel_loop3A_918 = tpu.unpack_subelements %parallel_loop3A_916, 1 {pack_format = #tpu.pack_format<interleaved>} : vector<32xbf16> -> vector<16xf32>
        %parallel_loop3A_919 = arith.constant 35840 : i32
        %parallel_loop3A_920 = arith.addi %parallel_loop3A_919, %parallel_loop3A_685 : i32
        %parallel_loop3A_921 = arith.index_cast %parallel_loop3A_920 : i32 to index
        %parallel_loop3A_922 = tpu.vector_load %arg9[%parallel_loop3A_921] {strides = array<i32>} : memref<47360xf32, #tpu.memory_space<vmem>>, vector<16xf32>,
        tpu.vector_store %arg9[%parallel_loop3A_921], %parallel_loop3A_917 {strides = array<i32>} : memref<47360xf32, #tpu.memory_space<vmem>>, vector<16xf32>,
        %parallel_loop3A_923 = arith.constant 37120 : i32
        %parallel_loop3A_924 = arith.addi %parallel_loop3A_923, %parallel_loop3A_685 : i32
        %parallel_loop3A_925 = arith.index_cast %parallel_loop3A_924 : i32 to index
        %parallel_loop3A_926 = tpu.vector_load %arg9[%parallel_loop3A_925] {strides = array<i32>} : memref<47360xf32, #tpu.memory_space<vmem>>, vector<16xf32>,
        tpu.vector_store %arg9[%parallel_loop3A_925], %parallel_loop3A_918 {strides = array<i32>} : memref<47360xf32, #tpu.memory_space<vmem>>, vector<16xf32>,
        %parallel_loop3A_927 = arith.constant 9 : i32
        %parallel_loop3A_928 = vector.broadcast %parallel_loop3A_927 : i32 to vector<16xi32>
        %parallel_loop3A_929 = arith.addi %parallel_loop3A_701, %parallel_loop3A_928 : vector<16xi32>
        %parallel_loop3A_930 = tpu.vector_load_idx %arg11[%parallel_loop3A_929] : memref<3072xi32, #tpu.memory_space<vmem>>[vector<16xi32>], vector<16xi32>,
        %parallel_loop3A_931 = vector.bitcast %parallel_loop3A_930 : vector<16xi32> to vector<32xbf16>
        %parallel_loop3A_932 = tpu.unpack_subelements %parallel_loop3A_931, 0 {pack_format = #tpu.pack_format<interleaved>} : vector<32xbf16> -> vector<16xf32>
        %parallel_loop3A_933 = tpu.unpack_subelements %parallel_loop3A_931, 1 {pack_format = #tpu.pack_format<interleaved>} : vector<32xbf16> -> vector<16xf32>
        %parallel_loop3A_934 = arith.constant 38400 : i32
        %parallel_loop3A_935 = arith.addi %parallel_loop3A_934, %parallel_loop3A_685 : i32
        %parallel_loop3A_936 = arith.index_cast %parallel_loop3A_935 : i32 to index
        %parallel_loop3A_937 = tpu.vector_load %arg9[%parallel_loop3A_936] {strides = array<i32>} : memref<47360xf32, #tpu.memory_space<vmem>>, vector<16xf32>,
        tpu.vector_store %arg9[%parallel_loop3A_936], %parallel_loop3A_932 {strides = array<i32>} : memref<47360xf32, #tpu.memory_space<vmem>>, vector<16xf32>,
        %parallel_loop3A_938 = arith.constant 39680 : i32
        %parallel_loop3A_939 = arith.addi %parallel_loop3A_938, %parallel_loop3A_685 : i32
        %parallel_loop3A_940 = arith.index_cast %parallel_loop3A_939 : i32 to index
        %parallel_loop3A_941 = tpu.vector_load %arg9[%parallel_loop3A_940] {strides = array<i32>} : memref<47360xf32, #tpu.memory_space<vmem>>, vector<16xf32>,
        tpu.vector_store %arg9[%parallel_loop3A_940], %parallel_loop3A_933 {strides = array<i32>} : memref<47360xf32, #tpu.memory_space<vmem>>, vector<16xf32>,
        %parallel_loop3A_942 = arith.constant 10 : i32
        %parallel_loop3A_943 = vector.broadcast %parallel_loop3A_942 : i32 to vector<16xi32>
        %parallel_loop3A_944 = arith.addi %parallel_loop3A_701, %parallel_loop3A_943 : vector<16xi32>
        %parallel_loop3A_945 = tpu.vector_load_idx %arg11[%parallel_loop3A_944] : memref<3072xi32, #tpu.memory_space<vmem>>[vector<16xi32>], vector<16xi32>,
        %parallel_loop3A_946 = vector.bitcast %parallel_loop3A_945 : vector<16xi32> to vector<32xbf16>
        %parallel_loop3A_947 = tpu.unpack_subelements %parallel_loop3A_946, 0 {pack_format = #tpu.pack_format<interleaved>} : vector<32xbf16> -> vector<16xf32>
        %parallel_loop3A_948 = tpu.unpack_subelements %parallel_loop3A_946, 1 {pack_format = #tpu.pack_format<interleaved>} : vector<32xbf16> -> vector<16xf32>
        %parallel_loop3A_949 = arith.constant 40960 : i32
        %parallel_loop3A_950 = arith.addi %parallel_loop3A_949, %parallel_loop3A_685 : i32
        %parallel_loop3A_951 = arith.index_cast %parallel_loop3A_950 : i32 to index
        %parallel_loop3A_952 = tpu.vector_load %arg9[%parallel_loop3A_951] {strides = array<i32>} : memref<47360xf32, #tpu.memory_space<vmem>>, vector<16xf32>,
        tpu.vector_store %arg9[%parallel_loop3A_951], %parallel_loop3A_947 {strides = array<i32>} : memref<47360xf32, #tpu.memory_space<vmem>>, vector<16xf32>,
        %parallel_loop3A_953 = arith.constant 42240 : i32
        %parallel_loop3A_954 = arith.addi %parallel_loop3A_953, %parallel_loop3A_685 : i32
        %parallel_loop3A_955 = arith.index_cast %parallel_loop3A_954 : i32 to index
        %parallel_loop3A_956 = tpu.vector_load %arg9[%parallel_loop3A_955] {strides = array<i32>} : memref<47360xf32, #tpu.memory_space<vmem>>, vector<16xf32>,
        tpu.vector_store %arg9[%parallel_loop3A_955], %parallel_loop3A_948 {strides = array<i32>} : memref<47360xf32, #tpu.memory_space<vmem>>, vector<16xf32>,
        %parallel_loop3A_957 = arith.constant 11 : i32
        %parallel_loop3A_958 = vector.broadcast %parallel_loop3A_957 : i32 to vector<16xi32>
        %parallel_loop3A_959 = arith.addi %parallel_loop3A_701, %parallel_loop3A_958 : vector<16xi32>
        %parallel_loop3A_960 = tpu.vector_load_idx %arg11[%parallel_loop3A_959] : memref<3072xi32, #tpu.memory_space<vmem>>[vector<16xi32>], vector<16xi32>,
        %parallel_loop3A_961 = vector.bitcast %parallel_loop3A_960 : vector<16xi32> to vector<32xbf16>
        %parallel_loop3A_962 = tpu.unpack_subelements %parallel_loop3A_961, 0 {pack_format = #tpu.pack_format<interleaved>} : vector<32xbf16> -> vector<16xf32>
        %parallel_loop3A_963 = tpu.unpack_subelements %parallel_loop3A_961, 1 {pack_format = #tpu.pack_format<interleaved>} : vector<32xbf16> -> vector<16xf32>
        %parallel_loop3A_964 = arith.constant 43520 : i32
        %parallel_loop3A_965 = arith.addi %parallel_loop3A_964, %parallel_loop3A_685 : i32
        %parallel_loop3A_966 = arith.index_cast %parallel_loop3A_965 : i32 to index
        %parallel_loop3A_967 = tpu.vector_load %arg9[%parallel_loop3A_966] {strides = array<i32>} : memref<47360xf32, #tpu.memory_space<vmem>>, vector<16xf32>,
        tpu.vector_store %arg9[%parallel_loop3A_966], %parallel_loop3A_962 {strides = array<i32>} : memref<47360xf32, #tpu.memory_space<vmem>>, vector<16xf32>,
        %parallel_loop3A_968 = arith.constant 44800 : i32
        %parallel_loop3A_969 = arith.addi %parallel_loop3A_968, %parallel_loop3A_685 : i32
        %parallel_loop3A_970 = arith.index_cast %parallel_loop3A_969 : i32 to index
        %parallel_loop3A_971 = tpu.vector_load %arg9[%parallel_loop3A_970] {strides = array<i32>} : memref<47360xf32, #tpu.memory_space<vmem>>, vector<16xf32>,
        tpu.vector_store %arg9[%parallel_loop3A_970], %parallel_loop3A_963 {strides = array<i32>} : memref<47360xf32, #tpu.memory_space<vmem>>, vector<16xf32>,
        %parallel_loop3A_972 = arith.sitofp %parallel_loop3A_695 : vector<16xi32> to vector<16xf32>
        %parallel_loop3A_973 = arith.constant 46080 : i32
        %parallel_loop3A_974 = arith.addi %parallel_loop3A_973, %parallel_loop3A_685 : i32
        %parallel_loop3A_975 = arith.index_cast %parallel_loop3A_974 : i32 to index
        %parallel_loop3A_976 = tpu.vector_load %arg9[%parallel_loop3A_975] {strides = array<i32>} : memref<47360xf32, #tpu.memory_space<vmem>>, vector<16xf32>,
        tpu.vector_store %arg9[%parallel_loop3A_975], %parallel_loop3A_972 {strides = array<i32>} : memref<47360xf32, #tpu.memory_space<vmem>>, vector<16xf32>,
      } {sc.loop_unroll_factor = 16 : i64, sc.parallel_access}
      %mul3A_383 = arith.constant 1280 : i32
      %mul3A_384 = arith.muli %add3A_363, %mul3A_383 : i32
      %add3A_385 = arith.addi %mul3A_2, %mul3A_384 : i32
      %add3A_386 = arith.constant 0 : i32
      %add3A_387 = arith.addi %add3A_386, %add3A_385 : i32
      %dma_start3A_388 = arith.constant 0 : i32
      %dma_start3A_389 = tpu.memref_slice %arg9[%dma_start3A_388] : memref<47360xf32, #tpu.memory_space<vmem>> -> memref<1280xf32, #tpu.memory_space<vmem>>
      %dma_start3A_390 = tpu.memref_slice %arg5[%add3A_387] : memref<121241600xf32, #tpu.memory_space<hbm>> -> memref<1280xf32, #tpu.memory_space<hbm>>
      %dma_start3A_391 = tpu.memref_slice %arg5[%add3A_387] : memref<121241600xf32, #tpu.memory_space<hbm>> -> memref<1280xf32, #tpu.memory_space<hbm>>
      %dma_start3A_392 = arith.constant 0 : i32
      %dma_start3A_393 = tpu.memref_slice %arg9[%dma_start3A_392] : memref<47360xf32, #tpu.memory_space<vmem>> -> memref<1280xf32, #tpu.memory_space<vmem>>
      tpu.enqueue_dma source(%dma_start3A_393 : memref<1280xf32, #tpu.memory_space<vmem>>) target(%dma_start3A_391 : memref<1280xf32, #tpu.memory_space<hbm>>) target_semaphore(%arg15 : memref<!tpu.dma_semaphore, #tpu.memory_space<semaphore_mem>>)
      %add3A_394 = arith.constant 3276800 : i32
      %add3A_395 = arith.addi %add3A_394, %add3A_385 : i32
      %dma_start3A_396 = arith.constant 1280 : i32
      %dma_start3A_397 = tpu.memref_slice %arg9[%dma_start3A_396] : memref<47360xf32, #tpu.memory_space<vmem>> -> memref<1280xf32, #tpu.memory_space<vmem>>
      %dma_start3A_398 = tpu.memref_slice %arg5[%add3A_395] : memref<121241600xf32, #tpu.memory_space<hbm>> -> memref<1280xf32, #tpu.memory_space<hbm>>
      %dma_start3A_399 = tpu.memref_slice %arg5[%add3A_395] : memref<121241600xf32, #tpu.memory_space<hbm>> -> memref<1280xf32, #tpu.memory_space<hbm>>
      %dma_start3A_400 = arith.constant 1280 : i32
      %dma_start3A_401 = tpu.memref_slice %arg9[%dma_start3A_400] : memref<47360xf32, #tpu.memory_space<vmem>> -> memref<1280xf32, #tpu.memory_space<vmem>>
      tpu.enqueue_dma source(%dma_start3A_401 : memref<1280xf32, #tpu.memory_space<vmem>>) target(%dma_start3A_399 : memref<1280xf32, #tpu.memory_space<hbm>>) target_semaphore(%arg15 : memref<!tpu.dma_semaphore, #tpu.memory_space<semaphore_mem>>)
      %add3A_402 = arith.constant 6553600 : i32
      %add3A_403 = arith.addi %add3A_402, %add3A_385 : i32
      %dma_start3A_404 = arith.constant 2560 : i32
      %dma_start3A_405 = tpu.memref_slice %arg9[%dma_start3A_404] : memref<47360xf32, #tpu.memory_space<vmem>> -> memref<1280xf32, #tpu.memory_space<vmem>>
      %dma_start3A_406 = tpu.memref_slice %arg5[%add3A_403] : memref<121241600xf32, #tpu.memory_space<hbm>> -> memref<1280xf32, #tpu.memory_space<hbm>>
      %dma_start3A_407 = tpu.memref_slice %arg5[%add3A_403] : memref<121241600xf32, #tpu.memory_space<hbm>> -> memref<1280xf32, #tpu.memory_space<hbm>>
      %dma_start3A_408 = arith.constant 2560 : i32
      %dma_start3A_409 = tpu.memref_slice %arg9[%dma_start3A_408] : memref<47360xf32, #tpu.memory_space<vmem>> -> memref<1280xf32, #tpu.memory_space<vmem>>
      tpu.enqueue_dma source(%dma_start3A_409 : memref<1280xf32, #tpu.memory_space<vmem>>) target(%dma_start3A_407 : memref<1280xf32, #tpu.memory_space<hbm>>) target_semaphore(%arg15 : memref<!tpu.dma_semaphore, #tpu.memory_space<semaphore_mem>>)
      %add3A_410 = arith.constant 9830400 : i32
      %add3A_411 = arith.addi %add3A_410, %add3A_385 : i32
      %dma_start3A_412 = arith.constant 3840 : i32
      %dma_start3A_413 = tpu.memref_slice %arg9[%dma_start3A_412] : memref<47360xf32, #tpu.memory_space<vmem>> -> memref<1280xf32, #tpu.memory_space<vmem>>
      %dma_start3A_414 = tpu.memref_slice %arg5[%add3A_411] : memref<121241600xf32, #tpu.memory_space<hbm>> -> memref<1280xf32, #tpu.memory_space<hbm>>
      %dma_start3A_415 = tpu.memref_slice %arg5[%add3A_411] : memref<121241600xf32, #tpu.memory_space<hbm>> -> memref<1280xf32, #tpu.memory_space<hbm>>
      %dma_start3A_416 = arith.constant 3840 : i32
      %dma_start3A_417 = tpu.memref_slice %arg9[%dma_start3A_416] : memref<47360xf32, #tpu.memory_space<vmem>> -> memref<1280xf32, #tpu.memory_space<vmem>>
      tpu.enqueue_dma source(%dma_start3A_417 : memref<1280xf32, #tpu.memory_space<vmem>>) target(%dma_start3A_415 : memref<1280xf32, #tpu.memory_space<hbm>>) target_semaphore(%arg15 : memref<!tpu.dma_semaphore, #tpu.memory_space<semaphore_mem>>)
      %add3A_418 = arith.constant 13107200 : i32
      %add3A_419 = arith.addi %add3A_418, %add3A_385 : i32
      %dma_start3A_420 = arith.constant 5120 : i32
      %dma_start3A_421 = tpu.memref_slice %arg9[%dma_start3A_420] : memref<47360xf32, #tpu.memory_space<vmem>> -> memref<1280xf32, #tpu.memory_space<vmem>>
      %dma_start3A_422 = tpu.memref_slice %arg5[%add3A_419] : memref<121241600xf32, #tpu.memory_space<hbm>> -> memref<1280xf32, #tpu.memory_space<hbm>>
      %dma_start3A_423 = tpu.memref_slice %arg5[%add3A_419] : memref<121241600xf32, #tpu.memory_space<hbm>> -> memref<1280xf32, #tpu.memory_space<hbm>>
      %dma_start3A_424 = arith.constant 5120 : i32
      %dma_start3A_425 = tpu.memref_slice %arg9[%dma_start3A_424] : memref<47360xf32, #tpu.memory_space<vmem>> -> memref<1280xf32, #tpu.memory_space<vmem>>
      tpu.enqueue_dma source(%dma_start3A_425 : memref<1280xf32, #tpu.memory_space<vmem>>) target(%dma_start3A_423 : memref<1280xf32, #tpu.memory_space<hbm>>) target_semaphore(%arg15 : memref<!tpu.dma_semaphore, #tpu.memory_space<semaphore_mem>>)
      %add3A_426 = arith.constant 16384000 : i32
      %add3A_427 = arith.addi %add3A_426, %add3A_385 : i32
      %dma_start3A_428 = arith.constant 6400 : i32
      %dma_start3A_429 = tpu.memref_slice %arg9[%dma_start3A_428] : memref<47360xf32, #tpu.memory_space<vmem>> -> memref<1280xf32, #tpu.memory_space<vmem>>
      %dma_start3A_430 = tpu.memref_slice %arg5[%add3A_427] : memref<121241600xf32, #tpu.memory_space<hbm>> -> memref<1280xf32, #tpu.memory_space<hbm>>
      %dma_start3A_431 = tpu.memref_slice %arg5[%add3A_427] : memref<121241600xf32, #tpu.memory_space<hbm>> -> memref<1280xf32, #tpu.memory_space<hbm>>
      %dma_start3A_432 = arith.constant 6400 : i32
      %dma_start3A_433 = tpu.memref_slice %arg9[%dma_start3A_432] : memref<47360xf32, #tpu.memory_space<vmem>> -> memref<1280xf32, #tpu.memory_space<vmem>>
      tpu.enqueue_dma source(%dma_start3A_433 : memref<1280xf32, #tpu.memory_space<vmem>>) target(%dma_start3A_431 : memref<1280xf32, #tpu.memory_space<hbm>>) target_semaphore(%arg15 : memref<!tpu.dma_semaphore, #tpu.memory_space<semaphore_mem>>)
      %add3A_434 = arith.constant 19660800 : i32
      %add3A_435 = arith.addi %add3A_434, %add3A_385 : i32
      %dma_start3A_436 = arith.constant 7680 : i32
      %dma_start3A_437 = tpu.memref_slice %arg9[%dma_start3A_436] : memref<47360xf32, #tpu.memory_space<vmem>> -> memref<1280xf32, #tpu.memory_space<vmem>>
      %dma_start3A_438 = tpu.memref_slice %arg5[%add3A_435] : memref<121241600xf32, #tpu.memory_space<hbm>> -> memref<1280xf32, #tpu.memory_space<hbm>>
      %dma_start3A_439 = tpu.memref_slice %arg5[%add3A_435] : memref<121241600xf32, #tpu.memory_space<hbm>> -> memref<1280xf32, #tpu.memory_space<hbm>>
      %dma_start3A_440 = arith.constant 7680 : i32
      %dma_start3A_441 = tpu.memref_slice %arg9[%dma_start3A_440] : memref<47360xf32, #tpu.memory_space<vmem>> -> memref<1280xf32, #tpu.memory_space<vmem>>
      tpu.enqueue_dma source(%dma_start3A_441 : memref<1280xf32, #tpu.memory_space<vmem>>) target(%dma_start3A_439 : memref<1280xf32, #tpu.memory_space<hbm>>) target_semaphore(%arg15 : memref<!tpu.dma_semaphore, #tpu.memory_space<semaphore_mem>>)
      %add3A_442 = arith.constant 22937600 : i32
      %add3A_443 = arith.addi %add3A_442, %add3A_385 : i32
      %dma_start3A_444 = arith.constant 8960 : i32
      %dma_start3A_445 = tpu.memref_slice %arg9[%dma_start3A_444] : memref<47360xf32, #tpu.memory_space<vmem>> -> memref<1280xf32, #tpu.memory_space<vmem>>
      %dma_start3A_446 = tpu.memref_slice %arg5[%add3A_443] : memref<121241600xf32, #tpu.memory_space<hbm>> -> memref<1280xf32, #tpu.memory_space<hbm>>
      %dma_start3A_447 = tpu.memref_slice %arg5[%add3A_443] : memref<121241600xf32, #tpu.memory_space<hbm>> -> memref<1280xf32, #tpu.memory_space<hbm>>
      %dma_start3A_448 = arith.constant 8960 : i32
      %dma_start3A_449 = tpu.memref_slice %arg9[%dma_start3A_448] : memref<47360xf32, #tpu.memory_space<vmem>> -> memref<1280xf32, #tpu.memory_space<vmem>>
      tpu.enqueue_dma source(%dma_start3A_449 : memref<1280xf32, #tpu.memory_space<vmem>>) target(%dma_start3A_447 : memref<1280xf32, #tpu.memory_space<hbm>>) target_semaphore(%arg15 : memref<!tpu.dma_semaphore, #tpu.memory_space<semaphore_mem>>)
      %add3A_450 = arith.constant 26214400 : i32
      %add3A_451 = arith.addi %add3A_450, %add3A_385 : i32
      %dma_start3A_452 = arith.constant 10240 : i32
      %dma_start3A_453 = tpu.memref_slice %arg9[%dma_start3A_452] : memref<47360xf32, #tpu.memory_space<vmem>> -> memref<1280xf32, #tpu.memory_space<vmem>>
      %dma_start3A_454 = tpu.memref_slice %arg5[%add3A_451] : memref<121241600xf32, #tpu.memory_space<hbm>> -> memref<1280xf32, #tpu.memory_space<hbm>>
      %dma_start3A_455 = tpu.memref_slice %arg5[%add3A_451] : memref<121241600xf32, #tpu.memory_space<hbm>> -> memref<1280xf32, #tpu.memory_space<hbm>>
      %dma_start3A_456 = arith.constant 10240 : i32
      %dma_start3A_457 = tpu.memref_slice %arg9[%dma_start3A_456] : memref<47360xf32, #tpu.memory_space<vmem>> -> memref<1280xf32, #tpu.memory_space<vmem>>
      tpu.enqueue_dma source(%dma_start3A_457 : memref<1280xf32, #tpu.memory_space<vmem>>) target(%dma_start3A_455 : memref<1280xf32, #tpu.memory_space<hbm>>) target_semaphore(%arg15 : memref<!tpu.dma_semaphore, #tpu.memory_space<semaphore_mem>>)
      %add3A_458 = arith.constant 29491200 : i32
      %add3A_459 = arith.addi %add3A_458, %add3A_385 : i32
      %dma_start3A_460 = arith.constant 11520 : i32
      %dma_start3A_461 = tpu.memref_slice %arg9[%dma_start3A_460] : memref<47360xf32, #tpu.memory_space<vmem>> -> memref<1280xf32, #tpu.memory_space<vmem>>
      %dma_start3A_462 = tpu.memref_slice %arg5[%add3A_459] : memref<121241600xf32, #tpu.memory_space<hbm>> -> memref<1280xf32, #tpu.memory_space<hbm>>
      %dma_start3A_463 = tpu.memref_slice %arg5[%add3A_459] : memref<121241600xf32, #tpu.memory_space<hbm>> -> memref<1280xf32, #tpu.memory_space<hbm>>
      %dma_start3A_464 = arith.constant 11520 : i32
      %dma_start3A_465 = tpu.memref_slice %arg9[%dma_start3A_464] : memref<47360xf32, #tpu.memory_space<vmem>> -> memref<1280xf32, #tpu.memory_space<vmem>>
      tpu.enqueue_dma source(%dma_start3A_465 : memref<1280xf32, #tpu.memory_space<vmem>>) target(%dma_start3A_463 : memref<1280xf32, #tpu.memory_space<hbm>>) target_semaphore(%arg15 : memref<!tpu.dma_semaphore, #tpu.memory_space<semaphore_mem>>)
      %add3A_466 = arith.constant 32768000 : i32
      %add3A_467 = arith.addi %add3A_466, %add3A_385 : i32
      %dma_start3A_468 = arith.constant 12800 : i32
      %dma_start3A_469 = tpu.memref_slice %arg9[%dma_start3A_468] : memref<47360xf32, #tpu.memory_space<vmem>> -> memref<1280xf32, #tpu.memory_space<vmem>>
      %dma_start3A_470 = tpu.memref_slice %arg5[%add3A_467] : memref<121241600xf32, #tpu.memory_space<hbm>> -> memref<1280xf32, #tpu.memory_space<hbm>>
      %dma_start3A_471 = tpu.memref_slice %arg5[%add3A_467] : memref<121241600xf32, #tpu.memory_space<hbm>> -> memref<1280xf32, #tpu.memory_space<hbm>>
      %dma_start3A_472 = arith.constant 12800 : i32
      %dma_start3A_473 = tpu.memref_slice %arg9[%dma_start3A_472] : memref<47360xf32, #tpu.memory_space<vmem>> -> memref<1280xf32, #tpu.memory_space<vmem>>
      tpu.enqueue_dma source(%dma_start3A_473 : memref<1280xf32, #tpu.memory_space<vmem>>) target(%dma_start3A_471 : memref<1280xf32, #tpu.memory_space<hbm>>) target_semaphore(%arg15 : memref<!tpu.dma_semaphore, #tpu.memory_space<semaphore_mem>>)
      %add3A_474 = arith.constant 36044800 : i32
      %add3A_475 = arith.addi %add3A_474, %add3A_385 : i32
      %dma_start3A_476 = arith.constant 14080 : i32
      %dma_start3A_477 = tpu.memref_slice %arg9[%dma_start3A_476] : memref<47360xf32, #tpu.memory_space<vmem>> -> memref<1280xf32, #tpu.memory_space<vmem>>
      %dma_start3A_478 = tpu.memref_slice %arg5[%add3A_475] : memref<121241600xf32, #tpu.memory_space<hbm>> -> memref<1280xf32, #tpu.memory_space<hbm>>
      %dma_start3A_479 = tpu.memref_slice %arg5[%add3A_475] : memref<121241600xf32, #tpu.memory_space<hbm>> -> memref<1280xf32, #tpu.memory_space<hbm>>
      %dma_start3A_480 = arith.constant 14080 : i32
      %dma_start3A_481 = tpu.memref_slice %arg9[%dma_start3A_480] : memref<47360xf32, #tpu.memory_space<vmem>> -> memref<1280xf32, #tpu.memory_space<vmem>>
      tpu.enqueue_dma source(%dma_start3A_481 : memref<1280xf32, #tpu.memory_space<vmem>>) target(%dma_start3A_479 : memref<1280xf32, #tpu.memory_space<hbm>>) target_semaphore(%arg15 : memref<!tpu.dma_semaphore, #tpu.memory_space<semaphore_mem>>)
      %add3A_482 = arith.constant 39321600 : i32
      %add3A_483 = arith.addi %add3A_482, %add3A_385 : i32
      %dma_start3A_484 = arith.constant 15360 : i32
      %dma_start3A_485 = tpu.memref_slice %arg9[%dma_start3A_484] : memref<47360xf32, #tpu.memory_space<vmem>> -> memref<1280xf32, #tpu.memory_space<vmem>>
      %dma_start3A_486 = tpu.memref_slice %arg5[%add3A_483] : memref<121241600xf32, #tpu.memory_space<hbm>> -> memref<1280xf32, #tpu.memory_space<hbm>>
      %dma_start3A_487 = tpu.memref_slice %arg5[%add3A_483] : memref<121241600xf32, #tpu.memory_space<hbm>> -> memref<1280xf32, #tpu.memory_space<hbm>>
      %dma_start3A_488 = arith.constant 15360 : i32
      %dma_start3A_489 = tpu.memref_slice %arg9[%dma_start3A_488] : memref<47360xf32, #tpu.memory_space<vmem>> -> memref<1280xf32, #tpu.memory_space<vmem>>
      tpu.enqueue_dma source(%dma_start3A_489 : memref<1280xf32, #tpu.memory_space<vmem>>) target(%dma_start3A_487 : memref<1280xf32, #tpu.memory_space<hbm>>) target_semaphore(%arg15 : memref<!tpu.dma_semaphore, #tpu.memory_space<semaphore_mem>>)
      %add3A_490 = arith.constant 42598400 : i32
      %add3A_491 = arith.addi %add3A_490, %add3A_385 : i32
      %dma_start3A_492 = arith.constant 16640 : i32
      %dma_start3A_493 = tpu.memref_slice %arg9[%dma_start3A_492] : memref<47360xf32, #tpu.memory_space<vmem>> -> memref<1280xf32, #tpu.memory_space<vmem>>
      %dma_start3A_494 = tpu.memref_slice %arg5[%add3A_491] : memref<121241600xf32, #tpu.memory_space<hbm>> -> memref<1280xf32, #tpu.memory_space<hbm>>
      %dma_start3A_495 = tpu.memref_slice %arg5[%add3A_491] : memref<121241600xf32, #tpu.memory_space<hbm>> -> memref<1280xf32, #tpu.memory_space<hbm>>
      %dma_start3A_496 = arith.constant 16640 : i32
      %dma_start3A_497 = tpu.memref_slice %arg9[%dma_start3A_496] : memref<47360xf32, #tpu.memory_space<vmem>> -> memref<1280xf32, #tpu.memory_space<vmem>>
      tpu.enqueue_dma source(%dma_start3A_497 : memref<1280xf32, #tpu.memory_space<vmem>>) target(%dma_start3A_495 : memref<1280xf32, #tpu.memory_space<hbm>>) target_semaphore(%arg15 : memref<!tpu.dma_semaphore, #tpu.memory_space<semaphore_mem>>)
      %add3A_498 = arith.constant 45875200 : i32
      %add3A_499 = arith.addi %add3A_498, %add3A_385 : i32
      %dma_start3A_500 = arith.constant 17920 : i32
      %dma_start3A_501 = tpu.memref_slice %arg9[%dma_start3A_500] : memref<47360xf32, #tpu.memory_space<vmem>> -> memref<1280xf32, #tpu.memory_space<vmem>>
      %dma_start3A_502 = tpu.memref_slice %arg5[%add3A_499] : memref<121241600xf32, #tpu.memory_space<hbm>> -> memref<1280xf32, #tpu.memory_space<hbm>>
      %dma_start3A_503 = tpu.memref_slice %arg5[%add3A_499] : memref<121241600xf32, #tpu.memory_space<hbm>> -> memref<1280xf32, #tpu.memory_space<hbm>>
      %dma_start3A_504 = arith.constant 17920 : i32
      %dma_start3A_505 = tpu.memref_slice %arg9[%dma_start3A_504] : memref<47360xf32, #tpu.memory_space<vmem>> -> memref<1280xf32, #tpu.memory_space<vmem>>
      tpu.enqueue_dma source(%dma_start3A_505 : memref<1280xf32, #tpu.memory_space<vmem>>) target(%dma_start3A_503 : memref<1280xf32, #tpu.memory_space<hbm>>) target_semaphore(%arg15 : memref<!tpu.dma_semaphore, #tpu.memory_space<semaphore_mem>>)
      %add3A_506 = arith.constant 49152000 : i32
      %add3A_507 = arith.addi %add3A_506, %add3A_385 : i32
      %dma_start3A_508 = arith.constant 19200 : i32
      %dma_start3A_509 = tpu.memref_slice %arg9[%dma_start3A_508] : memref<47360xf32, #tpu.memory_space<vmem>> -> memref<1280xf32, #tpu.memory_space<vmem>>
      %dma_start3A_510 = tpu.memref_slice %arg5[%add3A_507] : memref<121241600xf32, #tpu.memory_space<hbm>> -> memref<1280xf32, #tpu.memory_space<hbm>>
      %dma_start3A_511 = tpu.memref_slice %arg5[%add3A_507] : memref<121241600xf32, #tpu.memory_space<hbm>> -> memref<1280xf32, #tpu.memory_space<hbm>>
      %dma_start3A_512 = arith.constant 19200 : i32
      %dma_start3A_513 = tpu.memref_slice %arg9[%dma_start3A_512] : memref<47360xf32, #tpu.memory_space<vmem>> -> memref<1280xf32, #tpu.memory_space<vmem>>
      tpu.enqueue_dma source(%dma_start3A_513 : memref<1280xf32, #tpu.memory_space<vmem>>) target(%dma_start3A_511 : memref<1280xf32, #tpu.memory_space<hbm>>) target_semaphore(%arg15 : memref<!tpu.dma_semaphore, #tpu.memory_space<semaphore_mem>>)
      %add3A_514 = arith.constant 52428800 : i32
      %add3A_515 = arith.addi %add3A_514, %add3A_385 : i32
      %dma_start3A_516 = arith.constant 20480 : i32
      %dma_start3A_517 = tpu.memref_slice %arg9[%dma_start3A_516] : memref<47360xf32, #tpu.memory_space<vmem>> -> memref<1280xf32, #tpu.memory_space<vmem>>
      %dma_start3A_518 = tpu.memref_slice %arg5[%add3A_515] : memref<121241600xf32, #tpu.memory_space<hbm>> -> memref<1280xf32, #tpu.memory_space<hbm>>
      %dma_start3A_519 = tpu.memref_slice %arg5[%add3A_515] : memref<121241600xf32, #tpu.memory_space<hbm>> -> memref<1280xf32, #tpu.memory_space<hbm>>
      %dma_start3A_520 = arith.constant 20480 : i32
      %dma_start3A_521 = tpu.memref_slice %arg9[%dma_start3A_520] : memref<47360xf32, #tpu.memory_space<vmem>> -> memref<1280xf32, #tpu.memory_space<vmem>>
      tpu.enqueue_dma source(%dma_start3A_521 : memref<1280xf32, #tpu.memory_space<vmem>>) target(%dma_start3A_519 : memref<1280xf32, #tpu.memory_space<hbm>>) target_semaphore(%arg15 : memref<!tpu.dma_semaphore, #tpu.memory_space<semaphore_mem>>)
      %add3A_522 = arith.constant 55705600 : i32
      %add3A_523 = arith.addi %add3A_522, %add3A_385 : i32
      %dma_start3A_524 = arith.constant 21760 : i32
      %dma_start3A_525 = tpu.memref_slice %arg9[%dma_start3A_524] : memref<47360xf32, #tpu.memory_space<vmem>> -> memref<1280xf32, #tpu.memory_space<vmem>>
      %dma_start3A_526 = tpu.memref_slice %arg5[%add3A_523] : memref<121241600xf32, #tpu.memory_space<hbm>> -> memref<1280xf32, #tpu.memory_space<hbm>>
      %dma_start3A_527 = tpu.memref_slice %arg5[%add3A_523] : memref<121241600xf32, #tpu.memory_space<hbm>> -> memref<1280xf32, #tpu.memory_space<hbm>>
      %dma_start3A_528 = arith.constant 21760 : i32
      %dma_start3A_529 = tpu.memref_slice %arg9[%dma_start3A_528] : memref<47360xf32, #tpu.memory_space<vmem>> -> memref<1280xf32, #tpu.memory_space<vmem>>
      tpu.enqueue_dma source(%dma_start3A_529 : memref<1280xf32, #tpu.memory_space<vmem>>) target(%dma_start3A_527 : memref<1280xf32, #tpu.memory_space<hbm>>) target_semaphore(%arg15 : memref<!tpu.dma_semaphore, #tpu.memory_space<semaphore_mem>>)
      %add3A_530 = arith.constant 58982400 : i32
      %add3A_531 = arith.addi %add3A_530, %add3A_385 : i32
      %dma_start3A_532 = arith.constant 23040 : i32
      %dma_start3A_533 = tpu.memref_slice %arg9[%dma_start3A_532] : memref<47360xf32, #tpu.memory_space<vmem>> -> memref<1280xf32, #tpu.memory_space<vmem>>
      %dma_start3A_534 = tpu.memref_slice %arg5[%add3A_531] : memref<121241600xf32, #tpu.memory_space<hbm>> -> memref<1280xf32, #tpu.memory_space<hbm>>
      %dma_start3A_535 = tpu.memref_slice %arg5[%add3A_531] : memref<121241600xf32, #tpu.memory_space<hbm>> -> memref<1280xf32, #tpu.memory_space<hbm>>
      %dma_start3A_536 = arith.constant 23040 : i32
      %dma_start3A_537 = tpu.memref_slice %arg9[%dma_start3A_536] : memref<47360xf32, #tpu.memory_space<vmem>> -> memref<1280xf32, #tpu.memory_space<vmem>>
      tpu.enqueue_dma source(%dma_start3A_537 : memref<1280xf32, #tpu.memory_space<vmem>>) target(%dma_start3A_535 : memref<1280xf32, #tpu.memory_space<hbm>>) target_semaphore(%arg15 : memref<!tpu.dma_semaphore, #tpu.memory_space<semaphore_mem>>)
      %add3A_538 = arith.constant 62259200 : i32
      %add3A_539 = arith.addi %add3A_538, %add3A_385 : i32
      %dma_start3A_540 = arith.constant 24320 : i32
      %dma_start3A_541 = tpu.memref_slice %arg9[%dma_start3A_540] : memref<47360xf32, #tpu.memory_space<vmem>> -> memref<1280xf32, #tpu.memory_space<vmem>>
      %dma_start3A_542 = tpu.memref_slice %arg5[%add3A_539] : memref<121241600xf32, #tpu.memory_space<hbm>> -> memref<1280xf32, #tpu.memory_space<hbm>>
      %dma_start3A_543 = tpu.memref_slice %arg5[%add3A_539] : memref<121241600xf32, #tpu.memory_space<hbm>> -> memref<1280xf32, #tpu.memory_space<hbm>>
      %dma_start3A_544 = arith.constant 24320 : i32
      %dma_start3A_545 = tpu.memref_slice %arg9[%dma_start3A_544] : memref<47360xf32, #tpu.memory_space<vmem>> -> memref<1280xf32, #tpu.memory_space<vmem>>
      tpu.enqueue_dma source(%dma_start3A_545 : memref<1280xf32, #tpu.memory_space<vmem>>) target(%dma_start3A_543 : memref<1280xf32, #tpu.memory_space<hbm>>) target_semaphore(%arg15 : memref<!tpu.dma_semaphore, #tpu.memory_space<semaphore_mem>>)
      %add3A_546 = arith.constant 65536000 : i32
      %add3A_547 = arith.addi %add3A_546, %add3A_385 : i32
      %dma_start3A_548 = arith.constant 25600 : i32
      %dma_start3A_549 = tpu.memref_slice %arg9[%dma_start3A_548] : memref<47360xf32, #tpu.memory_space<vmem>> -> memref<1280xf32, #tpu.memory_space<vmem>>
      %dma_start3A_550 = tpu.memref_slice %arg5[%add3A_547] : memref<121241600xf32, #tpu.memory_space<hbm>> -> memref<1280xf32, #tpu.memory_space<hbm>>
      %dma_start3A_551 = tpu.memref_slice %arg5[%add3A_547] : memref<121241600xf32, #tpu.memory_space<hbm>> -> memref<1280xf32, #tpu.memory_space<hbm>>
      %dma_start3A_552 = arith.constant 25600 : i32
      %dma_start3A_553 = tpu.memref_slice %arg9[%dma_start3A_552] : memref<47360xf32, #tpu.memory_space<vmem>> -> memref<1280xf32, #tpu.memory_space<vmem>>
      tpu.enqueue_dma source(%dma_start3A_553 : memref<1280xf32, #tpu.memory_space<vmem>>) target(%dma_start3A_551 : memref<1280xf32, #tpu.memory_space<hbm>>) target_semaphore(%arg15 : memref<!tpu.dma_semaphore, #tpu.memory_space<semaphore_mem>>)
      %add3A_554 = arith.constant 68812800 : i32
      %add3A_555 = arith.addi %add3A_554, %add3A_385 : i32
      %dma_start3A_556 = arith.constant 26880 : i32
      %dma_start3A_557 = tpu.memref_slice %arg9[%dma_start3A_556] : memref<47360xf32, #tpu.memory_space<vmem>> -> memref<1280xf32, #tpu.memory_space<vmem>>
      %dma_start3A_558 = tpu.memref_slice %arg5[%add3A_555] : memref<121241600xf32, #tpu.memory_space<hbm>> -> memref<1280xf32, #tpu.memory_space<hbm>>
      %dma_start3A_559 = tpu.memref_slice %arg5[%add3A_555] : memref<121241600xf32, #tpu.memory_space<hbm>> -> memref<1280xf32, #tpu.memory_space<hbm>>
      %dma_start3A_560 = arith.constant 26880 : i32
      %dma_start3A_561 = tpu.memref_slice %arg9[%dma_start3A_560] : memref<47360xf32, #tpu.memory_space<vmem>> -> memref<1280xf32, #tpu.memory_space<vmem>>
      tpu.enqueue_dma source(%dma_start3A_561 : memref<1280xf32, #tpu.memory_space<vmem>>) target(%dma_start3A_559 : memref<1280xf32, #tpu.memory_space<hbm>>) target_semaphore(%arg15 : memref<!tpu.dma_semaphore, #tpu.memory_space<semaphore_mem>>)
      %add3A_562 = arith.constant 72089600 : i32
      %add3A_563 = arith.addi %add3A_562, %add3A_385 : i32
      %dma_start3A_564 = arith.constant 28160 : i32
      %dma_start3A_565 = tpu.memref_slice %arg9[%dma_start3A_564] : memref<47360xf32, #tpu.memory_space<vmem>> -> memref<1280xf32, #tpu.memory_space<vmem>>
      %dma_start3A_566 = tpu.memref_slice %arg5[%add3A_563] : memref<121241600xf32, #tpu.memory_space<hbm>> -> memref<1280xf32, #tpu.memory_space<hbm>>
      %dma_start3A_567 = tpu.memref_slice %arg5[%add3A_563] : memref<121241600xf32, #tpu.memory_space<hbm>> -> memref<1280xf32, #tpu.memory_space<hbm>>
      %dma_start3A_568 = arith.constant 28160 : i32
      %dma_start3A_569 = tpu.memref_slice %arg9[%dma_start3A_568] : memref<47360xf32, #tpu.memory_space<vmem>> -> memref<1280xf32, #tpu.memory_space<vmem>>
      tpu.enqueue_dma source(%dma_start3A_569 : memref<1280xf32, #tpu.memory_space<vmem>>) target(%dma_start3A_567 : memref<1280xf32, #tpu.memory_space<hbm>>) target_semaphore(%arg15 : memref<!tpu.dma_semaphore, #tpu.memory_space<semaphore_mem>>)
      %add3A_570 = arith.constant 75366400 : i32
      %add3A_571 = arith.addi %add3A_570, %add3A_385 : i32
      %dma_start3A_572 = arith.constant 29440 : i32
      %dma_start3A_573 = tpu.memref_slice %arg9[%dma_start3A_572] : memref<47360xf32, #tpu.memory_space<vmem>> -> memref<1280xf32, #tpu.memory_space<vmem>>
      %dma_start3A_574 = tpu.memref_slice %arg5[%add3A_571] : memref<121241600xf32, #tpu.memory_space<hbm>> -> memref<1280xf32, #tpu.memory_space<hbm>>
      %dma_start3A_575 = tpu.memref_slice %arg5[%add3A_571] : memref<121241600xf32, #tpu.memory_space<hbm>> -> memref<1280xf32, #tpu.memory_space<hbm>>
      %dma_start3A_576 = arith.constant 29440 : i32
      %dma_start3A_577 = tpu.memref_slice %arg9[%dma_start3A_576] : memref<47360xf32, #tpu.memory_space<vmem>> -> memref<1280xf32, #tpu.memory_space<vmem>>
      tpu.enqueue_dma source(%dma_start3A_577 : memref<1280xf32, #tpu.memory_space<vmem>>) target(%dma_start3A_575 : memref<1280xf32, #tpu.memory_space<hbm>>) target_semaphore(%arg15 : memref<!tpu.dma_semaphore, #tpu.memory_space<semaphore_mem>>)
      %add3A_578 = arith.constant 78643200 : i32
      %add3A_579 = arith.addi %add3A_578, %add3A_385 : i32
      %dma_start3A_580 = arith.constant 30720 : i32
      %dma_start3A_581 = tpu.memref_slice %arg9[%dma_start3A_580] : memref<47360xf32, #tpu.memory_space<vmem>> -> memref<1280xf32, #tpu.memory_space<vmem>>
      %dma_start3A_582 = tpu.memref_slice %arg5[%add3A_579] : memref<121241600xf32, #tpu.memory_space<hbm>> -> memref<1280xf32, #tpu.memory_space<hbm>>
      %dma_start3A_583 = tpu.memref_slice %arg5[%add3A_579] : memref<121241600xf32, #tpu.memory_space<hbm>> -> memref<1280xf32, #tpu.memory_space<hbm>>
      %dma_start3A_584 = arith.constant 30720 : i32
      %dma_start3A_585 = tpu.memref_slice %arg9[%dma_start3A_584] : memref<47360xf32, #tpu.memory_space<vmem>> -> memref<1280xf32, #tpu.memory_space<vmem>>
      tpu.enqueue_dma source(%dma_start3A_585 : memref<1280xf32, #tpu.memory_space<vmem>>) target(%dma_start3A_583 : memref<1280xf32, #tpu.memory_space<hbm>>) target_semaphore(%arg15 : memref<!tpu.dma_semaphore, #tpu.memory_space<semaphore_mem>>)
      %add3A_586 = arith.constant 81920000 : i32
      %add3A_587 = arith.addi %add3A_586, %add3A_385 : i32
      %dma_start3A_588 = arith.constant 32000 : i32
      %dma_start3A_589 = tpu.memref_slice %arg9[%dma_start3A_588] : memref<47360xf32, #tpu.memory_space<vmem>> -> memref<1280xf32, #tpu.memory_space<vmem>>
      %dma_start3A_590 = tpu.memref_slice %arg5[%add3A_587] : memref<121241600xf32, #tpu.memory_space<hbm>> -> memref<1280xf32, #tpu.memory_space<hbm>>
      %dma_start3A_591 = tpu.memref_slice %arg5[%add3A_587] : memref<121241600xf32, #tpu.memory_space<hbm>> -> memref<1280xf32, #tpu.memory_space<hbm>>
      %dma_start3A_592 = arith.constant 32000 : i32
      %dma_start3A_593 = tpu.memref_slice %arg9[%dma_start3A_592] : memref<47360xf32, #tpu.memory_space<vmem>> -> memref<1280xf32, #tpu.memory_space<vmem>>
      tpu.enqueue_dma source(%dma_start3A_593 : memref<1280xf32, #tpu.memory_space<vmem>>) target(%dma_start3A_591 : memref<1280xf32, #tpu.memory_space<hbm>>) target_semaphore(%arg15 : memref<!tpu.dma_semaphore, #tpu.memory_space<semaphore_mem>>)
      %add3A_594 = arith.constant 85196800 : i32
      %add3A_595 = arith.addi %add3A_594, %add3A_385 : i32
      %dma_start3A_596 = arith.constant 33280 : i32
      %dma_start3A_597 = tpu.memref_slice %arg9[%dma_start3A_596] : memref<47360xf32, #tpu.memory_space<vmem>> -> memref<1280xf32, #tpu.memory_space<vmem>>
      %dma_start3A_598 = tpu.memref_slice %arg5[%add3A_595] : memref<121241600xf32, #tpu.memory_space<hbm>> -> memref<1280xf32, #tpu.memory_space<hbm>>
      %dma_start3A_599 = tpu.memref_slice %arg5[%add3A_595] : memref<121241600xf32, #tpu.memory_space<hbm>> -> memref<1280xf32, #tpu.memory_space<hbm>>
      %dma_start3A_600 = arith.constant 33280 : i32
      %dma_start3A_601 = tpu.memref_slice %arg9[%dma_start3A_600] : memref<47360xf32, #tpu.memory_space<vmem>> -> memref<1280xf32, #tpu.memory_space<vmem>>
      tpu.enqueue_dma source(%dma_start3A_601 : memref<1280xf32, #tpu.memory_space<vmem>>) target(%dma_start3A_599 : memref<1280xf32, #tpu.memory_space<hbm>>) target_semaphore(%arg15 : memref<!tpu.dma_semaphore, #tpu.memory_space<semaphore_mem>>)
      %add3A_602 = arith.constant 88473600 : i32
      %add3A_603 = arith.addi %add3A_602, %add3A_385 : i32
      %dma_start3A_604 = arith.constant 34560 : i32
      %dma_start3A_605 = tpu.memref_slice %arg9[%dma_start3A_604] : memref<47360xf32, #tpu.memory_space<vmem>> -> memref<1280xf32, #tpu.memory_space<vmem>>
      %dma_start3A_606 = tpu.memref_slice %arg5[%add3A_603] : memref<121241600xf32, #tpu.memory_space<hbm>> -> memref<1280xf32, #tpu.memory_space<hbm>>
      %dma_start3A_607 = tpu.memref_slice %arg5[%add3A_603] : memref<121241600xf32, #tpu.memory_space<hbm>> -> memref<1280xf32, #tpu.memory_space<hbm>>
      %dma_start3A_608 = arith.constant 34560 : i32
      %dma_start3A_609 = tpu.memref_slice %arg9[%dma_start3A_608] : memref<47360xf32, #tpu.memory_space<vmem>> -> memref<1280xf32, #tpu.memory_space<vmem>>
      tpu.enqueue_dma source(%dma_start3A_609 : memref<1280xf32, #tpu.memory_space<vmem>>) target(%dma_start3A_607 : memref<1280xf32, #tpu.memory_space<hbm>>) target_semaphore(%arg15 : memref<!tpu.dma_semaphore, #tpu.memory_space<semaphore_mem>>)
      %add3A_610 = arith.constant 91750400 : i32
      %add3A_611 = arith.addi %add3A_610, %add3A_385 : i32
      %dma_start3A_612 = arith.constant 35840 : i32
      %dma_start3A_613 = tpu.memref_slice %arg9[%dma_start3A_612] : memref<47360xf32, #tpu.memory_space<vmem>> -> memref<1280xf32, #tpu.memory_space<vmem>>
      %dma_start3A_614 = tpu.memref_slice %arg5[%add3A_611] : memref<121241600xf32, #tpu.memory_space<hbm>> -> memref<1280xf32, #tpu.memory_space<hbm>>
      %dma_start3A_615 = tpu.memref_slice %arg5[%add3A_611] : memref<121241600xf32, #tpu.memory_space<hbm>> -> memref<1280xf32, #tpu.memory_space<hbm>>
      %dma_start3A_616 = arith.constant 35840 : i32
      %dma_start3A_617 = tpu.memref_slice %arg9[%dma_start3A_616] : memref<47360xf32, #tpu.memory_space<vmem>> -> memref<1280xf32, #tpu.memory_space<vmem>>
      tpu.enqueue_dma source(%dma_start3A_617 : memref<1280xf32, #tpu.memory_space<vmem>>) target(%dma_start3A_615 : memref<1280xf32, #tpu.memory_space<hbm>>) target_semaphore(%arg15 : memref<!tpu.dma_semaphore, #tpu.memory_space<semaphore_mem>>)
      %add3A_618 = arith.constant 95027200 : i32
      %add3A_619 = arith.addi %add3A_618, %add3A_385 : i32
      %dma_start3A_620 = arith.constant 37120 : i32
      %dma_start3A_621 = tpu.memref_slice %arg9[%dma_start3A_620] : memref<47360xf32, #tpu.memory_space<vmem>> -> memref<1280xf32, #tpu.memory_space<vmem>>
      %dma_start3A_622 = tpu.memref_slice %arg5[%add3A_619] : memref<121241600xf32, #tpu.memory_space<hbm>> -> memref<1280xf32, #tpu.memory_space<hbm>>
      %dma_start3A_623 = tpu.memref_slice %arg5[%add3A_619] : memref<121241600xf32, #tpu.memory_space<hbm>> -> memref<1280xf32, #tpu.memory_space<hbm>>
      %dma_start3A_624 = arith.constant 37120 : i32
      %dma_start3A_625 = tpu.memref_slice %arg9[%dma_start3A_624] : memref<47360xf32, #tpu.memory_space<vmem>> -> memref<1280xf32, #tpu.memory_space<vmem>>
      tpu.enqueue_dma source(%dma_start3A_625 : memref<1280xf32, #tpu.memory_space<vmem>>) target(%dma_start3A_623 : memref<1280xf32, #tpu.memory_space<hbm>>) target_semaphore(%arg15 : memref<!tpu.dma_semaphore, #tpu.memory_space<semaphore_mem>>)
      %add3A_626 = arith.constant 98304000 : i32
      %add3A_627 = arith.addi %add3A_626, %add3A_385 : i32
      %dma_start3A_628 = arith.constant 38400 : i32
      %dma_start3A_629 = tpu.memref_slice %arg9[%dma_start3A_628] : memref<47360xf32, #tpu.memory_space<vmem>> -> memref<1280xf32, #tpu.memory_space<vmem>>
      %dma_start3A_630 = tpu.memref_slice %arg5[%add3A_627] : memref<121241600xf32, #tpu.memory_space<hbm>> -> memref<1280xf32, #tpu.memory_space<hbm>>
      %dma_start3A_631 = tpu.memref_slice %arg5[%add3A_627] : memref<121241600xf32, #tpu.memory_space<hbm>> -> memref<1280xf32, #tpu.memory_space<hbm>>
      %dma_start3A_632 = arith.constant 38400 : i32
      %dma_start3A_633 = tpu.memref_slice %arg9[%dma_start3A_632] : memref<47360xf32, #tpu.memory_space<vmem>> -> memref<1280xf32, #tpu.memory_space<vmem>>
      tpu.enqueue_dma source(%dma_start3A_633 : memref<1280xf32, #tpu.memory_space<vmem>>) target(%dma_start3A_631 : memref<1280xf32, #tpu.memory_space<hbm>>) target_semaphore(%arg15 : memref<!tpu.dma_semaphore, #tpu.memory_space<semaphore_mem>>)
      %add3A_634 = arith.constant 101580800 : i32
      %add3A_635 = arith.addi %add3A_634, %add3A_385 : i32
      %dma_start3A_636 = arith.constant 39680 : i32
      %dma_start3A_637 = tpu.memref_slice %arg9[%dma_start3A_636] : memref<47360xf32, #tpu.memory_space<vmem>> -> memref<1280xf32, #tpu.memory_space<vmem>>
      %dma_start3A_638 = tpu.memref_slice %arg5[%add3A_635] : memref<121241600xf32, #tpu.memory_space<hbm>> -> memref<1280xf32, #tpu.memory_space<hbm>>
      %dma_start3A_639 = tpu.memref_slice %arg5[%add3A_635] : memref<121241600xf32, #tpu.memory_space<hbm>> -> memref<1280xf32, #tpu.memory_space<hbm>>
      %dma_start3A_640 = arith.constant 39680 : i32
      %dma_start3A_641 = tpu.memref_slice %arg9[%dma_start3A_640] : memref<47360xf32, #tpu.memory_space<vmem>> -> memref<1280xf32, #tpu.memory_space<vmem>>
      tpu.enqueue_dma source(%dma_start3A_641 : memref<1280xf32, #tpu.memory_space<vmem>>) target(%dma_start3A_639 : memref<1280xf32, #tpu.memory_space<hbm>>) target_semaphore(%arg15 : memref<!tpu.dma_semaphore, #tpu.memory_space<semaphore_mem>>)
      %add3A_642 = arith.constant 104857600 : i32
      %add3A_643 = arith.addi %add3A_642, %add3A_385 : i32
      %dma_start3A_644 = arith.constant 40960 : i32
      %dma_start3A_645 = tpu.memref_slice %arg9[%dma_start3A_644] : memref<47360xf32, #tpu.memory_space<vmem>> -> memref<1280xf32, #tpu.memory_space<vmem>>
      %dma_start3A_646 = tpu.memref_slice %arg5[%add3A_643] : memref<121241600xf32, #tpu.memory_space<hbm>> -> memref<1280xf32, #tpu.memory_space<hbm>>
      %dma_start3A_647 = tpu.memref_slice %arg5[%add3A_643] : memref<121241600xf32, #tpu.memory_space<hbm>> -> memref<1280xf32, #tpu.memory_space<hbm>>
      %dma_start3A_648 = arith.constant 40960 : i32
      %dma_start3A_649 = tpu.memref_slice %arg9[%dma_start3A_648] : memref<47360xf32, #tpu.memory_space<vmem>> -> memref<1280xf32, #tpu.memory_space<vmem>>
      tpu.enqueue_dma source(%dma_start3A_649 : memref<1280xf32, #tpu.memory_space<vmem>>) target(%dma_start3A_647 : memref<1280xf32, #tpu.memory_space<hbm>>) target_semaphore(%arg15 : memref<!tpu.dma_semaphore, #tpu.memory_space<semaphore_mem>>)
      %add3A_650 = arith.constant 108134400 : i32
      %add3A_651 = arith.addi %add3A_650, %add3A_385 : i32
      %dma_start3A_652 = arith.constant 42240 : i32
      %dma_start3A_653 = tpu.memref_slice %arg9[%dma_start3A_652] : memref<47360xf32, #tpu.memory_space<vmem>> -> memref<1280xf32, #tpu.memory_space<vmem>>
      %dma_start3A_654 = tpu.memref_slice %arg5[%add3A_651] : memref<121241600xf32, #tpu.memory_space<hbm>> -> memref<1280xf32, #tpu.memory_space<hbm>>
      %dma_start3A_655 = tpu.memref_slice %arg5[%add3A_651] : memref<121241600xf32, #tpu.memory_space<hbm>> -> memref<1280xf32, #tpu.memory_space<hbm>>
      %dma_start3A_656 = arith.constant 42240 : i32
      %dma_start3A_657 = tpu.memref_slice %arg9[%dma_start3A_656] : memref<47360xf32, #tpu.memory_space<vmem>> -> memref<1280xf32, #tpu.memory_space<vmem>>
      tpu.enqueue_dma source(%dma_start3A_657 : memref<1280xf32, #tpu.memory_space<vmem>>) target(%dma_start3A_655 : memref<1280xf32, #tpu.memory_space<hbm>>) target_semaphore(%arg15 : memref<!tpu.dma_semaphore, #tpu.memory_space<semaphore_mem>>)
      %add3A_658 = arith.constant 111411200 : i32
      %add3A_659 = arith.addi %add3A_658, %add3A_385 : i32
      %dma_start3A_660 = arith.constant 43520 : i32
      %dma_start3A_661 = tpu.memref_slice %arg9[%dma_start3A_660] : memref<47360xf32, #tpu.memory_space<vmem>> -> memref<1280xf32, #tpu.memory_space<vmem>>
      %dma_start3A_662 = tpu.memref_slice %arg5[%add3A_659] : memref<121241600xf32, #tpu.memory_space<hbm>> -> memref<1280xf32, #tpu.memory_space<hbm>>
      %dma_start3A_663 = tpu.memref_slice %arg5[%add3A_659] : memref<121241600xf32, #tpu.memory_space<hbm>> -> memref<1280xf32, #tpu.memory_space<hbm>>
      %dma_start3A_664 = arith.constant 43520 : i32
      %dma_start3A_665 = tpu.memref_slice %arg9[%dma_start3A_664] : memref<47360xf32, #tpu.memory_space<vmem>> -> memref<1280xf32, #tpu.memory_space<vmem>>
      tpu.enqueue_dma source(%dma_start3A_665 : memref<1280xf32, #tpu.memory_space<vmem>>) target(%dma_start3A_663 : memref<1280xf32, #tpu.memory_space<hbm>>) target_semaphore(%arg15 : memref<!tpu.dma_semaphore, #tpu.memory_space<semaphore_mem>>)
      %add3A_666 = arith.constant 114688000 : i32
      %add3A_667 = arith.addi %add3A_666, %add3A_385 : i32
      %dma_start3A_668 = arith.constant 44800 : i32
      %dma_start3A_669 = tpu.memref_slice %arg9[%dma_start3A_668] : memref<47360xf32, #tpu.memory_space<vmem>> -> memref<1280xf32, #tpu.memory_space<vmem>>
      %dma_start3A_670 = tpu.memref_slice %arg5[%add3A_667] : memref<121241600xf32, #tpu.memory_space<hbm>> -> memref<1280xf32, #tpu.memory_space<hbm>>
      %dma_start3A_671 = tpu.memref_slice %arg5[%add3A_667] : memref<121241600xf32, #tpu.memory_space<hbm>> -> memref<1280xf32, #tpu.memory_space<hbm>>
      %dma_start3A_672 = arith.constant 44800 : i32
      %dma_start3A_673 = tpu.memref_slice %arg9[%dma_start3A_672] : memref<47360xf32, #tpu.memory_space<vmem>> -> memref<1280xf32, #tpu.memory_space<vmem>>
      tpu.enqueue_dma source(%dma_start3A_673 : memref<1280xf32, #tpu.memory_space<vmem>>) target(%dma_start3A_671 : memref<1280xf32, #tpu.memory_space<hbm>>) target_semaphore(%arg15 : memref<!tpu.dma_semaphore, #tpu.memory_space<semaphore_mem>>)
      %add3A_674 = arith.constant 117964800 : i32
      %add3A_675 = arith.addi %add3A_674, %add3A_385 : i32
      %dma_start3A_676 = arith.constant 46080 : i32
      %dma_start3A_677 = tpu.memref_slice %arg9[%dma_start3A_676] : memref<47360xf32, #tpu.memory_space<vmem>> -> memref<1280xf32, #tpu.memory_space<vmem>>
      %dma_start3A_678 = tpu.memref_slice %arg5[%add3A_675] : memref<121241600xf32, #tpu.memory_space<hbm>> -> memref<1280xf32, #tpu.memory_space<hbm>>
      %dma_start3A_679 = tpu.memref_slice %arg5[%add3A_675] : memref<121241600xf32, #tpu.memory_space<hbm>> -> memref<1280xf32, #tpu.memory_space<hbm>>
      %dma_start3A_680 = arith.constant 46080 : i32
      %dma_start3A_681 = tpu.memref_slice %arg9[%dma_start3A_680] : memref<47360xf32, #tpu.memory_space<vmem>> -> memref<1280xf32, #tpu.memory_space<vmem>>
      tpu.enqueue_dma source(%dma_start3A_681 : memref<1280xf32, #tpu.memory_space<vmem>>) target(%dma_start3A_679 : memref<1280xf32, #tpu.memory_space<hbm>>) target_semaphore(%arg15 : memref<!tpu.dma_semaphore, #tpu.memory_space<semaphore_mem>>)
      %scan3A_682 = arith.constant 0 : i32
      scf.yield %scan3A_682 : i32
    }
    %scan3A_33 = arith.constant 40 : i32
    %dma_wait3A = arith.constant 0 : i32
    %dma_wait3A_34 = tpu.memref_slice %arg5[%dma_wait3A] : memref<121241600xf32, #tpu.memory_space<hbm>> -> memref<47360xf32, #tpu.memory_space<hbm>>
    %dma_wait3A_35 = arith.constant 0 : i32
    %dma_wait3A_36 = tpu.memref_slice %arg5[%dma_wait3A_35] : memref<121241600xf32, #tpu.memory_space<hbm>> -> memref<47360xf32, #tpu.memory_space<hbm>>
    tpu.wait_dma2 semaphore(%arg14 : memref<!tpu.dma_semaphore, #tpu.memory_space<semaphore_mem>>) src(%dma_wait3A_36 : memref<47360xf32, #tpu.memory_space<hbm>>) dst(%arg8 : memref<47360xf32, #tpu.memory_space<vmem>>)
    %dma_wait3A_37 = arith.constant 0 : i32
    %dma_wait3A_38 = tpu.memref_slice %arg5[%dma_wait3A_37] : memref<121241600xf32, #tpu.memory_space<hbm>> -> memref<47360xf32, #tpu.memory_space<hbm>>
    %dma_wait3A_39 = arith.constant 0 : i32
    %dma_wait3A_40 = tpu.memref_slice %arg5[%dma_wait3A_39] : memref<121241600xf32, #tpu.memory_space<hbm>> -> memref<47360xf32, #tpu.memory_space<hbm>>
    tpu.wait_dma2 semaphore(%arg15 : memref<!tpu.dma_semaphore, #tpu.memory_space<semaphore_mem>>) src(%dma_wait3A_40 : memref<47360xf32, #tpu.memory_space<hbm>>) dst(%arg9 : memref<47360xf32, #tpu.memory_space<vmem>>)
    return
  }
}

</mosaic_0001>

<sc_bundles>
// kernel: kernel.3.cloned.1.call-start
scs
__scs_entry_jumppad:
0x0: {  	(pc) =	sbr.rel $0x88, $3  }
0x1: {  	(tag) =	ssettag $0x0;
	lr =	simm.s32 $0x1  }
0x2: {  	[smem:$0x3F9F] =	sst lr;
	_ =	strace $0xD0000000  }
0x3: {  	_ = 	snop  }
0x4: {  	_ = 	snop  }
0x5: {  	_ = 	snop  }
0x6: {  	_ = 	snop  }
0x7: {  	_ = 	snop  }
__scs_overlays_trampoline_lowered:
0x8: {  	[smem:$0x3FAE] =	sst s0  }
0x9: {  	[smem:$0x3FAF] =	sst s1  }
0xa: {  	[smem:$0x3FB0] =	sst s2  }
0xb: {  	[smem:$0x3FB1] =	sst s3  }
0xc: {  	[smem:$0x3FB2] =	sst s4  }
0xd: {  	[smem:$0x3FB3] =	sst s5  }
0xe: {  	[smem:$0x3FB4] =	sst s6  }
0xf: {  	[smem:$0x3FB5] =	sst s7  }
0x10: {  	[smem:$0x3FB6] =	sst s8  }
0x11: {  	[smem:$0x3FB7] =	sst s9;
	s0 =	simm.s32 @!p0 $0x0  }
0x12: {  	s1 =	sld [smem:$0x3F9D];
	s0 =	simm.s32 @p0 $0x1  }
0x13: {  	[smem:$0x3FB8] =	sst s0;
	s0 =	simm.s32 @!p1 $0x0  }
0x14: {  	s2 =	sld [smem:$0x3F9C];
	s0 =	simm.s32 @p1 $0x1  }
0x15: {  	[smem:$0x3FB9] =	sst s0;
	s0 =	simm.s32 @!p2 $0x0  }
0x16: {  	s3 =	sld [smem:$0x3FDB];
	s0 =	simm.s32 @p2 $0x1  }
0x17: {  	s4 =	simm.s32 $0x1BF5;
	[smem:$0x3FBB] =	sst s0  }
0x18: {  	s0 =	sld [smem:$0x3F9E];
	_ =	swait.ge [sflag:s4], $0x0  }
0x19: {  	s7 =	sld [smem:$0x3F9F]  }
0x1a: {  	s8 =	sadd.s32 $0xFFFFE003, lr  }
0x1b: {  	s9 =	sadd.s32 $0xFFFFFEF7, lr;
	s5 =	simm.s32 $0xFFFFFFFF;
	p2 =	slt.u32 s8, $0xFFFFF086  }
0x1c: {  	p1 =	slt.u32 s9, $0xF7A;
	s5 =	simm.s32 @!p2 $0x0  }
0x1d: {  	s5 =	simm.s32 @p1 $0x1;
	p0 =	seq.s32 s7, s2  }
0x1e: {  	s7 =	smul.u32 @!p0 $0xF7A, s2;
	p2 =	seq.s32 @!p0 s5, $0x0  }
0x1f: {  	s9 =	smul.u32 $0xF7A, s1;
	s8 =	simm.s32 @!p0 $0x1BF5;
	p2 =	por !p2, p0  }
0x20: {  	[sflag:s8] =	ssyncset.s32 @!p0 $0xFFFFF086;
	s6 =	sadd.s32 @!p0 s3, s7;
	s7 =	simm.s32 @!p0 $0x108  }
0x21: {  	s3 =	sadd.s32 s3, s9;
	s6 =	sadd.s32 @!p0 $0x88, s6;
	s7 =	simm.s32 @p2 $0x1082  }
0x22: {  	[simem:s7], [sflag:s8] =	dma.local @!p0 [hbm:s6], $0xF7A  }
0x23: {  	s9 =	sor.u32 $0xD0000000, s2;
	s6 =	simm.s32 $0x108;
	_ =	swait.ge @!p0 [sflag:s8], $0x0  }
0x24: {  	s3 =	sadd.s32 $0x88, s3;
	s6 =	simm.s32 @!p1 $0x1082;
	[sflag:s4] =	ssyncset.s32 $0xFFFFF086  }
0x25: {  	[simem:s6], [sflag:s4] =	dma.local [hbm:s3], $0xF7A  }
0x26: {  	[smem:$0x3F9F] =	sst s1;
	(tag) =	ssettag s2;
	_ =	strace s9  }
0x27: {  	s1 =	sld [smem:$0x3FAF]  }
0x28: {  	s2 =	sld [smem:$0x3FB0]  }
0x29: {  	s4 =	sld [smem:$0x3FB2]  }
0x2a: {  	p0 =	seq.s32 s5, $0x0;
	s5 =	sld [smem:$0x3FB3]  }
0x2b: {  	s6 =	sld [smem:$0x3FB4]  }
0x2c: {  	s7 =	sld [smem:$0x3FB5]  }
0x2d: {  	s3 =	simm.s32 $0x108;
	s8 =	sld [smem:$0x3FB6]  }
0x2e: {  	s3 =	simm.s32 @!p0 $0x1082;
	s9 =	sld [smem:$0x3FB7]  }
0x2f: {  	lr =	sadd.s32 s0, s3;
	s0 =	sld [smem:$0x3FAE]  }
0x30: {  	s3 =	sld [smem:$0x3FB1]  }
0x31: {  	[smem:$0x3FBA] =	sst s10  }
0x32: {  	s10 =	sld [smem:$0x3FB8];
	_ =	sdelay $0x3  }
0x33: {  	p0 =	seq.s32 s10, $0x1;
	s10 =	sld [smem:$0x3FBA];
	_ =	sdelay $0x3  }
0x34: {  	[smem:$0x3FBA] =	sst s10  }
0x35: {  	s10 =	sld [smem:$0x3FB9];
	_ =	sdelay $0x3  }
0x36: {  	p1 =	seq.s32 s10, $0x1;
	s10 =	sld [smem:$0x3FBA];
	_ =	sdelay $0x3  }
0x37: {  	[smem:$0x3FBA] =	sst s10  }
0x38: {  	s10 =	sld [smem:$0x3FBB]  }
0x39: {  	_ = 	snop;
	(pc) =	sbr.ind lr, $3  }
0x3a: {  	_ = 	snop  }
0x3b: {  	_ = 	snop  }
0x3c: {  	p2 =	seq.s32 s10, $0x1;
	s10 =	sld [smem:$0x3FBA]  }
0x3d: {  	_ =	shalt  }
0x3e: {  	_ =	shalt  }
0x3f: {  	_ =	shalt  }
0x40: {  	_ =	shalt  }
0x41: {  	_ =	shalt  }
0x42: {  	_ =	shalt  }
0x43: {  	_ =	shalt  }
0x44: {  	_ =	shalt  }
0x45: {  	_ =	shalt  }
0x46: {  	_ =	shalt  }
0x47: {  	_ =	shalt  }
0x48: {  	_ =	shalt  }
0x49: {  	_ =	shalt  }
0x4a: {  	_ =	shalt  }
0x4b: {  	_ =	shalt  }
0x4c: {  	_ =	shalt  }
0x4d: {  	_ =	shalt  }
0x4e: {  	_ =	shalt  }
0x4f: {  	_ =	shalt  }
0x50: {  	_ =	shalt  }
0x51: {  	_ =	shalt  }
0x52: {  	_ =	shalt  }
0x53: {  	_ =	shalt  }
0x54: {  	_ =	shalt  }
0x55: {  	_ =	shalt  }
0x56: {  	_ =	shalt  }
0x57: {  	_ =	shalt  }
0x58: {  	_ =	shalt  }
0x59: {  	_ =	shalt  }
0x5a: {  	_ =	shalt  }
0x5b: {  	_ =	shalt  }
0x5c: {  	_ =	shalt  }
0x5d: {  	_ =	shalt  }
0x5e: {  	_ =	shalt  }
0x5f: {  	_ =	shalt  }
0x60: {  	_ =	shalt  }
0x61: {  	_ =	shalt  }
0x62: {  	_ =	shalt  }
0x63: {  	_ =	shalt  }
0x64: {  	_ =	shalt  }
0x65: {  	_ =	shalt  }
0x66: {  	_ =	shalt  }
0x67: {  	_ =	shalt  }
0x68: {  	_ =	shalt  }
0x69: {  	_ =	shalt  }
0x6a: {  	_ =	shalt  }
0x6b: {  	_ =	shalt  }
0x6c: {  	_ =	shalt  }
0x6d: {  	_ =	shalt  }
0x6e: {  	_ =	shalt  }
0x6f: {  	_ =	shalt  }
0x70: {  	_ =	shalt  }
0x71: {  	_ =	shalt  }
0x72: {  	_ =	shalt  }
0x73: {  	_ =	shalt  }
0x74: {  	_ =	shalt  }
0x75: {  	_ =	shalt  }
0x76: {  	_ =	shalt  }
0x77: {  	_ =	shalt  }
0x78: {  	_ =	shalt  }
0x79: {  	_ =	shalt  }
0x7a: {  	_ =	shalt  }
0x7b: {  	_ =	shalt  }
0x7c: {  	_ =	shalt  }
0x7d: {  	_ =	shalt  }
0x7e: {  	_ =	shalt  }
0x7f: {  	_ =	shalt  }
0x80: {  	_ =	shalt  }
0x81: {  	_ =	shalt  }
0x82: {  	_ =	shalt  }
0x83: {  	_ =	shalt  }
0x84: {  	_ =	shalt  }
0x85: {  	_ =	shalt  }
0x86: {  	_ =	shalt  }
0x87: {  	_ =	shalt  }
.Lfunc_end0:
.L_simem_size_0:
called_computation_lowered:
.L_overlay_start_0:
0x88: {  	s2 =	sld [smem:$0x3FD9]  }
0x89: {  	s3 =	sld [smem:$0x3FFE];
	_ =	sdelay $0x1  }
0x8a: {  	s1 =	srdreg.scid  }
0x8b: {  	s0 =	sand.u32 $0x1, s1  }
0x8c: {  	s17 =	sshll.u32 s0, $0xA;
	s2 =	sadd.s32 s3, s2  }
0x8d: {  	s2 =	sadd.s32 s2, s17  }
0x8e: {  	[smem:$0x3FC6] =	sst s2  }
0x8f: {  	_ = 	snop  }
0x90: {  	s2 =	sld [smem:$0x3FC9]  }
0x91: {  	s18 =	sld [smem:$0x3FD0];
	(tm) =	ssettm $0x1  }
0x92: {  	s4 =	sld [smem:$0x3FFB];
	_ =	sdelay $0x3  }
0x93: {  	_ =	strace s4  }
0x94: {  	s4 =	sld [smem:$0x3FFC];
	_ =	sdelay $0x3  }
0x95: {  	_ =	strace s4  }
0x96: {  	s4 =	sld [smem:$0x3FFD];
	_ =	sdelay $0x3  }
0x97: {  	_ =	strace s4  }
0x98: {  	_ =	strace $0x8FFFFFFF  }
0x99: {  	s19 =	sld [smem:$0x3FDB];
	_ =	sdelay $0x1  }
0x9a: {  	s5 =	simm.s32 $_scs_section_size  }
0x9b: {  	s6 =	simm.s32 $_size__tile_overlayer_lowered;
	s7 =	simm.s32 $_tile_overlayer_lowered  }
0x9c: {  	s22 =	simm.s32 $0x1BFF;
	s21 =	sshll.u32 s7, $0x1;
	s4 =	sadd.s32 s5, s19  }
0x9d: {  	s8 =	simm.s32 $0x0;
	s20 =	sshll.u32 s6, $0x1;
	s6 =	sadd.s32 s21, s4  }
0x9e: {  	[timem:s8], [sflag:s22] =	dma.local [hbm:s6], s20  }
0x9f: {  	_ =	swait.ge [sflag:s22], s20  }
0xa0: {  	s5 =	ssub.s32 $0x0, s20;
	[sflag:s22] =	ssyncset.done $0x0  }
0xa1: {  	[sflag:s22] =	ssyncadd.s32 s5;
	_ =	sdelay $0x1  }
0xa2: {  	s23 =	simm.s32 $0x1B8B  }
0xa3: {  	_ =	swait.ge [sflag:s23], $0x1  }
0xa4: {  	[sflag:s23] =	ssyncset.done $0x0  }
0xa5: {  	s25 =	simm.s32 $0x1B8E;
	s24 =	sld [smem:$0x3FFE];
	[sflag:s23] =	ssyncadd.s32 $0xFFFFFFFF  }
0xa6: {  	s26 =	simm.s32 $execute0_lowered;
	[smem:$0x3FD2] =	sst s25  }
0xa7: {  	s6 =	sshll.u32 s26, $0x1;
	_ =	strace $0x80000046;
	[dreg:$0x1] =	wrdreg $0xFFFFFFFF  }
0xa8: {  	s28 =	simm.s32 $_size_execute0_lowered;
	s4 =	sadd.s32 s4, s6;
	[dreg:$0x0] =	wrdreg $0x0  }
0xa9: {  	s6 =	sshll.u32 s28, $0x1;
	[dreg:$0x2] =	wrdreg s4  }
0xaa: {  	[dreg:$0x3] =	wrdreg s6  }
0xab: {  	[dreg:$0x4] =	wrdreg $0xC0  }
0xac: {  	_ =	task [dreg:s8], $0x5FFFF  }
0xad: {  	[dreg:$0x1] =	wrdreg $0xFFFFFFFF  }
0xae: {  	[dreg:$0x0] =	wrdreg $0x60  }
0xaf: {  	[dreg:$0x2] =	wrdreg s2  }
0xb0: {  	[dreg:$0x3] =	wrdreg s24  }
0xb1: {  	[dreg:$0x4] =	wrdreg s18  }
0xb2: {  	[dreg:$0x5] =	wrdreg $0x9  }
0xb3: {  	_ =	task.clear_ibuf [dreg:s8], $0x6FFFF;
	_ =	strace $0x90000046  }
0xb4: {  	s29 =	simm.s32 $0x9;
	_ =	strace $0x80000048  }
0xb5: {  	_ =	swait.ge [sflag:s29], $0x1  }
0xb6: {  	[sflag:s29] =	ssyncadd.s32 $0xFFFFFFFF  }
0xb7: {  	_ =	strace $0x90000048  }
0xb8: {  	_ =	sfence  }
0xb9: {  	s30 =	sld [smem:$0x0];
	_ =	sdelay $0x2  }
0xba: {  	s31 =	sshll.u32 s1, $0xD;
	s1 =	sshrl.u32 s1, $0x2  }
0xbb: {  	s3 =	sand.u32 $0x4000, s31;
	s1 =	sadd.s32 s1, s30  }
0xbc: {  	s0 =	sor.u32 s3, s0;
	s1 =	sshll.u32 s1, $0x11  }
0xbd: {  	s0 =	sor.u32 s1, s0  }
0xbe: {  	s0 =	sadd.s32 $0x8F2B, s0  }
0xbf: {  	[sflag:s0] =	ssyncadd.remote.s32 $0x1  }
0xc0: {  	_ =	sfence.sel $0xFFFF  }
0xc1: {  	[dreg:$0x0] =	wrdreg $0xFFFFFFFF;
	(pc) =	sbr.abs _section_cstart, $3  }
0xc2: {  	[dreg:$0x1] =	wrdreg $0xFFFFFFFF  }
0xc3: {  	_ =	task.clear_ibuf [dreg:s8], $0x2FFFF;
	_ =	strace $0x9FFFFFFF  }
0xc4: {  	(tm) =	ssettm $0x7FFFFFFF  }
0xc5: {  	_ =	shalt  }
tec
execute0_lowered:
.L_overlay_start_1:
0x0: {  	(tag) =	ssettag $0x1  }
0x1: {  	s1 =	rddreg [dreg:$0x0]  }
0x2: {  	s0 =	srdreg.scid;
	s3 =	rddreg [dreg:$0x1]  }
0x3: {  	s2 =	stileid.u32;
	s4 =	rddreg [dreg:$0x2];
	s5 =	simm.s32 $0x0  }
0x4: {  	s14 =	simm.s32 $0x19000;
	s16 =	simm.s32 $0x19600;
	s22 =	simm.s32 $0x1  }
0x5: {  	s13 =	simm.s32 $0x2;
	s8 =	simm.s32 $0x4;
	s12 =	simm.s32 $0x14F00  }
0x6: {  	s19 =	simm.s32 $0x15400;
	s20 =	simm.s32 $0x15900;
	s21 =	simm.s32 $0x15E00  }
0x7: {  	s23 =	simm.s32 $0x16300;
	s28 =	simm.s32 $0x17700;
	s29 =	simm.s32 $0x17C00  }
0x8: {  	s30 =	simm.s32 $0x18100;
	s0 =	sand.u32 $0x1, s0;
	s2 =	sshll.u32 s2, $0x1  }
0x9: {  	s31 =	simm.s32 $0x18600;
	[smem:$0x7FF] =	sst s5;
	s2 =	sor.u32 s0, s2  }
0xa: {  	s3 =	sadd.s32 $0x200, s3;
	s0 =	ssub.s32 $0x2, s0;
	s6 =	smul.u32 $0x19000, s2  }
0xb: {  	_ =	strace $0x80000047;
	[dreg:$0x4] =	wrdreg s3;
	s24 =	sshrl.u32 s0, $0x1  }
0xc: {  	s3 =	simm.s32 $0x0;
	s0 =	ssub.s32 s0, s24;
	s26 =	sor.u32 $0xA00, s6  }
0xd: {  	s2 =	sshrl.u32 s6, $0x3;
	s0 =	smax.u32 s0, $0x1;
	[dreg:$0x8] =	wrdreg s26  }
0xe: {  	s24 =	simm.s32 $0x16800;
	s2 =	sadd.s32 s1, s2;
	[dreg:$0x9] =	wrdreg s0  }
0xf: {  	s11 =	sor.u32 $0x500, s6;
	s25 =	sadd.s32 $0x64000, s2;
	[dreg:$0x5] =	wrdreg s2  }
0x10: {  	s26 =	simm.s32 $0x17200;
	s2 =	sadd.s32 $0xC8000, s2;
	[dreg:$0x6] =	wrdreg s25  }
0x11: {  	[dreg:$0x7] =	wrdreg s2;
	s25 =	simm.s32 $0x16D00;
	s2 =	simm.s32 $0x18B00  }
.LBB2_1:
0x12: {  	[dreg:$0xa] =	wrdreg s3  }
0x13: {  	s0 =	rddreg [dreg:$0x4];
	s18 =	simm.s32 $0x5  }
0x14: {  	[tilespmem:s14], [sflag:$0x5] =	stream.linear.gather [hbm4b:s0+s5], $0x600, $0x38;
	[tilespmem:$0x1A200] =	vst v63  }
0x15: {  	_ =	swait.ge [sflag:s18], $0x600  }
0x16: {  	[sflag:s18] =	ssyncset.done $0x0  }
0x17: {  	[sflag:s18] =	ssyncadd.s32 $0xFFFFFA00  }
0x18: {  	s7 =	rddreg [dreg:$0x1]  }
0x19: {  	[tilespmem:s16], [sflag:$0x5] =	stream.linear.gather [hbm4b:s7+s5], $0xC00, $0x38;
	[tilespmem:$0x1A200] =	vst v63  }
0x1a: {  	_ =	swait.ge [sflag:s18], $0xC00  }
0x1b: {  	[sflag:s18] =	ssyncset.done $0x0  }
0x1c: {  	s9 =	rddreg [dreg:$0x5];
	[sflag:s18] =	ssyncadd.s32 $0xFFFFF400  }
0x1d: {  	[tilespmem:s5], [sflag:$0x1] =	stream.linear.gather [hbm4b:s9+s5], $0x500, $0x38;
	[tilespmem:$0x1A200] =	vst v63  }
0x1e: {  	s15 =	simm.s32 $0x500;
	s10 =	rddreg [dreg:$0x6]  }
0x1f: {  	[tilespmem:s15], [sflag:$0x1] =	stream.linear.gather [hbm4b:s10+s5], $0x500, $0x38;
	[tilespmem:$0x1A200] =	vst v63  }
0x20: {  	s0 =	simm.s32 $0x0;
	s17 =	rddreg [dreg:$0x7];
	s18 =	simm.s32 $0xA00  }
0x21: {  	[tilespmem:s18], [sflag:$0x1] =	stream.linear.gather [hbm4b:s17+s5], $0x500, $0x38;
	[tilespmem:$0x1A200] =	vst v63  }
.LBB2_2:
0x22: {  	s10 =	smul.u32 $0xA00, s0;
	_ =	sdelay $0x1  }
0x23: {  	s3 =	sadd.s32 s10, s11  }
0x24: {  	s3 =	sshrl.u32 s3, $0x3  }
0x25: {  	s9 =	simm.s32 $0xF00;
	s7 =	sadd.s32 s1, s3  }
0x26: {  	[tilespmem:s9], [sflag:$0x2] =	stream.linear.gather [hbm4b:s7+s5], $0x500, $0x38;
	[tilespmem:$0x1A200] =	vst v63  }
0x27: {  	s7 =	sadd.s32 $0x64000, s3  }
0x28: {  	s15 =	simm.s32 $0x1400;
	s9 =	sadd.s32 $0xC8000, s3;
	s17 =	sadd.s32 s1, s7  }
0x29: {  	[tilespmem:s15], [sflag:$0x2] =	stream.linear.gather [hbm4b:s17+s5], $0x500, $0x38;
	[tilespmem:$0x1A200] =	vst v63  }
0x2a: {  	s18 =	sadd.s32 s1, s9;
	s17 =	simm.s32 $0x1900  }
0x2b: {  	[tilespmem:s17], [sflag:$0x2] =	stream.linear.gather [hbm4b:s18+s5], $0x500, $0x38;
	[tilespmem:$0x1A200] =	vst v63  }
0x2c: {  	_ =	swait.ge [sflag:s22], $0xF00  }
0x2d: {  	p0 =	seq.s32 s0, $0x0;
	[sflag:s22] =	ssyncset.done $0x0  }
0x2e: {  	s15 =	simm.s32 @!p0 $0x3;
	[sflag:s22] =	ssyncadd.s32 $0xFFFFF100  }
0x2f: {  	_ =	swait.ge @!p0 [sflag:s15], $0xB900  }
0x30: {  	[sflag:s15] =	ssyncset.done @!p0 $0x0  }
0x31: {  	[sflag:s15] =	ssyncadd.s32 @!p0 $0xFFFF4700;
	s15 =	simm.s32 $0x0  }
.LBB2_3:
0x32: {  	s17 =	sshll.u32 s15, $0x4  }
0x33: {  	v0 =	vld [tilespmem:s17+$0x500];
	_ =	sdelay $0x4  }
0x34: {  	v0 =	vmul.u32 $0x6, v0  }
0x35: {  	v1 =	vld [tilespmem:s17+$0x510];
	_ =	sdelay $0x4  }
0x36: {  	v1 =	vmul.u32 $0x6, v1;
	v2 =	vld.idx.msk [tilespmem:v0+s14+$0x0], $0xffff;
	_ =	sdelay $0x2  }
0x37: {  	v3 =	vor.u32 $0x1, v0;
	_ =	sdelay $0x1  }
0x38: {  	v4 =	vunpack.i.l.bf16.f32 v2  }
0x39: {  	v27 =	vld.idx.msk [tilespmem:v1+s14+$0x0], $0xffff;
	v2 =	vunpack.i.u.bf16.f32 v2;
	[tilespmem:s17+$0x1E00] =	vst v4  }
0x3a: {  	v5 =	vld [tilespmem:s17+$0x520];
	[tilespmem:s17+$0x2300] =	vst v2  }
0x3b: {  	v2 =	vld.idx.msk [tilespmem:v3+s14+$0x0], $0xffff  }
0x3c: {  	v7 =	vor.u32 $0x1, v1;
	_ =	sdelay $0x1  }
0x3d: {  	s18 =	sor.u32 $0x10, s17;
	v28 =	vadd.s32 $0x2, v0;
	v30 =	vunpack.i.l.bf16.f32 v27  }
0x3e: {  	v29 =	vld [tilespmem:s18+$0x0];
	v5 =	vmul.u32 $0x6, v5;
	[tilespmem:s17+$0x1E10] =	vst v30;
	v3 =	vunpack.i.u.bf16.f32 v27  }
0x3f: {  	[tilespmem:s17+$0x2310] =	vst v3;
	v6 =	vunpack.i.l.bf16.f32 v2;
	v2 =	vunpack.i.u.bf16.f32 v2  }
0x40: {  	[tilespmem:s17+$0x2D00] =	vst v2;
	v2 =	vld.idx.msk [tilespmem:v7+s14+$0x0], $0xffff  }
0x41: {  	[tilespmem:s17+$0x2800] =	vst v6  }
0x42: {  	v4 =	vld.idx.msk [tilespmem:v28+s14+$0x0], $0xffff  }
0x43: {  	v8 =	vadd.s32 $0x2, v1  }
0x44: {  	v33 =	vld.idx.msk [tilespmem:v5+s14+$0x0], $0xffff  }
0x45: {  	v31 =	vadd.s32 $0x3, v0;
	v34 =	vunpack.i.l.bf16.f32 v2  }
0x46: {  	v2 =	vunpack.i.u.bf16.f32 v2;
	[tilespmem:s17+$0x2810] =	vst v34  }
0x47: {  	v35 =	vor.u32 $0x1, v5;
	v32 =	vunpack.i.l.bf16.f32 v4;
	v4 =	vunpack.i.u.bf16.f32 v4;
	[tilespmem:s17+$0x2D10] =	vst v2  }
0x48: {  	s18 =	sor.u32 $0x20, s17;
	[tilespmem:s17+$0x3700] =	vst v4;
	v4 =	vld.idx.msk [tilespmem:v8+s14+$0x0], $0xffff  }
0x49: {  	v9 =	vld [tilespmem:s18+$0x0];
	v10 =	vunpack.i.l.bf16.f32 v33;
	[tilespmem:s17+$0x3200] =	vst v32  }
0x4a: {  	[tilespmem:s17+$0x1E20] =	vst v10;
	v7 =	vunpack.i.u.bf16.f32 v33;
	v3 =	vld.idx.msk [tilespmem:v31+s14+$0x0], $0xffff  }
0x4b: {  	v11 =	vadd.s32 $0x3, v1;
	[tilespmem:s17+$0x2320] =	vst v7  }
0x4c: {  	v2 =	vld.idx.msk [tilespmem:v35+s14+$0x0], $0xffff  }
0x4d: {  	v36 =	vadd.s32 $0x4, v0;
	v38 =	vunpack.i.l.bf16.f32 v4  }
0x4e: {  	v4 =	vunpack.i.u.bf16.f32 v4;
	[tilespmem:s17+$0x3210] =	vst v38  }
0x4f: {  	v40 =	vadd.s32 $0x2, v5;
	v37 =	vunpack.i.l.bf16.f32 v3;
	[tilespmem:s17+$0x3710] =	vst v4  }
0x50: {  	v3 =	vunpack.i.u.bf16.f32 v3;
	[tilespmem:s17+$0x3C00] =	vst v37;
	v4 =	vld.idx.msk [tilespmem:v11+s14+$0x0], $0xffff  }
0x51: {  	v41 =	vunpack.i.l.bf16.f32 v2;
	[tilespmem:s17+$0x4100] =	vst v3  }
0x52: {  	v2 =	vunpack.i.u.bf16.f32 v2;
	[tilespmem:s17+$0x2820] =	vst v41;
	v39 =	vld.idx.msk [tilespmem:v36+s14+$0x0], $0xffff  }
0x53: {  	v44 =	vadd.s32 $0x4, v1;
	[tilespmem:s17+$0x2D20] =	vst v2  }
0x54: {  	v3 =	vld.idx.msk [tilespmem:v40+s14+$0x0], $0xffff  }
0x55: {  	v0 =	vadd.s32 $0x5, v0;
	v46 =	vunpack.i.l.bf16.f32 v4  }
0x56: {  	v4 =	vunpack.i.u.bf16.f32 v4;
	[tilespmem:s17+$0x3C10] =	vst v46  }
0x57: {  	v42 =	vld [tilespmem:s17+$0x0];
	v47 =	vadd.s32 $0x3, v5;
	v43 =	vunpack.i.l.bf16.f32 v39;
	[tilespmem:s17+$0x4110] =	vst v4  }
0x58: {  	v45 =	vunpack.i.u.bf16.f32 v39;
	[tilespmem:s17+$0x4600] =	vst v43;
	v48 =	vld.idx.msk [tilespmem:v44+s14+$0x0], $0xffff  }
0x59: {  	v49 =	vunpack.i.l.bf16.f32 v3;
	[tilespmem:s17+$0x4B00] =	vst v45  }
0x5a: {  	v3 =	vunpack.i.u.bf16.f32 v3;
	[tilespmem:s17+$0x3220] =	vst v49;
	v0 =	vld.idx.msk [tilespmem:v0+s14+$0x0], $0xffff  }
0x5b: {  	v1 =	vadd.s32 $0x5, v1;
	[tilespmem:s17+$0x3720] =	vst v3  }
0x5c: {  	v2 =	vmul.u32 $0xC, v42;
	v3 =	vld.idx.msk [tilespmem:v47+s14+$0x0], $0xffff  }
0x5d: {  	v51 =	vunpack.i.l.bf16.f32 v48  }
0x5e: {  	v7 =	vunpack.i.u.bf16.f32 v48;
	[tilespmem:s17+$0x4610] =	vst v51  }
0x5f: {  	v53 =	vadd.s32 $0x4, v5;
	v50 =	vunpack.i.l.bf16.f32 v0;
	[tilespmem:s17+$0x4B10] =	vst v7  }
0x60: {  	v0 =	vunpack.i.u.bf16.f32 v0;
	[tilespmem:s17+$0x5000] =	vst v50;
	v1 =	vld.idx.msk [tilespmem:v1+s14+$0x0], $0xffff  }
0x61: {  	v55 =	vunpack.i.l.bf16.f32 v3;
	[tilespmem:s17+$0x5500] =	vst v0  }
0x62: {  	v3 =	vunpack.i.u.bf16.f32 v3;
	[tilespmem:s17+$0x3C20] =	vst v55;
	v0 =	vmul.u32 $0xC, v29;
	v52 =	vld.idx.msk [tilespmem:v2+s16+$0x0], $0xffff  }
0x63: {  	[tilespmem:s17+$0x4120] =	vst v3  }
0x64: {  	v58 =	vld.idx.msk [tilespmem:v53+s14+$0x0], $0xffff  }
0x65: {  	v54 =	vor.u32 $0x1, v2;
	v59 =	vunpack.i.l.bf16.f32 v1  }
0x66: {  	v1 =	vunpack.i.u.bf16.f32 v1;
	[tilespmem:s17+$0x5010] =	vst v59  }
0x67: {  	v60 =	vadd.s32 $0x5, v5;
	v56 =	vunpack.i.l.bf16.f32 v52;
	[tilespmem:s17+$0x5510] =	vst v1  }
0x68: {  	v57 =	vunpack.i.u.bf16.f32 v52;
	[tilespmem:s17+$0x5A00] =	vst v56;
	v3 =	vld.idx.msk [tilespmem:v0+s16+$0x0], $0xffff  }
0x69: {  	v7 =	vunpack.i.l.bf16.f32 v58;
	[tilespmem:s17+$0x5F00] =	vst v57  }
0x6a: {  	v4 =	vunpack.i.u.bf16.f32 v58;
	[tilespmem:s17+$0x4620] =	vst v7;
	v6 =	vld.idx.msk [tilespmem:v54+s16+$0x0], $0xffff  }
0x6b: {  	v63 =	vor.u32 $0x1, v0;
	[tilespmem:s17+$0x4B20] =	vst v4  }
0x6c: {  	v13 =	vld.idx.msk [tilespmem:v60+s14+$0x0], $0xffff  }
0x6d: {  	v61 =	vor.u32 $0x2, v2;
	v14 =	vunpack.i.l.bf16.f32 v3  }
0x6e: {  	v1 =	vmul.u32 $0xC, v9;
	v3 =	vunpack.i.u.bf16.f32 v3;
	[tilespmem:s17+$0x5A10] =	vst v14  }
0x6f: {  	v62 =	vunpack.i.l.bf16.f32 v6;
	[tilespmem:s17+$0x5F10] =	vst v3  }
0x70: {  	v12 =	vunpack.i.u.bf16.f32 v6;
	[tilespmem:s17+$0x6400] =	vst v62;
	v3 =	vld.idx.msk [tilespmem:v63+s16+$0x0], $0xffff  }
0x71: {  	v16 =	vunpack.i.l.bf16.f32 v13;
	[tilespmem:s17+$0x6900] =	vst v12  }
0x72: {  	v6 =	vunpack.i.u.bf16.f32 v13;
	[tilespmem:s17+$0x5020] =	vst v16;
	v4 =	vld.idx.msk [tilespmem:v61+s16+$0x0], $0xffff  }
0x73: {  	v18 =	vor.u32 $0x2, v0;
	[tilespmem:s17+$0x5520] =	vst v6  }
0x74: {  	v6 =	vld.idx.msk [tilespmem:v1+s16+$0x0], $0xffff  }
0x75: {  	v15 =	vor.u32 $0x3, v2;
	v19 =	vunpack.i.l.bf16.f32 v3  }
0x76: {  	v3 =	vunpack.i.u.bf16.f32 v3;
	[tilespmem:s17+$0x6410] =	vst v19  }
0x77: {  	v20 =	vor.u32 $0x1, v1;
	v17 =	vunpack.i.l.bf16.f32 v4;
	v4 =	vunpack.i.u.bf16.f32 v4;
	[tilespmem:s17+$0x6910] =	vst v3  }
0x78: {  	[tilespmem:s17+$0x7300] =	vst v4;
	v4 =	vld.idx.msk [tilespmem:v18+s16+$0x0], $0xffff  }
0x79: {  	v22 =	vunpack.i.l.bf16.f32 v6;
	[tilespmem:s17+$0x6E00] =	vst v17  }
0x7a: {  	v6 =	vunpack.i.u.bf16.f32 v6;
	[tilespmem:s17+$0x5A20] =	vst v22;
	v5 =	vld.idx.msk [tilespmem:v15+s16+$0x0], $0xffff  }
0x7b: {  	v24 =	vor.u32 $0x3, v0;
	[tilespmem:s17+$0x5F20] =	vst v6  }
0x7c: {  	v3 =	vld.idx.msk [tilespmem:v20+s16+$0x0], $0xffff  }
0x7d: {  	v21 =	vadd.s32 $0x4, v2;
	v25 =	vunpack.i.l.bf16.f32 v4  }
0x7e: {  	v4 =	vunpack.i.u.bf16.f32 v4;
	[tilespmem:s17+$0x6E10] =	vst v25  }
0x7f: {  	v27 =	vor.u32 $0x2, v1;
	v23 =	vunpack.i.l.bf16.f32 v5;
	v5 =	vunpack.i.u.bf16.f32 v5;
	[tilespmem:s17+$0x7310] =	vst v4  }
0x80: {  	[tilespmem:s17+$0x7D00] =	vst v5;
	v5 =	vld.idx.msk [tilespmem:v24+s16+$0x0], $0xffff  }
0x81: {  	v29 =	vunpack.i.l.bf16.f32 v3;
	[tilespmem:s17+$0x7800] =	vst v23  }
0x82: {  	v3 =	vunpack.i.u.bf16.f32 v3;
	[tilespmem:s17+$0x6420] =	vst v29;
	v26 =	vld.idx.msk [tilespmem:v21+s16+$0x0], $0xffff  }
0x83: {  	v31 =	vadd.s32 $0x4, v0;
	[tilespmem:s17+$0x6920] =	vst v3  }
0x84: {  	v4 =	vld.idx.msk [tilespmem:v27+s16+$0x0], $0xffff  }
0x85: {  	v28 =	vadd.s32 $0x5, v2;
	v33 =	vunpack.i.l.bf16.f32 v5  }
0x86: {  	v5 =	vunpack.i.u.bf16.f32 v5;
	[tilespmem:s17+$0x7810] =	vst v33  }
0x87: {  	v35 =	vor.u32 $0x3, v1;
	v30 =	vunpack.i.l.bf16.f32 v26;
	[tilespmem:s17+$0x7D10] =	vst v5  }
0x88: {  	v32 =	vunpack.i.u.bf16.f32 v26;
	[tilespmem:s17+$0x8200] =	vst v30;
	v5 =	vld.idx.msk [tilespmem:v31+s16+$0x0], $0xffff  }
0x89: {  	v37 =	vunpack.i.l.bf16.f32 v4;
	[tilespmem:s17+$0x8700] =	vst v32  }
0x8a: {  	v4 =	vunpack.i.u.bf16.f32 v4;
	[tilespmem:s17+$0x6E20] =	vst v37;
	v34 =	vld.idx.msk [tilespmem:v28+s16+$0x0], $0xffff  }
0x8b: {  	v39 =	vadd.s32 $0x5, v0;
	[tilespmem:s17+$0x7320] =	vst v4  }
0x8c: {  	v3 =	vld.idx.msk [tilespmem:v35+s16+$0x0], $0xffff  }
0x8d: {  	v36 =	vadd.s32 $0x6, v2;
	v41 =	vunpack.i.l.bf16.f32 v5  }
0x8e: {  	v5 =	vunpack.i.u.bf16.f32 v5;
	[tilespmem:s17+$0x8210] =	vst v41  }
0x8f: {  	v43 =	vadd.s32 $0x4, v1;
	v38 =	vunpack.i.l.bf16.f32 v34;
	[tilespmem:s17+$0x8710] =	vst v5  }
0x90: {  	v40 =	vunpack.i.u.bf16.f32 v34;
	[tilespmem:s17+$0x8C00] =	vst v38;
	v5 =	vld.idx.msk [tilespmem:v39+s16+$0x0], $0xffff  }
0x91: {  	v45 =	vunpack.i.l.bf16.f32 v3;
	[tilespmem:s17+$0x9100] =	vst v40  }
0x92: {  	v3 =	vunpack.i.u.bf16.f32 v3;
	[tilespmem:s17+$0x7820] =	vst v45;
	v42 =	vld.idx.msk [tilespmem:v36+s16+$0x0], $0xffff  }
0x93: {  	v47 =	vadd.s32 $0x6, v0;
	v35 =	vld [tilespmem:s17+$0x540];
	[tilespmem:s17+$0x7D20] =	vst v3  }
0x94: {  	v4 =	vld.idx.msk [tilespmem:v43+s16+$0x0], $0xffff  }
0x95: {  	v44 =	vadd.s32 $0x7, v2;
	v49 =	vunpack.i.l.bf16.f32 v5  }
0x96: {  	v5 =	vunpack.i.u.bf16.f32 v5;
	[tilespmem:s17+$0x8C10] =	vst v49  }
0x97: {  	v51 =	vadd.s32 $0x5, v1;
	v46 =	vunpack.i.l.bf16.f32 v42;
	[tilespmem:s17+$0x9110] =	vst v5  }
0x98: {  	v48 =	vunpack.i.u.bf16.f32 v42;
	[tilespmem:s17+$0x9600] =	vst v46;
	v5 =	vld.idx.msk [tilespmem:v47+s16+$0x0], $0xffff  }
0x99: {  	v39 =	vmul.u32 $0x6, v35;
	v53 =	vunpack.i.l.bf16.f32 v4;
	[tilespmem:s17+$0x9B00] =	vst v48  }
0x9a: {  	v4 =	vunpack.i.u.bf16.f32 v4;
	[tilespmem:s17+$0x8220] =	vst v53;
	v50 =	vld.idx.msk [tilespmem:v44+s16+$0x0], $0xffff  }
0x9b: {  	v55 =	vadd.s32 $0x7, v0;
	v60 =	vld [tilespmem:s17+$0x530];
	[tilespmem:s17+$0x8720] =	vst v4  }
0x9c: {  	v3 =	vld.idx.msk [tilespmem:v51+s16+$0x0], $0xffff  }
0x9d: {  	v52 =	vadd.s32 $0x8, v2;
	v57 =	vunpack.i.l.bf16.f32 v5  }
0x9e: {  	v5 =	vunpack.i.u.bf16.f32 v5;
	[tilespmem:s17+$0x9610] =	vst v57  }
0x9f: {  	v59 =	vadd.s32 $0x6, v1;
	v46 =	vld.idx.msk [tilespmem:v39+s14+$0x0], $0xffff;
	v54 =	vunpack.i.l.bf16.f32 v50;
	[tilespmem:s17+$0x9B10] =	vst v5  }
0xa0: {  	v56 =	vunpack.i.u.bf16.f32 v50;
	v5 =	vmul.u32 $0x6, v60;
	[tilespmem:s17+$0xA000] =	vst v54;
	v61 =	vld.idx.msk [tilespmem:v55+s16+$0x0], $0xffff  }
0xa1: {  	v63 =	vunpack.i.l.bf16.f32 v3;
	[tilespmem:s17+$0xA500] =	vst v56  }
0xa2: {  	s18 =	sor.u32 $0x30, s17;
	v3 =	vunpack.i.u.bf16.f32 v3;
	[tilespmem:s17+$0x8C20] =	vst v63;
	v58 =	vld.idx.msk [tilespmem:v52+s16+$0x0], $0xffff  }
0xa3: {  	v13 =	vadd.s32 $0x8, v0;
	v27 =	vld [tilespmem:s18+$0x0];
	[tilespmem:s17+$0x9120] =	vst v3  }
0xa4: {  	s18 =	sor.u32 $0x40, s17;
	v4 =	vld.idx.msk [tilespmem:v59+s16+$0x0], $0xffff;
	v52 =	vunpack.i.l.bf16.f32 v46  }
0xa5: {  	v62 =	vadd.s32 $0x9, v2;
	v51 =	vld [tilespmem:s18+$0x0];
	[tilespmem:s17+$0x1E40] =	vst v52;
	v15 =	vunpack.i.l.bf16.f32 v61  }
0xa6: {  	v7 =	vunpack.i.u.bf16.f32 v61;
	v20 =	vld.idx.msk [tilespmem:v5+s14+$0x0], $0xffff;
	[tilespmem:s17+$0xA010] =	vst v15  }
0xa7: {  	v17 =	vadd.s32 $0x7, v1;
	v12 =	vunpack.i.l.bf16.f32 v58;
	[tilespmem:s17+$0xA510] =	vst v7  }
0xa8: {  	v14 =	vunpack.i.u.bf16.f32 v58;
	[tilespmem:s17+$0xAA00] =	vst v12;
	v7 =	vld.idx.msk [tilespmem:v13+s16+$0x0], $0xffff  }
0xa9: {  	v25 =	vor.u32 $0x1, v5;
	v19 =	vunpack.i.l.bf16.f32 v4;
	[tilespmem:s17+$0xAF00] =	vst v14  }
0xaa: {  	v4 =	vunpack.i.u.bf16.f32 v4;
	[tilespmem:s17+$0x9620] =	vst v19;
	v16 =	vld.idx.msk [tilespmem:v62+s16+$0x0], $0xffff  }
0xab: {  	v22 =	vadd.s32 $0x9, v0;
	[tilespmem:s17+$0x9B20] =	vst v4;
	v28 =	vunpack.i.l.bf16.f32 v20  }
0xac: {  	v3 =	vld.idx.msk [tilespmem:v17+s16+$0x0], $0xffff;
	v9 =	vunpack.i.u.bf16.f32 v20;
	[tilespmem:s17+$0x1E30] =	vst v28  }
0xad: {  	v18 =	vadd.s32 $0xA, v2;
	[tilespmem:s17+$0x2330] =	vst v9;
	v24 =	vunpack.i.l.bf16.f32 v7  }
0xae: {  	v7 =	vunpack.i.u.bf16.f32 v7;
	v6 =	vld.idx.msk [tilespmem:v25+s14+$0x0], $0xffff;
	[tilespmem:s17+$0xAA10] =	vst v24  }
0xaf: {  	v26 =	vadd.s32 $0x8, v1;
	v21 =	vunpack.i.l.bf16.f32 v16;
	[tilespmem:s17+$0xAF10] =	vst v7  }
0xb0: {  	v23 =	vunpack.i.u.bf16.f32 v16;
	[tilespmem:s17+$0xB400] =	vst v21;
	v11 =	vld.idx.msk [tilespmem:v22+s16+$0x0], $0xffff  }
0xb1: {  	v29 =	vunpack.i.l.bf16.f32 v3;
	[tilespmem:s17+$0xB900] =	vst v23  }
0xb2: {  	v34 =	vadd.s32 $0x2, v5;
	v3 =	vunpack.i.u.bf16.f32 v3;
	[tilespmem:s17+$0xA020] =	vst v29;
	v8 =	vld.idx.msk [tilespmem:v18+s16+$0x0], $0xffff  }
0xb3: {  	[tilespmem:s17+$0xA520] =	vst v3;
	v37 =	vunpack.i.l.bf16.f32 v6  }
0xb4: {  	v31 =	vadd.s32 $0xA, v0;
	v4 =	vld.idx.msk [tilespmem:v26+s16+$0x0], $0xffff;
	v6 =	vunpack.i.u.bf16.f32 v6;
	[tilespmem:s17+$0x2830] =	vst v37  }
0xb5: {  	v43 =	vld [tilespmem:s17+$0xA00];
	[tilespmem:s17+$0x2D30] =	vst v6;
	v33 =	vunpack.i.l.bf16.f32 v11  }
0xb6: {  	v2 =	vadd.s32 $0xB, v2;
	v11 =	vunpack.i.u.bf16.f32 v11;
	[tilespmem:s17+$0xB410] =	vst v33  }
0xb7: {  	v36 =	vadd.s32 $0x9, v1;
	v6 =	vld.idx.msk [tilespmem:v34+s14+$0x0], $0xffff;
	v30 =	vunpack.i.l.bf16.f32 v8;
	[tilespmem:s17+$0xB910] =	vst v11  }
0xb8: {  	v32 =	vunpack.i.u.bf16.f32 v8;
	[tilespmem:s17+$0xBE00] =	vst v30  }
0xb9: {  	v38 =	vunpack.i.l.bf16.f32 v4;
	[tilespmem:s17+$0xC300] =	vst v32;
	v10 =	vld.idx.msk [tilespmem:v31+s16+$0x0], $0xffff  }
0xba: {  	v47 =	vcvt.s32.f32 v43;
	v4 =	vunpack.i.u.bf16.f32 v4;
	[tilespmem:s17+$0xAA20] =	vst v38  }
0xbb: {  	v42 =	vadd.s32 $0x3, v5;
	[tilespmem:s17+$0xAF20] =	vst v4;
	v2 =	vld.idx.msk [tilespmem:v2+s16+$0x0], $0xffff  }
0xbc: {  	v3 =	vld.idx.msk [tilespmem:v36+s16+$0x0], $0xffff;
	[tilespmem:s17+$0xD200] =	vst v47;
	v45 =	vunpack.i.l.bf16.f32 v6  }
0xbd: {  	v6 =	vunpack.i.u.bf16.f32 v6;
	[tilespmem:s17+$0x3230] =	vst v45  }
0xbe: {  	v0 =	vadd.s32 $0xB, v0;
	[tilespmem:s17+$0x3730] =	vst v6;
	v41 =	vunpack.i.l.bf16.f32 v10  }
0xbf: {  	v53 =	vld [tilespmem:s17+$0xA10];
	v10 =	vunpack.i.u.bf16.f32 v10;
	[tilespmem:s17+$0xBE10] =	vst v41  }
0xc0: {  	v44 =	vadd.s32 $0xA, v1;
	v6 =	vld.idx.msk [tilespmem:v42+s14+$0x0], $0xffff;
	v40 =	vunpack.i.l.bf16.f32 v2;
	[tilespmem:s17+$0xC310] =	vst v10  }
0xc1: {  	v48 =	vor.u32 $0x1, v39;
	v59 =	vld [tilespmem:s17+$0x560];
	v12 =	vunpack.i.l.bf16.f32 v3;
	[tilespmem:s17+$0xC800] =	vst v40  }
0xc2: {  	v3 =	vunpack.i.u.bf16.f32 v3;
	[tilespmem:s17+$0xB420] =	vst v12  }
0xc3: {  	v50 =	vadd.s32 $0x4, v5;
	v2 =	vunpack.i.u.bf16.f32 v2;
	v0 =	vld.idx.msk [tilespmem:v0+s16+$0x0], $0xffff;
	[tilespmem:s17+$0xB920] =	vst v3  }
0xc4: {  	v10 =	vunpack.i.u.bf16.f32 v46;
	[tilespmem:s17+$0xCD00] =	vst v2  }
0xc5: {  	[tilespmem:s17+$0x2340] =	vst v10;
	v49 =	vld.idx.msk [tilespmem:v44+s16+$0x0], $0xffff;
	v54 =	vunpack.i.l.bf16.f32 v6  }
0xc6: {  	v14 =	vcvt.s32.f32 v53;
	v16 =	vmul.u32 $0x6, v59;
	v3 =	vld.idx.msk [tilespmem:v48+s14+$0x0], $0xffff;
	v6 =	vunpack.i.u.bf16.f32 v6;
	[tilespmem:s17+$0x3C30] =	vst v54  }
0xc7: {  	[tilespmem:s17+$0x4130] =	vst v6  }
0xc8: {  	[tilespmem:s17+$0xD210] =	vst v14;
	v55 =	vunpack.i.l.bf16.f32 v0;
	v4 =	vld.idx.msk [tilespmem:v50+s14+$0x0], $0xffff  }
0xc9: {  	v56 =	vld [tilespmem:s17+$0x550];
	v58 =	vadd.s32 $0x2, v39;
	v0 =	vunpack.i.u.bf16.f32 v0;
	[tilespmem:s17+$0xC810] =	vst v55  }
0xca: {  	v63 =	vld [tilespmem:s17+$0xA20];
	v2 =	vunpack.i.u.bf16.f32 v49;
	[tilespmem:s17+$0xCD10] =	vst v0  }
0xcb: {  	v61 =	vadd.s32 $0x5, v5;
	v62 =	vunpack.i.l.bf16.f32 v3;
	[tilespmem:s17+$0xC320] =	vst v2  }
0xcc: {  	v1 =	vadd.s32 $0xB, v1;
	v22 =	vld.idx.msk [tilespmem:v16+s14+$0x0], $0xffff;
	v3 =	vunpack.i.u.bf16.f32 v3;
	[tilespmem:s17+$0x2840] =	vst v62  }
0xcd: {  	[tilespmem:s17+$0x2D40] =	vst v3;
	v13 =	vunpack.i.l.bf16.f32 v4  }
0xce: {  	s18 =	sor.u32 $0x50, s17;
	v2 =	vmul.u32 $0x6, v56;
	v15 =	vld.idx.msk [tilespmem:v58+s14+$0x0], $0xffff;
	v4 =	vunpack.i.u.bf16.f32 v4;
	[tilespmem:s17+$0x4630] =	vst v13  }
0xcf: {  	v25 =	vld [tilespmem:s18+$0x0];
	v18 =	vcvt.s32.f32 v63;
	v57 =	vunpack.i.l.bf16.f32 v49;
	[tilespmem:s17+$0x4B30] =	vst v4  }
0xd0: {  	[tilespmem:s17+$0xBE20] =	vst v57;
	v4 =	vld.idx.msk [tilespmem:v61+s14+$0x0], $0xffff  }
0xd1: {  	v19 =	vadd.s32 $0x3, v39;
	s18 =	sor.u32 $0x60, s17;
	v30 =	vunpack.i.l.bf16.f32 v22;
	v60 =	vld.idx.msk [tilespmem:v1+s16+$0x0], $0xffff;
	[tilespmem:s17+$0xD220] =	vst v18  }
0xd2: {  	v3 =	vunpack.i.u.bf16.f32 v22;
	v1 =	vmul.u32 $0xC, v27;
	v13 =	vld [tilespmem:s18+$0x0];
	[tilespmem:s17+$0x1E60] =	vst v30  }
0xd3: {  	[tilespmem:s17+$0x2360] =	vst v3;
	v21 =	vunpack.i.l.bf16.f32 v15  }
0xd4: {  	v20 =	vld.idx.msk [tilespmem:v2+s14+$0x0], $0xffff;
	v6 =	vunpack.i.u.bf16.f32 v15;
	[tilespmem:s17+$0x3240] =	vst v21  }
0xd5: {  	v27 =	vor.u32 $0x1, v16;
	[tilespmem:s17+$0x3740] =	vst v6;
	v23 =	vunpack.i.l.bf16.f32 v4  }
0xd6: {  	v5 =	vld.idx.msk [tilespmem:v19+s14+$0x0], $0xffff;
	v4 =	vunpack.i.u.bf16.f32 v4;
	[tilespmem:s17+$0x5030] =	vst v23  }
0xd7: {  	v24 =	vor.u32 $0x1, v2;
	v17 =	vunpack.i.l.bf16.f32 v60;
	[tilespmem:s17+$0x5530] =	vst v4  }
0xd8: {  	v0 =	vunpack.i.u.bf16.f32 v60;
	[tilespmem:s17+$0xC820] =	vst v17;
	v28 =	vld.idx.msk [tilespmem:v1+s16+$0x0], $0xffff  }
0xd9: {  	v29 =	vadd.s32 $0x4, v39;
	[tilespmem:s17+$0xCD20] =	vst v0;
	v26 =	vunpack.i.l.bf16.f32 v20  }
0xda: {  	v33 =	vld.idx.msk [tilespmem:v27+s14+$0x0], $0xffff;
	v0 =	vunpack.i.u.bf16.f32 v20;
	[tilespmem:s17+$0x1E50] =	vst v26  }
0xdb: {  	v31 =	vor.u32 $0x1, v1;
	[tilespmem:s17+$0x2350] =	vst v0;
	v14 =	vunpack.i.l.bf16.f32 v5  }
0xdc: {  	v6 =	vld.idx.msk [tilespmem:v24+s14+$0x0], $0xffff;
	v32 =	vunpack.i.u.bf16.f32 v5;
	[tilespmem:s17+$0x3C40] =	vst v14  }
0xdd: {  	v37 =	vadd.s32 $0x2, v16;
	[tilespmem:s17+$0x4140] =	vst v32;
	v34 =	vunpack.i.l.bf16.f32 v28  }
0xde: {  	v7 =	vld.idx.msk [tilespmem:v29+s14+$0x0], $0xffff;
	v12 =	vunpack.i.u.bf16.f32 v28;
	[tilespmem:s17+$0x5A30] =	vst v34  }
0xdf: {  	v35 =	vadd.s32 $0x2, v2;
	v38 =	vunpack.i.l.bf16.f32 v33;
	[tilespmem:s17+$0x5F30] =	vst v12  }
0xe0: {  	[tilespmem:s17+$0x2860] =	vst v38;
	v5 =	vunpack.i.u.bf16.f32 v33;
	v0 =	vld.idx.msk [tilespmem:v31+s16+$0x0], $0xffff  }
0xe1: {  	v8 =	vadd.s32 $0x5, v39;
	[tilespmem:s17+$0x2D60] =	vst v5;
	v36 =	vunpack.i.l.bf16.f32 v6  }
0xe2: {  	v42 =	vld.idx.msk [tilespmem:v37+s14+$0x0], $0xffff;
	v6 =	vunpack.i.u.bf16.f32 v6;
	[tilespmem:s17+$0x2850] =	vst v36  }
0xe3: {  	v39 =	vor.u32 $0x2, v1;
	[tilespmem:s17+$0x2D50] =	vst v6;
	v40 =	vunpack.i.l.bf16.f32 v7  }
0xe4: {  	v3 =	vld.idx.msk [tilespmem:v35+s14+$0x0], $0xffff;
	v41 =	vunpack.i.u.bf16.f32 v7;
	[tilespmem:s17+$0x4640] =	vst v40  }
0xe5: {  	v46 =	vadd.s32 $0x3, v16;
	[tilespmem:s17+$0x4B40] =	vst v41;
	v43 =	vunpack.i.l.bf16.f32 v0  }
0xe6: {  	v8 =	vld.idx.msk [tilespmem:v8+s14+$0x0], $0xffff;
	v0 =	vunpack.i.u.bf16.f32 v0;
	[tilespmem:s17+$0x6430] =	vst v43  }
0xe7: {  	v44 =	vadd.s32 $0x3, v2;
	v47 =	vunpack.i.l.bf16.f32 v42;
	[tilespmem:s17+$0x6930] =	vst v0  }
0xe8: {  	v7 =	vunpack.i.u.bf16.f32 v42;
	[tilespmem:s17+$0x3260] =	vst v47;
	v0 =	vmul.u32 $0xC, v51;
	v6 =	vld.idx.msk [tilespmem:v39+s16+$0x0], $0xffff  }
0xe9: {  	[tilespmem:s17+$0x3760] =	vst v7;
	v45 =	vunpack.i.l.bf16.f32 v3  }
0xea: {  	v3 =	vunpack.i.u.bf16.f32 v3;
	v51 =	vld.idx.msk [tilespmem:v46+s14+$0x0], $0xffff;
	[tilespmem:s17+$0x3250] =	vst v45  }
0xeb: {  	v48 =	vor.u32 $0x3, v1;
	[tilespmem:s17+$0x3750] =	vst v3;
	v49 =	vunpack.i.l.bf16.f32 v8  }
0xec: {  	v5 =	vld.idx.msk [tilespmem:v44+s14+$0x0], $0xffff;
	v50 =	vunpack.i.u.bf16.f32 v8;
	[tilespmem:s17+$0x5040] =	vst v49  }
0xed: {  	v56 =	vadd.s32 $0x4, v16;
	[tilespmem:s17+$0x5540] =	vst v50;
	v52 =	vunpack.i.l.bf16.f32 v6  }
0xee: {  	v6 =	vunpack.i.u.bf16.f32 v6;
	v54 =	vld.idx.msk [tilespmem:v0+s16+$0x0], $0xffff;
	[tilespmem:s17+$0x6E30] =	vst v52  }
0xef: {  	v53 =	vadd.s32 $0x4, v2;
	v58 =	vunpack.i.l.bf16.f32 v51;
	[tilespmem:s17+$0x7330] =	vst v6  }
0xf0: {  	v8 =	vunpack.i.u.bf16.f32 v51;
	[tilespmem:s17+$0x3C60] =	vst v58;
	v3 =	vld.idx.msk [tilespmem:v48+s16+$0x0], $0xffff  }
0xf1: {  	v57 =	vor.u32 $0x1, v0;
	[tilespmem:s17+$0x4160] =	vst v8;
	v55 =	vunpack.i.l.bf16.f32 v5  }
0xf2: {  	v5 =	vunpack.i.u.bf16.f32 v5;
	v62 =	vld.idx.msk [tilespmem:v56+s14+$0x0], $0xffff;
	[tilespmem:s17+$0x3C50] =	vst v55  }
0xf3: {  	v59 =	vadd.s32 $0x4, v1;
	[tilespmem:s17+$0x4150] =	vst v5;
	v60 =	vunpack.i.l.bf16.f32 v54  }
0xf4: {  	v7 =	vld.idx.msk [tilespmem:v53+s14+$0x0], $0xffff;
	v61 =	vunpack.i.u.bf16.f32 v54;
	[tilespmem:s17+$0x5A40] =	vst v60  }
0xf5: {  	v14 =	vadd.s32 $0x5, v16;
	[tilespmem:s17+$0x5F40] =	vst v61;
	v63 =	vunpack.i.l.bf16.f32 v3  }
0xf6: {  	v3 =	vunpack.i.u.bf16.f32 v3;
	v6 =	vld.idx.msk [tilespmem:v57+s16+$0x0], $0xffff;
	[tilespmem:s17+$0x7830] =	vst v63  }
0xf7: {  	v2 =	vadd.s32 $0x5, v2;
	v16 =	vunpack.i.l.bf16.f32 v62;
	[tilespmem:s17+$0x7D30] =	vst v3  }
0xf8: {  	v17 =	vunpack.i.u.bf16.f32 v62;
	[tilespmem:s17+$0x4660] =	vst v16;
	v5 =	vld.idx.msk [tilespmem:v59+s16+$0x0], $0xffff  }
0xf9: {  	v15 =	vor.u32 $0x2, v0;
	[tilespmem:s17+$0x4B60] =	vst v17;
	v12 =	vunpack.i.l.bf16.f32 v7  }
0xfa: {  	v7 =	vunpack.i.u.bf16.f32 v7;
	v21 =	vld.idx.msk [tilespmem:v14+s14+$0x0], $0xffff;
	[tilespmem:s17+$0x4650] =	vst v12  }
0xfb: {  	v18 =	vadd.s32 $0x5, v1;
	[tilespmem:s17+$0x4B50] =	vst v7;
	v19 =	vunpack.i.l.bf16.f32 v6  }
0xfc: {  	v7 =	vld.idx.msk [tilespmem:v2+s14+$0x0], $0xffff;
	v2 =	vmul.u32 $0xC, v13;
	v20 =	vunpack.i.u.bf16.f32 v6;
	[tilespmem:s17+$0x6440] =	vst v19  }
0xfd: {  	[tilespmem:s17+$0x6940] =	vst v20;
	v22 =	vunpack.i.l.bf16.f32 v5  }
0xfe: {  	v3 =	vmul.u32 $0xC, v25;
	v5 =	vunpack.i.u.bf16.f32 v5;
	v23 =	vld.idx.msk [tilespmem:v15+s16+$0x0], $0xffff;
	[tilespmem:s17+$0x8230] =	vst v22  }
0xff: {  	v27 =	vunpack.i.l.bf16.f32 v21;
	[tilespmem:s17+$0x8730] =	vst v5  }
0x100: {  	v4 =	vunpack.i.u.bf16.f32 v21;
	[tilespmem:s17+$0x5060] =	vst v27;
	v25 =	vld.idx.msk [tilespmem:v18+s16+$0x0], $0xffff  }
0x101: {  	v26 =	vor.u32 $0x3, v0;
	[tilespmem:s17+$0x5560] =	vst v4;
	v24 =	vunpack.i.l.bf16.f32 v7  }
0x102: {  	v7 =	vunpack.i.u.bf16.f32 v7;
	[tilespmem:s17+$0x5050] =	vst v24;
	v31 =	vld.idx.msk [tilespmem:v2+s16+$0x0], $0xffff  }
0x103: {  	v29 =	vadd.s32 $0x6, v1;
	[tilespmem:s17+$0x5550] =	vst v7;
	v10 =	vunpack.i.l.bf16.f32 v23  }
0x104: {  	v28 =	vld.idx.msk [tilespmem:v3+s16+$0x0], $0xffff;
	v30 =	vunpack.i.u.bf16.f32 v23;
	[tilespmem:s17+$0x6E40] =	vst v10  }
0x105: {  	v35 =	vor.u32 $0x1, v2;
	[tilespmem:s17+$0x7340] =	vst v30;
	v32 =	vunpack.i.l.bf16.f32 v25  }
0x106: {  	v8 =	vunpack.i.u.bf16.f32 v25;
	v5 =	vld.idx.msk [tilespmem:v26+s16+$0x0], $0xffff;
	[tilespmem:s17+$0x8C30] =	vst v32  }
0x107: {  	v33 =	vor.u32 $0x1, v3;
	v37 =	vunpack.i.l.bf16.f32 v31;
	[tilespmem:s17+$0x9130] =	vst v8  }
0x108: {  	v6 =	vunpack.i.u.bf16.f32 v31;
	[tilespmem:s17+$0x5A60] =	vst v37;
	v7 =	vld.idx.msk [tilespmem:v29+s16+$0x0], $0xffff  }
0x109: {  	v36 =	vadd.s32 $0x4, v0;
	v34 =	vunpack.i.l.bf16.f32 v28;
	[tilespmem:s17+$0x5F60] =	vst v6  }
0x10a: {  	v9 =	vunpack.i.u.bf16.f32 v28;
	[tilespmem:s17+$0x5A50] =	vst v34;
	v6 =	vld.idx.msk [tilespmem:v35+s16+$0x0], $0xffff  }
0x10b: {  	v38 =	vadd.s32 $0x7, v1;
	[tilespmem:s17+$0x5F50] =	vst v9;
	v39 =	vunpack.i.l.bf16.f32 v5  }
0x10c: {  	v4 =	vld.idx.msk [tilespmem:v33+s16+$0x0], $0xffff;
	v5 =	vunpack.i.u.bf16.f32 v5;
	[tilespmem:s17+$0x7840] =	vst v39  }
0x10d: {  	v43 =	vor.u32 $0x2, v2;
	[tilespmem:s17+$0x7D40] =	vst v5;
	v40 =	vunpack.i.l.bf16.f32 v7  }
0x10e: {  	v7 =	vunpack.i.u.bf16.f32 v7;
	v8 =	vld.idx.msk [tilespmem:v36+s16+$0x0], $0xffff;
	[tilespmem:s17+$0x9630] =	vst v40  }
0x10f: {  	v41 =	vor.u32 $0x2, v3;
	v45 =	vunpack.i.l.bf16.f32 v6;
	[tilespmem:s17+$0x9B30] =	vst v7  }
0x110: {  	v6 =	vunpack.i.u.bf16.f32 v6;
	[tilespmem:s17+$0x6460] =	vst v45;
	v9 =	vld.idx.msk [tilespmem:v38+s16+$0x0], $0xffff  }
0x111: {  	v44 =	vadd.s32 $0x5, v0;
	v42 =	vunpack.i.l.bf16.f32 v4;
	[tilespmem:s17+$0x6960] =	vst v6  }
0x112: {  	v4 =	vunpack.i.u.bf16.f32 v4;
	[tilespmem:s17+$0x6450] =	vst v42;
	v49 =	vld.idx.msk [tilespmem:v43+s16+$0x0], $0xffff  }
0x113: {  	v46 =	vadd.s32 $0x8, v1;
	[tilespmem:s17+$0x6950] =	vst v4;
	v47 =	vunpack.i.l.bf16.f32 v8  }
0x114: {  	v5 =	vld.idx.msk [tilespmem:v41+s16+$0x0], $0xffff;
	v48 =	vunpack.i.u.bf16.f32 v8;
	[tilespmem:s17+$0x8240] =	vst v47  }
0x115: {  	v53 =	vor.u32 $0x3, v2;
	[tilespmem:s17+$0x8740] =	vst v48;
	v50 =	vunpack.i.l.bf16.f32 v9  }
0x116: {  	v9 =	vunpack.i.u.bf16.f32 v9;
	v7 =	vld.idx.msk [tilespmem:v44+s16+$0x0], $0xffff;
	[tilespmem:s17+$0xA030] =	vst v50  }
0x117: {  	v51 =	vor.u32 $0x3, v3;
	v55 =	vunpack.i.l.bf16.f32 v49;
	[tilespmem:s17+$0xA530] =	vst v9  }
0x118: {  	v8 =	vunpack.i.u.bf16.f32 v49;
	[tilespmem:s17+$0x6E60] =	vst v55;
	v4 =	vld.idx.msk [tilespmem:v46+s16+$0x0], $0xffff  }
0x119: {  	v54 =	vadd.s32 $0x6, v0;
	v52 =	vunpack.i.l.bf16.f32 v5;
	[tilespmem:s17+$0x7360] =	vst v8  }
0x11a: {  	v5 =	vunpack.i.u.bf16.f32 v5;
	[tilespmem:s17+$0x6E50] =	vst v52;
	v8 =	vld.idx.msk [tilespmem:v53+s16+$0x0], $0xffff  }
0x11b: {  	v56 =	vadd.s32 $0x9, v1;
	v18 =	vld [tilespmem:s17+$0x570];
	[tilespmem:s17+$0x7350] =	vst v5;
	v57 =	vunpack.i.l.bf16.f32 v7  }
0x11c: {  	v6 =	vld.idx.msk [tilespmem:v51+s16+$0x0], $0xffff;
	v7 =	vunpack.i.u.bf16.f32 v7;
	[tilespmem:s17+$0x8C40] =	vst v57  }
0x11d: {  	v61 =	vadd.s32 $0x4, v2;
	[tilespmem:s17+$0x9140] =	vst v7;
	v58 =	vunpack.i.l.bf16.f32 v4  }
0x11e: {  	v4 =	vunpack.i.u.bf16.f32 v4;
	v9 =	vld.idx.msk [tilespmem:v54+s16+$0x0], $0xffff;
	[tilespmem:s17+$0xAA30] =	vst v58  }
0x11f: {  	v59 =	vadd.s32 $0x4, v3;
	v63 =	vunpack.i.l.bf16.f32 v8;
	[tilespmem:s17+$0xAF30] =	vst v4  }
0x120: {  	v23 =	vmul.u32 $0x6, v18;
	v8 =	vunpack.i.u.bf16.f32 v8;
	[tilespmem:s17+$0x7860] =	vst v63;
	v5 =	vld.idx.msk [tilespmem:v56+s16+$0x0], $0xffff  }
0x121: {  	v60 =	vunpack.i.l.bf16.f32 v6;
	[tilespmem:s17+$0x7D60] =	vst v8  }
0x122: {  	v62 =	vadd.s32 $0x7, v0;
	v6 =	vunpack.i.u.bf16.f32 v6;
	[tilespmem:s17+$0x7850] =	vst v60;
	v15 =	vld.idx.msk [tilespmem:v61+s16+$0x0], $0xffff  }
0x123: {  	[tilespmem:s17+$0x7D50] =	vst v6;
	v13 =	vunpack.i.l.bf16.f32 v9  }
0x124: {  	v12 =	vadd.s32 $0xA, v1;
	v7 =	vld.idx.msk [tilespmem:v59+s16+$0x0], $0xffff;
	v14 =	vunpack.i.u.bf16.f32 v9;
	[tilespmem:s17+$0x9640] =	vst v13  }
0x125: {  	v20 =	vadd.s32 $0x5, v2;
	[tilespmem:s17+$0x9B40] =	vst v14;
	v16 =	vunpack.i.l.bf16.f32 v5  }
0x126: {  	v29 =	vld.idx.msk [tilespmem:v23+s14+$0x0], $0xffff;
	v5 =	vunpack.i.u.bf16.f32 v5;
	[tilespmem:s17+$0xB430] =	vst v16  }
0x127: {  	v17 =	vadd.s32 $0x5, v3;
	v4 =	vld.idx.msk [tilespmem:v62+s16+$0x0], $0xffff;
	v22 =	vunpack.i.l.bf16.f32 v15;
	[tilespmem:s17+$0xB930] =	vst v5  }
0x128: {  	v9 =	vunpack.i.u.bf16.f32 v15;
	[tilespmem:s17+$0x8260] =	vst v22  }
0x129: {  	v19 =	vunpack.i.l.bf16.f32 v7;
	[tilespmem:s17+$0x8760] =	vst v9;
	v6 =	vld.idx.msk [tilespmem:v12+s16+$0x0], $0xffff  }
0x12a: {  	s18 =	sor.u32 $0x70, s17;
	v7 =	vunpack.i.u.bf16.f32 v7;
	[tilespmem:s17+$0x8250] =	vst v19;
	v9 =	vld.idx.msk [tilespmem:v20+s16+$0x0], $0xffff  }
0x12b: {  	v36 =	vld [tilespmem:s18+$0x0];
	v37 =	vunpack.i.l.bf16.f32 v29;
	[tilespmem:s17+$0x8750] =	vst v7  }
0x12c: {  	v21 =	vadd.s32 $0x8, v0;
	[tilespmem:s17+$0x1E70] =	vst v37;
	v8 =	vld.idx.msk [tilespmem:v17+s16+$0x0], $0xffff;
	v24 =	vunpack.i.l.bf16.f32 v4  }
0x12d: {  	v28 =	vadd.s32 $0x6, v2;
	v4 =	vunpack.i.u.bf16.f32 v4;
	[tilespmem:s17+$0xA040] =	vst v24  }
0x12e: {  	[tilespmem:s17+$0xA540] =	vst v4;
	v25 =	vunpack.i.l.bf16.f32 v6  }
0x12f: {  	v26 =	vadd.s32 $0x6, v3;
	v57 =	vld [tilespmem:s17+$0xA30];
	v30 =	vunpack.i.l.bf16.f32 v9;
	[tilespmem:s17+$0xBE30] =	vst v25  }
0x130: {  	v9 =	vunpack.i.u.bf16.f32 v9;
	[tilespmem:s17+$0x8C60] =	vst v30  }
0x131: {  	v1 =	vadd.s32 $0xB, v1;
	v5 =	vld.idx.msk [tilespmem:v21+s16+$0x0], $0xffff;
	v27 =	vunpack.i.l.bf16.f32 v8;
	[tilespmem:s17+$0x9160] =	vst v9  }
0x132: {  	v8 =	vunpack.i.u.bf16.f32 v8;
	[tilespmem:s17+$0x8C50] =	vst v27;
	v34 =	vld.idx.msk [tilespmem:v28+s16+$0x0], $0xffff  }
0x133: {  	v33 =	vor.u32 $0x1, v23;
	v6 =	vunpack.i.u.bf16.f32 v6;
	[tilespmem:s17+$0x9150] =	vst v8  }
0x134: {  	v62 =	vcvt.s32.f32 v57;
	[tilespmem:s17+$0xC330] =	vst v6;
	v6 =	vunpack.i.u.bf16.f32 v29;
	v4 =	vld.idx.msk [tilespmem:v26+s16+$0x0], $0xffff  }
0x135: {  	v39 =	vadd.s32 $0x7, v2;
	[tilespmem:s17+$0x2370] =	vst v6  }
0x136: {  	v1 =	vld.idx.msk [tilespmem:v1+s16+$0x0], $0xffff;
	[tilespmem:s17+$0xD230] =	vst v62;
	v32 =	vunpack.i.l.bf16.f32 v5  }
0x137: {  	v35 =	vadd.s32 $0x7, v3;
	[tilespmem:s17+$0xAA40] =	vst v32;
	v41 =	vunpack.i.l.bf16.f32 v34  }
0x138: {  	v9 =	vld.idx.msk [tilespmem:v33+s14+$0x0], $0xffff;
	v8 =	vunpack.i.u.bf16.f32 v34;
	[tilespmem:s17+$0x9660] =	vst v41  }
0x139: {  	v31 =	vadd.s32 $0x9, v0;
	v38 =	vunpack.i.l.bf16.f32 v4;
	[tilespmem:s17+$0x9B60] =	vst v8  }
0x13a: {  	v4 =	vunpack.i.u.bf16.f32 v4;
	[tilespmem:s17+$0x9650] =	vst v38;
	v6 =	vld.idx.msk [tilespmem:v39+s16+$0x0], $0xffff  }
0x13b: {  	v42 =	vadd.s32 $0x2, v23;
	v5 =	vunpack.i.u.bf16.f32 v5;
	[tilespmem:s17+$0x9B50] =	vst v4  }
0x13c: {  	[tilespmem:s17+$0xAF40] =	vst v5;
	v40 =	vunpack.i.l.bf16.f32 v1;
	v1 =	vunpack.i.u.bf16.f32 v1;
	v4 =	vld.idx.msk [tilespmem:v35+s16+$0x0], $0xffff  }
0x13d: {  	v48 =	vadd.s32 $0x8, v2;
	v45 =	vunpack.i.l.bf16.f32 v9;
	[tilespmem:s17+$0xCD30] =	vst v1  }
0x13e: {  	v11 =	vld.idx.msk [tilespmem:v31+s16+$0x0], $0xffff;
	v9 =	vunpack.i.u.bf16.f32 v9;
	[tilespmem:s17+$0x2870] =	vst v45  }
0x13f: {  	v44 =	vadd.s32 $0x8, v3;
	[tilespmem:s17+$0x2D70] =	vst v9;
	v49 =	vunpack.i.l.bf16.f32 v6  }
0x140: {  	v5 =	vld.idx.msk [tilespmem:v42+s14+$0x0], $0xffff;
	v6 =	vunpack.i.u.bf16.f32 v6;
	[tilespmem:s17+$0xA060] =	vst v49  }
0x141: {  	v46 =	vadd.s32 $0xA, v0;
	v47 =	vunpack.i.l.bf16.f32 v4;
	[tilespmem:s17+$0xA560] =	vst v6  }
0x142: {  	v4 =	vunpack.i.u.bf16.f32 v4;
	[tilespmem:s17+$0xA050] =	vst v47;
	v6 =	vld.idx.msk [tilespmem:v48+s16+$0x0], $0xffff  }
0x143: {  	v50 =	vadd.s32 $0x3, v23;
	v43 =	vunpack.i.l.bf16.f32 v11;
	[tilespmem:s17+$0xA550] =	vst v4  }
0x144: {  	v11 =	vunpack.i.u.bf16.f32 v11;
	[tilespmem:s17+$0xB440] =	vst v43;
	v4 =	vld.idx.msk [tilespmem:v44+s16+$0x0], $0xffff  }
0x145: {  	v54 =	vadd.s32 $0x9, v2;
	[tilespmem:s17+$0xB940] =	vst v11;
	v52 =	vunpack.i.l.bf16.f32 v5  }
0x146: {  	v11 =	vld.idx.msk [tilespmem:v46+s16+$0x0], $0xffff;
	v5 =	vunpack.i.u.bf16.f32 v5;
	[tilespmem:s17+$0x3270] =	vst v52  }
0x147: {  	v51 =	vadd.s32 $0x9, v3;
	[tilespmem:s17+$0x3770] =	vst v5;
	v56 =	vunpack.i.l.bf16.f32 v6  }
0x148: {  	v8 =	vld.idx.msk [tilespmem:v50+s14+$0x0], $0xffff;
	v6 =	vunpack.i.u.bf16.f32 v6;
	[tilespmem:s17+$0xAA60] =	vst v56  }
0x149: {  	v53 =	vunpack.i.l.bf16.f32 v4;
	[tilespmem:s17+$0xAF60] =	vst v6  }
0x14a: {  	v4 =	vunpack.i.u.bf16.f32 v4;
	[tilespmem:s17+$0xAA50] =	vst v53;
	v5 =	vld.idx.msk [tilespmem:v54+s16+$0x0], $0xffff  }
0x14b: {  	v58 =	vadd.s32 $0x4, v23;
	v55 =	vunpack.i.l.bf16.f32 v11;
	[tilespmem:s17+$0xAF50] =	vst v4  }
0x14c: {  	v11 =	vunpack.i.u.bf16.f32 v11;
	[tilespmem:s17+$0xBE40] =	vst v55;
	v1 =	vld.idx.msk [tilespmem:v51+s16+$0x0], $0xffff  }
0x14d: {  	v0 =	vadd.s32 $0xB, v0;
	[tilespmem:s17+$0xC340] =	vst v11;
	v60 =	vunpack.i.l.bf16.f32 v8  }
0x14e: {  	v63 =	vadd.s32 $0xA, v2;
	v16 =	vld [tilespmem:s17+$0xA40];
	v8 =	vunpack.i.u.bf16.f32 v8;
	[tilespmem:s17+$0x3C70] =	vst v60  }
0x14f: {  	v59 =	vadd.s32 $0xA, v3;
	[tilespmem:s17+$0x4170] =	vst v8;
	v12 =	vunpack.i.l.bf16.f32 v5  }
0x150: {  	v4 =	vld.idx.msk [tilespmem:v58+s14+$0x0], $0xffff;
	v5 =	vunpack.i.u.bf16.f32 v5;
	[tilespmem:s17+$0xB460] =	vst v12  }
0x151: {  	v61 =	vunpack.i.l.bf16.f32 v1;
	[tilespmem:s17+$0xB960] =	vst v5  }
0x152: {  	v0 =	vld.idx.msk [tilespmem:v0+s16+$0x0], $0xffff;
	v1 =	vunpack.i.u.bf16.f32 v1;
	[tilespmem:s17+$0xB450] =	vst v61  }
0x153: {  	v13 =	vadd.s32 $0x5, v23;
	v20 =	vcvt.s32.f32 v16;
	[tilespmem:s17+$0xB950] =	vst v1;
	v5 =	vld.idx.msk [tilespmem:v63+s16+$0x0], $0xffff  }
0x154: {  	[tilespmem:s17+$0xC830] =	vst v40;
	v1 =	vld.idx.msk [tilespmem:v59+s16+$0x0], $0xffff  }
0x155: {  	[tilespmem:s17+$0xD240] =	vst v20;
	v15 =	vunpack.i.l.bf16.f32 v4  }
0x156: {  	v4 =	vunpack.i.u.bf16.f32 v4;
	[tilespmem:s17+$0x4670] =	vst v15  }
0x157: {  	v2 =	vadd.s32 $0xB, v2;
	v14 =	vunpack.i.l.bf16.f32 v0;
	[tilespmem:s17+$0x4B70] =	vst v4  }
0x158: {  	[tilespmem:s17+$0xC840] =	vst v14;
	v4 =	vld.idx.msk [tilespmem:v13+s14+$0x0], $0xffff;
	v19 =	vunpack.i.l.bf16.f32 v5  }
0x159: {  	v3 =	vadd.s32 $0xB, v3;
	v23 =	vld [tilespmem:s17+$0xA60];
	v17 =	vunpack.i.l.bf16.f32 v1;
	v1 =	vunpack.i.u.bf16.f32 v1;
	[tilespmem:s17+$0xBE60] =	vst v19  }
0x15a: {  	v21 =	vld [tilespmem:s17+$0xA50];
	v5 =	vunpack.i.u.bf16.f32 v5;
	[tilespmem:s17+$0xC350] =	vst v1;
	v1 =	vmul.u32 $0xC, v36  }
0x15b: {  	v0 =	vunpack.i.u.bf16.f32 v0;
	[tilespmem:s17+$0xC360] =	vst v5  }
0x15c: {  	[tilespmem:s17+$0xCD40] =	vst v0;
	v2 =	vld.idx.msk [tilespmem:v2+s16+$0x0], $0xffff  }
0x15d: {  	v22 =	vunpack.i.l.bf16.f32 v4;
	[tilespmem:s17+$0xBE50] =	vst v17  }
0x15e: {  	v27 =	vcvt.s32.f32 v23;
	v4 =	vunpack.i.u.bf16.f32 v4;
	[tilespmem:s17+$0x5070] =	vst v22;
	v18 =	vld.idx.msk [tilespmem:v3+s16+$0x0], $0xffff  }
0x15f: {  	v25 =	vcvt.s32.f32 v21;
	[tilespmem:s17+$0x5570] =	vst v4  }
0x160: {  	[tilespmem:s17+$0xD260] =	vst v27;
	v4 =	vld.idx.msk [tilespmem:v1+s16+$0x0], $0xffff  }
0x161: {  	[tilespmem:s17+$0xD250] =	vst v25;
	v26 =	vunpack.i.l.bf16.f32 v2  }
0x162: {  	v2 =	vunpack.i.u.bf16.f32 v2;
	[tilespmem:s17+$0xC860] =	vst v26  }
0x163: {  	v24 =	vunpack.i.l.bf16.f32 v18;
	[tilespmem:s17+$0xCD60] =	vst v2  }
0x164: {  	v0 =	vunpack.i.u.bf16.f32 v18;
	[tilespmem:s17+$0xC850] =	vst v24  }
0x165: {  	[tilespmem:s17+$0xCD50] =	vst v0;
	v28 =	vunpack.i.l.bf16.f32 v4  }
0x166: {  	v0 =	vld [tilespmem:s17+$0xA70];
	[tilespmem:s17+$0x5A70] =	vst v28  }
0x167: {  	v2 =	vld [tilespmem:s17+$0x580];
	_ =	sdelay $0x3  }
0x168: {  	v33 =	vor.u32 $0x1, v1  }
0x169: {  	v2 =	vmul.u32 $0x6, v2;
	_ =	sdelay $0x1  }
0x16a: {  	v4 =	vunpack.i.u.bf16.f32 v4  }
0x16b: {  	[tilespmem:s17+$0x5F70] =	vst v4  }
0x16c: {  	v5 =	vld.idx.msk [tilespmem:v33+s16+$0x0], $0xffff;
	_ =	sdelay $0x1  }
0x16d: {  	v29 =	vld.idx.msk [tilespmem:v2+s14+$0x0], $0xffff  }
0x16e: {  	v36 =	vor.u32 $0x2, v1;
	_ =	sdelay $0x1  }
0x16f: {  	v37 =	vunpack.i.l.bf16.f32 v5;
	v30 =	vor.u32 $0x1, v2  }
0x170: {  	s18 =	sor.u32 $0x80, s17;
	v5 =	vunpack.i.u.bf16.f32 v5;
	[tilespmem:s17+$0x6470] =	vst v37  }
0x171: {  	v31 =	vld [tilespmem:s18+$0x0];
	[tilespmem:s17+$0x6970] =	vst v5;
	v32 =	vunpack.i.l.bf16.f32 v29  }
0x172: {  	v4 =	vld.idx.msk [tilespmem:v36+s16+$0x0], $0xffff;
	v3 =	vunpack.i.u.bf16.f32 v29;
	[tilespmem:s17+$0x1E80] =	vst v32  }
0x173: {  	[tilespmem:s17+$0x2380] =	vst v3  }
0x174: {  	v3 =	vld.idx.msk [tilespmem:v30+s14+$0x0], $0xffff  }
0x175: {  	v40 =	vor.u32 $0x3, v1;
	_ =	sdelay $0x1  }
0x176: {  	v34 =	vadd.s32 $0x2, v2;
	v41 =	vunpack.i.l.bf16.f32 v4  }
0x177: {  	v4 =	vunpack.i.u.bf16.f32 v4;
	[tilespmem:s17+$0x6E70] =	vst v41  }
0x178: {  	[tilespmem:s17+$0x7370] =	vst v4;
	v35 =	vunpack.i.l.bf16.f32 v3  }
0x179: {  	v5 =	vld.idx.msk [tilespmem:v40+s16+$0x0], $0xffff;
	v3 =	vunpack.i.u.bf16.f32 v3;
	[tilespmem:s17+$0x2880] =	vst v35  }
0x17a: {  	[tilespmem:s17+$0x2D80] =	vst v3  }
0x17b: {  	v3 =	vld.idx.msk [tilespmem:v34+s14+$0x0], $0xffff  }
0x17c: {  	v44 =	vadd.s32 $0x4, v1;
	_ =	sdelay $0x1  }
0x17d: {  	v38 =	vadd.s32 $0x3, v2;
	v45 =	vunpack.i.l.bf16.f32 v5  }
0x17e: {  	v5 =	vunpack.i.u.bf16.f32 v5;
	[tilespmem:s17+$0x7870] =	vst v45  }
0x17f: {  	[tilespmem:s17+$0x7D70] =	vst v5;
	v39 =	vunpack.i.l.bf16.f32 v3  }
0x180: {  	v4 =	vld.idx.msk [tilespmem:v44+s16+$0x0], $0xffff;
	v3 =	vunpack.i.u.bf16.f32 v3;
	[tilespmem:s17+$0x3280] =	vst v39  }
0x181: {  	[tilespmem:s17+$0x3780] =	vst v3  }
0x182: {  	v3 =	vld.idx.msk [tilespmem:v38+s14+$0x0], $0xffff  }
0x183: {  	v47 =	vadd.s32 $0x5, v1;
	_ =	sdelay $0x1  }
0x184: {  	v42 =	vadd.s32 $0x4, v2;
	v48 =	vunpack.i.l.bf16.f32 v4  }
0x185: {  	v4 =	vunpack.i.u.bf16.f32 v4;
	[tilespmem:s17+$0x8270] =	vst v48  }
0x186: {  	[tilespmem:s17+$0x8770] =	vst v4;
	v43 =	vunpack.i.l.bf16.f32 v3  }
0x187: {  	v5 =	vld.idx.msk [tilespmem:v47+s16+$0x0], $0xffff;
	v3 =	vunpack.i.u.bf16.f32 v3;
	[tilespmem:s17+$0x3C80] =	vst v43  }
0x188: {  	v52 =	vld [tilespmem:s17+$0x5A0];
	[tilespmem:s17+$0x4180] =	vst v3  }
0x189: {  	v3 =	vld.idx.msk [tilespmem:v42+s14+$0x0], $0xffff  }
0x18a: {  	v51 =	vadd.s32 $0x6, v1;
	_ =	sdelay $0x1  }
0x18b: {  	v2 =	vadd.s32 $0x5, v2;
	v53 =	vunpack.i.l.bf16.f32 v5;
	v5 =	vunpack.i.u.bf16.f32 v5  }
0x18c: {  	[tilespmem:s17+$0x9170] =	vst v5;
	v5 =	vmul.u32 $0x6, v52  }
0x18d: {  	[tilespmem:s17+$0x8C70] =	vst v53;
	v46 =	vunpack.i.l.bf16.f32 v3  }
0x18e: {  	v6 =	vld.idx.msk [tilespmem:v51+s16+$0x0], $0xffff;
	v3 =	vunpack.i.u.bf16.f32 v3;
	[tilespmem:s17+$0x4680] =	vst v46  }
0x18f: {  	[tilespmem:s17+$0x4B80] =	vst v3  }
0x190: {  	v2 =	vld.idx.msk [tilespmem:v2+s14+$0x0], $0xffff  }
0x191: {  	v56 =	vadd.s32 $0x7, v1;
	v50 =	vld [tilespmem:s17+$0x590]  }
0x192: {  	v60 =	vld.idx.msk [tilespmem:v5+s14+$0x0], $0xffff;
	v3 =	vmul.u32 $0xC, v31  }
0x193: {  	v58 =	vunpack.i.l.bf16.f32 v6  }
0x194: {  	s18 =	sor.u32 $0x90, s17;
	v6 =	vunpack.i.u.bf16.f32 v6;
	[tilespmem:s17+$0x9670] =	vst v58  }
0x195: {  	v63 =	vld [tilespmem:s18+$0x0];
	v17 =	vor.u32 $0x1, v5;
	[tilespmem:s17+$0x9B70] =	vst v6;
	v49 =	vunpack.i.l.bf16.f32 v2;
	v2 =	vunpack.i.u.bf16.f32 v2  }
0x196: {  	s18 =	sor.u32 $0xA0, s17;
	v7 =	vld.idx.msk [tilespmem:v56+s16+$0x0], $0xffff;
	[tilespmem:s17+$0x5580] =	vst v2;
	v2 =	vmul.u32 $0x6, v50  }
0x197: {  	v19 =	vld [tilespmem:s18+$0x0];
	v20 =	vunpack.i.l.bf16.f32 v60;
	[tilespmem:s17+$0x5080] =	vst v49  }
0x198: {  	v9 =	vunpack.i.u.bf16.f32 v60;
	[tilespmem:s17+$0x1EA0] =	vst v20;
	v4 =	vld.idx.msk [tilespmem:v3+s16+$0x0], $0xffff  }
0x199: {  	v18 =	vadd.s32 $0x8, v1;
	[tilespmem:s17+$0x23A0] =	vst v9  }
0x19a: {  	v9 =	vld.idx.msk [tilespmem:v17+s14+$0x0], $0xffff  }
0x19b: {  	v54 =	vor.u32 $0x1, v3;
	v21 =	vunpack.i.l.bf16.f32 v7  }
0x19c: {  	v7 =	vunpack.i.u.bf16.f32 v7;
	[tilespmem:s17+$0xA070] =	vst v21;
	v57 =	vld.idx.msk [tilespmem:v2+s14+$0x0], $0xffff  }
0x19d: {  	v26 =	vadd.s32 $0x2, v5;
	[tilespmem:s17+$0xA570] =	vst v7;
	v55 =	vunpack.i.l.bf16.f32 v4  }
0x19e: {  	v6 =	vld.idx.msk [tilespmem:v18+s16+$0x0], $0xffff;
	v4 =	vunpack.i.u.bf16.f32 v4;
	[tilespmem:s17+$0x5A80] =	vst v55  }
0x19f: {  	v29 =	vunpack.i.l.bf16.f32 v9;
	v62 =	vor.u32 $0x1, v2;
	[tilespmem:s17+$0x5F80] =	vst v4  }
0x1a0: {  	v9 =	vunpack.i.u.bf16.f32 v9;
	[tilespmem:s17+$0x28A0] =	vst v29;
	v4 =	vld.idx.msk [tilespmem:v54+s16+$0x0], $0xffff  }
0x1a1: {  	v28 =	vadd.s32 $0x9, v1;
	[tilespmem:s17+$0x2DA0] =	vst v9;
	v16 =	vunpack.i.l.bf16.f32 v57  }
0x1a2: {  	v9 =	vld.idx.msk [tilespmem:v26+s14+$0x0], $0xffff;
	v8 =	vunpack.i.u.bf16.f32 v57;
	[tilespmem:s17+$0x1E90] =	vst v16  }
0x1a3: {  	v59 =	vor.u32 $0x2, v3;
	v30 =	vunpack.i.l.bf16.f32 v6;
	[tilespmem:s17+$0x2390] =	vst v8  }
0x1a4: {  	v6 =	vunpack.i.u.bf16.f32 v6;
	[tilespmem:s17+$0xAA70] =	vst v30;
	v11 =	vld.idx.msk [tilespmem:v62+s14+$0x0], $0xffff  }
0x1a5: {  	v36 =	vadd.s32 $0x3, v5;
	[tilespmem:s17+$0xAF70] =	vst v6;
	v61 =	vunpack.i.l.bf16.f32 v4  }
0x1a6: {  	v7 =	vld.idx.msk [tilespmem:v28+s16+$0x0], $0xffff;
	v4 =	vunpack.i.u.bf16.f32 v4;
	[tilespmem:s17+$0x6480] =	vst v61  }
0x1a7: {  	v24 =	vadd.s32 $0x2, v2;
	v39 =	vunpack.i.l.bf16.f32 v9;
	[tilespmem:s17+$0x6980] =	vst v4  }
0x1a8: {  	v9 =	vunpack.i.u.bf16.f32 v9;
	[tilespmem:s17+$0x32A0] =	vst v39;
	v10 =	vld.idx.msk [tilespmem:v59+s16+$0x0], $0xffff  }
0x1a9: {  	v38 =	vadd.s32 $0xA, v1;
	[tilespmem:s17+$0x37A0] =	vst v9;
	v25 =	vunpack.i.l.bf16.f32 v11  }
0x1aa: {  	v9 =	vld.idx.msk [tilespmem:v36+s14+$0x0], $0xffff;
	v11 =	vunpack.i.u.bf16.f32 v11;
	[tilespmem:s17+$0x2890] =	vst v25  }
0x1ab: {  	v22 =	vor.u32 $0x3, v3;
	v40 =	vunpack.i.l.bf16.f32 v7;
	[tilespmem:s17+$0x2D90] =	vst v11  }
0x1ac: {  	v7 =	vunpack.i.u.bf16.f32 v7;
	[tilespmem:s17+$0xB470] =	vst v40;
	v12 =	vld.idx.msk [tilespmem:v24+s14+$0x0], $0xffff  }
0x1ad: {  	v46 =	vadd.s32 $0x4, v5;
	[tilespmem:s17+$0xB970] =	vst v7;
	v23 =	vunpack.i.l.bf16.f32 v10  }
0x1ae: {  	v6 =	vld.idx.msk [tilespmem:v38+s16+$0x0], $0xffff;
	v10 =	vunpack.i.u.bf16.f32 v10;
	[tilespmem:s17+$0x6E80] =	vst v23  }
0x1af: {  	v33 =	vadd.s32 $0x3, v2;
	v48 =	vunpack.i.l.bf16.f32 v9;
	[tilespmem:s17+$0x7380] =	vst v10  }
0x1b0: {  	v9 =	vunpack.i.u.bf16.f32 v9;
	[tilespmem:s17+$0x3CA0] =	vst v48;
	v27 =	vld.idx.msk [tilespmem:v22+s16+$0x0], $0xffff  }
0x1b1: {  	v1 =	vadd.s32 $0xB, v1;
	[tilespmem:s17+$0x41A0] =	vst v9;
	v35 =	vunpack.i.l.bf16.f32 v12  }
0x1b2: {  	v52 =	vld.idx.msk [tilespmem:v46+s14+$0x0], $0xffff;
	v12 =	vunpack.i.u.bf16.f32 v12;
	[tilespmem:s17+$0x3290] =	vst v35  }
0x1b3: {  	v31 =	vadd.s32 $0x4, v3;
	v49 =	vunpack.i.l.bf16.f32 v6;
	[tilespmem:s17+$0x3790] =	vst v12  }
0x1b4: {  	v6 =	vunpack.i.u.bf16.f32 v6;
	[tilespmem:s17+$0xBE70] =	vst v49;
	v10 =	vld.idx.msk [tilespmem:v33+s14+$0x0], $0xffff  }
0x1b5: {  	v5 =	vadd.s32 $0x5, v5;
	[tilespmem:s17+$0xC370] =	vst v6;
	v32 =	vunpack.i.l.bf16.f32 v27  }
0x1b6: {  	v1 =	vld.idx.msk [tilespmem:v1+s16+$0x0], $0xffff;
	v34 =	vunpack.i.u.bf16.f32 v27;
	[tilespmem:s17+$0x7880] =	vst v32  }
0x1b7: {  	v43 =	vadd.s32 $0x4, v2;
	v56 =	vunpack.i.l.bf16.f32 v52;
	[tilespmem:s17+$0x7D80] =	vst v34  }
0x1b8: {  	v57 =	vunpack.i.u.bf16.f32 v52;
	[tilespmem:s17+$0x46A0] =	vst v56;
	v37 =	vld.idx.msk [tilespmem:v31+s16+$0x0], $0xffff  }
0x1b9: {  	[tilespmem:s17+$0x4BA0] =	vst v57;
	v45 =	vunpack.i.l.bf16.f32 v10  }
0x1ba: {  	v60 =	vld.idx.msk [tilespmem:v5+s14+$0x0], $0xffff;
	v10 =	vunpack.i.u.bf16.f32 v10;
	[tilespmem:s17+$0x3C90] =	vst v45  }
0x1bb: {  	v51 =	vld [tilespmem:s17+$0x5B0];
	v41 =	vadd.s32 $0x5, v3;
	v58 =	vunpack.i.l.bf16.f32 v1;
	v1 =	vunpack.i.u.bf16.f32 v1;
	[tilespmem:s17+$0x4190] =	vst v10  }
0x1bc: {  	[tilespmem:s17+$0xCD70] =	vst v1;
	v1 =	vmul.u32 $0xC, v19;
	v10 =	vld.idx.msk [tilespmem:v43+s14+$0x0], $0xffff  }
0x1bd: {  	v42 =	vunpack.i.l.bf16.f32 v37  }
0x1be: {  	v44 =	vunpack.i.u.bf16.f32 v37;
	[tilespmem:s17+$0x8280] =	vst v42  }
0x1bf: {  	v2 =	vadd.s32 $0x5, v2;
	v19 =	vunpack.i.l.bf16.f32 v60;
	[tilespmem:s17+$0x8780] =	vst v44  }
0x1c0: {  	v6 =	vmul.u32 $0x6, v51;
	v4 =	vunpack.i.u.bf16.f32 v60;
	[tilespmem:s17+$0x50A0] =	vst v19;
	v47 =	vld.idx.msk [tilespmem:v41+s16+$0x0], $0xffff  }
0x1c1: {  	[tilespmem:s17+$0x55A0] =	vst v4;
	v55 =	vunpack.i.l.bf16.f32 v10  }
0x1c2: {  	v25 =	vld.idx.msk [tilespmem:v1+s16+$0x0], $0xffff;
	v10 =	vunpack.i.u.bf16.f32 v10;
	[tilespmem:s17+$0x4690] =	vst v55  }
0x1c3: {  	v0 =	vcvt.s32.f32 v0;
	v50 =	vadd.s32 $0x6, v3;
	[tilespmem:s17+$0x4B90] =	vst v10  }
0x1c4: {  	v10 =	vld.idx.msk [tilespmem:v2+s14+$0x0], $0xffff  }
0x1c5: {  	[tilespmem:s17+$0xD270] =	vst v0;
	v31 =	vor.u32 $0x1, v1;
	v53 =	vunpack.i.l.bf16.f32 v47  }
0x1c6: {  	v54 =	vunpack.i.u.bf16.f32 v47;
	v2 =	vmul.u32 $0xC, v63;
	v63 =	vld.idx.msk [tilespmem:v6+s14+$0x0], $0xffff;
	[tilespmem:s17+$0x8C80] =	vst v53  }
0x1c7: {  	v32 =	vunpack.i.l.bf16.f32 v25;
	[tilespmem:s17+$0x9180] =	vst v54  }
0x1c8: {  	v12 =	vunpack.i.u.bf16.f32 v25;
	[tilespmem:s17+$0x5AA0] =	vst v32;
	v11 =	vld.idx.msk [tilespmem:v50+s16+$0x0], $0xffff  }
0x1c9: {  	v20 =	vor.u32 $0x1, v6;
	[tilespmem:s17+$0x5FA0] =	vst v12;
	v16 =	vunpack.i.l.bf16.f32 v10  }
0x1ca: {  	s18 =	sor.u32 $0xB0, s17;
	v9 =	vld.idx.msk [tilespmem:v31+s16+$0x0], $0xffff;
	v18 =	vunpack.i.u.bf16.f32 v10;
	[tilespmem:s17+$0x5090] =	vst v16  }
0x1cb: {  	v59 =	vadd.s32 $0x7, v3;
	v23 =	vld [tilespmem:s18+$0x0];
	v24 =	vunpack.i.l.bf16.f32 v63;
	[tilespmem:s17+$0x5590] =	vst v18  }
0x1cc: {  	v7 =	vunpack.i.u.bf16.f32 v63;
	[tilespmem:s17+$0x1EB0] =	vst v24;
	v21 =	vld.idx.msk [tilespmem:v2+s16+$0x0], $0xffff  }
0x1cd: {  	v40 =	vor.u32 $0x2, v1;
	[tilespmem:s17+$0x23B0] =	vst v7;
	v61 =	vunpack.i.l.bf16.f32 v11  }
0x1ce: {  	v62 =	vunpack.i.u.bf16.f32 v11;
	v29 =	vld.idx.msk [tilespmem:v20+s14+$0x0], $0xffff;
	[tilespmem:s17+$0x9680] =	vst v61  }
0x1cf: {  	v41 =	vunpack.i.l.bf16.f32 v9;
	v27 =	vor.u32 $0x1, v2;
	[tilespmem:s17+$0x9B80] =	vst v62  }
0x1d0: {  	v9 =	vunpack.i.u.bf16.f32 v9;
	[tilespmem:s17+$0x64A0] =	vst v41;
	v17 =	vld.idx.msk [tilespmem:v59+s16+$0x0], $0xffff  }
0x1d1: {  	v33 =	vadd.s32 $0x2, v6;
	[tilespmem:s17+$0x69A0] =	vst v9;
	v10 =	vunpack.i.u.bf16.f32 v21  }
0x1d2: {  	v30 =	vunpack.i.l.bf16.f32 v21;
	[tilespmem:s17+$0x5F90] =	vst v10;
	v10 =	vld.idx.msk [tilespmem:v40+s16+$0x0], $0xffff  }
0x1d3: {  	v36 =	vunpack.i.l.bf16.f32 v29;
	[tilespmem:s17+$0x5A90] =	vst v30  }
0x1d4: {  	v22 =	vadd.s32 $0x8, v3;
	v8 =	vunpack.i.u.bf16.f32 v29;
	[tilespmem:s17+$0x28B0] =	vst v36;
	v34 =	vld.idx.msk [tilespmem:v27+s16+$0x0], $0xffff  }
0x1d5: {  	v12 =	vld [tilespmem:s17+$0x5C0];
	[tilespmem:s17+$0x2DB0] =	vst v8;
	v26 =	vunpack.i.l.bf16.f32 v17  }
0x1d6: {  	v49 =	vor.u32 $0x3, v1;
	v28 =	vunpack.i.u.bf16.f32 v17;
	v8 =	vld.idx.msk [tilespmem:v33+s14+$0x0], $0xffff;
	[tilespmem:s17+$0xA080] =	vst v26  }
0x1d7: {  	[tilespmem:s17+$0xA580] =	vst v28;
	v51 =	vunpack.i.l.bf16.f32 v10  }
0x1d8: {  	v38 =	vor.u32 $0x2, v2;
	v10 =	vunpack.i.u.bf16.f32 v10;
	[tilespmem:s17+$0x6EA0] =	vst v51  }
0x1d9: {  	v42 =	vadd.s32 $0x3, v6;
	v5 =	vld.idx.msk [tilespmem:v22+s16+$0x0], $0xffff;
	v39 =	vunpack.i.l.bf16.f32 v34;
	[tilespmem:s17+$0x73A0] =	vst v10  }
0x1da: {  	v4 =	vmul.u32 $0x6, v12;
	v11 =	vunpack.i.u.bf16.f32 v34;
	[tilespmem:s17+$0x6490] =	vst v39  }
0x1db: {  	v45 =	vunpack.i.l.bf16.f32 v8;
	[tilespmem:s17+$0x6990] =	vst v11;
	v9 =	vld.idx.msk [tilespmem:v49+s16+$0x0], $0xffff  }
0x1dc: {  	v8 =	vunpack.i.u.bf16.f32 v8;
	[tilespmem:s17+$0x32B0] =	vst v45  }
0x1dd: {  	v35 =	vadd.s32 $0x9, v3;
	[tilespmem:s17+$0x37B0] =	vst v8;
	v43 =	vld.idx.msk [tilespmem:v38+s16+$0x0], $0xffff  }
0x1de: {  	[tilespmem:s17+$0xC870] =	vst v58;
	v37 =	vunpack.i.l.bf16.f32 v5;
	v8 =	vld.idx.msk [tilespmem:v42+s14+$0x0], $0xffff  }
0x1df: {  	v59 =	vadd.s32 $0x4, v1;
	v5 =	vunpack.i.u.bf16.f32 v5;
	[tilespmem:s17+$0xAA80] =	vst v37  }
0x1e0: {  	v24 =	vld.idx.msk [tilespmem:v4+s14+$0x0], $0xffff;
	[tilespmem:s17+$0xAF80] =	vst v5;
	v61 =	vunpack.i.l.bf16.f32 v9  }
0x1e1: {  	v47 =	vor.u32 $0x3, v2;
	v9 =	vunpack.i.u.bf16.f32 v9;
	[tilespmem:s17+$0x78A0] =	vst v61  }
0x1e2: {  	v7 =	vld.idx.msk [tilespmem:v35+s16+$0x0], $0xffff;
	v48 =	vunpack.i.l.bf16.f32 v43;
	[tilespmem:s17+$0x7DA0] =	vst v9  }
0x1e3: {  	v52 =	vadd.s32 $0x4, v6;
	v54 =	vunpack.i.l.bf16.f32 v8;
	v8 =	vunpack.i.u.bf16.f32 v8;
	[tilespmem:s17+$0x6E90] =	vst v48  }
0x1e4: {  	s18 =	sor.u32 $0xC0, s17;
	v50 =	vunpack.i.u.bf16.f32 v43;
	[tilespmem:s17+$0x41B0] =	vst v8;
	v8 =	vld.idx.msk [tilespmem:v59+s16+$0x0], $0xffff  }
0x1e5: {  	v44 =	vadd.s32 $0xA, v3;
	v31 =	vunpack.i.l.bf16.f32 v24;
	v30 =	vld [tilespmem:s18+$0x0];
	[tilespmem:s17+$0x7390] =	vst v50  }
0x1e6: {  	[tilespmem:s17+$0x1EC0] =	vst v31;
	v53 =	vld.idx.msk [tilespmem:v47+s16+$0x0], $0xffff  }
0x1e7: {  	[tilespmem:s17+$0x3CB0] =	vst v54;
	v46 =	vunpack.i.l.bf16.f32 v7  }
0x1e8: {  	v15 =	vadd.s32 $0x5, v1;
	v7 =	vunpack.i.u.bf16.f32 v7;
	v57 =	vld.idx.msk [tilespmem:v52+s14+$0x0], $0xffff;
	[tilespmem:s17+$0xB480] =	vst v46  }
0x1e9: {  	[tilespmem:s17+$0xB980] =	vst v7;
	v17 =	vunpack.i.l.bf16.f32 v8  }
0x1ea: {  	v56 =	vadd.s32 $0x4, v2;
	v5 =	vld.idx.msk [tilespmem:v44+s16+$0x0], $0xffff;
	v8 =	vunpack.i.u.bf16.f32 v8;
	[tilespmem:s17+$0x82A0] =	vst v17  }
0x1eb: {  	v16 =	vld [tilespmem:s17+$0xA80];
	v58 =	vunpack.i.l.bf16.f32 v53;
	[tilespmem:s17+$0x87A0] =	vst v8  }
0x1ec: {  	v6 =	vadd.s32 $0x5, v6;
	v60 =	vunpack.i.u.bf16.f32 v53;
	[tilespmem:s17+$0x7890] =	vst v58  }
0x1ed: {  	v3 =	vadd.s32 $0xB, v3;
	v62 =	vunpack.i.l.bf16.f32 v57;
	[tilespmem:s17+$0x7D90] =	vst v60;
	v8 =	vld.idx.msk [tilespmem:v15+s16+$0x0], $0xffff  }
0x1ee: {  	v7 =	vunpack.i.u.bf16.f32 v57;
	[tilespmem:s17+$0x46B0] =	vst v62  }
0x1ef: {  	v0 =	vmul.u32 $0xC, v23;
	[tilespmem:s17+$0x4BB0] =	vst v7;
	v55 =	vunpack.i.l.bf16.f32 v5;
	v10 =	vld.idx.msk [tilespmem:v56+s16+$0x0], $0xffff  }
0x1f0: {  	v23 =	vadd.s32 $0x6, v1;
	v19 =	vcvt.s32.f32 v16;
	v5 =	vunpack.i.u.bf16.f32 v5;
	[tilespmem:s17+$0xBE80] =	vst v55  }
0x1f1: {  	v6 =	vld.idx.msk [tilespmem:v6+s14+$0x0], $0xffff;
	[tilespmem:s17+$0xC380] =	vst v5  }
0x1f2: {  	v63 =	vadd.s32 $0x5, v2;
	v3 =	vld.idx.msk [tilespmem:v3+s16+$0x0], $0xffff;
	[tilespmem:s17+$0xD280] =	vst v19;
	v25 =	vunpack.i.l.bf16.f32 v8  }
0x1f3: {  	v8 =	vunpack.i.u.bf16.f32 v8;
	[tilespmem:s17+$0x8CA0] =	vst v25  }
0x1f4: {  	v14 =	vunpack.i.l.bf16.f32 v10;
	[tilespmem:s17+$0x91A0] =	vst v8  }
0x1f5: {  	v10 =	vunpack.i.u.bf16.f32 v10;
	[tilespmem:s17+$0x8290] =	vst v14;
	v7 =	vld.idx.msk [tilespmem:v23+s16+$0x0], $0xffff  }
0x1f6: {  	v28 =	vor.u32 $0x1, v4;
	v18 =	vunpack.i.l.bf16.f32 v6;
	[tilespmem:s17+$0x8790] =	vst v10  }
0x1f7: {  	v6 =	vunpack.i.u.bf16.f32 v6;
	[tilespmem:s17+$0x50B0] =	vst v18;
	v5 =	vld.idx.msk [tilespmem:v63+s16+$0x0], $0xffff  }
0x1f8: {  	v33 =	vadd.s32 $0x7, v1;
	[tilespmem:s17+$0x55B0] =	vst v6;
	v6 =	vunpack.i.u.bf16.f32 v24  }
0x1f9: {  	v13 =	vunpack.i.l.bf16.f32 v3;
	v3 =	vunpack.i.u.bf16.f32 v3;
	v21 =	vld.idx.msk [tilespmem:v0+s16+$0x0], $0xffff;
	[tilespmem:s17+$0x23C0] =	vst v6  }
0x1fa: {  	v20 =	vadd.s32 $0x6, v2;
	[tilespmem:s17+$0xCD80] =	vst v3;
	v35 =	vunpack.i.l.bf16.f32 v7  }
0x1fb: {  	v8 =	vld.idx.msk [tilespmem:v28+s14+$0x0], $0xffff;
	v7 =	vunpack.i.u.bf16.f32 v7;
	[tilespmem:s17+$0x96A0] =	vst v35  }
0x1fc: {  	v26 =	vor.u32 $0x1, v0;
	v22 =	vunpack.i.l.bf16.f32 v5;
	[tilespmem:s17+$0x9BA0] =	vst v7  }
0x1fd: {  	v5 =	vunpack.i.u.bf16.f32 v5;
	[tilespmem:s17+$0x8C90] =	vst v22;
	v39 =	vld.idx.msk [tilespmem:v33+s16+$0x0], $0xffff  }
0x1fe: {  	v38 =	vadd.s32 $0x2, v4;
	v27 =	vunpack.i.l.bf16.f32 v21;
	[tilespmem:s17+$0x9190] =	vst v5  }
0x1ff: {  	v3 =	vunpack.i.u.bf16.f32 v21;
	[tilespmem:s17+$0x5AB0] =	vst v27;
	v9 =	vld.idx.msk [tilespmem:v20+s16+$0x0], $0xffff  }
0x200: {  	v43 =	vadd.s32 $0x8, v1;
	[tilespmem:s17+$0x5FB0] =	vst v3;
	v41 =	vunpack.i.l.bf16.f32 v8  }
0x201: {  	v8 =	vunpack.i.u.bf16.f32 v8;
	v10 =	vld.idx.msk [tilespmem:v26+s16+$0x0], $0xffff;
	[tilespmem:s17+$0x28C0] =	vst v41  }
0x202: {  	v29 =	vadd.s32 $0x7, v2;
	[tilespmem:s17+$0x2DC0] =	vst v8;
	v44 =	vunpack.i.l.bf16.f32 v39  }
0x203: {  	v7 =	vld.idx.msk [tilespmem:v38+s14+$0x0], $0xffff;
	v46 =	vunpack.i.u.bf16.f32 v39;
	[tilespmem:s17+$0xA0A0] =	vst v44  }
0x204: {  	v36 =	vor.u32 $0x2, v0;
	v32 =	vunpack.i.l.bf16.f32 v9;
	[tilespmem:s17+$0xA5A0] =	vst v46  }
0x205: {  	v34 =	vunpack.i.u.bf16.f32 v9;
	[tilespmem:s17+$0x9690] =	vst v32;
	v49 =	vld.idx.msk [tilespmem:v43+s16+$0x0], $0xffff  }
0x206: {  	v48 =	vadd.s32 $0x3, v4;
	v37 =	vunpack.i.l.bf16.f32 v10;
	[tilespmem:s17+$0x9B90] =	vst v34  }
0x207: {  	v10 =	vunpack.i.u.bf16.f32 v10;
	[tilespmem:s17+$0x64B0] =	vst v37;
	v5 =	vld.idx.msk [tilespmem:v29+s16+$0x0], $0xffff  }
0x208: {  	v53 =	vadd.s32 $0x9, v1;
	[tilespmem:s17+$0x69B0] =	vst v10;
	v51 =	vunpack.i.l.bf16.f32 v7  }
0x209: {  	v7 =	vunpack.i.u.bf16.f32 v7;
	v9 =	vld.idx.msk [tilespmem:v36+s16+$0x0], $0xffff;
	[tilespmem:s17+$0x32C0] =	vst v51  }
0x20a: {  	v40 =	vadd.s32 $0x8, v2;
	[tilespmem:s17+$0x37C0] =	vst v7;
	v54 =	vunpack.i.l.bf16.f32 v49  }
0x20b: {  	v7 =	vld.idx.msk [tilespmem:v48+s14+$0x0], $0xffff;
	v56 =	vunpack.i.u.bf16.f32 v49;
	[tilespmem:s17+$0xAAA0] =	vst v54  }
0x20c: {  	v45 =	vor.u32 $0x3, v0;
	v42 =	vunpack.i.l.bf16.f32 v5;
	[tilespmem:s17+$0xAFA0] =	vst v56  }
0x20d: {  	v5 =	vunpack.i.u.bf16.f32 v5;
	[tilespmem:s17+$0xA090] =	vst v42;
	v59 =	vld.idx.msk [tilespmem:v53+s16+$0x0], $0xffff  }
0x20e: {  	v58 =	vadd.s32 $0x4, v4;
	v47 =	vunpack.i.l.bf16.f32 v9;
	[tilespmem:s17+$0xA590] =	vst v5  }
0x20f: {  	v9 =	vunpack.i.u.bf16.f32 v9;
	[tilespmem:s17+$0x6EB0] =	vst v47;
	v6 =	vld.idx.msk [tilespmem:v40+s16+$0x0], $0xffff  }
0x210: {  	v63 =	vadd.s32 $0xA, v1;
	[tilespmem:s17+$0x73B0] =	vst v9;
	v61 =	vunpack.i.l.bf16.f32 v7  }
0x211: {  	v7 =	vunpack.i.u.bf16.f32 v7;
	v8 =	vld.idx.msk [tilespmem:v45+s16+$0x0], $0xffff;
	[tilespmem:s17+$0x3CC0] =	vst v61  }
0x212: {  	v50 =	vadd.s32 $0x9, v2;
	[tilespmem:s17+$0x41C0] =	vst v7;
	v16 =	vunpack.i.l.bf16.f32 v59  }
0x213: {  	v7 =	vld.idx.msk [tilespmem:v58+s14+$0x0], $0xffff;
	v18 =	vunpack.i.u.bf16.f32 v59;
	[tilespmem:s17+$0xB4A0] =	vst v16  }
0x214: {  	v52 =	vunpack.i.l.bf16.f32 v6;
	[tilespmem:s17+$0xB9A0] =	vst v18  }
0x215: {  	v55 =	vadd.s32 $0x4, v0;
	v6 =	vunpack.i.u.bf16.f32 v6;
	[tilespmem:s17+$0xAA90] =	vst v52;
	v10 =	vld.idx.msk [tilespmem:v63+s16+$0x0], $0xffff  }
0x216: {  	v26 =	vld [tilespmem:s17+$0x5D0];
	v57 =	vunpack.i.l.bf16.f32 v8;
	[tilespmem:s17+$0xAF90] =	vst v6  }
0x217: {  	v4 =	vadd.s32 $0x5, v4;
	v8 =	vunpack.i.u.bf16.f32 v8;
	[tilespmem:s17+$0x78B0] =	vst v57;
	v5 =	vld.idx.msk [tilespmem:v50+s16+$0x0], $0xffff  }
0x218: {  	[tilespmem:s17+$0x7DB0] =	vst v8;
	v20 =	vunpack.i.l.bf16.f32 v7  }
0x219: {  	v23 =	vadd.s32 $0xB, v1;
	v7 =	vunpack.i.u.bf16.f32 v7;
	[tilespmem:s17+$0x46C0] =	vst v20  }
0x21a: {  	v60 =	vadd.s32 $0xA, v2;
	v9 =	vld.idx.msk [tilespmem:v55+s16+$0x0], $0xffff;
	[tilespmem:s17+$0x4BC0] =	vst v7;
	v24 =	vunpack.i.l.bf16.f32 v10  }
0x21b: {  	v10 =	vunpack.i.u.bf16.f32 v10;
	[tilespmem:s17+$0xBEA0] =	vst v24  }
0x21c: {  	v7 =	vmul.u32 $0x6, v26;
	v4 =	vld.idx.msk [tilespmem:v4+s14+$0x0], $0xffff;
	v62 =	vunpack.i.l.bf16.f32 v5;
	[tilespmem:s17+$0xC3A0] =	vst v10  }
0x21d: {  	v32 =	vld [tilespmem:s17+$0x5F0];
	v5 =	vunpack.i.u.bf16.f32 v5;
	[tilespmem:s17+$0xB490] =	vst v62  }
0x21e: {  	[tilespmem:s17+$0xB990] =	vst v5;
	v29 =	vld.idx.msk [tilespmem:v23+s16+$0x0], $0xffff  }
0x21f: {  	v17 =	vadd.s32 $0x5, v0;
	[tilespmem:s17+$0xC880] =	vst v13;
	v19 =	vunpack.i.l.bf16.f32 v9;
	v6 =	vld.idx.msk [tilespmem:v60+s16+$0x0], $0xffff  }
0x220: {  	v1 =	vmul.u32 $0xC, v30;
	v9 =	vunpack.i.u.bf16.f32 v9;
	[tilespmem:s17+$0x82B0] =	vst v19  }
0x221: {  	v28 =	vld [tilespmem:s17+$0x5E0];
	[tilespmem:s17+$0x87B0] =	vst v9;
	v30 =	vunpack.i.l.bf16.f32 v4  }
0x222: {  	v2 =	vadd.s32 $0xB, v2;
	v4 =	vunpack.i.u.bf16.f32 v4;
	v40 =	vld.idx.msk [tilespmem:v7+s14+$0x0], $0xffff;
	[tilespmem:s17+$0x50C0] =	vst v30  }
0x223: {  	v21 =	vld [tilespmem:s17+$0xA90];
	[tilespmem:s17+$0x55C0] =	vst v4;
	v36 =	vunpack.i.l.bf16.f32 v29  }
0x224: {  	v8 =	vld.idx.msk [tilespmem:v17+s16+$0x0], $0xffff;
	v4 =	vmul.u32 $0x6, v32;
	v22 =	vunpack.i.l.bf16.f32 v6;
	[tilespmem:s17+$0xC8A0] =	vst v36  }
0x225: {  	v35 =	vld [tilespmem:s17+$0xAA0];
	v6 =	vunpack.i.u.bf16.f32 v6;
	[tilespmem:s17+$0xBE90] =	vst v22  }
0x226: {  	v34 =	vld.idx.msk [tilespmem:v1+s16+$0x0], $0xffff;
	v3 =	vunpack.i.u.bf16.f32 v29;
	[tilespmem:s17+$0xC390] =	vst v6  }
0x227: {  	s18 =	sor.u32 $0xD0, s17;
	v46 =	vunpack.i.l.bf16.f32 v40;
	[tilespmem:s17+$0xCDA0] =	vst v3;
	v2 =	vld.idx.msk [tilespmem:v2+s16+$0x0], $0xffff  }
0x228: {  	v45 =	vld [tilespmem:s18+$0x0];
	v9 =	vunpack.i.u.bf16.f32 v40;
	[tilespmem:s17+$0x1ED0] =	vst v46  }
0x229: {  	v25 =	vadd.s32 $0x6, v0;
	v27 =	vunpack.i.l.bf16.f32 v8;
	[tilespmem:s17+$0x23D0] =	vst v9  }
0x22a: {  	v5 =	vcvt.s32.f32 v21;
	v8 =	vunpack.i.u.bf16.f32 v8;
	[tilespmem:s17+$0x8CB0] =	vst v27;
	v48 =	vld.idx.msk [tilespmem:v4+s14+$0x0], $0xffff  }
0x22b: {  	v43 =	vor.u32 $0x1, v7;
	[tilespmem:s17+$0x91B0] =	vst v8;
	v41 =	vunpack.i.l.bf16.f32 v34  }
0x22c: {  	s18 =	sor.u32 $0xE0, s17;
	[tilespmem:s17+$0xD290] =	vst v5;
	v31 =	vunpack.i.l.bf16.f32 v2;
	v33 =	vunpack.i.u.bf16.f32 v2;
	v2 =	vmul.u32 $0x6, v28  }
0x22d: {  	v49 =	vld [tilespmem:s18+$0x0];
	v8 =	vunpack.i.u.bf16.f32 v34;
	[tilespmem:s17+$0x5AC0] =	vst v41;
	v5 =	vcvt.s32.f32 v35  }
0x22e: {  	s18 =	sor.u32 $0xF0, s17;
	v6 =	vld.idx.msk [tilespmem:v25+s16+$0x0], $0xffff;
	[tilespmem:s17+$0x5FC0] =	vst v8  }
0x22f: {  	v39 =	vor.u32 $0x1, v1;
	v55 =	vld [tilespmem:s18+$0x0];
	[tilespmem:s17+$0xD2A0] =	vst v5;
	v15 =	vunpack.i.l.bf16.f32 v48  }
0x230: {  	v8 =	vld.idx.msk [tilespmem:v43+s14+$0x0], $0xffff;
	v11 =	vunpack.i.u.bf16.f32 v48;
	[tilespmem:s17+$0x1EF0] =	vst v15  }
0x231: {  	v37 =	vadd.s32 $0x7, v0;
	[tilespmem:s17+$0x23F0] =	vst v11  }
0x232: {  	[tilespmem:s17+$0xC890] =	vst v31;
	v42 =	vld.idx.msk [tilespmem:v2+s14+$0x0], $0xffff  }
0x233: {  	v52 =	vor.u32 $0x1, v4;
	v38 =	vunpack.i.l.bf16.f32 v6;
	[tilespmem:s17+$0xCD90] =	vst v33  }
0x234: {  	v44 =	vld.idx.msk [tilespmem:v39+s16+$0x0], $0xffff;
	v6 =	vunpack.i.u.bf16.f32 v6;
	[tilespmem:s17+$0x96B0] =	vst v38  }
0x235: {  	v57 =	vunpack.i.l.bf16.f32 v8;
	[tilespmem:s17+$0x9BB0] =	vst v6;
	v47 =	vor.u32 $0x1, v2  }
0x236: {  	v8 =	vunpack.i.u.bf16.f32 v8;
	[tilespmem:s17+$0x28D0] =	vst v57;
	v10 =	vld.idx.msk [tilespmem:v37+s16+$0x0], $0xffff  }
0x237: {  	v54 =	vadd.s32 $0x2, v7;
	[tilespmem:s17+$0x2DD0] =	vst v8;
	v6 =	vunpack.i.u.bf16.f32 v42  }
0x238: {  	v50 =	vunpack.i.l.bf16.f32 v42;
	[tilespmem:s17+$0x23E0] =	vst v6;
	v6 =	vld.idx.msk [tilespmem:v52+s14+$0x0], $0xffff  }
0x239: {  	v56 =	vor.u32 $0x2, v1;
	v53 =	vunpack.i.l.bf16.f32 v44;
	[tilespmem:s17+$0x1EE0] =	vst v50  }
0x23a: {  	v3 =	vunpack.i.u.bf16.f32 v44;
	[tilespmem:s17+$0x64C0] =	vst v53;
	v12 =	vld.idx.msk [tilespmem:v47+s14+$0x0], $0xffff  }
0x23b: {  	v61 =	vadd.s32 $0x2, v4;
	[tilespmem:s17+$0x69C0] =	vst v3;
	v51 =	vunpack.i.l.bf16.f32 v10  }
0x23c: {  	v59 =	vld.idx.msk [tilespmem:v54+s14+$0x0], $0xffff;
	v10 =	vunpack.i.u.bf16.f32 v10;
	[tilespmem:s17+$0xA0B0] =	vst v51  }
0x23d: {  	v58 =	vadd.s32 $0x2, v2;
	[tilespmem:s17+$0xA5B0] =	vst v10;
	v17 =	vunpack.i.l.bf16.f32 v6  }
0x23e: {  	v62 =	vld.idx.msk [tilespmem:v56+s16+$0x0], $0xffff;
	v6 =	vunpack.i.u.bf16.f32 v6;
	[tilespmem:s17+$0x28F0] =	vst v17  }
0x23f: {  	v63 =	vadd.s32 $0x3, v7;
	v60 =	vunpack.i.l.bf16.f32 v12;
	[tilespmem:s17+$0x2DF0] =	vst v6  }
0x240: {  	v12 =	vunpack.i.u.bf16.f32 v12;
	[tilespmem:s17+$0x28E0] =	vst v60;
	v8 =	vld.idx.msk [tilespmem:v61+s14+$0x0], $0xffff  }
0x241: {  	v22 =	vor.u32 $0x3, v1;
	v19 =	vunpack.i.l.bf16.f32 v59;
	[tilespmem:s17+$0x2DE0] =	vst v12  }
0x242: {  	v3 =	vunpack.i.u.bf16.f32 v59;
	[tilespmem:s17+$0x32D0] =	vst v19;
	v11 =	vld.idx.msk [tilespmem:v58+s14+$0x0], $0xffff  }
0x243: {  	v24 =	vadd.s32 $0x3, v4;
	v21 =	vunpack.i.l.bf16.f32 v62;
	[tilespmem:s17+$0x37D0] =	vst v3  }
0x244: {  	v13 =	vunpack.i.u.bf16.f32 v62;
	[tilespmem:s17+$0x6EC0] =	vst v21;
	v10 =	vld.idx.msk [tilespmem:v63+s14+$0x0], $0xffff  }
0x245: {  	v20 =	vadd.s32 $0x3, v2;
	[tilespmem:s17+$0x73C0] =	vst v13;
	v26 =	vunpack.i.l.bf16.f32 v8  }
0x246: {  	v3 =	vld.idx.msk [tilespmem:v22+s16+$0x0], $0xffff;
	v8 =	vunpack.i.u.bf16.f32 v8;
	[tilespmem:s17+$0x32F0] =	vst v26  }
0x247: {  	v25 =	vadd.s32 $0x4, v7;
	v23 =	vunpack.i.l.bf16.f32 v11;
	[tilespmem:s17+$0x37F0] =	vst v8  }
0x248: {  	v11 =	vunpack.i.u.bf16.f32 v11;
	[tilespmem:s17+$0x32E0] =	vst v23;
	v13 =	vld.idx.msk [tilespmem:v24+s14+$0x0], $0xffff  }
0x249: {  	v18 =	vadd.s32 $0x8, v0;
	v27 =	vunpack.i.l.bf16.f32 v10;
	[tilespmem:s17+$0x37E0] =	vst v11  }
0x24a: {  	v10 =	vunpack.i.u.bf16.f32 v10;
	[tilespmem:s17+$0x3CD0] =	vst v27;
	v6 =	vld.idx.msk [tilespmem:v20+s14+$0x0], $0xffff  }
0x24b: {  	v32 =	vadd.s32 $0x4, v4;
	[tilespmem:s17+$0x41D0] =	vst v10;
	v33 =	vunpack.i.l.bf16.f32 v3  }
0x24c: {  	v3 =	vunpack.i.u.bf16.f32 v3;
	v30 =	vld.idx.msk [tilespmem:v25+s14+$0x0], $0xffff;
	[tilespmem:s17+$0x78C0] =	vst v33  }
0x24d: {  	v28 =	vadd.s32 $0x4, v2;
	[tilespmem:s17+$0x7DC0] =	vst v3;
	v36 =	vunpack.i.l.bf16.f32 v13  }
0x24e: {  	v12 =	vld.idx.msk [tilespmem:v18+s16+$0x0], $0xffff;
	v13 =	vunpack.i.u.bf16.f32 v13;
	[tilespmem:s17+$0x3CF0] =	vst v36  }
0x24f: {  	v34 =	vadd.s32 $0x5, v7;
	v31 =	vunpack.i.l.bf16.f32 v6;
	[tilespmem:s17+$0x41F0] =	vst v13  }
0x250: {  	v6 =	vunpack.i.u.bf16.f32 v6;
	[tilespmem:s17+$0x3CE0] =	vst v31;
	v11 =	vld.idx.msk [tilespmem:v32+s14+$0x0], $0xffff  }
0x251: {  	v37 =	vadd.s32 $0x4, v1;
	v38 =	vunpack.i.l.bf16.f32 v30;
	[tilespmem:s17+$0x41E0] =	vst v6  }
0x252: {  	v10 =	vunpack.i.u.bf16.f32 v30;
	[tilespmem:s17+$0x46D0] =	vst v38;
	v35 =	vld.idx.msk [tilespmem:v28+s14+$0x0], $0xffff  }
0x253: {  	v46 =	vadd.s32 $0x9, v0;
	[tilespmem:s17+$0x4BD0] =	vst v10;
	v29 =	vunpack.i.l.bf16.f32 v12  }
0x254: {  	v41 =	vadd.s32 $0x5, v4;
	v39 =	vld.idx.msk [tilespmem:v34+s14+$0x0], $0xffff;
	v42 =	vunpack.i.u.bf16.f32 v12;
	[tilespmem:s17+$0xAAB0] =	vst v29  }
0x255: {  	v2 =	vadd.s32 $0x5, v2;
	[tilespmem:s17+$0xAFB0] =	vst v42;
	v44 =	vunpack.i.l.bf16.f32 v11  }
0x256: {  	v4 =	vmul.u32 $0xC, v45;
	v8 =	vld.idx.msk [tilespmem:v37+s16+$0x0], $0xffff;
	v45 =	vunpack.i.u.bf16.f32 v11;
	[tilespmem:s17+$0x46F0] =	vst v44  }
0x257: {  	v40 =	vunpack.i.l.bf16.f32 v35;
	[tilespmem:s17+$0x4BF0] =	vst v45  }
0x258: {  	v10 =	vld.idx.msk [tilespmem:v46+s16+$0x0], $0xffff;
	v7 =	vunpack.i.u.bf16.f32 v35;
	[tilespmem:s17+$0x46E0] =	vst v40  }
0x259: {  	v47 =	vunpack.i.l.bf16.f32 v39;
	[tilespmem:s17+$0x4BE0] =	vst v7;
	v6 =	vld.idx.msk [tilespmem:v41+s14+$0x0], $0xffff  }
0x25a: {  	v3 =	vunpack.i.u.bf16.f32 v39;
	[tilespmem:s17+$0x50D0] =	vst v47;
	v43 =	vld.idx.msk [tilespmem:v2+s14+$0x0], $0xffff;
	v2 =	vmul.u32 $0xC, v49;
	v49 =	vadd.s32 $0x5, v1  }
0x25b: {  	[tilespmem:s17+$0x55D0] =	vst v3;
	v3 =	vmul.u32 $0xC, v55;
	v48 =	vunpack.i.l.bf16.f32 v8  }
0x25c: {  	v8 =	vunpack.i.u.bf16.f32 v8;
	[tilespmem:s17+$0x82C0] =	vst v48  }
0x25d: {  	v50 =	vld.idx.msk [tilespmem:v4+s16+$0x0], $0xffff;
	[tilespmem:s17+$0x87C0] =	vst v8;
	v59 =	vunpack.i.l.bf16.f32 v10  }
0x25e: {  	[tilespmem:s17+$0xB4B0] =	vst v59;
	v54 =	vunpack.i.l.bf16.f32 v6  }
0x25f: {  	v6 =	vunpack.i.u.bf16.f32 v6;
	[tilespmem:s17+$0x50F0] =	vst v54;
	v7 =	vld.idx.msk [tilespmem:v49+s16+$0x0], $0xffff  }
0x260: {  	v52 =	vor.u32 $0x1, v4;
	v51 =	vunpack.i.l.bf16.f32 v43;
	[tilespmem:s17+$0x55F0] =	vst v6  }
0x261: {  	v5 =	vunpack.i.u.bf16.f32 v43;
	[tilespmem:s17+$0x50E0] =	vst v51;
	v58 =	vld.idx.msk [tilespmem:v3+s16+$0x0], $0xffff  }
0x262: {  	v55 =	vunpack.i.l.bf16.f32 v50;
	[tilespmem:s17+$0x55E0] =	vst v5  }
0x263: {  	v17 =	vadd.s32 $0x6, v1;
	v56 =	vunpack.i.u.bf16.f32 v50;
	[tilespmem:s17+$0x5AD0] =	vst v55;
	v53 =	vld.idx.msk [tilespmem:v2+s16+$0x0], $0xffff  }
0x264: {  	v61 =	vor.u32 $0x1, v3;
	[tilespmem:s17+$0x5FD0] =	vst v56;
	v62 =	vunpack.i.l.bf16.f32 v7  }
0x265: {  	v5 =	vld.idx.msk [tilespmem:v52+s16+$0x0], $0xffff;
	v7 =	vunpack.i.u.bf16.f32 v7;
	[tilespmem:s17+$0x8CC0] =	vst v62  }
0x266: {  	v57 =	vor.u32 $0x1, v2;
	v16 =	vunpack.i.l.bf16.f32 v58;
	[tilespmem:s17+$0x91C0] =	vst v7  }
0x267: {  	v11 =	vunpack.i.u.bf16.f32 v58;
	[tilespmem:s17+$0x5AF0] =	vst v16  }
0x268: {  	v63 =	vor.u32 $0x2, v4;
	v60 =	vunpack.i.l.bf16.f32 v53;
	[tilespmem:s17+$0x5FF0] =	vst v11;
	v24 =	vld.idx.msk [tilespmem:v17+s16+$0x0], $0xffff  }
0x269: {  	v8 =	vunpack.i.u.bf16.f32 v53;
	[tilespmem:s17+$0x5AE0] =	vst v60;
	v6 =	vld.idx.msk [tilespmem:v61+s16+$0x0], $0xffff  }
0x26a: {  	v18 =	vunpack.i.l.bf16.f32 v5;
	[tilespmem:s17+$0x5FE0] =	vst v8  }
0x26b: {  	v28 =	vadd.s32 $0xA, v0;
	v5 =	vunpack.i.u.bf16.f32 v5;
	[tilespmem:s17+$0x64D0] =	vst v18;
	v9 =	vld.idx.msk [tilespmem:v57+s16+$0x0], $0xffff  }
0x26c: {  	v22 =	vor.u32 $0x2, v3;
	v23 =	vunpack.i.u.bf16.f32 v10;
	[tilespmem:s17+$0x69D0] =	vst v5  }
0x26d: {  	[tilespmem:s17+$0xB9B0] =	vst v23;
	v5 =	vld.idx.msk [tilespmem:v63+s16+$0x0], $0xffff;
	v31 =	vunpack.i.l.bf16.f32 v24  }
0x26e: {  	v19 =	vor.u32 $0x2, v2;
	v27 =	vunpack.i.l.bf16.f32 v6;
	[tilespmem:s17+$0x96C0] =	vst v31  }
0x26f: {  	v6 =	vunpack.i.u.bf16.f32 v6;
	[tilespmem:s17+$0x64F0] =	vst v27  }
0x270: {  	v25 =	vor.u32 $0x3, v4;
	v11 =	vld.idx.msk [tilespmem:v28+s16+$0x0], $0xffff;
	v20 =	vunpack.i.l.bf16.f32 v9;
	[tilespmem:s17+$0x69F0] =	vst v6  }
0x271: {  	v21 =	vunpack.i.u.bf16.f32 v9;
	[tilespmem:s17+$0x64E0] =	vst v20;
	v7 =	vld.idx.msk [tilespmem:v22+s16+$0x0], $0xffff  }
0x272: {  	v29 =	vunpack.i.l.bf16.f32 v5;
	[tilespmem:s17+$0x69E0] =	vst v21  }
0x273: {  	v32 =	vadd.s32 $0x7, v1;
	v5 =	vunpack.i.u.bf16.f32 v5;
	[tilespmem:s17+$0x6ED0] =	vst v29;
	v26 =	vld.idx.msk [tilespmem:v19+s16+$0x0], $0xffff  }
0x274: {  	v34 =	vor.u32 $0x3, v3;
	v10 =	vunpack.i.u.bf16.f32 v24;
	[tilespmem:s17+$0x73D0] =	vst v5  }
0x275: {  	v41 =	vunpack.i.l.bf16.f32 v11;
	[tilespmem:s17+$0x9BC0] =	vst v10;
	v8 =	vld.idx.msk [tilespmem:v25+s16+$0x0], $0xffff  }
0x276: {  	v30 =	vor.u32 $0x3, v2;
	[tilespmem:s17+$0xBEB0] =	vst v41;
	v36 =	vunpack.i.l.bf16.f32 v7  }
0x277: {  	v7 =	vunpack.i.u.bf16.f32 v7;
	[tilespmem:s17+$0x6EF0] =	vst v36  }
0x278: {  	v35 =	vadd.s32 $0x4, v4;
	v5 =	vld.idx.msk [tilespmem:v32+s16+$0x0], $0xffff;
	v33 =	vunpack.i.l.bf16.f32 v26;
	[tilespmem:s17+$0x73F0] =	vst v7  }
0x279: {  	v9 =	vunpack.i.u.bf16.f32 v26;
	[tilespmem:s17+$0x6EE0] =	vst v33;
	v40 =	vld.idx.msk [tilespmem:v34+s16+$0x0], $0xffff  }
0x27a: {  	v37 =	vunpack.i.l.bf16.f32 v8;
	[tilespmem:s17+$0x73E0] =	vst v9  }
0x27b: {  	v0 =	vadd.s32 $0xB, v0;
	v38 =	vunpack.i.u.bf16.f32 v8;
	[tilespmem:s17+$0x78D0] =	vst v37;
	v6 =	vld.idx.msk [tilespmem:v30+s16+$0x0], $0xffff  }
0x27c: {  	v43 =	vadd.s32 $0x4, v3;
	v54 =	vunpack.i.u.bf16.f32 v11;
	[tilespmem:s17+$0x7DD0] =	vst v38  }
0x27d: {  	[tilespmem:s17+$0xC3B0] =	vst v54;
	v44 =	vunpack.i.l.bf16.f32 v5;
	v7 =	vld.idx.msk [tilespmem:v35+s16+$0x0], $0xffff  }
0x27e: {  	v39 =	vadd.s32 $0x4, v2;
	[tilespmem:s17+$0xA0C0] =	vst v44;
	v46 =	vunpack.i.l.bf16.f32 v40  }
0x27f: {  	v10 =	vunpack.i.u.bf16.f32 v40;
	[tilespmem:s17+$0x78F0] =	vst v46  }
0x280: {  	v45 =	vadd.s32 $0x5, v4;
	v0 =	vld.idx.msk [tilespmem:v0+s16+$0x0], $0xffff;
	v42 =	vunpack.i.l.bf16.f32 v6;
	[tilespmem:s17+$0x7DF0] =	vst v10  }
0x281: {  	v6 =	vunpack.i.u.bf16.f32 v6;
	[tilespmem:s17+$0x78E0] =	vst v42;
	v9 =	vld.idx.msk [tilespmem:v43+s16+$0x0], $0xffff  }
0x282: {  	v48 =	vunpack.i.l.bf16.f32 v7;
	[tilespmem:s17+$0x7DE0] =	vst v6  }
0x283: {  	v47 =	vadd.s32 $0x8, v1;
	v7 =	vunpack.i.u.bf16.f32 v7;
	[tilespmem:s17+$0x82D0] =	vst v48;
	v8 =	vld.idx.msk [tilespmem:v39+s16+$0x0], $0xffff  }
0x284: {  	v53 =	vadd.s32 $0x5, v3;
	v5 =	vunpack.i.u.bf16.f32 v5;
	[tilespmem:s17+$0x87D0] =	vst v7  }
0x285: {  	v18 =	vunpack.i.l.bf16.f32 v0;
	[tilespmem:s17+$0xA5C0] =	vst v5;
	v50 =	vld.idx.msk [tilespmem:v45+s16+$0x0], $0xffff  }
0x286: {  	v49 =	vadd.s32 $0x5, v2;
	[tilespmem:s17+$0xC8B0] =	vst v18;
	v58 =	vunpack.i.l.bf16.f32 v9  }
0x287: {  	v9 =	vunpack.i.u.bf16.f32 v9;
	[tilespmem:s17+$0x82F0] =	vst v58  }
0x288: {  	v56 =	vadd.s32 $0x6, v4;
	v55 =	vld.idx.msk [tilespmem:v47+s16+$0x0], $0xffff;
	v51 =	vunpack.i.l.bf16.f32 v8;
	[tilespmem:s17+$0x87F0] =	vst v9  }
0x289: {  	v52 =	vunpack.i.u.bf16.f32 v8;
	[tilespmem:s17+$0x82E0] =	vst v51;
	v6 =	vld.idx.msk [tilespmem:v53+s16+$0x0], $0xffff  }
0x28a: {  	v59 =	vunpack.i.l.bf16.f32 v50;
	[tilespmem:s17+$0x87E0] =	vst v52  }
0x28b: {  	v5 =	vunpack.i.u.bf16.f32 v50;
	[tilespmem:s17+$0x8CD0] =	vst v59;
	v57 =	vld.idx.msk [tilespmem:v49+s16+$0x0], $0xffff  }
0x28c: {  	v12 =	vadd.s32 $0x6, v3;
	v0 =	vunpack.i.u.bf16.f32 v0;
	[tilespmem:s17+$0x91D0] =	vst v5  }
0x28d: {  	[tilespmem:s17+$0xCDB0] =	vst v0;
	v61 =	vunpack.i.l.bf16.f32 v55;
	v7 =	vld.idx.msk [tilespmem:v56+s16+$0x0], $0xffff  }
0x28e: {  	v60 =	vadd.s32 $0x6, v2;
	[tilespmem:s17+$0xAAC0] =	vst v61;
	v14 =	vunpack.i.l.bf16.f32 v6  }
0x28f: {  	v37 =	vld [tilespmem:s17+$0xAB0];
	v6 =	vunpack.i.u.bf16.f32 v6;
	[tilespmem:s17+$0x8CF0] =	vst v14  }
0x290: {  	v13 =	vadd.s32 $0x7, v4;
	v63 =	vunpack.i.l.bf16.f32 v57;
	[tilespmem:s17+$0x91F0] =	vst v6  }
0x291: {  	v8 =	vunpack.i.u.bf16.f32 v57;
	[tilespmem:s17+$0x8CE0] =	vst v63;
	v10 =	vld.idx.msk [tilespmem:v12+s16+$0x0], $0xffff  }
0x292: {  	v62 =	vadd.s32 $0x9, v1;
	v15 =	vunpack.i.l.bf16.f32 v7;
	[tilespmem:s17+$0x91E0] =	vst v8  }
0x293: {  	v16 =	vunpack.i.u.bf16.f32 v7;
	[tilespmem:s17+$0x96D0] =	vst v15;
	v9 =	vld.idx.msk [tilespmem:v60+s16+$0x0], $0xffff  }
0x294: {  	v20 =	vadd.s32 $0x7, v3;
	v11 =	vunpack.i.u.bf16.f32 v55;
	v42 =	vcvt.s32.f32 v37;
	[tilespmem:s17+$0x9BD0] =	vst v16  }
0x295: {  	[tilespmem:s17+$0xAFC0] =	vst v11;
	v6 =	vld.idx.msk [tilespmem:v13+s16+$0x0], $0xffff  }
0x296: {  	v17 =	vadd.s32 $0x7, v2;
	[tilespmem:s17+$0xD2B0] =	vst v42;
	v23 =	vunpack.i.l.bf16.f32 v10  }
0x297: {  	v5 =	vld.idx.msk [tilespmem:v62+s16+$0x0], $0xffff;
	v10 =	vunpack.i.u.bf16.f32 v10;
	[tilespmem:s17+$0x96F0] =	vst v23  }
0x298: {  	v22 =	vadd.s32 $0x8, v4;
	v19 =	vunpack.i.l.bf16.f32 v9;
	[tilespmem:s17+$0x9BF0] =	vst v10  }
0x299: {  	v9 =	vunpack.i.u.bf16.f32 v9;
	[tilespmem:s17+$0x96E0] =	vst v19;
	v8 =	vld.idx.msk [tilespmem:v20+s16+$0x0], $0xffff  }
0x29a: {  	v24 =	vadd.s32 $0xA, v1;
	v25 =	vunpack.i.l.bf16.f32 v6;
	[tilespmem:s17+$0x9BE0] =	vst v9  }
0x29b: {  	v6 =	vunpack.i.u.bf16.f32 v6;
	[tilespmem:s17+$0xA0D0] =	vst v25;
	v7 =	vld.idx.msk [tilespmem:v17+s16+$0x0], $0xffff  }
0x29c: {  	v29 =	vadd.s32 $0x8, v3;
	v21 =	vunpack.i.l.bf16.f32 v5;
	[tilespmem:s17+$0xA5D0] =	vst v6  }
0x29d: {  	v5 =	vunpack.i.u.bf16.f32 v5;
	[tilespmem:s17+$0xB4C0] =	vst v21;
	v27 =	vld.idx.msk [tilespmem:v22+s16+$0x0], $0xffff  }
0x29e: {  	v26 =	vadd.s32 $0x8, v2;
	[tilespmem:s17+$0xB9C0] =	vst v5;
	v32 =	vunpack.i.l.bf16.f32 v8  }
0x29f: {  	v30 =	vld.idx.msk [tilespmem:v24+s16+$0x0], $0xffff;
	v8 =	vunpack.i.u.bf16.f32 v8;
	[tilespmem:s17+$0xA0F0] =	vst v32  }
0x2a0: {  	v31 =	vadd.s32 $0x9, v4;
	v28 =	vunpack.i.l.bf16.f32 v7;
	[tilespmem:s17+$0xA5F0] =	vst v8  }
0x2a1: {  	v7 =	vunpack.i.u.bf16.f32 v7;
	[tilespmem:s17+$0xA0E0] =	vst v28;
	v6 =	vld.idx.msk [tilespmem:v29+s16+$0x0], $0xffff  }
0x2a2: {  	v33 =	vunpack.i.l.bf16.f32 v27;
	[tilespmem:s17+$0xA5E0] =	vst v7  }
0x2a3: {  	v1 =	vadd.s32 $0xB, v1;
	v5 =	vunpack.i.u.bf16.f32 v27;
	[tilespmem:s17+$0xAAD0] =	vst v33;
	v7 =	vld.idx.msk [tilespmem:v26+s16+$0x0], $0xffff  }
0x2a4: {  	v38 =	vadd.s32 $0x9, v3;
	v35 =	vunpack.i.l.bf16.f32 v30;
	[tilespmem:s17+$0xAFD0] =	vst v5  }
0x2a5: {  	[tilespmem:s17+$0xBEC0] =	vst v35;
	v9 =	vunpack.i.u.bf16.f32 v30;
	v0 =	vld.idx.msk [tilespmem:v31+s16+$0x0], $0xffff  }
0x2a6: {  	v34 =	vadd.s32 $0x9, v2;
	v48 =	vld [tilespmem:s17+$0xAC0];
	[tilespmem:s17+$0xC3C0] =	vst v9;
	v40 =	vunpack.i.l.bf16.f32 v6  }
0x2a7: {  	v6 =	vunpack.i.u.bf16.f32 v6;
	[tilespmem:s17+$0xAAF0] =	vst v40  }
0x2a8: {  	v39 =	vadd.s32 $0xA, v4;
	v1 =	vld.idx.msk [tilespmem:v1+s16+$0x0], $0xffff;
	v36 =	vunpack.i.l.bf16.f32 v7;
	[tilespmem:s17+$0xAFF0] =	vst v6  }
0x2a9: {  	v7 =	vunpack.i.u.bf16.f32 v7;
	[tilespmem:s17+$0xAAE0] =	vst v36;
	v5 =	vld.idx.msk [tilespmem:v38+s16+$0x0], $0xffff  }
0x2aa: {  	v41 =	vunpack.i.l.bf16.f32 v0;
	[tilespmem:s17+$0xAFE0] =	vst v7  }
0x2ab: {  	v54 =	vcvt.s32.f32 v48;
	v0 =	vunpack.i.u.bf16.f32 v0;
	[tilespmem:s17+$0xB4D0] =	vst v41;
	v8 =	vld.idx.msk [tilespmem:v34+s16+$0x0], $0xffff  }
0x2ac: {  	v45 =	vadd.s32 $0xA, v3;
	[tilespmem:s17+$0xB9D0] =	vst v0  }
0x2ad: {  	[tilespmem:s17+$0xD2C0] =	vst v54;
	v46 =	vunpack.i.l.bf16.f32 v1;
	v0 =	vld.idx.msk [tilespmem:v39+s16+$0x0], $0xffff  }
0x2ae: {  	v43 =	vadd.s32 $0xA, v2;
	[tilespmem:s17+$0xC8C0] =	vst v46;
	v47 =	vunpack.i.l.bf16.f32 v5  }
0x2af: {  	v55 =	vld [tilespmem:s17+$0xAD0];
	v5 =	vunpack.i.u.bf16.f32 v5;
	[tilespmem:s17+$0xB4F0] =	vst v47  }
0x2b0: {  	v4 =	vadd.s32 $0xB, v4;
	v44 =	vunpack.i.l.bf16.f32 v8;
	[tilespmem:s17+$0xB9F0] =	vst v5  }
0x2b1: {  	v8 =	vunpack.i.u.bf16.f32 v8;
	[tilespmem:s17+$0xB4E0] =	vst v44;
	v50 =	vld.idx.msk [tilespmem:v45+s16+$0x0], $0xffff  }
0x2b2: {  	v49 =	vunpack.i.l.bf16.f32 v0;
	[tilespmem:s17+$0xB9E0] =	vst v8  }
0x2b3: {  	v0 =	vunpack.i.u.bf16.f32 v0;
	[tilespmem:s17+$0xBED0] =	vst v49;
	v6 =	vld.idx.msk [tilespmem:v43+s16+$0x0], $0xffff  }
0x2b4: {  	v3 =	vadd.s32 $0xB, v3;
	v51 =	vunpack.i.u.bf16.f32 v1;
	v1 =	vcvt.s32.f32 v55;
	[tilespmem:s17+$0xC3D0] =	vst v0  }
0x2b5: {  	[tilespmem:s17+$0xCDC0] =	vst v51;
	v52 =	vld.idx.msk [tilespmem:v4+s16+$0x0], $0xffff  }
0x2b6: {  	v2 =	vadd.s32 $0xB, v2;
	v57 =	vld [tilespmem:s17+$0xAE0];
	[tilespmem:s17+$0xD2D0] =	vst v1;
	v56 =	vunpack.i.l.bf16.f32 v50  }
0x2b7: {  	v59 =	vld [tilespmem:s17+$0xAF0];
	v5 =	vunpack.i.u.bf16.f32 v50;
	[tilespmem:s17+$0xBEF0] =	vst v56  }
0x2b8: {  	v53 =	vunpack.i.l.bf16.f32 v6;
	[tilespmem:s17+$0xC3F0] =	vst v5  }
0x2b9: {  	v6 =	vunpack.i.u.bf16.f32 v6;
	[tilespmem:s17+$0xBEE0] =	vst v53;
	v3 =	vld.idx.msk [tilespmem:v3+s16+$0x0], $0xffff  }
0x2ba: {  	v58 =	vunpack.i.l.bf16.f32 v52;
	[tilespmem:s17+$0xC3E0] =	vst v6  }
0x2bb: {  	v61 =	vcvt.s32.f32 v57;
	v0 =	vunpack.i.u.bf16.f32 v52;
	[tilespmem:s17+$0xC8D0] =	vst v58;
	v2 =	vld.idx.msk [tilespmem:v2+s16+$0x0], $0xffff  }
0x2bc: {  	[tilespmem:s17+$0xCDD0] =	vst v0;
	v0 =	vcvt.s32.f32 v59  }
0x2bd: {  	p1 =	slt.u32 s15, $0x40;
	[tilespmem:s17+$0xD2E0] =	vst v61  }
.Ltmp0:
0x2be: {  	[tilespmem:s17+$0xD2F0] =	vst v0;
	v62 =	vunpack.i.l.bf16.f32 v3;
	(pc) =	sbr.rel @p1 .LBB2_3-.Ltmp0, $4  }
0x2bf: {  	v63 =	vunpack.i.u.bf16.f32 v3;
	[tilespmem:s17+$0xC8F0] =	vst v62  }
0x2c0: {  	v60 =	vunpack.i.l.bf16.f32 v2;
	[tilespmem:s17+$0xCDF0] =	vst v63  }
0x2c1: {  	s18 =	sadd.s32 $0x10, s15;
	v2 =	vunpack.i.u.bf16.f32 v2;
	[tilespmem:s17+$0xC8E0] =	vst v60  }
0x2c2: {  	s15 =	smov.u32 s18;
	[tilespmem:s17+$0xCDE0] =	vst v2  }
0x2c3: {  	s15 =	sadd.s32 s6, s10  }
0x2c4: {  	s15 =	sshrl.u32 s15, $0x3  }
0x2c5: {  	s17 =	simm.s32 $0x1E00;
	s15 =	sadd.s32 s4, s15  }
0x2c6: {  	[hbm4b:s15+s5] =	stream.linear.scatter [tilespmem:s17], [sflag:$0x3], $0x500, $0x38;
	[tilespmem:$0x1A200] =	vst v63  }
0x2c7: {  	s18 =	simm.s32 $0x2300;
	s17 =	sadd.s32 $0x64000, s15  }
0x2c8: {  	[hbm4b:s17+s5] =	stream.linear.scatter [tilespmem:s18], [sflag:$0x3], $0x500, $0x38;
	[tilespmem:$0x1A200] =	vst v63  }
0x2c9: {  	s17 =	sadd.s32 $0xC8000, s15;
	s18 =	simm.s32 $0x2800  }
0x2ca: {  	[hbm4b:s17+s5] =	stream.linear.scatter [tilespmem:s18], [sflag:$0x3], $0x500, $0x38;
	[tilespmem:$0x1A200] =	vst v63  }
0x2cb: {  	s17 =	sadd.s32 $0x12C000, s15;
	s18 =	simm.s32 $0x2D00  }
0x2cc: {  	[hbm4b:s17+s5] =	stream.linear.scatter [tilespmem:s18], [sflag:$0x3], $0x500, $0x38;
	[tilespmem:$0x1A200] =	vst v63  }
0x2cd: {  	s17 =	sadd.s32 $0x190000, s15;
	s18 =	simm.s32 $0x3200  }
0x2ce: {  	[hbm4b:s17+s5] =	stream.linear.scatter [tilespmem:s18], [sflag:$0x3], $0x500, $0x38;
	[tilespmem:$0x1A200] =	vst v63  }
0x2cf: {  	s17 =	sadd.s32 $0x1F4000, s15;
	s18 =	simm.s32 $0x3700  }
0x2d0: {  	[hbm4b:s17+s5] =	stream.linear.scatter [tilespmem:s18], [sflag:$0x3], $0x500, $0x38;
	[tilespmem:$0x1A200] =	vst v63  }
0x2d1: {  	s17 =	sadd.s32 $0x258000, s15;
	s18 =	simm.s32 $0x3C00  }
0x2d2: {  	[hbm4b:s17+s5] =	stream.linear.scatter [tilespmem:s18], [sflag:$0x3], $0x500, $0x38;
	[tilespmem:$0x1A200] =	vst v63  }
0x2d3: {  	s17 =	sadd.s32 $0x2BC000, s15;
	s18 =	simm.s32 $0x4100  }
0x2d4: {  	[hbm4b:s17+s5] =	stream.linear.scatter [tilespmem:s18], [sflag:$0x3], $0x500, $0x38;
	[tilespmem:$0x1A200] =	vst v63  }
0x2d5: {  	s17 =	sadd.s32 $0x320000, s15;
	s18 =	simm.s32 $0x4600  }
0x2d6: {  	[hbm4b:s17+s5] =	stream.linear.scatter [tilespmem:s18], [sflag:$0x3], $0x500, $0x38;
	[tilespmem:$0x1A200] =	vst v63  }
0x2d7: {  	s17 =	sadd.s32 $0x384000, s15;
	s18 =	simm.s32 $0x4B00  }
0x2d8: {  	[hbm4b:s17+s5] =	stream.linear.scatter [tilespmem:s18], [sflag:$0x3], $0x500, $0x38;
	[tilespmem:$0x1A200] =	vst v63  }
0x2d9: {  	s17 =	sadd.s32 $0x3E8000, s15;
	s18 =	simm.s32 $0x5000  }
0x2da: {  	[hbm4b:s17+s5] =	stream.linear.scatter [tilespmem:s18], [sflag:$0x3], $0x500, $0x38;
	[tilespmem:$0x1A200] =	vst v63  }
0x2db: {  	s17 =	sadd.s32 $0x44C000, s15;
	s18 =	simm.s32 $0x5500  }
0x2dc: {  	[hbm4b:s17+s5] =	stream.linear.scatter [tilespmem:s18], [sflag:$0x3], $0x500, $0x38;
	[tilespmem:$0x1A200] =	vst v63  }
0x2dd: {  	s17 =	sadd.s32 $0x4B0000, s15;
	s18 =	simm.s32 $0x5A00  }
0x2de: {  	[hbm4b:s17+s5] =	stream.linear.scatter [tilespmem:s18], [sflag:$0x3], $0x500, $0x38;
	[tilespmem:$0x1A200] =	vst v63  }
0x2df: {  	s17 =	sadd.s32 $0x514000, s15;
	s18 =	simm.s32 $0x5F00  }
0x2e0: {  	[hbm4b:s17+s5] =	stream.linear.scatter [tilespmem:s18], [sflag:$0x3], $0x500, $0x38;
	[tilespmem:$0x1A200] =	vst v63  }
0x2e1: {  	s17 =	sadd.s32 $0x578000, s15;
	s18 =	simm.s32 $0x6400  }
0x2e2: {  	[hbm4b:s17+s5] =	stream.linear.scatter [tilespmem:s18], [sflag:$0x3], $0x500, $0x38;
	[tilespmem:$0x1A200] =	vst v63  }
0x2e3: {  	s17 =	sadd.s32 $0x5DC000, s15;
	s18 =	simm.s32 $0x6900  }
0x2e4: {  	[hbm4b:s17+s5] =	stream.linear.scatter [tilespmem:s18], [sflag:$0x3], $0x500, $0x38;
	[tilespmem:$0x1A200] =	vst v63  }
0x2e5: {  	s17 =	sadd.s32 $0x640000, s15;
	s18 =	simm.s32 $0x6E00  }
0x2e6: {  	[hbm4b:s17+s5] =	stream.linear.scatter [tilespmem:s18], [sflag:$0x3], $0x500, $0x38;
	[tilespmem:$0x1A200] =	vst v63  }
0x2e7: {  	s17 =	sadd.s32 $0x6A4000, s15;
	s18 =	simm.s32 $0x7300  }
0x2e8: {  	[hbm4b:s17+s5] =	stream.linear.scatter [tilespmem:s18], [sflag:$0x3], $0x500, $0x38;
	[tilespmem:$0x1A200] =	vst v63  }
0x2e9: {  	s17 =	sadd.s32 $0x708000, s15;
	s18 =	simm.s32 $0x7800  }
0x2ea: {  	[hbm4b:s17+s5] =	stream.linear.scatter [tilespmem:s18], [sflag:$0x3], $0x500, $0x38;
	[tilespmem:$0x1A200] =	vst v63  }
0x2eb: {  	s17 =	sadd.s32 $0x76C000, s15;
	s18 =	simm.s32 $0x7D00  }
0x2ec: {  	[hbm4b:s17+s5] =	stream.linear.scatter [tilespmem:s18], [sflag:$0x3], $0x500, $0x38;
	[tilespmem:$0x1A200] =	vst v63  }
0x2ed: {  	s17 =	sadd.s32 $0x7D0000, s15;
	s18 =	simm.s32 $0x8200  }
0x2ee: {  	[hbm4b:s17+s5] =	stream.linear.scatter [tilespmem:s18], [sflag:$0x3], $0x500, $0x38;
	[tilespmem:$0x1A200] =	vst v63  }
0x2ef: {  	s17 =	sadd.s32 $0x834000, s15;
	s18 =	simm.s32 $0x8700  }
0x2f0: {  	[hbm4b:s17+s5] =	stream.linear.scatter [tilespmem:s18], [sflag:$0x3], $0x500, $0x38;
	[tilespmem:$0x1A200] =	vst v63  }
0x2f1: {  	s17 =	sadd.s32 $0x898000, s15;
	s18 =	simm.s32 $0x8C00  }
0x2f2: {  	[hbm4b:s17+s5] =	stream.linear.scatter [tilespmem:s18], [sflag:$0x3], $0x500, $0x38;
	[tilespmem:$0x1A200] =	vst v63  }
0x2f3: {  	s17 =	sadd.s32 $0x8FC000, s15;
	s18 =	simm.s32 $0x9100  }
0x2f4: {  	[hbm4b:s17+s5] =	stream.linear.scatter [tilespmem:s18], [sflag:$0x3], $0x500, $0x38;
	[tilespmem:$0x1A200] =	vst v63  }
0x2f5: {  	s17 =	sadd.s32 $0x960000, s15;
	s18 =	simm.s32 $0x9600  }
0x2f6: {  	[hbm4b:s17+s5] =	stream.linear.scatter [tilespmem:s18], [sflag:$0x3], $0x500, $0x38;
	[tilespmem:$0x1A200] =	vst v63  }
0x2f7: {  	s17 =	sadd.s32 $0x9C4000, s15;
	s18 =	simm.s32 $0x9B00  }
0x2f8: {  	[hbm4b:s17+s5] =	stream.linear.scatter [tilespmem:s18], [sflag:$0x3], $0x500, $0x38;
	[tilespmem:$0x1A200] =	vst v63  }
0x2f9: {  	s17 =	sadd.s32 $0xA28000, s15;
	s18 =	simm.s32 $0xA000  }
0x2fa: {  	[hbm4b:s17+s5] =	stream.linear.scatter [tilespmem:s18], [sflag:$0x3], $0x500, $0x38;
	[tilespmem:$0x1A200] =	vst v63  }
0x2fb: {  	s17 =	sadd.s32 $0xA8C000, s15;
	s18 =	simm.s32 $0xA500  }
0x2fc: {  	[hbm4b:s17+s5] =	stream.linear.scatter [tilespmem:s18], [sflag:$0x3], $0x500, $0x38;
	[tilespmem:$0x1A200] =	vst v63  }
0x2fd: {  	s17 =	sadd.s32 $0xAF0000, s15;
	s18 =	simm.s32 $0xAA00  }
0x2fe: {  	[hbm4b:s17+s5] =	stream.linear.scatter [tilespmem:s18], [sflag:$0x3], $0x500, $0x38;
	[tilespmem:$0x1A200] =	vst v63  }
0x2ff: {  	s17 =	sadd.s32 $0xB54000, s15;
	s18 =	simm.s32 $0xAF00  }
0x300: {  	[hbm4b:s17+s5] =	stream.linear.scatter [tilespmem:s18], [sflag:$0x3], $0x500, $0x38;
	[tilespmem:$0x1A200] =	vst v63  }
0x301: {  	s17 =	sadd.s32 $0xBB8000, s15;
	s18 =	simm.s32 $0xB400  }
0x302: {  	[hbm4b:s17+s5] =	stream.linear.scatter [tilespmem:s18], [sflag:$0x3], $0x500, $0x38;
	[tilespmem:$0x1A200] =	vst v63  }
0x303: {  	s17 =	sadd.s32 $0xC1C000, s15;
	s18 =	simm.s32 $0xB900  }
0x304: {  	[hbm4b:s17+s5] =	stream.linear.scatter [tilespmem:s18], [sflag:$0x3], $0x500, $0x38;
	[tilespmem:$0x1A200] =	vst v63  }
0x305: {  	s17 =	sadd.s32 $0xC80000, s15;
	s18 =	simm.s32 $0xBE00  }
0x306: {  	[hbm4b:s17+s5] =	stream.linear.scatter [tilespmem:s18], [sflag:$0x3], $0x500, $0x38;
	[tilespmem:$0x1A200] =	vst v63  }
0x307: {  	s17 =	sadd.s32 $0xCE4000, s15;
	s18 =	simm.s32 $0xC300  }
0x308: {  	[hbm4b:s17+s5] =	stream.linear.scatter [tilespmem:s18], [sflag:$0x3], $0x500, $0x38;
	[tilespmem:$0x1A200] =	vst v63  }
0x309: {  	p1 =	sne.s32 s0, $0x27;
	s17 =	sadd.s32 $0xD48000, s15;
	s18 =	simm.s32 $0xC800  }
0x30a: {  	[hbm4b:s17+s5] =	stream.linear.scatter [tilespmem:s18], [sflag:$0x3], $0x500, $0x38;
	[tilespmem:$0x1A200] =	vst v63  }
.Ltmp1:
0x30b: {  	_ = 	snop;
	(pc) =	sbr.rel @p1 .LBB2_6-.Ltmp1, $4  }
0x30c: {  	s17 =	sadd.s32 $0xDAC000, s15;
	s18 =	simm.s32 $0xCD00  }
0x30d: {  	[hbm4b:s17+s5] =	stream.linear.scatter [tilespmem:s18], [sflag:$0x3], $0x500, $0x38;
	[tilespmem:$0x1A200] =	vst v63  }
0x30e: {  	s15 =	sadd.s32 $0xE10000, s15;
	s18 =	simm.s32 $0xD200  }
0x30f: {  	[hbm4b:s15+s5] =	stream.linear.scatter [tilespmem:s18], [sflag:$0x3], $0x500, $0x38;
	[tilespmem:$0x1A200] =	vst v63  }
.Ltmp2:
0x310: {  	(pc) =	sbr.rel .LBB2_7-.Ltmp2, $4  }
0x311: {  	_ = 	snop  }
0x312: {  	_ =	swait.ge [sflag:s13], $0xF00  }
0x313: {  	[sflag:s13] =	ssyncset.done $0x0  }
0x314: {  	[sflag:s13] =	ssyncadd.s32 $0xFFFFF100  }
.LBB2_6:
0x315: {  	s15 =	rddreg [dreg:$0x8]  }
0x316: {  	s10 =	sadd.s32 s10, s15  }
0x317: {  	s10 =	sshrl.u32 s10, $0x3  }
0x318: {  	s10 =	sadd.s32 s1, s10  }
0x319: {  	[tilespmem:s5], [sflag:$0x1] =	stream.linear.gather [hbm4b:s10+s5], $0x500, $0x38;
	[tilespmem:$0x1A200] =	vst v63  }
0x31a: {  	s17 =	simm.s32 $0x500;
	s18 =	sadd.s32 $0x64000, s10  }
0x31b: {  	[tilespmem:s17], [sflag:$0x1] =	stream.linear.gather [hbm4b:s18+s5], $0x500, $0x38;
	[tilespmem:$0x1A200] =	vst v63  }
.Ltmp3:
0x31c: {  	s10 =	sadd.s32 $0xC8000, s10;
	s18 =	simm.s32 $0xA00;
	(pc) =	sbr.rel @p0 .LBB2_8-.Ltmp3, $4  }
0x31d: {  	[tilespmem:s18], [sflag:$0x1] =	stream.linear.gather [hbm4b:s10+s5], $0x500, $0x38;
	[tilespmem:$0x1A200] =	vst v63  }
0x31e: {  	_ =	swait.ge [sflag:s13], $0xF00  }
0x31f: {  	[sflag:s13] =	ssyncset.done $0x0  }
0x320: {  	[sflag:s13] =	ssyncadd.s32 $0xFFFFF100  }
.LBB2_7:
0x321: {  	_ =	swait.ge [sflag:s8], $0xB900  }
0x322: {  	[sflag:s8] =	ssyncset.done $0x0  }
0x323: {  	[sflag:s8] =	ssyncadd.s32 $0xFFFF4700  }
.LBB2_8:
0x324: {  	s10 =	simm.s32 $0x0  }
.LBB2_9:
0x325: {  	s15 =	sshll.u32 s10, $0x4  }
0x326: {  	v0 =	vld [tilespmem:s15+$0x1400];
	_ =	sdelay $0x1  }
0x327: {  	v1 =	vld [tilespmem:s15+$0x1410];
	_ =	sdelay $0x2  }
0x328: {  	v0 =	vmul.u32 $0x6, v0;
	_ =	sdelay $0x1  }
0x329: {  	v1 =	vmul.u32 $0x6, v1;
	_ =	sdelay $0x3  }
0x32a: {  	v2 =	vld.idx.msk [tilespmem:v0+s14+$0x0], $0xffff  }
0x32b: {  	v5 =	vld [tilespmem:s15+$0x1420]  }
0x32c: {  	v3 =	vld.idx.msk [tilespmem:v1+s14+$0x0], $0xffff  }
0x32d: {  	v4 =	vor.u32 $0x1, v0;
	_ =	sdelay $0x1  }
0x32e: {  	v7 =	vor.u32 $0x1, v1;
	v6 =	vunpack.i.l.bf16.f32 v2  }
0x32f: {  	v5 =	vmul.u32 $0x6, v5;
	v2 =	vunpack.i.u.bf16.f32 v2;
	[tilespmem:s15+$0xD700] =	vst v6  }
0x330: {  	v13 =	vunpack.i.l.bf16.f32 v3;
	[tilespmem:s15+$0xDC00] =	vst v2  }
0x331: {  	v3 =	vunpack.i.u.bf16.f32 v3;
	[tilespmem:s15+$0xD710] =	vst v13;
	v4 =	vld.idx.msk [tilespmem:v4+s14+$0x0], $0xffff  }
0x332: {  	[tilespmem:s15+$0xDC10] =	vst v3  }
0x333: {  	v2 =	vld.idx.msk [tilespmem:v7+s14+$0x0], $0xffff  }
0x334: {  	v14 =	vadd.s32 $0x2, v0  }
0x335: {  	v17 =	vld.idx.msk [tilespmem:v5+s14+$0x0], $0xffff  }
0x336: {  	v16 =	vadd.s32 $0x2, v1;
	v15 =	vunpack.i.l.bf16.f32 v4  }
0x337: {  	v4 =	vunpack.i.u.bf16.f32 v4;
	[tilespmem:s15+$0xE100] =	vst v15  }
0x338: {  	v19 =	vor.u32 $0x1, v5;
	v18 =	vunpack.i.l.bf16.f32 v2;
	[tilespmem:s15+$0xE600] =	vst v4  }
0x339: {  	v2 =	vunpack.i.u.bf16.f32 v2;
	[tilespmem:s15+$0xE110] =	vst v18;
	v3 =	vld.idx.msk [tilespmem:v14+s14+$0x0], $0xffff  }
0x33a: {  	v8 =	vunpack.i.l.bf16.f32 v17;
	[tilespmem:s15+$0xE610] =	vst v2  }
0x33b: {  	v6 =	vunpack.i.u.bf16.f32 v17;
	[tilespmem:s15+$0xD720] =	vst v8;
	v4 =	vld.idx.msk [tilespmem:v16+s14+$0x0], $0xffff  }
0x33c: {  	v20 =	vadd.s32 $0x3, v0;
	[tilespmem:s15+$0xDC20] =	vst v6  }
0x33d: {  	v2 =	vld.idx.msk [tilespmem:v19+s14+$0x0], $0xffff  }
0x33e: {  	v9 =	vadd.s32 $0x3, v1;
	v21 =	vunpack.i.l.bf16.f32 v3  }
0x33f: {  	v3 =	vunpack.i.u.bf16.f32 v3;
	[tilespmem:s15+$0xEB00] =	vst v21  }
0x340: {  	v24 =	vadd.s32 $0x2, v5;
	v22 =	vunpack.i.l.bf16.f32 v4;
	[tilespmem:s15+$0xF000] =	vst v3  }
0x341: {  	v4 =	vunpack.i.u.bf16.f32 v4;
	[tilespmem:s15+$0xEB10] =	vst v22;
	v23 =	vld.idx.msk [tilespmem:v20+s14+$0x0], $0xffff  }
0x342: {  	v26 =	vunpack.i.l.bf16.f32 v2;
	[tilespmem:s15+$0xF010] =	vst v4  }
0x343: {  	v2 =	vunpack.i.u.bf16.f32 v2;
	[tilespmem:s15+$0xE120] =	vst v26;
	v4 =	vld.idx.msk [tilespmem:v9+s14+$0x0], $0xffff  }
0x344: {  	v25 =	vadd.s32 $0x4, v0;
	[tilespmem:s15+$0xE620] =	vst v2  }
0x345: {  	v3 =	vld.idx.msk [tilespmem:v24+s14+$0x0], $0xffff  }
0x346: {  	v28 =	vadd.s32 $0x4, v1;
	v27 =	vunpack.i.l.bf16.f32 v23  }
0x347: {  	v29 =	vunpack.i.u.bf16.f32 v23;
	[tilespmem:s15+$0xF500] =	vst v27  }
0x348: {  	v32 =	vadd.s32 $0x3, v5;
	v30 =	vunpack.i.l.bf16.f32 v4;
	[tilespmem:s15+$0xFA00] =	vst v29  }
0x349: {  	v4 =	vunpack.i.u.bf16.f32 v4;
	[tilespmem:s15+$0xF510] =	vst v30;
	v31 =	vld.idx.msk [tilespmem:v25+s14+$0x0], $0xffff  }
0x34a: {  	v33 =	vunpack.i.l.bf16.f32 v3;
	[tilespmem:s15+$0xFA10] =	vst v4  }
0x34b: {  	v3 =	vunpack.i.u.bf16.f32 v3;
	[tilespmem:s15+$0xEB20] =	vst v33;
	v4 =	vld.idx.msk [tilespmem:v28+s14+$0x0], $0xffff  }
0x34c: {  	v0 =	vadd.s32 $0x5, v0;
	[tilespmem:s15+$0xF020] =	vst v3  }
0x34d: {  	v37 =	vld.idx.msk [tilespmem:v32+s14+$0x0], $0xffff  }
0x34e: {  	v34 =	vld [tilespmem:s15+$0xF00];
	v1 =	vadd.s32 $0x5, v1;
	v35 =	vunpack.i.l.bf16.f32 v31  }
0x34f: {  	v36 =	vunpack.i.u.bf16.f32 v31;
	[tilespmem:s15+$0xFF00] =	vst v35  }
0x350: {  	v38 =	vld [tilespmem:s15+$0xF10];
	v41 =	vadd.s32 $0x4, v5;
	v39 =	vunpack.i.l.bf16.f32 v4;
	[tilespmem:s15+$0x10400] =	vst v36  }
0x351: {  	v40 =	vunpack.i.u.bf16.f32 v4;
	[tilespmem:s15+$0xFF10] =	vst v39;
	v8 =	vld.idx.msk [tilespmem:v0+s14+$0x0], $0xffff  }
0x352: {  	v42 =	vunpack.i.l.bf16.f32 v37;
	[tilespmem:s15+$0x10410] =	vst v40  }
0x353: {  	v2 =	vmul.u32 $0xC, v34;
	v43 =	vunpack.i.u.bf16.f32 v37;
	[tilespmem:s15+$0xF520] =	vst v42;
	v1 =	vld.idx.msk [tilespmem:v1+s14+$0x0], $0xffff  }
0x354: {  	[tilespmem:s15+$0xFA20] =	vst v43  }
0x355: {  	v4 =	vld.idx.msk [tilespmem:v41+s14+$0x0], $0xffff;
	v0 =	vmul.u32 $0xC, v38  }
0x356: {  	v44 =	vunpack.i.l.bf16.f32 v8  }
0x357: {  	v45 =	vunpack.i.u.bf16.f32 v8;
	[tilespmem:s15+$0x10900] =	vst v44  }
0x358: {  	v47 =	vadd.s32 $0x5, v5;
	v46 =	vunpack.i.l.bf16.f32 v1;
	[tilespmem:s15+$0x10E00] =	vst v45  }
0x359: {  	v1 =	vunpack.i.u.bf16.f32 v1;
	[tilespmem:s15+$0x10910] =	vst v46;
	v6 =	vld.idx.msk [tilespmem:v2+s16+$0x0], $0xffff  }
0x35a: {  	v49 =	vld [tilespmem:s15+$0xF20];
	v50 =	vunpack.i.l.bf16.f32 v4;
	[tilespmem:s15+$0x10E10] =	vst v1  }
0x35b: {  	v4 =	vunpack.i.u.bf16.f32 v4;
	[tilespmem:s15+$0xFF20] =	vst v50;
	v3 =	vld.idx.msk [tilespmem:v0+s16+$0x0], $0xffff  }
0x35c: {  	v48 =	vor.u32 $0x1, v2;
	[tilespmem:s15+$0x10420] =	vst v4  }
0x35d: {  	v54 =	vld.idx.msk [tilespmem:v47+s14+$0x0], $0xffff  }
0x35e: {  	v52 =	vor.u32 $0x1, v0;
	v51 =	vunpack.i.l.bf16.f32 v6  }
0x35f: {  	v1 =	vmul.u32 $0xC, v49;
	v53 =	vunpack.i.u.bf16.f32 v6;
	[tilespmem:s15+$0x11300] =	vst v51  }
0x360: {  	v55 =	vunpack.i.l.bf16.f32 v3;
	[tilespmem:s15+$0x11800] =	vst v53  }
0x361: {  	v3 =	vunpack.i.u.bf16.f32 v3;
	[tilespmem:s15+$0x11310] =	vst v55;
	v4 =	vld.idx.msk [tilespmem:v48+s16+$0x0], $0xffff  }
0x362: {  	v57 =	vunpack.i.l.bf16.f32 v54;
	[tilespmem:s15+$0x11810] =	vst v3  }
0x363: {  	v6 =	vunpack.i.u.bf16.f32 v54;
	[tilespmem:s15+$0x10920] =	vst v57;
	v3 =	vld.idx.msk [tilespmem:v52+s16+$0x0], $0xffff  }
0x364: {  	v56 =	vor.u32 $0x2, v2;
	[tilespmem:s15+$0x10E20] =	vst v6  }
0x365: {  	v6 =	vld.idx.msk [tilespmem:v1+s16+$0x0], $0xffff  }
0x366: {  	v59 =	vor.u32 $0x2, v0;
	v58 =	vunpack.i.l.bf16.f32 v4  }
0x367: {  	v4 =	vunpack.i.u.bf16.f32 v4;
	[tilespmem:s15+$0x11D00] =	vst v58  }
0x368: {  	v61 =	vor.u32 $0x1, v1;
	v60 =	vunpack.i.l.bf16.f32 v3;
	[tilespmem:s15+$0x12200] =	vst v4  }
0x369: {  	v3 =	vunpack.i.u.bf16.f32 v3;
	[tilespmem:s15+$0x11D10] =	vst v60;
	v5 =	vld.idx.msk [tilespmem:v56+s16+$0x0], $0xffff  }
0x36a: {  	v63 =	vunpack.i.l.bf16.f32 v6;
	[tilespmem:s15+$0x12210] =	vst v3  }
0x36b: {  	v6 =	vunpack.i.u.bf16.f32 v6;
	[tilespmem:s15+$0x11320] =	vst v63;
	v4 =	vld.idx.msk [tilespmem:v59+s16+$0x0], $0xffff  }
0x36c: {  	v62 =	vor.u32 $0x3, v2;
	[tilespmem:s15+$0x11820] =	vst v6  }
0x36d: {  	v3 =	vld.idx.msk [tilespmem:v61+s16+$0x0], $0xffff  }
0x36e: {  	v13 =	vor.u32 $0x3, v0;
	v12 =	vunpack.i.l.bf16.f32 v5  }
0x36f: {  	v5 =	vunpack.i.u.bf16.f32 v5;
	[tilespmem:s15+$0x12700] =	vst v12  }
0x370: {  	v16 =	vor.u32 $0x2, v1;
	v14 =	vunpack.i.l.bf16.f32 v4;
	[tilespmem:s15+$0x12C00] =	vst v5  }
0x371: {  	v4 =	vunpack.i.u.bf16.f32 v4;
	[tilespmem:s15+$0x12710] =	vst v14;
	v15 =	vld.idx.msk [tilespmem:v62+s16+$0x0], $0xffff  }
0x372: {  	v18 =	vunpack.i.l.bf16.f32 v3;
	[tilespmem:s15+$0x12C10] =	vst v4  }
0x373: {  	v3 =	vunpack.i.u.bf16.f32 v3;
	[tilespmem:s15+$0x11D20] =	vst v18;
	v5 =	vld.idx.msk [tilespmem:v13+s16+$0x0], $0xffff  }
0x374: {  	v17 =	vadd.s32 $0x4, v2;
	[tilespmem:s15+$0x12220] =	vst v3  }
0x375: {  	v4 =	vld.idx.msk [tilespmem:v16+s16+$0x0], $0xffff  }
0x376: {  	v20 =	vadd.s32 $0x4, v0;
	v19 =	vunpack.i.l.bf16.f32 v15  }
0x377: {  	v21 =	vunpack.i.u.bf16.f32 v15;
	[tilespmem:s15+$0x13100] =	vst v19  }
0x378: {  	v24 =	vor.u32 $0x3, v1;
	v22 =	vunpack.i.l.bf16.f32 v5;
	[tilespmem:s15+$0x13600] =	vst v21  }
0x379: {  	v5 =	vunpack.i.u.bf16.f32 v5;
	[tilespmem:s15+$0x13110] =	vst v22;
	v23 =	vld.idx.msk [tilespmem:v17+s16+$0x0], $0xffff  }
0x37a: {  	v26 =	vunpack.i.l.bf16.f32 v4;
	[tilespmem:s15+$0x13610] =	vst v5  }
0x37b: {  	v4 =	vunpack.i.u.bf16.f32 v4;
	[tilespmem:s15+$0x12720] =	vst v26;
	v5 =	vld.idx.msk [tilespmem:v20+s16+$0x0], $0xffff  }
0x37c: {  	v25 =	vadd.s32 $0x5, v2;
	[tilespmem:s15+$0x12C20] =	vst v4  }
0x37d: {  	v3 =	vld.idx.msk [tilespmem:v24+s16+$0x0], $0xffff  }
0x37e: {  	v28 =	vadd.s32 $0x5, v0;
	v27 =	vunpack.i.l.bf16.f32 v23  }
0x37f: {  	v29 =	vunpack.i.u.bf16.f32 v23;
	[tilespmem:s15+$0x13B00] =	vst v27  }
0x380: {  	v32 =	vadd.s32 $0x4, v1;
	v30 =	vunpack.i.l.bf16.f32 v5;
	[tilespmem:s15+$0x14000] =	vst v29  }
0x381: {  	v5 =	vunpack.i.u.bf16.f32 v5;
	[tilespmem:s15+$0x13B10] =	vst v30;
	v31 =	vld.idx.msk [tilespmem:v25+s16+$0x0], $0xffff  }
0x382: {  	v34 =	vunpack.i.l.bf16.f32 v3;
	[tilespmem:s15+$0x14010] =	vst v5  }
0x383: {  	v3 =	vunpack.i.u.bf16.f32 v3;
	[tilespmem:s15+$0x13120] =	vst v34;
	v5 =	vld.idx.msk [tilespmem:v28+s16+$0x0], $0xffff  }
0x384: {  	v33 =	vadd.s32 $0x6, v2;
	v41 =	vld [tilespmem:s15+$0x1430];
	[tilespmem:s15+$0x13620] =	vst v3  }
0x385: {  	v4 =	vld.idx.msk [tilespmem:v32+s16+$0x0], $0xffff  }
0x386: {  	v36 =	vadd.s32 $0x6, v0;
	v35 =	vunpack.i.l.bf16.f32 v31  }
0x387: {  	v37 =	vunpack.i.u.bf16.f32 v31;
	[tilespmem:s15+$0x14500] =	vst v35  }
0x388: {  	v40 =	vadd.s32 $0x5, v1;
	v38 =	vunpack.i.l.bf16.f32 v5;
	v5 =	vunpack.i.u.bf16.f32 v5;
	[tilespmem:s15+$0x14A00] =	vst v37  }
0x389: {  	[tilespmem:s15+$0x14A10] =	vst v5;
	v5 =	vmul.u32 $0x6, v41;
	v39 =	vld.idx.msk [tilespmem:v33+s16+$0x0], $0xffff  }
0x38a: {  	v44 =	vunpack.i.l.bf16.f32 v4;
	[tilespmem:s15+$0x14510] =	vst v38  }
0x38b: {  	v4 =	vunpack.i.u.bf16.f32 v4;
	[tilespmem:s15+$0x13B20] =	vst v44;
	v42 =	vld.idx.msk [tilespmem:v36+s16+$0x0], $0xffff  }
0x38c: {  	v43 =	vadd.s32 $0x7, v2;
	v32 =	vld [tilespmem:s15+$0x1440];
	[tilespmem:s15+$0x14020] =	vst v4  }
0x38d: {  	v3 =	vld.idx.msk [tilespmem:v40+s16+$0x0], $0xffff  }
0x38e: {  	v10 =	vadd.s32 $0x7, v0;
	v45 =	vunpack.i.l.bf16.f32 v39  }
0x38f: {  	v46 =	vunpack.i.u.bf16.f32 v39;
	v52 =	vld.idx.msk [tilespmem:v5+s14+$0x0], $0xffff;
	[tilespmem:s15+$0x14F00] =	vst v45  }
0x390: {  	v49 =	vadd.s32 $0x6, v1;
	v47 =	vunpack.i.l.bf16.f32 v42;
	[tilespmem:s15+$0x15400] =	vst v46  }
0x391: {  	v7 =	vunpack.i.u.bf16.f32 v42;
	v39 =	vmul.u32 $0x6, v32;
	[tilespmem:s15+$0x14F10] =	vst v47;
	v48 =	vld.idx.msk [tilespmem:v43+s16+$0x0], $0xffff  }
0x392: {  	v51 =	vunpack.i.l.bf16.f32 v3;
	[tilespmem:s15+$0x15410] =	vst v7  }
0x393: {  	v56 =	vor.u32 $0x1, v5;
	v3 =	vunpack.i.u.bf16.f32 v3;
	[tilespmem:s15+$0x14520] =	vst v51;
	v7 =	vld.idx.msk [tilespmem:v10+s16+$0x0], $0xffff  }
0x394: {  	[tilespmem:s15+$0x14A20] =	vst v3;
	v58 =	vunpack.i.l.bf16.f32 v52  }
0x395: {  	v50 =	vadd.s32 $0x8, v2;
	v4 =	vld.idx.msk [tilespmem:v49+s16+$0x0], $0xffff;
	v9 =	vunpack.i.u.bf16.f32 v52;
	[tilespmem:s15+$0xD730] =	vst v58  }
0x396: {  	v47 =	vld [tilespmem:s15+$0x1450];
	[tilespmem:s15+$0xDC30] =	vst v9;
	v53 =	vunpack.i.l.bf16.f32 v48  }
0x397: {  	v11 =	vadd.s32 $0x8, v0;
	v45 =	vld.idx.msk [tilespmem:v39+s14+$0x0], $0xffff;
	v54 =	vunpack.i.u.bf16.f32 v48;
	[tilespmem:s15+$0x15900] =	vst v53  }
0x398: {  	v57 =	vadd.s32 $0x7, v1;
	v55 =	vunpack.i.l.bf16.f32 v7;
	v6 =	vld.idx.msk [tilespmem:v56+s14+$0x0], $0xffff;
	[tilespmem:s15+$0x15E00] =	vst v54  }
0x399: {  	v7 =	vunpack.i.u.bf16.f32 v7;
	[tilespmem:s15+$0x15910] =	vst v55  }
0x39a: {  	v61 =	vunpack.i.l.bf16.f32 v4;
	[tilespmem:s15+$0x15E10] =	vst v7;
	v8 =	vld.idx.msk [tilespmem:v50+s16+$0x0], $0xffff  }
0x39b: {  	v14 =	vadd.s32 $0x2, v5;
	v4 =	vunpack.i.u.bf16.f32 v4;
	[tilespmem:s15+$0x14F20] =	vst v61  }
0x39c: {  	[tilespmem:s15+$0x15420] =	vst v4;
	v54 =	vmul.u32 $0x6, v47;
	v59 =	vld.idx.msk [tilespmem:v11+s16+$0x0], $0xffff;
	v52 =	vunpack.i.l.bf16.f32 v45  }
0x39d: {  	v3 =	vld.idx.msk [tilespmem:v57+s16+$0x0], $0xffff;
	v17 =	vunpack.i.l.bf16.f32 v6;
	[tilespmem:s15+$0xD740] =	vst v52  }
0x39e: {  	v60 =	vadd.s32 $0x9, v2;
	v50 =	vld [tilespmem:s15+$0x1460];
	v6 =	vunpack.i.u.bf16.f32 v6;
	[tilespmem:s15+$0xE130] =	vst v17  }
0x39f: {  	[tilespmem:s15+$0xE630] =	vst v6;
	v62 =	vunpack.i.l.bf16.f32 v8  }
0x3a0: {  	v63 =	vadd.s32 $0x9, v0;
	v12 =	vunpack.i.u.bf16.f32 v8;
	v8 =	vld.idx.msk [tilespmem:v14+s14+$0x0], $0xffff;
	[tilespmem:s15+$0x16300] =	vst v62  }
0x3a1: {  	v13 =	vunpack.i.l.bf16.f32 v59;
	[tilespmem:s15+$0x16800] =	vst v12  }
0x3a2: {  	v16 =	vadd.s32 $0x8, v1;
	v15 =	vunpack.i.u.bf16.f32 v59;
	[tilespmem:s15+$0x16310] =	vst v13;
	v62 =	vld.idx.msk [tilespmem:v54+s14+$0x0], $0xffff  }
0x3a3: {  	v19 =	vunpack.i.l.bf16.f32 v3;
	v58 =	vmul.u32 $0x6, v50;
	[tilespmem:s15+$0x16810] =	vst v15;
	v7 =	vld.idx.msk [tilespmem:v60+s16+$0x0], $0xffff  }
0x3a4: {  	v3 =	vunpack.i.u.bf16.f32 v3;
	[tilespmem:s15+$0x15920] =	vst v19  }
0x3a5: {  	v25 =	vadd.s32 $0x3, v5;
	[tilespmem:s15+$0x15E20] =	vst v3;
	v18 =	vld.idx.msk [tilespmem:v63+s16+$0x0], $0xffff;
	v28 =	vunpack.i.l.bf16.f32 v8  }
0x3a6: {  	v8 =	vunpack.i.u.bf16.f32 v8;
	[tilespmem:s15+$0xEB30] =	vst v28  }
0x3a7: {  	v20 =	vadd.s32 $0xA, v2;
	v4 =	vld.idx.msk [tilespmem:v16+s16+$0x0], $0xffff;
	[tilespmem:s15+$0xF030] =	vst v8;
	v15 =	vunpack.i.l.bf16.f32 v62  }
0x3a8: {  	v21 =	vunpack.i.l.bf16.f32 v7;
	[tilespmem:s15+$0xD750] =	vst v15  }
0x3a9: {  	v23 =	vadd.s32 $0xA, v0;
	v12 =	vld.idx.msk [tilespmem:v58+s14+$0x0], $0xffff;
	v22 =	vunpack.i.u.bf16.f32 v7;
	[tilespmem:s15+$0x16D00] =	vst v21  }
0x3aa: {  	v24 =	vunpack.i.l.bf16.f32 v18;
	v8 =	vld.idx.msk [tilespmem:v25+s14+$0x0], $0xffff;
	[tilespmem:s15+$0x17200] =	vst v22  }
0x3ab: {  	v27 =	vadd.s32 $0x9, v1;
	v10 =	vunpack.i.u.bf16.f32 v18;
	[tilespmem:s15+$0x16D10] =	vst v24  }
0x3ac: {  	v29 =	vunpack.i.l.bf16.f32 v4;
	[tilespmem:s15+$0x17210] =	vst v10;
	v26 =	vld.idx.msk [tilespmem:v20+s16+$0x0], $0xffff  }
0x3ad: {  	v4 =	vunpack.i.u.bf16.f32 v4;
	[tilespmem:s15+$0x16320] =	vst v29  }
0x3ae: {  	[tilespmem:s15+$0x16820] =	vst v4;
	v7 =	vld.idx.msk [tilespmem:v23+s16+$0x0], $0xffff;
	v18 =	vunpack.i.l.bf16.f32 v12  }
0x3af: {  	v34 =	vunpack.i.l.bf16.f32 v8;
	[tilespmem:s15+$0xD760] =	vst v18  }
0x3b0: {  	v31 =	vadd.s32 $0x4, v5;
	v6 =	vld.idx.msk [tilespmem:v27+s16+$0x0], $0xffff;
	v8 =	vunpack.i.u.bf16.f32 v8;
	[tilespmem:s15+$0xF530] =	vst v34  }
0x3b1: {  	v35 =	vld [tilespmem:s15+$0x1900];
	[tilespmem:s15+$0xFA30] =	vst v8;
	v30 =	vunpack.i.l.bf16.f32 v26  }
0x3b2: {  	v2 =	vadd.s32 $0xB, v2;
	v3 =	vunpack.i.u.bf16.f32 v26;
	[tilespmem:s15+$0x17700] =	vst v30  }
0x3b3: {  	v42 =	vld [tilespmem:s15+$0x1910];
	v33 =	vunpack.i.l.bf16.f32 v7;
	[tilespmem:s15+$0x17C00] =	vst v3  }
0x3b4: {  	v0 =	vadd.s32 $0xB, v0;
	v37 =	vunpack.i.u.bf16.f32 v7;
	[tilespmem:s15+$0x17710] =	vst v33  }
0x3b5: {  	v36 =	vadd.s32 $0xA, v1;
	v38 =	vunpack.i.l.bf16.f32 v6;
	v4 =	vld.idx.msk [tilespmem:v31+s14+$0x0], $0xffff;
	[tilespmem:s15+$0x17C10] =	vst v37  }
0x3b6: {  	v41 =	vcvt.s32.f32 v35;
	v6 =	vunpack.i.u.bf16.f32 v6;
	[tilespmem:s15+$0x16D20] =	vst v38  }
0x3b7: {  	[tilespmem:s15+$0x17220] =	vst v6;
	v2 =	vld.idx.msk [tilespmem:v2+s16+$0x0], $0xffff  }
0x3b8: {  	v56 =	vcvt.s32.f32 v42;
	v3 =	vunpack.i.u.bf16.f32 v45;
	[tilespmem:s15+$0x18B00] =	vst v41  }
0x3b9: {  	v49 =	vor.u32 $0x1, v39;
	v0 =	vld.idx.msk [tilespmem:v0+s16+$0x0], $0xffff;
	[tilespmem:s15+$0xDC40] =	vst v3  }
0x3ba: {  	v6 =	vld.idx.msk [tilespmem:v36+s16+$0x0], $0xffff;
	[tilespmem:s15+$0x18B10] =	vst v56;
	v44 =	vunpack.i.l.bf16.f32 v4  }
0x3bb: {  	v5 =	vadd.s32 $0x5, v5;
	v4 =	vunpack.i.u.bf16.f32 v4;
	[tilespmem:s15+$0xFF30] =	vst v44  }
0x3bc: {  	v53 =	vld [tilespmem:s15+$0x1920];
	[tilespmem:s15+$0x10430] =	vst v4;
	v40 =	vunpack.i.l.bf16.f32 v2  }
0x3bd: {  	v43 =	vld [tilespmem:s15+$0xF30];
	v2 =	vunpack.i.u.bf16.f32 v2;
	[tilespmem:s15+$0x18100] =	vst v40  }
0x3be: {  	v1 =	vadd.s32 $0xB, v1;
	v57 =	vld.idx.msk [tilespmem:v49+s14+$0x0], $0xffff;
	v46 =	vunpack.i.l.bf16.f32 v0;
	[tilespmem:s15+$0x18600] =	vst v2  }
0x3bf: {  	v48 =	vunpack.i.l.bf16.f32 v6;
	[tilespmem:s15+$0x18110] =	vst v46  }
0x3c0: {  	v5 =	vld.idx.msk [tilespmem:v5+s14+$0x0], $0xffff;
	v6 =	vunpack.i.u.bf16.f32 v6;
	[tilespmem:s15+$0x17720] =	vst v48  }
0x3c1: {  	v61 =	vadd.s32 $0x2, v39;
	v60 =	vcvt.s32.f32 v53;
	v0 =	vunpack.i.u.bf16.f32 v0;
	[tilespmem:s15+$0x17C20] =	vst v6  }
0x3c2: {  	v2 =	vmul.u32 $0xC, v43;
	[tilespmem:s15+$0x18610] =	vst v0  }
0x3c3: {  	v9 =	vunpack.i.l.bf16.f32 v57;
	v51 =	vld.idx.msk [tilespmem:v1+s16+$0x0], $0xffff;
	[tilespmem:s15+$0x18B20] =	vst v60  }
0x3c4: {  	v4 =	vunpack.i.u.bf16.f32 v57;
	[tilespmem:s15+$0xE140] =	vst v9  }
0x3c5: {  	v16 =	vor.u32 $0x1, v58;
	[tilespmem:s15+$0xE640] =	vst v4;
	v55 =	vunpack.i.l.bf16.f32 v5  }
0x3c6: {  	v6 =	vld.idx.msk [tilespmem:v61+s14+$0x0], $0xffff;
	v5 =	vunpack.i.u.bf16.f32 v5;
	[tilespmem:s15+$0x10930] =	vst v55  }
0x3c7: {  	v14 =	vor.u32 $0x1, v54;
	v9 =	vunpack.i.u.bf16.f32 v12;
	[tilespmem:s15+$0x10E30] =	vst v5  }
0x3c8: {  	[tilespmem:s15+$0xDC60] =	vst v9;
	v59 =	vunpack.i.l.bf16.f32 v51;
	v5 =	vld.idx.msk [tilespmem:v2+s16+$0x0], $0xffff  }
0x3c9: {  	v17 =	vadd.s32 $0x3, v39;
	v0 =	vunpack.i.u.bf16.f32 v51;
	[tilespmem:s15+$0x18120] =	vst v59  }
0x3ca: {  	v9 =	vld.idx.msk [tilespmem:v16+s14+$0x0], $0xffff;
	[tilespmem:s15+$0x18620] =	vst v0;
	v0 =	vunpack.i.u.bf16.f32 v62  }
0x3cb: {  	v63 =	vor.u32 $0x1, v2;
	v20 =	vunpack.i.l.bf16.f32 v6;
	[tilespmem:s15+$0xDC50] =	vst v0  }
0x3cc: {  	v6 =	vunpack.i.u.bf16.f32 v6;
	[tilespmem:s15+$0xEB40] =	vst v20;
	v4 =	vld.idx.msk [tilespmem:v14+s14+$0x0], $0xffff  }
0x3cd: {  	v24 =	vadd.s32 $0x2, v58;
	[tilespmem:s15+$0xF040] =	vst v6;
	v13 =	vunpack.i.l.bf16.f32 v5;
	v5 =	vunpack.i.u.bf16.f32 v5  }
0x3ce: {  	[tilespmem:s15+$0x11830] =	vst v5;
	v5 =	vld.idx.msk [tilespmem:v17+s14+$0x0], $0xffff  }
0x3cf: {  	v22 =	vadd.s32 $0x2, v54;
	v26 =	vunpack.i.l.bf16.f32 v9;
	[tilespmem:s15+$0x11330] =	vst v13  }
0x3d0: {  	v9 =	vunpack.i.u.bf16.f32 v9;
	[tilespmem:s15+$0xE160] =	vst v26;
	v3 =	vld.idx.msk [tilespmem:v63+s16+$0x0], $0xffff  }
0x3d1: {  	v25 =	vadd.s32 $0x4, v39;
	[tilespmem:s15+$0xE660] =	vst v9;
	v23 =	vunpack.i.l.bf16.f32 v4  }
0x3d2: {  	v9 =	vld.idx.msk [tilespmem:v24+s14+$0x0], $0xffff;
	v4 =	vunpack.i.u.bf16.f32 v4;
	[tilespmem:s15+$0xE150] =	vst v23  }
0x3d3: {  	v19 =	vor.u32 $0x2, v2;
	[tilespmem:s15+$0xE650] =	vst v4;
	v28 =	vunpack.i.l.bf16.f32 v5  }
0x3d4: {  	v6 =	vld.idx.msk [tilespmem:v22+s14+$0x0], $0xffff;
	v5 =	vunpack.i.u.bf16.f32 v5;
	[tilespmem:s15+$0xF540] =	vst v28  }
0x3d5: {  	v32 =	vadd.s32 $0x3, v58;
	v21 =	vunpack.i.l.bf16.f32 v3;
	v3 =	vunpack.i.u.bf16.f32 v3;
	[tilespmem:s15+$0xFA40] =	vst v5  }
0x3d6: {  	[tilespmem:s15+$0x12230] =	vst v3;
	v3 =	vld.idx.msk [tilespmem:v25+s14+$0x0], $0xffff  }
0x3d7: {  	v30 =	vadd.s32 $0x3, v54;
	v34 =	vunpack.i.l.bf16.f32 v9;
	[tilespmem:s15+$0x11D30] =	vst v21  }
0x3d8: {  	v35 =	vunpack.i.u.bf16.f32 v9;
	[tilespmem:s15+$0xEB60] =	vst v34;
	v0 =	vld.idx.msk [tilespmem:v19+s16+$0x0], $0xffff  }
0x3d9: {  	v33 =	vadd.s32 $0x5, v39;
	[tilespmem:s15+$0xF060] =	vst v35;
	v31 =	vunpack.i.l.bf16.f32 v6  }
0x3da: {  	v7 =	vld.idx.msk [tilespmem:v32+s14+$0x0], $0xffff;
	v6 =	vunpack.i.u.bf16.f32 v6;
	[tilespmem:s15+$0xEB50] =	vst v31  }
0x3db: {  	v37 =	vld [tilespmem:s15+$0xF40];
	v27 =	vor.u32 $0x3, v2;
	[tilespmem:s15+$0xF050] =	vst v6;
	v38 =	vunpack.i.l.bf16.f32 v3  }
0x3dc: {  	v5 =	vld.idx.msk [tilespmem:v30+s14+$0x0], $0xffff;
	v3 =	vunpack.i.u.bf16.f32 v3;
	[tilespmem:s15+$0xFF40] =	vst v38  }
0x3dd: {  	v43 =	vadd.s32 $0x4, v58;
	v29 =	vunpack.i.l.bf16.f32 v0;
	[tilespmem:s15+$0x10440] =	vst v3  }
0x3de: {  	v0 =	vunpack.i.u.bf16.f32 v0;
	[tilespmem:s15+$0x12730] =	vst v29;
	v41 =	vld.idx.msk [tilespmem:v33+s14+$0x0], $0xffff  }
0x3df: {  	v40 =	vadd.s32 $0x4, v54;
	v44 =	vunpack.i.l.bf16.f32 v7;
	[tilespmem:s15+$0x12C30] =	vst v0  }
0x3e0: {  	v45 =	vunpack.i.u.bf16.f32 v7;
	[tilespmem:s15+$0xF560] =	vst v44;
	v0 =	vmul.u32 $0xC, v37;
	v4 =	vld.idx.msk [tilespmem:v27+s16+$0x0], $0xffff  }
0x3e1: {  	[tilespmem:s15+$0xFA60] =	vst v45;
	v42 =	vunpack.i.l.bf16.f32 v5  }
0x3e2: {  	v49 =	vld.idx.msk [tilespmem:v43+s14+$0x0], $0xffff;
	v5 =	vunpack.i.u.bf16.f32 v5;
	[tilespmem:s15+$0xF550] =	vst v42  }
0x3e3: {  	v36 =	vadd.s32 $0x4, v2;
	[tilespmem:s15+$0xFA50] =	vst v5;
	v47 =	vunpack.i.l.bf16.f32 v41  }
0x3e4: {  	v3 =	vld.idx.msk [tilespmem:v40+s14+$0x0], $0xffff;
	v48 =	vunpack.i.u.bf16.f32 v41;
	[tilespmem:s15+$0x10940] =	vst v47  }
0x3e5: {  	v8 =	vadd.s32 $0x5, v58;
	v39 =	vunpack.i.l.bf16.f32 v4;
	[tilespmem:s15+$0x10E40] =	vst v48  }
0x3e6: {  	v4 =	vunpack.i.u.bf16.f32 v4;
	[tilespmem:s15+$0x13130] =	vst v39;
	v52 =	vld.idx.msk [tilespmem:v0+s16+$0x0], $0xffff  }
0x3e7: {  	v56 =	vld [tilespmem:s15+$0xF60];
	v1 =	vadd.s32 $0x5, v54;
	v57 =	vunpack.i.l.bf16.f32 v49;
	[tilespmem:s15+$0x13630] =	vst v4  }
0x3e8: {  	v59 =	vunpack.i.u.bf16.f32 v49;
	[tilespmem:s15+$0xFF60] =	vst v57;
	v6 =	vld.idx.msk [tilespmem:v36+s16+$0x0], $0xffff  }
0x3e9: {  	v53 =	vld [tilespmem:s15+$0xF50];
	v55 =	vor.u32 $0x1, v0;
	[tilespmem:s15+$0x10460] =	vst v59;
	v54 =	vunpack.i.l.bf16.f32 v3  }
0x3ea: {  	v63 =	vld.idx.msk [tilespmem:v8+s14+$0x0], $0xffff;
	v3 =	vunpack.i.u.bf16.f32 v3;
	[tilespmem:s15+$0xFF50] =	vst v54  }
0x3eb: {  	v46 =	vadd.s32 $0x5, v2;
	[tilespmem:s15+$0x10450] =	vst v3;
	v61 =	vunpack.i.l.bf16.f32 v52  }
0x3ec: {  	v58 =	vld.idx.msk [tilespmem:v1+s14+$0x0], $0xffff;
	v1 =	vmul.u32 $0xC, v56;
	v62 =	vunpack.i.u.bf16.f32 v52;
	[tilespmem:s15+$0x11340] =	vst v61  }
0x3ed: {  	v50 =	vunpack.i.l.bf16.f32 v6;
	[tilespmem:s15+$0x11840] =	vst v62  }
0x3ee: {  	v3 =	vmul.u32 $0xC, v53;
	v51 =	vunpack.i.u.bf16.f32 v6;
	[tilespmem:s15+$0x13B30] =	vst v50;
	v13 =	vld.idx.msk [tilespmem:v55+s16+$0x0], $0xffff  }
0x3ef: {  	v17 =	vunpack.i.l.bf16.f32 v63;
	[tilespmem:s15+$0x14030] =	vst v51  }
0x3f0: {  	v5 =	vunpack.i.u.bf16.f32 v63;
	[tilespmem:s15+$0x10960] =	vst v17;
	v4 =	vld.idx.msk [tilespmem:v46+s16+$0x0], $0xffff  }
0x3f1: {  	v16 =	vor.u32 $0x2, v0;
	[tilespmem:s15+$0x10E60] =	vst v5;
	v62 =	vld [tilespmem:s15+$0x1470];
	v14 =	vunpack.i.l.bf16.f32 v58  }
0x3f2: {  	v15 =	vunpack.i.u.bf16.f32 v58;
	[tilespmem:s15+$0x10950] =	vst v14;
	v22 =	vld.idx.msk [tilespmem:v1+s16+$0x0], $0xffff  }
0x3f3: {  	v60 =	vadd.s32 $0x6, v2;
	[tilespmem:s15+$0x10E50] =	vst v15;
	v20 =	vunpack.i.l.bf16.f32 v13  }
0x3f4: {  	v18 =	vld.idx.msk [tilespmem:v3+s16+$0x0], $0xffff;
	v21 =	vunpack.i.u.bf16.f32 v13;
	[tilespmem:s15+$0x11D40] =	vst v20  }
0x3f5: {  	v26 =	vor.u32 $0x1, v1;
	v12 =	vunpack.i.l.bf16.f32 v4;
	v4 =	vunpack.i.u.bf16.f32 v4;
	[tilespmem:s15+$0x12240] =	vst v21  }
0x3f6: {  	v15 =	vmul.u32 $0x6, v62;
	[tilespmem:s15+$0x14A30] =	vst v4;
	v4 =	vld.idx.msk [tilespmem:v16+s16+$0x0], $0xffff  }
0x3f7: {  	[tilespmem:s15+$0x14530] =	vst v12;
	v28 =	vunpack.i.l.bf16.f32 v22  }
0x3f8: {  	v24 =	vor.u32 $0x1, v3;
	v7 =	vld.idx.msk [tilespmem:v60+s16+$0x0], $0xffff;
	v6 =	vunpack.i.u.bf16.f32 v22;
	[tilespmem:s15+$0x11360] =	vst v28  }
0x3f9: {  	v25 =	vunpack.i.l.bf16.f32 v18;
	[tilespmem:s15+$0x11860] =	vst v6  }
0x3fa: {  	v27 =	vor.u32 $0x3, v0;
	v9 =	vunpack.i.u.bf16.f32 v18;
	[tilespmem:s15+$0x11350] =	vst v25;
	v6 =	vld.idx.msk [tilespmem:v26+s16+$0x0], $0xffff  }
0x3fb: {  	[tilespmem:s15+$0x11850] =	vst v9;
	v30 =	vunpack.i.l.bf16.f32 v4  }
0x3fc: {  	v19 =	vadd.s32 $0x7, v2;
	v21 =	vld.idx.msk [tilespmem:v15+s14+$0x0], $0xffff;
	v4 =	vunpack.i.u.bf16.f32 v4;
	[tilespmem:s15+$0x12740] =	vst v30  }
0x3fd: {  	v5 =	vld.idx.msk [tilespmem:v24+s16+$0x0], $0xffff;
	v23 =	vunpack.i.l.bf16.f32 v7;
	[tilespmem:s15+$0x12C40] =	vst v4  }
0x3fe: {  	v34 =	vor.u32 $0x2, v1;
	v7 =	vunpack.i.u.bf16.f32 v7;
	[tilespmem:s15+$0x14F30] =	vst v23  }
0x3ff: {  	[tilespmem:s15+$0x15430] =	vst v7;
	v7 =	vld.idx.msk [tilespmem:v27+s16+$0x0], $0xffff;
	v36 =	vunpack.i.l.bf16.f32 v6  }
0x400: {  	v32 =	vor.u32 $0x2, v3;
	v6 =	vunpack.i.u.bf16.f32 v6;
	[tilespmem:s15+$0x11D60] =	vst v36  }
0x401: {  	v8 =	vld.idx.msk [tilespmem:v19+s16+$0x0], $0xffff;
	v28 =	vunpack.i.l.bf16.f32 v21;
	[tilespmem:s15+$0x12260] =	vst v6  }
0x402: {  	v35 =	vadd.s32 $0x4, v0;
	v33 =	vunpack.i.l.bf16.f32 v5;
	[tilespmem:s15+$0xD770] =	vst v28  }
0x403: {  	v5 =	vunpack.i.u.bf16.f32 v5;
	[tilespmem:s15+$0x11D50] =	vst v33;
	v40 =	vld.idx.msk [tilespmem:v34+s16+$0x0], $0xffff  }
0x404: {  	v29 =	vadd.s32 $0x8, v2;
	[tilespmem:s15+$0x12250] =	vst v5;
	v38 =	vunpack.i.l.bf16.f32 v7  }
0x405: {  	v4 =	vld.idx.msk [tilespmem:v32+s16+$0x0], $0xffff;
	v39 =	vunpack.i.u.bf16.f32 v7;
	[tilespmem:s15+$0x13140] =	vst v38  }
0x406: {  	v44 =	vor.u32 $0x3, v1;
	v31 =	vunpack.i.l.bf16.f32 v8;
	v8 =	vunpack.i.u.bf16.f32 v8;
	[tilespmem:s15+$0x13640] =	vst v39  }
0x407: {  	[tilespmem:s15+$0x15E30] =	vst v8;
	v8 =	vld.idx.msk [tilespmem:v35+s16+$0x0], $0xffff  }
0x408: {  	v42 =	vor.u32 $0x3, v3;
	[tilespmem:s15+$0x15930] =	vst v31;
	v46 =	vunpack.i.l.bf16.f32 v40  }
0x409: {  	v9 =	vld.idx.msk [tilespmem:v29+s16+$0x0], $0xffff;
	v7 =	vunpack.i.u.bf16.f32 v40;
	[tilespmem:s15+$0x12760] =	vst v46  }
0x40a: {  	v45 =	vadd.s32 $0x5, v0;
	v43 =	vunpack.i.l.bf16.f32 v4;
	[tilespmem:s15+$0x12C60] =	vst v7  }
0x40b: {  	v4 =	vunpack.i.u.bf16.f32 v4;
	[tilespmem:s15+$0x12750] =	vst v43;
	v50 =	vld.idx.msk [tilespmem:v44+s16+$0x0], $0xffff  }
0x40c: {  	v37 =	vadd.s32 $0x9, v2;
	[tilespmem:s15+$0x12C50] =	vst v4;
	v48 =	vunpack.i.l.bf16.f32 v8  }
0x40d: {  	v6 =	vld.idx.msk [tilespmem:v42+s16+$0x0], $0xffff;
	v49 =	vunpack.i.u.bf16.f32 v8;
	[tilespmem:s15+$0x13B40] =	vst v48  }
0x40e: {  	v54 =	vadd.s32 $0x4, v1;
	v41 =	vunpack.i.l.bf16.f32 v9;
	v9 =	vunpack.i.u.bf16.f32 v9;
	[tilespmem:s15+$0x14040] =	vst v49  }
0x40f: {  	[tilespmem:s15+$0x16830] =	vst v9;
	v9 =	vld.idx.msk [tilespmem:v45+s16+$0x0], $0xffff  }
0x410: {  	v52 =	vadd.s32 $0x4, v3;
	[tilespmem:s15+$0x16330] =	vst v41;
	v56 =	vunpack.i.l.bf16.f32 v50  }
0x411: {  	v5 =	vld.idx.msk [tilespmem:v37+s16+$0x0], $0xffff;
	v8 =	vunpack.i.u.bf16.f32 v50;
	[tilespmem:s15+$0x13160] =	vst v56  }
0x412: {  	v55 =	vadd.s32 $0x6, v0;
	v53 =	vunpack.i.l.bf16.f32 v6;
	[tilespmem:s15+$0x13660] =	vst v8  }
0x413: {  	v6 =	vunpack.i.u.bf16.f32 v6;
	[tilespmem:s15+$0x13150] =	vst v53;
	v59 =	vld.idx.msk [tilespmem:v54+s16+$0x0], $0xffff  }
0x414: {  	v47 =	vadd.s32 $0xA, v2;
	[tilespmem:s15+$0x13650] =	vst v6;
	v57 =	vunpack.i.l.bf16.f32 v9  }
0x415: {  	v7 =	vld.idx.msk [tilespmem:v52+s16+$0x0], $0xffff;
	v58 =	vunpack.i.u.bf16.f32 v9;
	[tilespmem:s15+$0x14540] =	vst v57  }
0x416: {  	v51 =	vunpack.i.l.bf16.f32 v5;
	v5 =	vunpack.i.u.bf16.f32 v5;
	[tilespmem:s15+$0x14A40] =	vst v58  }
0x417: {  	v12 =	vadd.s32 $0x5, v1;
	[tilespmem:s15+$0x17230] =	vst v5;
	v5 =	vld.idx.msk [tilespmem:v55+s16+$0x0], $0xffff  }
0x418: {  	[tilespmem:s15+$0x16D30] =	vst v51;
	v14 =	vunpack.i.l.bf16.f32 v59  }
0x419: {  	v61 =	vadd.s32 $0x5, v3;
	v4 =	vld.idx.msk [tilespmem:v47+s16+$0x0], $0xffff;
	v6 =	vunpack.i.u.bf16.f32 v59;
	[tilespmem:s15+$0x13B60] =	vst v14  }
0x41a: {  	v57 =	vld [tilespmem:s15+$0x1930];
	v63 =	vunpack.i.l.bf16.f32 v7;
	[tilespmem:s15+$0x14060] =	vst v6  }
0x41b: {  	v13 =	vadd.s32 $0x7, v0;
	v7 =	vunpack.i.u.bf16.f32 v7;
	[tilespmem:s15+$0x13B50] =	vst v63  }
0x41c: {  	v2 =	vadd.s32 $0xB, v2;
	[tilespmem:s15+$0x14050] =	vst v7;
	v6 =	vld.idx.msk [tilespmem:v12+s16+$0x0], $0xffff;
	v16 =	vunpack.i.l.bf16.f32 v5  }
0x41d: {  	v5 =	vunpack.i.u.bf16.f32 v5;
	[tilespmem:s15+$0x14F40] =	vst v16  }
0x41e: {  	v8 =	vld.idx.msk [tilespmem:v61+s16+$0x0], $0xffff;
	v60 =	vunpack.i.l.bf16.f32 v4;
	[tilespmem:s15+$0x15440] =	vst v5  }
0x41f: {  	v20 =	vadd.s32 $0x6, v1;
	v12 =	vcvt.s32.f32 v57;
	v4 =	vunpack.i.u.bf16.f32 v4;
	[tilespmem:s15+$0x17730] =	vst v60  }
0x420: {  	[tilespmem:s15+$0x17C30] =	vst v4;
	v4 =	vld.idx.msk [tilespmem:v13+s16+$0x0], $0xffff  }
0x421: {  	v18 =	vadd.s32 $0x6, v3;
	v2 =	vld.idx.msk [tilespmem:v2+s16+$0x0], $0xffff;
	v23 =	vunpack.i.l.bf16.f32 v6;
	[tilespmem:s15+$0x18B30] =	vst v12  }
0x422: {  	v6 =	vunpack.i.u.bf16.f32 v6;
	[tilespmem:s15+$0x14560] =	vst v23  }
0x423: {  	v22 =	vadd.s32 $0x8, v0;
	v19 =	vunpack.i.l.bf16.f32 v8;
	[tilespmem:s15+$0x14A60] =	vst v6  }
0x424: {  	v8 =	vunpack.i.u.bf16.f32 v8;
	[tilespmem:s15+$0x14550] =	vst v19;
	v26 =	vld.idx.msk [tilespmem:v20+s16+$0x0], $0xffff  }
0x425: {  	v25 =	vor.u32 $0x1, v15;
	[tilespmem:s15+$0x14A50] =	vst v8;
	v24 =	vunpack.i.l.bf16.f32 v4  }
0x426: {  	v5 =	vld.idx.msk [tilespmem:v18+s16+$0x0], $0xffff;
	v4 =	vunpack.i.u.bf16.f32 v4;
	[tilespmem:s15+$0x15940] =	vst v24  }
0x427: {  	v30 =	vadd.s32 $0x7, v1;
	v17 =	vunpack.i.l.bf16.f32 v2;
	v2 =	vunpack.i.u.bf16.f32 v2;
	[tilespmem:s15+$0x15E40] =	vst v4  }
0x428: {  	[tilespmem:s15+$0x18630] =	vst v2;
	v10 =	vld.idx.msk [tilespmem:v22+s16+$0x0], $0xffff;
	v2 =	vunpack.i.u.bf16.f32 v21  }
0x429: {  	v27 =	vadd.s32 $0x7, v3;
	[tilespmem:s15+$0xDC70] =	vst v2;
	v34 =	vunpack.i.l.bf16.f32 v26  }
0x42a: {  	v8 =	vunpack.i.u.bf16.f32 v26;
	v32 =	vld.idx.msk [tilespmem:v25+s14+$0x0], $0xffff;
	[tilespmem:s15+$0x14F60] =	vst v34  }
0x42b: {  	v33 =	vadd.s32 $0x9, v0;
	v29 =	vunpack.i.l.bf16.f32 v5;
	[tilespmem:s15+$0x15460] =	vst v8  }
0x42c: {  	v31 =	vunpack.i.u.bf16.f32 v5;
	[tilespmem:s15+$0x14F50] =	vst v29;
	v38 =	vld.idx.msk [tilespmem:v30+s16+$0x0], $0xffff  }
0x42d: {  	v36 =	vadd.s32 $0x2, v15;
	[tilespmem:s15+$0x15450] =	vst v31;
	v35 =	vunpack.i.l.bf16.f32 v10  }
0x42e: {  	v4 =	vld.idx.msk [tilespmem:v27+s16+$0x0], $0xffff;
	v37 =	vunpack.i.u.bf16.f32 v10;
	[tilespmem:s15+$0x16340] =	vst v35  }
0x42f: {  	[tilespmem:s15+$0x16840] =	vst v37;
	v40 =	vunpack.i.l.bf16.f32 v32  }
0x430: {  	v42 =	vadd.s32 $0x8, v1;
	v6 =	vld.idx.msk [tilespmem:v33+s16+$0x0], $0xffff;
	v5 =	vunpack.i.u.bf16.f32 v32;
	[tilespmem:s15+$0xE170] =	vst v40  }
0x431: {  	v39 =	vadd.s32 $0x8, v3;
	[tilespmem:s15+$0xE670] =	vst v5;
	v44 =	vunpack.i.l.bf16.f32 v38  }
0x432: {  	v2 =	vunpack.i.u.bf16.f32 v38;
	v5 =	vld.idx.msk [tilespmem:v36+s14+$0x0], $0xffff;
	[tilespmem:s15+$0x15960] =	vst v44  }
0x433: {  	v41 =	vunpack.i.l.bf16.f32 v4;
	[tilespmem:s15+$0x15E60] =	vst v2  }
0x434: {  	v43 =	vadd.s32 $0xA, v0;
	v4 =	vunpack.i.u.bf16.f32 v4;
	[tilespmem:s15+$0x15950] =	vst v41  }
0x435: {  	v46 =	vadd.s32 $0x3, v15;
	[tilespmem:s15+$0x15E50] =	vst v4;
	v47 =	vld.idx.msk [tilespmem:v42+s16+$0x0], $0xffff;
	v45 =	vunpack.i.l.bf16.f32 v6  }
0x436: {  	v9 =	vld.idx.msk [tilespmem:v39+s16+$0x0], $0xffff;
	v6 =	vunpack.i.u.bf16.f32 v6;
	[tilespmem:s15+$0x16D40] =	vst v45  }
0x437: {  	[tilespmem:s15+$0x17240] =	vst v6;
	v49 =	vunpack.i.l.bf16.f32 v5  }
0x438: {  	v5 =	vunpack.i.u.bf16.f32 v5;
	[tilespmem:s15+$0xEB70] =	vst v49  }
0x439: {  	v48 =	vadd.s32 $0x9, v3;
	v8 =	vld.idx.msk [tilespmem:v43+s16+$0x0], $0xffff;
	[tilespmem:s15+$0xF070] =	vst v5  }
0x43a: {  	[tilespmem:s15+$0x18130] =	vst v17;
	v53 =	vunpack.i.l.bf16.f32 v47;
	v2 =	vld.idx.msk [tilespmem:v46+s14+$0x0], $0xffff  }
0x43b: {  	v51 =	vadd.s32 $0x9, v1;
	v50 =	vunpack.i.l.bf16.f32 v9;
	[tilespmem:s15+$0x16360] =	vst v53  }
0x43c: {  	v18 =	vld [tilespmem:s15+$0x1940];
	v52 =	vunpack.i.u.bf16.f32 v9;
	[tilespmem:s15+$0x16350] =	vst v50  }
0x43d: {  	v55 =	vadd.s32 $0x4, v15;
	v4 =	vunpack.i.u.bf16.f32 v47;
	[tilespmem:s15+$0x16850] =	vst v52  }
0x43e: {  	v0 =	vadd.s32 $0xB, v0;
	[tilespmem:s15+$0x16860] =	vst v4;
	v6 =	vld.idx.msk [tilespmem:v48+s16+$0x0], $0xffff;
	v54 =	vunpack.i.l.bf16.f32 v8  }
0x43f: {  	[tilespmem:s15+$0x17740] =	vst v54;
	v59 =	vunpack.i.l.bf16.f32 v2  }
0x440: {  	v56 =	vld.idx.msk [tilespmem:v51+s16+$0x0], $0xffff;
	v2 =	vunpack.i.u.bf16.f32 v2;
	[tilespmem:s15+$0xF570] =	vst v59  }
0x441: {  	v58 =	vadd.s32 $0xA, v3;
	v24 =	vcvt.s32.f32 v18;
	v8 =	vunpack.i.u.bf16.f32 v8;
	[tilespmem:s15+$0xFA70] =	vst v2  }
0x442: {  	[tilespmem:s15+$0x17C40] =	vst v8;
	v4 =	vld.idx.msk [tilespmem:v55+s14+$0x0], $0xffff  }
0x443: {  	v61 =	vadd.s32 $0xA, v1;
	v0 =	vld.idx.msk [tilespmem:v0+s16+$0x0], $0xffff;
	[tilespmem:s15+$0x18B40] =	vst v24;
	v60 =	vunpack.i.l.bf16.f32 v6  }
0x444: {  	v62 =	vunpack.i.u.bf16.f32 v6;
	[tilespmem:s15+$0x16D50] =	vst v60  }
0x445: {  	v13 =	vadd.s32 $0x5, v15;
	v63 =	vunpack.i.l.bf16.f32 v56;
	[tilespmem:s15+$0x17250] =	vst v62  }
0x446: {  	v5 =	vunpack.i.u.bf16.f32 v56;
	[tilespmem:s15+$0x16D60] =	vst v63;
	v8 =	vld.idx.msk [tilespmem:v58+s16+$0x0], $0xffff  }
0x447: {  	v16 =	vld [tilespmem:s15+$0xF70];
	[tilespmem:s15+$0x17260] =	vst v5;
	v17 =	vunpack.i.l.bf16.f32 v4  }
0x448: {  	v15 =	vld.idx.msk [tilespmem:v61+s16+$0x0], $0xffff;
	v4 =	vunpack.i.u.bf16.f32 v4;
	[tilespmem:s15+$0xFF70] =	vst v17  }
0x449: {  	v3 =	vadd.s32 $0xB, v3;
	v14 =	vunpack.i.l.bf16.f32 v0;
	[tilespmem:s15+$0x10470] =	vst v4  }
0x44a: {  	v0 =	vunpack.i.u.bf16.f32 v0;
	[tilespmem:s15+$0x18140] =	vst v14;
	v2 =	vld.idx.msk [tilespmem:v13+s14+$0x0], $0xffff  }
0x44b: {  	v21 =	vadd.s32 $0xB, v1;
	v25 =	vld [tilespmem:s15+$0x1950];
	[tilespmem:s15+$0x18640] =	vst v0;
	v19 =	vunpack.i.l.bf16.f32 v8  }
0x44c: {  	v1 =	vmul.u32 $0xC, v16;
	v27 =	vld [tilespmem:s15+$0x1960];
	v20 =	vunpack.i.u.bf16.f32 v8;
	[tilespmem:s15+$0x17750] =	vst v19  }
0x44d: {  	v23 =	vunpack.i.l.bf16.f32 v15;
	[tilespmem:s15+$0x17C50] =	vst v20  }
0x44e: {  	v6 =	vunpack.i.u.bf16.f32 v15;
	[tilespmem:s15+$0x17760] =	vst v23;
	v22 =	vld.idx.msk [tilespmem:v3+s16+$0x0], $0xffff  }
0x44f: {  	[tilespmem:s15+$0x17C60] =	vst v6;
	v26 =	vunpack.i.l.bf16.f32 v2  }
0x450: {  	v29 =	vcvt.s32.f32 v25;
	v3 =	vld.idx.msk [tilespmem:v21+s16+$0x0], $0xffff;
	v2 =	vunpack.i.u.bf16.f32 v2;
	[tilespmem:s15+$0x10970] =	vst v26  }
0x451: {  	v33 =	vcvt.s32.f32 v27;
	[tilespmem:s15+$0x10E70] =	vst v2  }
0x452: {  	[tilespmem:s15+$0x18B50] =	vst v29;
	v30 =	vld.idx.msk [tilespmem:v1+s16+$0x0], $0xffff  }
0x453: {  	[tilespmem:s15+$0x18B60] =	vst v33;
	v28 =	vunpack.i.l.bf16.f32 v22  }
0x454: {  	v0 =	vunpack.i.u.bf16.f32 v22;
	[tilespmem:s15+$0x18150] =	vst v28  }
0x455: {  	v31 =	vunpack.i.l.bf16.f32 v3;
	[tilespmem:s15+$0x18650] =	vst v0  }
0x456: {  	v32 =	vunpack.i.u.bf16.f32 v3;
	[tilespmem:s15+$0x18160] =	vst v31  }
0x457: {  	[tilespmem:s15+$0x18660] =	vst v32;
	v34 =	vunpack.i.l.bf16.f32 v30  }
0x458: {  	v0 =	vld [tilespmem:s15+$0x1970];
	[tilespmem:s15+$0x11370] =	vst v34  }
0x459: {  	v2 =	vld [tilespmem:s15+$0x1480];
	_ =	sdelay $0x4  }
0x45a: {  	v2 =	vmul.u32 $0x6, v2;
	_ =	sdelay $0x5  }
0x45b: {  	v35 =	vld.idx.msk [tilespmem:v2+s14+$0x0], $0xffff;
	_ =	sdelay $0x2  }
0x45c: {  	v36 =	vor.u32 $0x1, v2;
	_ =	sdelay $0x1  }
0x45d: {  	v38 =	vor.u32 $0x1, v1;
	v37 =	vunpack.i.l.bf16.f32 v35  }
0x45e: {  	v3 =	vunpack.i.u.bf16.f32 v35;
	[tilespmem:s15+$0xD780] =	vst v37  }
0x45f: {  	[tilespmem:s15+$0xDC80] =	vst v3  }
0x460: {  	v4 =	vunpack.i.u.bf16.f32 v30;
	v3 =	vld.idx.msk [tilespmem:v36+s14+$0x0], $0xffff  }
0x461: {  	[tilespmem:s15+$0x11870] =	vst v4  }
0x462: {  	v5 =	vld.idx.msk [tilespmem:v38+s16+$0x0], $0xffff  }
0x463: {  	v53 =	vld [tilespmem:s15+$0x1490];
	v39 =	vadd.s32 $0x2, v2;
	_ =	sdelay $0x1  }
0x464: {  	v40 =	vunpack.i.l.bf16.f32 v3  }
0x465: {  	v41 =	vor.u32 $0x2, v1;
	v3 =	vunpack.i.u.bf16.f32 v3;
	[tilespmem:s15+$0xE180] =	vst v40  }
0x466: {  	[tilespmem:s15+$0xE680] =	vst v3  }
0x467: {  	v42 =	vunpack.i.l.bf16.f32 v5;
	v57 =	vmul.u32 $0x6, v53;
	v3 =	vld.idx.msk [tilespmem:v39+s14+$0x0], $0xffff  }
0x468: {  	v5 =	vunpack.i.u.bf16.f32 v5;
	[tilespmem:s15+$0x11D70] =	vst v42  }
0x469: {  	[tilespmem:s15+$0x12270] =	vst v5  }
0x46a: {  	v43 =	vadd.s32 $0x3, v2;
	v4 =	vld.idx.msk [tilespmem:v41+s16+$0x0], $0xffff;
	_ =	sdelay $0x1  }
0x46b: {  	v44 =	vunpack.i.l.bf16.f32 v3  }
0x46c: {  	v45 =	vor.u32 $0x3, v1;
	v62 =	vld.idx.msk [tilespmem:v57+s14+$0x0], $0xffff;
	v3 =	vunpack.i.u.bf16.f32 v3;
	[tilespmem:s15+$0xEB80] =	vst v44  }
0x46d: {  	[tilespmem:s15+$0xF080] =	vst v3  }
0x46e: {  	v46 =	vunpack.i.l.bf16.f32 v4;
	v3 =	vld.idx.msk [tilespmem:v43+s14+$0x0], $0xffff  }
0x46f: {  	v15 =	vor.u32 $0x1, v57;
	v4 =	vunpack.i.u.bf16.f32 v4;
	[tilespmem:s15+$0x12770] =	vst v46  }
0x470: {  	v55 =	vld [tilespmem:s15+$0x14A0];
	[tilespmem:s15+$0x12C70] =	vst v4  }
0x471: {  	v47 =	vadd.s32 $0x4, v2;
	v5 =	vld.idx.msk [tilespmem:v45+s16+$0x0], $0xffff;
	v16 =	vunpack.i.l.bf16.f32 v62  }
0x472: {  	v8 =	vunpack.i.u.bf16.f32 v62;
	[tilespmem:s15+$0xD790] =	vst v16  }
0x473: {  	[tilespmem:s15+$0xDC90] =	vst v8;
	v48 =	vunpack.i.l.bf16.f32 v3  }
0x474: {  	v49 =	vadd.s32 $0x4, v1;
	v11 =	vld.idx.msk [tilespmem:v15+s14+$0x0], $0xffff;
	v3 =	vunpack.i.u.bf16.f32 v3;
	[tilespmem:s15+$0xF580] =	vst v48  }
0x475: {  	v60 =	vmul.u32 $0x6, v55;
	[tilespmem:s15+$0xFA80] =	vst v3  }
0x476: {  	v50 =	vunpack.i.l.bf16.f32 v5;
	v3 =	vld.idx.msk [tilespmem:v47+s14+$0x0], $0xffff  }
0x477: {  	v22 =	vadd.s32 $0x2, v57;
	v5 =	vunpack.i.u.bf16.f32 v5;
	[tilespmem:s15+$0x13170] =	vst v50  }
0x478: {  	[tilespmem:s15+$0x13670] =	vst v5  }
0x479: {  	v2 =	vadd.s32 $0x5, v2;
	v4 =	vld.idx.msk [tilespmem:v49+s16+$0x0], $0xffff;
	v24 =	vunpack.i.l.bf16.f32 v11  }
0x47a: {  	v51 =	vld [tilespmem:s15+$0xF80];
	v11 =	vunpack.i.u.bf16.f32 v11;
	[tilespmem:s15+$0xE190] =	vst v24  }
0x47b: {  	v13 =	vld.idx.msk [tilespmem:v60+s14+$0x0], $0xffff;
	[tilespmem:s15+$0xE690] =	vst v11;
	v52 =	vunpack.i.l.bf16.f32 v3  }
0x47c: {  	v54 =	vadd.s32 $0x5, v1;
	v8 =	vld.idx.msk [tilespmem:v22+s14+$0x0], $0xffff;
	v3 =	vunpack.i.u.bf16.f32 v3;
	[tilespmem:s15+$0xFF80] =	vst v52  }
0x47d: {  	[tilespmem:s15+$0x10480] =	vst v3  }
0x47e: {  	v56 =	vunpack.i.l.bf16.f32 v4;
	v2 =	vld.idx.msk [tilespmem:v2+s14+$0x0], $0xffff  }
0x47f: {  	v32 =	vadd.s32 $0x3, v57;
	v4 =	vunpack.i.u.bf16.f32 v4;
	[tilespmem:s15+$0x13B70] =	vst v56  }
0x480: {  	v9 =	vunpack.i.u.bf16.f32 v13;
	[tilespmem:s15+$0x14070] =	vst v4;
	v3 =	vmul.u32 $0xC, v51  }
0x481: {  	[tilespmem:s15+$0xDCA0] =	vst v9;
	v59 =	vld.idx.msk [tilespmem:v54+s16+$0x0], $0xffff;
	v33 =	vunpack.i.l.bf16.f32 v8  }
0x482: {  	v8 =	vunpack.i.u.bf16.f32 v8;
	[tilespmem:s15+$0xEB90] =	vst v33  }
0x483: {  	[tilespmem:s15+$0xF090] =	vst v8;
	v58 =	vunpack.i.l.bf16.f32 v2  }
0x484: {  	v61 =	vadd.s32 $0x6, v1;
	v9 =	vld.idx.msk [tilespmem:v32+s14+$0x0], $0xffff;
	v2 =	vunpack.i.u.bf16.f32 v2;
	[tilespmem:s15+$0x10980] =	vst v58  }
0x485: {  	[tilespmem:s15+$0x10E80] =	vst v2  }
0x486: {  	v17 =	vor.u32 $0x1, v60;
	v63 =	vunpack.i.l.bf16.f32 v59;
	v2 =	vld.idx.msk [tilespmem:v3+s16+$0x0], $0xffff  }
0x487: {  	v6 =	vunpack.i.u.bf16.f32 v59;
	[tilespmem:s15+$0x14570] =	vst v63  }
0x488: {  	v19 =	vunpack.i.l.bf16.f32 v13;
	v43 =	vadd.s32 $0x4, v57;
	[tilespmem:s15+$0x14A70] =	vst v6  }
0x489: {  	[tilespmem:s15+$0xD7A0] =	vst v19;
	v7 =	vld.idx.msk [tilespmem:v61+s16+$0x0], $0xffff;
	v45 =	vunpack.i.l.bf16.f32 v9;
	v12 =	vor.u32 $0x1, v3  }
0x48a: {  	v9 =	vunpack.i.u.bf16.f32 v9;
	[tilespmem:s15+$0xF590] =	vst v45  }
0x48b: {  	v6 =	vld.idx.msk [tilespmem:v17+s14+$0x0], $0xffff;
	[tilespmem:s15+$0xFA90] =	vst v9;
	v14 =	vunpack.i.l.bf16.f32 v2  }
0x48c: {  	v18 =	vadd.s32 $0x7, v1;
	v2 =	vunpack.i.u.bf16.f32 v2;
	[tilespmem:s15+$0x11380] =	vst v14  }
0x48d: {  	v8 =	vld.idx.msk [tilespmem:v43+s14+$0x0], $0xffff;
	[tilespmem:s15+$0x11880] =	vst v2  }
0x48e: {  	v25 =	vadd.s32 $0x2, v60;
	v20 =	vunpack.i.l.bf16.f32 v7;
	v10 =	vld.idx.msk [tilespmem:v12+s16+$0x0], $0xffff  }
0x48f: {  	v7 =	vunpack.i.u.bf16.f32 v7;
	[tilespmem:s15+$0x14F70] =	vst v20  }
0x490: {  	v28 =	vunpack.i.l.bf16.f32 v6;
	[tilespmem:s15+$0x15470] =	vst v7  }
0x491: {  	v6 =	vunpack.i.u.bf16.f32 v6;
	[tilespmem:s15+$0xE1A0] =	vst v28;
	v2 =	vld.idx.msk [tilespmem:v18+s16+$0x0], $0xffff;
	v12 =	vor.u32 $0x2, v3  }
0x492: {  	[tilespmem:s15+$0xE6A0] =	vst v6;
	v55 =	vunpack.i.l.bf16.f32 v8  }
0x493: {  	v5 =	vadd.s32 $0x5, v57;
	v6 =	vld.idx.msk [tilespmem:v25+s14+$0x0], $0xffff;
	[tilespmem:s15+$0xFF90] =	vst v55;
	v21 =	vunpack.i.l.bf16.f32 v10  }
0x494: {  	v27 =	vadd.s32 $0x8, v1;
	v23 =	vunpack.i.u.bf16.f32 v10;
	[tilespmem:s15+$0x11D80] =	vst v21  }
0x495: {  	v8 =	vunpack.i.u.bf16.f32 v8;
	[tilespmem:s15+$0x12280] =	vst v23  }
0x496: {  	v34 =	vadd.s32 $0x3, v60;
	[tilespmem:s15+$0x10490] =	vst v8;
	v29 =	vunpack.i.l.bf16.f32 v2;
	v26 =	vld.idx.msk [tilespmem:v12+s16+$0x0], $0xffff  }
0x497: {  	v2 =	vunpack.i.u.bf16.f32 v2;
	[tilespmem:s15+$0x15970] =	vst v29  }
0x498: {  	v37 =	vunpack.i.l.bf16.f32 v6;
	v5 =	vld.idx.msk [tilespmem:v5+s14+$0x0], $0xffff;
	[tilespmem:s15+$0x15E70] =	vst v2  }
0x499: {  	v6 =	vunpack.i.u.bf16.f32 v6;
	v30 =	vor.u32 $0x3, v3;
	[tilespmem:s15+$0xEBA0] =	vst v37;
	v7 =	vld.idx.msk [tilespmem:v27+s16+$0x0], $0xffff  }
0x49a: {  	v54 =	vld [tilespmem:s15+$0xF90];
	[tilespmem:s15+$0xF0A0] =	vst v6  }
0x49b: {  	v41 =	vld.idx.msk [tilespmem:v34+s14+$0x0], $0xffff;
	v31 =	vunpack.i.l.bf16.f32 v26  }
0x49c: {  	v36 =	vadd.s32 $0x9, v1;
	v10 =	vunpack.i.u.bf16.f32 v26;
	[tilespmem:s15+$0x12780] =	vst v31  }
0x49d: {  	v13 =	vunpack.i.l.bf16.f32 v5;
	[tilespmem:s15+$0x12C80] =	vst v10  }
0x49e: {  	v46 =	vadd.s32 $0x4, v60;
	v57 =	vadd.s32 $0xB, v1;
	[tilespmem:s15+$0x10990] =	vst v13;
	v38 =	vunpack.i.l.bf16.f32 v7;
	v35 =	vld.idx.msk [tilespmem:v30+s16+$0x0], $0xffff  }
0x49f: {  	v48 =	vadd.s32 $0xA, v1;
	v1 =	vmul.u32 $0xC, v54;
	v40 =	vunpack.i.u.bf16.f32 v7;
	[tilespmem:s15+$0x16370] =	vst v38  }
0x4a0: {  	v49 =	vunpack.i.l.bf16.f32 v41;
	[tilespmem:s15+$0x16870] =	vst v40  }
0x4a1: {  	v39 =	vadd.s32 $0x4, v3;
	[tilespmem:s15+$0xF5A0] =	vst v49;
	v7 =	vunpack.i.u.bf16.f32 v41;
	v2 =	vld.idx.msk [tilespmem:v36+s16+$0x0], $0xffff  }
0x4a2: {  	v5 =	vunpack.i.u.bf16.f32 v5;
	[tilespmem:s15+$0xFAA0] =	vst v7  }
0x4a3: {  	[tilespmem:s15+$0x10E90] =	vst v5;
	v7 =	vld.idx.msk [tilespmem:v46+s14+$0x0], $0xffff;
	v42 =	vunpack.i.l.bf16.f32 v35  }
0x4a4: {  	v62 =	vld [tilespmem:s15+$0x14B0];
	v44 =	vunpack.i.u.bf16.f32 v35;
	[tilespmem:s15+$0x13180] =	vst v42  }
0x4a5: {  	v8 =	vld.idx.msk [tilespmem:v1+s16+$0x0], $0xffff;
	[tilespmem:s15+$0x13680] =	vst v44  }
0x4a6: {  	v4 =	vadd.s32 $0x5, v60;
	v50 =	vunpack.i.l.bf16.f32 v2;
	v47 =	vld.idx.msk [tilespmem:v39+s16+$0x0], $0xffff  }
0x4a7: {  	v2 =	vunpack.i.u.bf16.f32 v2;
	[tilespmem:s15+$0x16D70] =	vst v50  }
0x4a8: {  	v58 =	vld [tilespmem:s15+$0xFA0];
	v59 =	vunpack.i.l.bf16.f32 v7;
	[tilespmem:s15+$0x17270] =	vst v2  }
0x4a9: {  	v51 =	vadd.s32 $0x5, v3;
	v7 =	vunpack.i.u.bf16.f32 v7;
	[tilespmem:s15+$0xFFA0] =	vst v59;
	v6 =	vld.idx.msk [tilespmem:v48+s16+$0x0], $0xffff  }
0x4aa: {  	v22 =	vunpack.i.l.bf16.f32 v8;
	[tilespmem:s15+$0x104A0] =	vst v7;
	v7 =	vmul.u32 $0x6, v62  }
0x4ab: {  	[tilespmem:s15+$0x11390] =	vst v22;
	v4 =	vld.idx.msk [tilespmem:v4+s14+$0x0], $0xffff;
	v52 =	vunpack.i.l.bf16.f32 v47  }
0x4ac: {  	v53 =	vunpack.i.u.bf16.f32 v47;
	[tilespmem:s15+$0x13B80] =	vst v52  }
0x4ad: {  	v8 =	vunpack.i.u.bf16.f32 v8;
	[tilespmem:s15+$0x14080] =	vst v53  }
0x4ae: {  	[tilespmem:s15+$0x11890] =	vst v8;
	v2 =	vmul.u32 $0xC, v58;
	v60 =	vunpack.i.l.bf16.f32 v6;
	v56 =	vld.idx.msk [tilespmem:v51+s16+$0x0], $0xffff  }
0x4af: {  	v6 =	vunpack.i.u.bf16.f32 v6;
	[tilespmem:s15+$0x17770] =	vst v60  }
0x4b0: {  	v14 =	vunpack.i.l.bf16.f32 v4;
	v21 =	vld.idx.msk [tilespmem:v7+s14+$0x0], $0xffff;
	[tilespmem:s15+$0x17C70] =	vst v6  }
0x4b1: {  	v0 =	vcvt.s32.f32 v0;
	v61 =	vadd.s32 $0x6, v3;
	v4 =	vunpack.i.u.bf16.f32 v4;
	[tilespmem:s15+$0x109A0] =	vst v14  }
0x4b2: {  	[tilespmem:s15+$0x10EA0] =	vst v4;
	v6 =	vld.idx.msk [tilespmem:v57+s16+$0x0], $0xffff  }
0x4b3: {  	v20 =	vor.u32 $0x1, v1;
	[tilespmem:s15+$0x18B70] =	vst v0;
	v63 =	vunpack.i.l.bf16.f32 v56  }
0x4b4: {  	v18 =	vld.idx.msk [tilespmem:v2+s16+$0x0], $0xffff;
	v12 =	vunpack.i.u.bf16.f32 v56;
	[tilespmem:s15+$0x14580] =	vst v63  }
0x4b5: {  	v25 =	vor.u32 $0x1, v7;
	v27 =	vunpack.i.l.bf16.f32 v21;
	[tilespmem:s15+$0x14A80] =	vst v12  }
0x4b6: {  	v4 =	vunpack.i.u.bf16.f32 v21;
	[tilespmem:s15+$0xD7B0] =	vst v27;
	v9 =	vld.idx.msk [tilespmem:v61+s16+$0x0], $0xffff  }
0x4b7: {  	v23 =	vor.u32 $0x1, v2;
	[tilespmem:s15+$0xDCB0] =	vst v4;
	v15 =	vunpack.i.l.bf16.f32 v6  }
0x4b8: {  	v17 =	vunpack.i.u.bf16.f32 v6;
	v6 =	vld.idx.msk [tilespmem:v20+s16+$0x0], $0xffff;
	[tilespmem:s15+$0x18170] =	vst v15  }
0x4b9: {  	v16 =	vadd.s32 $0x7, v3;
	v24 =	vunpack.i.l.bf16.f32 v18;
	[tilespmem:s15+$0x18670] =	vst v17  }
0x4ba: {  	v5 =	vunpack.i.u.bf16.f32 v18;
	v31 =	vld.idx.msk [tilespmem:v25+s14+$0x0], $0xffff;
	[tilespmem:s15+$0x113A0] =	vst v24  }
0x4bb: {  	v29 =	vor.u32 $0x2, v1;
	[tilespmem:s15+$0x118A0] =	vst v5;
	v19 =	vunpack.i.l.bf16.f32 v9  }
0x4bc: {  	v11 =	vld.idx.msk [tilespmem:v23+s16+$0x0], $0xffff;
	v9 =	vunpack.i.u.bf16.f32 v9;
	[tilespmem:s15+$0x14F80] =	vst v19  }
0x4bd: {  	v35 =	vadd.s32 $0x2, v7;
	v32 =	vunpack.i.l.bf16.f32 v6;
	[tilespmem:s15+$0x15480] =	vst v9  }
0x4be: {  	v6 =	vunpack.i.u.bf16.f32 v6;
	[tilespmem:s15+$0x11D90] =	vst v32;
	v10 =	vld.idx.msk [tilespmem:v16+s16+$0x0], $0xffff  }
0x4bf: {  	v33 =	vor.u32 $0x2, v2;
	v38 =	vunpack.i.l.bf16.f32 v31;
	[tilespmem:s15+$0x12290] =	vst v6  }
0x4c0: {  	v5 =	vunpack.i.u.bf16.f32 v31;
	[tilespmem:s15+$0xE1B0] =	vst v38;
	v36 =	vld.idx.msk [tilespmem:v29+s16+$0x0], $0xffff  }
0x4c1: {  	v26 =	vadd.s32 $0x8, v3;
	[tilespmem:s15+$0xE6B0] =	vst v5;
	v34 =	vunpack.i.l.bf16.f32 v11  }
0x4c2: {  	v11 =	vunpack.i.u.bf16.f32 v11;
	v6 =	vld.idx.msk [tilespmem:v35+s14+$0x0], $0xffff;
	[tilespmem:s15+$0x11DA0] =	vst v34  }
0x4c3: {  	v40 =	vor.u32 $0x3, v1;
	[tilespmem:s15+$0x122A0] =	vst v11;
	v28 =	vunpack.i.l.bf16.f32 v10  }
0x4c4: {  	v9 =	vld.idx.msk [tilespmem:v33+s16+$0x0], $0xffff;
	v30 =	vunpack.i.u.bf16.f32 v10;
	[tilespmem:s15+$0x15980] =	vst v28  }
0x4c5: {  	v45 =	vadd.s32 $0x3, v7;
	v42 =	vunpack.i.l.bf16.f32 v36;
	[tilespmem:s15+$0x15E80] =	vst v30  }
0x4c6: {  	[tilespmem:s15+$0x12790] =	vst v42;
	v10 =	vunpack.i.u.bf16.f32 v36;
	v8 =	vld.idx.msk [tilespmem:v26+s16+$0x0], $0xffff  }
0x4c7: {  	v43 =	vor.u32 $0x3, v2;
	v48 =	vunpack.i.l.bf16.f32 v6;
	[tilespmem:s15+$0x12C90] =	vst v10  }
0x4c8: {  	v6 =	vunpack.i.u.bf16.f32 v6;
	[tilespmem:s15+$0xEBB0] =	vst v48;
	v46 =	vld.idx.msk [tilespmem:v40+s16+$0x0], $0xffff  }
0x4c9: {  	v37 =	vadd.s32 $0x9, v3;
	[tilespmem:s15+$0xF0B0] =	vst v6;
	v44 =	vunpack.i.l.bf16.f32 v9  }
0x4ca: {  	v9 =	vunpack.i.u.bf16.f32 v9;
	v6 =	vld.idx.msk [tilespmem:v45+s14+$0x0], $0xffff;
	[tilespmem:s15+$0x127A0] =	vst v44  }
0x4cb: {  	v50 =	vadd.s32 $0x4, v1;
	[tilespmem:s15+$0x12CA0] =	vst v9;
	v39 =	vunpack.i.l.bf16.f32 v8  }
0x4cc: {  	v41 =	vunpack.i.u.bf16.f32 v8;
	v8 =	vld.idx.msk [tilespmem:v43+s16+$0x0], $0xffff;
	[tilespmem:s15+$0x16380] =	vst v39  }
0x4cd: {  	v55 =	vadd.s32 $0x4, v7;
	v51 =	vunpack.i.l.bf16.f32 v46;
	[tilespmem:s15+$0x16880] =	vst v41  }
0x4ce: {  	v53 =	vunpack.i.u.bf16.f32 v46;
	[tilespmem:s15+$0x13190] =	vst v51;
	v4 =	vld.idx.msk [tilespmem:v37+s16+$0x0], $0xffff  }
0x4cf: {  	v52 =	vadd.s32 $0x4, v2;
	v57 =	vunpack.i.l.bf16.f32 v6;
	[tilespmem:s15+$0x13690] =	vst v53  }
0x4d0: {  	v6 =	vunpack.i.u.bf16.f32 v6;
	[tilespmem:s15+$0xF5B0] =	vst v57;
	v56 =	vld.idx.msk [tilespmem:v50+s16+$0x0], $0xffff  }
0x4d1: {  	v47 =	vadd.s32 $0xA, v3;
	[tilespmem:s15+$0xFAB0] =	vst v6;
	v54 =	vunpack.i.l.bf16.f32 v8  }
0x4d2: {  	v60 =	vld.idx.msk [tilespmem:v55+s14+$0x0], $0xffff;
	v8 =	vunpack.i.u.bf16.f32 v8;
	[tilespmem:s15+$0x131A0] =	vst v54  }
0x4d3: {  	v59 =	vadd.s32 $0x5, v1;
	v16 =	vld [tilespmem:s15+$0x14C0];
	[tilespmem:s15+$0x136A0] =	vst v8;
	v49 =	vunpack.i.l.bf16.f32 v4  }
0x4d4: {  	v4 =	vunpack.i.u.bf16.f32 v4;
	v8 =	vld.idx.msk [tilespmem:v52+s16+$0x0], $0xffff;
	[tilespmem:s15+$0x16D80] =	vst v49  }
0x4d5: {  	v7 =	vadd.s32 $0x5, v7;
	v61 =	vunpack.i.l.bf16.f32 v56;
	[tilespmem:s15+$0x17280] =	vst v4  }
0x4d6: {  	v63 =	vunpack.i.u.bf16.f32 v56;
	[tilespmem:s15+$0x13B90] =	vst v61;
	v5 =	vld.idx.msk [tilespmem:v47+s16+$0x0], $0xffff  }
0x4d7: {  	v14 =	vunpack.i.l.bf16.f32 v60;
	[tilespmem:s15+$0x14090] =	vst v63  }
0x4d8: {  	v62 =	vadd.s32 $0x5, v2;
	[tilespmem:s15+$0xFFB0] =	vst v14;
	v4 =	vunpack.i.u.bf16.f32 v60;
	v9 =	vld.idx.msk [tilespmem:v59+s16+$0x0], $0xffff  }
0x4d9: {  	v13 =	vld [tilespmem:s15+$0xFB0];
	[tilespmem:s15+$0x104B0] =	vst v4;
	v4 =	vmul.u32 $0x6, v16;
	v12 =	vunpack.i.l.bf16.f32 v8  }
0x4da: {  	v7 =	vld.idx.msk [tilespmem:v7+s14+$0x0], $0xffff;
	v8 =	vunpack.i.u.bf16.f32 v8;
	[tilespmem:s15+$0x13BA0] =	vst v12  }
0x4db: {  	v20 =	vld [tilespmem:s15+$0x1980];
	[tilespmem:s15+$0x140A0] =	vst v8;
	v58 =	vunpack.i.l.bf16.f32 v5  }
0x4dc: {  	v15 =	vadd.s32 $0x6, v1;
	v5 =	vunpack.i.u.bf16.f32 v5;
	[tilespmem:s15+$0x17780] =	vst v58  }
0x4dd: {  	v3 =	vadd.s32 $0xB, v3;
	v6 =	vld.idx.msk [tilespmem:v62+s16+$0x0], $0xffff;
	v18 =	vunpack.i.l.bf16.f32 v9;
	[tilespmem:s15+$0x17C80] =	vst v5  }
0x4de: {  	v9 =	vunpack.i.u.bf16.f32 v9;
	[tilespmem:s15+$0x14590] =	vst v18  }
0x4df: {  	v0 =	vmul.u32 $0xC, v13;
	[tilespmem:s15+$0x14A90] =	vst v9;
	v22 =	vunpack.i.l.bf16.f32 v7;
	v28 =	vld.idx.msk [tilespmem:v4+s14+$0x0], $0xffff  }
0x4e0: {  	v23 =	vcvt.s32.f32 v20;
	v7 =	vunpack.i.u.bf16.f32 v7;
	[tilespmem:s15+$0x109B0] =	vst v22  }
0x4e1: {  	v8 =	vld.idx.msk [tilespmem:v15+s16+$0x0], $0xffff;
	[tilespmem:s15+$0x10EB0] =	vst v7  }
0x4e2: {  	v19 =	vadd.s32 $0x6, v2;
	v3 =	vld.idx.msk [tilespmem:v3+s16+$0x0], $0xffff;
	[tilespmem:s15+$0x18B80] =	vst v23;
	v21 =	vunpack.i.l.bf16.f32 v6  }
0x4e3: {  	v6 =	vunpack.i.u.bf16.f32 v6;
	[tilespmem:s15+$0x145A0] =	vst v21  }
0x4e4: {  	v24 =	vadd.s32 $0x7, v1;
	[tilespmem:s15+$0x14AA0] =	vst v6;
	v34 =	vunpack.i.l.bf16.f32 v28  }
0x4e5: {  	v25 =	vld.idx.msk [tilespmem:v0+s16+$0x0], $0xffff;
	v5 =	vunpack.i.u.bf16.f32 v28;
	[tilespmem:s15+$0xD7C0] =	vst v34  }
0x4e6: {  	v32 =	vor.u32 $0x1, v4;
	v26 =	vunpack.i.l.bf16.f32 v8;
	[tilespmem:s15+$0xDCC0] =	vst v5  }
0x4e7: {  	v6 =	vld.idx.msk [tilespmem:v19+s16+$0x0], $0xffff;
	v8 =	vunpack.i.u.bf16.f32 v8;
	[tilespmem:s15+$0x14F90] =	vst v26  }
0x4e8: {  	v30 =	vor.u32 $0x1, v0;
	v17 =	vunpack.i.l.bf16.f32 v3;
	[tilespmem:s15+$0x15490] =	vst v8  }
0x4e9: {  	v3 =	vunpack.i.u.bf16.f32 v3;
	[tilespmem:s15+$0x18180] =	vst v17;
	v9 =	vld.idx.msk [tilespmem:v24+s16+$0x0], $0xffff  }
0x4ea: {  	v27 =	vadd.s32 $0x7, v2;
	[tilespmem:s15+$0x18680] =	vst v3;
	v31 =	vunpack.i.l.bf16.f32 v25  }
0x4eb: {  	v3 =	vunpack.i.u.bf16.f32 v25;
	v38 =	vld.idx.msk [tilespmem:v32+s14+$0x0], $0xffff;
	[tilespmem:s15+$0x113B0] =	vst v31  }
0x4ec: {  	v33 =	vadd.s32 $0x8, v1;
	[tilespmem:s15+$0x118B0] =	vst v3;
	v29 =	vunpack.i.l.bf16.f32 v6  }
0x4ed: {  	v10 =	vld.idx.msk [tilespmem:v30+s16+$0x0], $0xffff;
	v6 =	vunpack.i.u.bf16.f32 v6;
	[tilespmem:s15+$0x14FA0] =	vst v29  }
0x4ee: {  	v42 =	vadd.s32 $0x2, v4;
	[tilespmem:s15+$0x154A0] =	vst v6;
	v35 =	vunpack.i.l.bf16.f32 v9  }
0x4ef: {  	v7 =	vld.idx.msk [tilespmem:v27+s16+$0x0], $0xffff;
	v37 =	vunpack.i.u.bf16.f32 v9;
	[tilespmem:s15+$0x15990] =	vst v35  }
0x4f0: {  	v40 =	vor.u32 $0x2, v0;
	v45 =	vunpack.i.l.bf16.f32 v38;
	[tilespmem:s15+$0x15E90] =	vst v37  }
0x4f1: {  	v3 =	vunpack.i.u.bf16.f32 v38;
	[tilespmem:s15+$0xE1C0] =	vst v45;
	v6 =	vld.idx.msk [tilespmem:v33+s16+$0x0], $0xffff  }
0x4f2: {  	v36 =	vadd.s32 $0x8, v2;
	[tilespmem:s15+$0xE6C0] =	vst v3;
	v41 =	vunpack.i.l.bf16.f32 v10  }
0x4f3: {  	v10 =	vunpack.i.u.bf16.f32 v10;
	v49 =	vld.idx.msk [tilespmem:v42+s14+$0x0], $0xffff;
	[tilespmem:s15+$0x11DB0] =	vst v41  }
0x4f4: {  	v44 =	vadd.s32 $0x9, v1;
	[tilespmem:s15+$0x122B0] =	vst v10;
	v39 =	vunpack.i.l.bf16.f32 v7  }
0x4f5: {  	v8 =	vld.idx.msk [tilespmem:v40+s16+$0x0], $0xffff;
	v7 =	vunpack.i.u.bf16.f32 v7;
	[tilespmem:s15+$0x159A0] =	vst v39  }
0x4f6: {  	v53 =	vadd.s32 $0x3, v4;
	[tilespmem:s15+$0x15EA0] =	vst v7;
	v46 =	vunpack.i.l.bf16.f32 v6  }
0x4f7: {  	v43 =	vld.idx.msk [tilespmem:v36+s16+$0x0], $0xffff;
	v48 =	vunpack.i.u.bf16.f32 v6;
	[tilespmem:s15+$0x16390] =	vst v46  }
0x4f8: {  	v51 =	vor.u32 $0x3, v0;
	v56 =	vunpack.i.l.bf16.f32 v49;
	[tilespmem:s15+$0x16890] =	vst v48  }
0x4f9: {  	v6 =	vunpack.i.u.bf16.f32 v49;
	[tilespmem:s15+$0xEBC0] =	vst v56;
	v5 =	vld.idx.msk [tilespmem:v44+s16+$0x0], $0xffff  }
0x4fa: {  	v47 =	vadd.s32 $0x9, v2;
	v52 =	vunpack.i.l.bf16.f32 v8;
	[tilespmem:s15+$0xF0C0] =	vst v6  }
0x4fb: {  	v8 =	vunpack.i.u.bf16.f32 v8;
	[tilespmem:s15+$0x127B0] =	vst v52;
	v6 =	vld.idx.msk [tilespmem:v53+s14+$0x0], $0xffff  }
0x4fc: {  	v55 =	vadd.s32 $0xA, v1;
	v32 =	vld [tilespmem:s15+$0x14F0];
	[tilespmem:s15+$0x12CB0] =	vst v8;
	v50 =	vunpack.i.l.bf16.f32 v43  }
0x4fd: {  	v7 =	vld.idx.msk [tilespmem:v51+s16+$0x0], $0xffff;
	v9 =	vunpack.i.u.bf16.f32 v43;
	[tilespmem:s15+$0x163A0] =	vst v50  }
0x4fe: {  	v63 =	vadd.s32 $0x4, v4;
	[tilespmem:s15+$0x168A0] =	vst v9;
	v57 =	vunpack.i.l.bf16.f32 v5  }
0x4ff: {  	v54 =	vld.idx.msk [tilespmem:v47+s16+$0x0], $0xffff;
	v5 =	vunpack.i.u.bf16.f32 v5;
	[tilespmem:s15+$0x16D90] =	vst v57  }
0x500: {  	v60 =	vadd.s32 $0x4, v0;
	v13 =	vunpack.i.l.bf16.f32 v6;
	[tilespmem:s15+$0x17290] =	vst v5  }
0x501: {  	v6 =	vunpack.i.u.bf16.f32 v6;
	[tilespmem:s15+$0xF5C0] =	vst v13;
	v3 =	vld.idx.msk [tilespmem:v55+s16+$0x0], $0xffff  }
0x502: {  	v9 =	vmul.u32 $0x6, v32;
	v62 =	vunpack.i.l.bf16.f32 v7;
	[tilespmem:s15+$0xFAC0] =	vst v6  }
0x503: {  	v7 =	vunpack.i.u.bf16.f32 v7;
	[tilespmem:s15+$0x131B0] =	vst v62;
	v15 =	vld.idx.msk [tilespmem:v63+s14+$0x0], $0xffff  }
0x504: {  	v58 =	vadd.s32 $0xA, v2;
	[tilespmem:s15+$0x136B0] =	vst v7;
	v59 =	vunpack.i.l.bf16.f32 v54  }
0x505: {  	v7 =	vld.idx.msk [tilespmem:v60+s16+$0x0], $0xffff;
	v61 =	vunpack.i.u.bf16.f32 v54;
	[tilespmem:s15+$0x16DA0] =	vst v59  }
0x506: {  	v20 =	vld [tilespmem:s15+$0x1990];
	[tilespmem:s15+$0x172A0] =	vst v61;
	v14 =	vunpack.i.l.bf16.f32 v3  }
0x507: {  	v1 =	vadd.s32 $0xB, v1;
	v27 =	vld [tilespmem:s15+$0x14E0];
	v3 =	vunpack.i.u.bf16.f32 v3;
	[tilespmem:s15+$0x17790] =	vst v14  }
0x508: {  	v45 =	vld.idx.msk [tilespmem:v9+s14+$0x0], $0xffff;
	v25 =	vunpack.i.l.bf16.f32 v15;
	[tilespmem:s15+$0x17C90] =	vst v3  }
0x509: {  	v17 =	vadd.s32 $0x5, v0;
	v12 =	vld.idx.msk [tilespmem:v58+s16+$0x0], $0xffff;
	v5 =	vunpack.i.u.bf16.f32 v15;
	[tilespmem:s15+$0xFFC0] =	vst v25  }
0x50a: {  	v29 =	vld [tilespmem:s15+$0x19A0];
	v21 =	vunpack.i.l.bf16.f32 v7;
	[tilespmem:s15+$0x104C0] =	vst v5  }
0x50b: {  	v4 =	vadd.s32 $0x5, v4;
	v23 =	vunpack.i.u.bf16.f32 v7;
	v3 =	vcvt.s32.f32 v20;
	[tilespmem:s15+$0x13BB0] =	vst v21  }
0x50c: {  	v2 =	vadd.s32 $0xB, v2;
	v1 =	vld.idx.msk [tilespmem:v1+s16+$0x0], $0xffff;
	[tilespmem:s15+$0x140B0] =	vst v23  }
0x50d: {  	v18 =	vld [tilespmem:s15+$0x14D0];
	[tilespmem:s15+$0x18B90] =	vst v3;
	v51 =	vunpack.i.l.bf16.f32 v45  }
0x50e: {  	v5 =	vmul.u32 $0x6, v27;
	v6 =	vld.idx.msk [tilespmem:v17+s16+$0x0], $0xffff;
	[tilespmem:s15+$0xD7F0] =	vst v51;
	v16 =	vunpack.i.l.bf16.f32 v12  }
0x50f: {  	v24 =	vld [tilespmem:s15+$0xFC0];
	v3 =	vcvt.s32.f32 v29;
	v19 =	vunpack.i.u.bf16.f32 v12;
	[tilespmem:s15+$0x177A0] =	vst v16  }
0x510: {  	v4 =	vld.idx.msk [tilespmem:v4+s14+$0x0], $0xffff;
	[tilespmem:s15+$0x17CA0] =	vst v19  }
0x511: {  	v28 =	vadd.s32 $0x6, v0;
	v22 =	vld.idx.msk [tilespmem:v2+s16+$0x0], $0xffff;
	v26 =	vunpack.i.l.bf16.f32 v1;
	[tilespmem:s15+$0x18BA0] =	vst v3  }
0x512: {  	v2 =	vmul.u32 $0x6, v18;
	v1 =	vunpack.i.u.bf16.f32 v1;
	[tilespmem:s15+$0x18190] =	vst v26  }
0x513: {  	[tilespmem:s15+$0x18690] =	vst v1;
	v31 =	vunpack.i.l.bf16.f32 v6  }
0x514: {  	v39 =	vld.idx.msk [tilespmem:v5+s14+$0x0], $0xffff;
	v1 =	vmul.u32 $0xC, v24;
	v6 =	vunpack.i.u.bf16.f32 v6;
	[tilespmem:s15+$0x145B0] =	vst v31  }
0x515: {  	v34 =	vunpack.i.l.bf16.f32 v4;
	[tilespmem:s15+$0x14AB0] =	vst v6  }
0x516: {  	v4 =	vunpack.i.u.bf16.f32 v4;
	[tilespmem:s15+$0x109C0] =	vst v34;
	v8 =	vld.idx.msk [tilespmem:v28+s16+$0x0], $0xffff  }
0x517: {  	[tilespmem:s15+$0x10EC0] =	vst v4;
	v30 =	vunpack.i.l.bf16.f32 v22  }
0x518: {  	v44 =	vor.u32 $0x1, v5;
	v35 =	vunpack.i.u.bf16.f32 v22;
	[tilespmem:s15+$0x181A0] =	vst v30;
	v33 =	vld.idx.msk [tilespmem:v2+s14+$0x0], $0xffff  }
0x519: {  	v47 =	vunpack.i.l.bf16.f32 v39;
	[tilespmem:s15+$0x186A0] =	vst v35  }
0x51a: {  	v60 =	vadd.s32 $0x7, v0;
	v3 =	vunpack.i.u.bf16.f32 v39;
	[tilespmem:s15+$0xD7E0] =	vst v47;
	v37 =	vld.idx.msk [tilespmem:v1+s16+$0x0], $0xffff  }
0x51b: {  	[tilespmem:s15+$0xDCE0] =	vst v3;
	v40 =	vunpack.i.l.bf16.f32 v8  }
0x51c: {  	v36 =	vor.u32 $0x1, v2;
	v42 =	vunpack.i.u.bf16.f32 v8;
	[tilespmem:s15+$0x14FB0] =	vst v40  }
0x51d: {  	v8 =	vld.idx.msk [tilespmem:v44+s14+$0x0], $0xffff;
	[tilespmem:s15+$0x154B0] =	vst v42;
	v38 =	vunpack.i.l.bf16.f32 v33  }
0x51e: {  	v41 =	vor.u32 $0x1, v1;
	v7 =	vunpack.i.u.bf16.f32 v33;
	[tilespmem:s15+$0xD7D0] =	vst v38  }
0x51f: {  	v20 =	vld.idx.msk [tilespmem:v60+s16+$0x0], $0xffff;
	[tilespmem:s15+$0xDCD0] =	vst v7;
	v43 =	vunpack.i.l.bf16.f32 v37  }
0x520: {  	v49 =	vor.u32 $0x1, v9;
	v6 =	vunpack.i.u.bf16.f32 v37;
	[tilespmem:s15+$0x113C0] =	vst v43  }
0x521: {  	v7 =	vunpack.i.u.bf16.f32 v45;
	v4 =	vld.idx.msk [tilespmem:v36+s14+$0x0], $0xffff;
	[tilespmem:s15+$0x118C0] =	vst v6  }
0x522: {  	v53 =	vadd.s32 $0x2, v5;
	[tilespmem:s15+$0xDCF0] =	vst v7;
	v56 =	vunpack.i.l.bf16.f32 v8  }
0x523: {  	v8 =	vunpack.i.u.bf16.f32 v8;
	v11 =	vld.idx.msk [tilespmem:v41+s16+$0x0], $0xffff;
	[tilespmem:s15+$0xE1E0] =	vst v56  }
0x524: {  	v46 =	vadd.s32 $0x2, v2;
	[tilespmem:s15+$0xE6E0] =	vst v8;
	v26 =	vunpack.i.l.bf16.f32 v20  }
0x525: {  	v3 =	vld.idx.msk [tilespmem:v49+s14+$0x0], $0xffff;
	v28 =	vunpack.i.u.bf16.f32 v20;
	[tilespmem:s15+$0x159B0] =	vst v26  }
0x526: {  	v50 =	vor.u32 $0x2, v1;
	[tilespmem:s15+$0x15EB0] =	vst v28;
	v48 =	vunpack.i.l.bf16.f32 v4  }
0x527: {  	v59 =	vld.idx.msk [tilespmem:v53+s14+$0x0], $0xffff;
	v4 =	vunpack.i.u.bf16.f32 v4;
	[tilespmem:s15+$0xE1D0] =	vst v48  }
0x528: {  	v58 =	vadd.s32 $0x2, v9;
	[tilespmem:s15+$0xE6D0] =	vst v4;
	v52 =	vunpack.i.l.bf16.f32 v11  }
0x529: {  	v54 =	vunpack.i.u.bf16.f32 v11;
	v6 =	vld.idx.msk [tilespmem:v46+s14+$0x0], $0xffff;
	[tilespmem:s15+$0x11DC0] =	vst v52  }
0x52a: {  	v63 =	vadd.s32 $0x3, v5;
	v61 =	vunpack.i.l.bf16.f32 v3;
	[tilespmem:s15+$0x122C0] =	vst v54  }
0x52b: {  	v3 =	vunpack.i.u.bf16.f32 v3;
	[tilespmem:s15+$0xE1F0] =	vst v61;
	v10 =	vld.idx.msk [tilespmem:v50+s16+$0x0], $0xffff  }
0x52c: {  	v55 =	vadd.s32 $0x3, v2;
	[tilespmem:s15+$0xE6F0] =	vst v3;
	v19 =	vunpack.i.l.bf16.f32 v59  }
0x52d: {  	v7 =	vunpack.i.u.bf16.f32 v59;
	v17 =	vld.idx.msk [tilespmem:v58+s14+$0x0], $0xffff;
	[tilespmem:s15+$0xEBE0] =	vst v19  }
0x52e: {  	v30 =	vadd.s32 $0x8, v0;
	[tilespmem:s15+$0xF0E0] =	vst v7;
	v57 =	vunpack.i.l.bf16.f32 v6  }
0x52f: {  	v24 =	vld.idx.msk [tilespmem:v63+s14+$0x0], $0xffff;
	v6 =	vunpack.i.u.bf16.f32 v6;
	[tilespmem:s15+$0xEBD0] =	vst v57  }
0x530: {  	v23 =	vadd.s32 $0x3, v9;
	[tilespmem:s15+$0xF0D0] =	vst v6;
	v62 =	vunpack.i.l.bf16.f32 v10  }
0x531: {  	v16 =	vunpack.i.u.bf16.f32 v10;
	v4 =	vld.idx.msk [tilespmem:v55+s14+$0x0], $0xffff;
	[tilespmem:s15+$0x127C0] =	vst v62  }
0x532: {  	v18 =	vor.u32 $0x3, v1;
	v6 =	vunpack.i.u.bf16.f32 v17;
	[tilespmem:s15+$0x12CC0] =	vst v16  }
0x533: {  	v25 =	vunpack.i.l.bf16.f32 v17;
	[tilespmem:s15+$0xF0F0] =	vst v6;
	v6 =	vld.idx.msk [tilespmem:v30+s16+$0x0], $0xffff  }
0x534: {  	v27 =	vadd.s32 $0x4, v5;
	[tilespmem:s15+$0xEBF0] =	vst v25;
	v31 =	vunpack.i.l.bf16.f32 v24  }
0x535: {  	v8 =	vunpack.i.u.bf16.f32 v24;
	v29 =	vld.idx.msk [tilespmem:v23+s14+$0x0], $0xffff;
	[tilespmem:s15+$0xF5E0] =	vst v31  }
0x536: {  	v21 =	vadd.s32 $0x4, v2;
	[tilespmem:s15+$0xFAE0] =	vst v8;
	v22 =	vunpack.i.l.bf16.f32 v4  }
0x537: {  	v3 =	vld.idx.msk [tilespmem:v18+s16+$0x0], $0xffff;
	v4 =	vunpack.i.u.bf16.f32 v4;
	[tilespmem:s15+$0xF5D0] =	vst v22  }
0x538: {  	v33 =	vadd.s32 $0x4, v9;
	v43 =	vunpack.i.l.bf16.f32 v6;
	[tilespmem:s15+$0xFAD0] =	vst v4  }
0x539: {  	v35 =	vld.idx.msk [tilespmem:v27+s14+$0x0], $0xffff;
	v6 =	vunpack.i.u.bf16.f32 v6;
	[tilespmem:s15+$0x163B0] =	vst v43  }
0x53a: {  	v37 =	vadd.s32 $0x4, v1;
	v36 =	vunpack.i.l.bf16.f32 v29;
	[tilespmem:s15+$0x168B0] =	vst v6  }
0x53b: {  	v4 =	vunpack.i.u.bf16.f32 v29;
	v11 =	vld.idx.msk [tilespmem:v21+s14+$0x0], $0xffff;
	[tilespmem:s15+$0xF5F0] =	vst v36  }
0x53c: {  	v5 =	vadd.s32 $0x5, v5;
	v32 =	vunpack.i.l.bf16.f32 v3;
	[tilespmem:s15+$0xFAF0] =	vst v4  }
0x53d: {  	v3 =	vunpack.i.u.bf16.f32 v3;
	[tilespmem:s15+$0x131C0] =	vst v32;
	v8 =	vld.idx.msk [tilespmem:v33+s14+$0x0], $0xffff  }
0x53e: {  	v2 =	vadd.s32 $0x5, v2;
	v41 =	vld [tilespmem:s15+$0xFE0];
	[tilespmem:s15+$0x136C0] =	vst v3;
	v40 =	vunpack.i.l.bf16.f32 v35  }
0x53f: {  	v42 =	vunpack.i.u.bf16.f32 v35;
	[tilespmem:s15+$0xFFE0] =	vst v40;
	v44 =	vld.idx.msk [tilespmem:v37+s16+$0x0], $0xffff  }
0x540: {  	v38 =	vld [tilespmem:s15+$0xFD0];
	[tilespmem:s15+$0x104E0] =	vst v42;
	v34 =	vunpack.i.l.bf16.f32 v11  }
0x541: {  	v48 =	vadd.s32 $0x9, v0;
	v5 =	vld.idx.msk [tilespmem:v5+s14+$0x0], $0xffff;
	v11 =	vunpack.i.u.bf16.f32 v11;
	[tilespmem:s15+$0xFFD0] =	vst v34  }
0x542: {  	v9 =	vadd.s32 $0x5, v9;
	[tilespmem:s15+$0x104D0] =	vst v11;
	v46 =	vunpack.i.l.bf16.f32 v8  }
0x543: {  	v47 =	vunpack.i.u.bf16.f32 v8;
	v39 =	vld.idx.msk [tilespmem:v2+s14+$0x0], $0xffff;
	[tilespmem:s15+$0xFFF0] =	vst v46  }
0x544: {  	v51 =	vadd.s32 $0x5, v1;
	v45 =	vld [tilespmem:s15+$0xFF0];
	v50 =	vunpack.i.l.bf16.f32 v44;
	v2 =	vmul.u32 $0xC, v41;
	[tilespmem:s15+$0x104F0] =	vst v47  }
0x545: {  	v55 =	vunpack.i.u.bf16.f32 v44;
	[tilespmem:s15+$0x13BC0] =	vst v50  }
0x546: {  	v4 =	vmul.u32 $0xC, v38;
	v54 =	vld.idx.msk [tilespmem:v48+s16+$0x0], $0xffff;
	v53 =	vunpack.i.l.bf16.f32 v5;
	[tilespmem:s15+$0x140C0] =	vst v55  }
0x547: {  	v5 =	vunpack.i.u.bf16.f32 v5;
	v7 =	vld.idx.msk [tilespmem:v9+s14+$0x0], $0xffff;
	[tilespmem:s15+$0x109E0] =	vst v53  }
0x548: {  	[tilespmem:s15+$0x10EE0] =	vst v5;
	v3 =	vunpack.i.u.bf16.f32 v39  }
0x549: {  	v9 =	vld.idx.msk [tilespmem:v51+s16+$0x0], $0xffff;
	[tilespmem:s15+$0x10ED0] =	vst v3;
	v3 =	vmul.u32 $0xC, v45  }
0x54a: {  	v49 =	vunpack.i.l.bf16.f32 v39;
	v57 =	vld.idx.msk [tilespmem:v2+s16+$0x0], $0xffff  }
0x54b: {  	v63 =	vunpack.i.l.bf16.f32 v54;
	[tilespmem:s15+$0x109D0] =	vst v49  }
0x54c: {  	[tilespmem:s15+$0x16DB0] =	vst v63;
	v58 =	vunpack.i.l.bf16.f32 v7;
	v52 =	vld.idx.msk [tilespmem:v4+s16+$0x0], $0xffff  }
0x54d: {  	v61 =	vor.u32 $0x1, v2;
	v7 =	vunpack.i.u.bf16.f32 v7;
	[tilespmem:s15+$0x109F0] =	vst v58  }
0x54e: {  	v17 =	vunpack.i.l.bf16.f32 v9;
	[tilespmem:s15+$0x10EF0] =	vst v7  }
0x54f: {  	v56 =	vor.u32 $0x1, v4;
	[tilespmem:s15+$0x145C0] =	vst v17;
	v15 =	vunpack.i.l.bf16.f32 v57;
	v62 =	vld.idx.msk [tilespmem:v3+s16+$0x0], $0xffff  }
0x550: {  	v8 =	vunpack.i.u.bf16.f32 v57;
	[tilespmem:s15+$0x113E0] =	vst v15  }
0x551: {  	v20 =	vadd.s32 $0x6, v1;
	v59 =	vunpack.i.l.bf16.f32 v52;
	[tilespmem:s15+$0x118E0] =	vst v8  }
0x552: {  	v16 =	vor.u32 $0x1, v3;
	v60 =	vunpack.i.u.bf16.f32 v52;
	[tilespmem:s15+$0x113D0] =	vst v59;
	v10 =	vld.idx.msk [tilespmem:v61+s16+$0x0], $0xffff  }
0x553: {  	v9 =	vunpack.i.u.bf16.f32 v9;
	[tilespmem:s15+$0x118D0] =	vst v60  }
0x554: {  	[tilespmem:s15+$0x14AC0] =	vst v9;
	v5 =	vld.idx.msk [tilespmem:v56+s16+$0x0], $0xffff;
	v19 =	vunpack.i.l.bf16.f32 v62  }
0x555: {  	v22 =	vor.u32 $0x2, v2;
	v11 =	vunpack.i.u.bf16.f32 v62;
	[tilespmem:s15+$0x113F0] =	vst v19  }
0x556: {  	v6 =	vunpack.i.u.bf16.f32 v54;
	v26 =	vld.idx.msk [tilespmem:v20+s16+$0x0], $0xffff;
	[tilespmem:s15+$0x118F0] =	vst v11  }
0x557: {  	v18 =	vor.u32 $0x2, v4;
	[tilespmem:s15+$0x172B0] =	vst v6;
	v23 =	vunpack.i.l.bf16.f32 v10;
	v7 =	vld.idx.msk [tilespmem:v16+s16+$0x0], $0xffff  }
0x558: {  	v24 =	vunpack.i.u.bf16.f32 v10;
	[tilespmem:s15+$0x11DE0] =	vst v23  }
0x559: {  	v29 =	vadd.s32 $0xA, v0;
	v21 =	vunpack.i.l.bf16.f32 v5;
	[tilespmem:s15+$0x122E0] =	vst v24  }
0x55a: {  	v25 =	vor.u32 $0x2, v3;
	v5 =	vunpack.i.u.bf16.f32 v5;
	[tilespmem:s15+$0x11DD0] =	vst v21;
	v9 =	vld.idx.msk [tilespmem:v22+s16+$0x0], $0xffff  }
0x55b: {  	v32 =	vunpack.i.l.bf16.f32 v26;
	[tilespmem:s15+$0x122D0] =	vst v5  }
0x55c: {  	[tilespmem:s15+$0x14FC0] =	vst v32;
	v5 =	vld.idx.msk [tilespmem:v18+s16+$0x0], $0xffff;
	v28 =	vunpack.i.l.bf16.f32 v7  }
0x55d: {  	v31 =	vor.u32 $0x3, v2;
	v7 =	vunpack.i.u.bf16.f32 v7;
	[tilespmem:s15+$0x11DF0] =	vst v28  }
0x55e: {  	v11 =	vld.idx.msk [tilespmem:v29+s16+$0x0], $0xffff;
	v10 =	vunpack.i.u.bf16.f32 v26;
	[tilespmem:s15+$0x122F0] =	vst v7  }
0x55f: {  	v27 =	vor.u32 $0x3, v4;
	[tilespmem:s15+$0x154C0] =	vst v10;
	v34 =	vunpack.i.l.bf16.f32 v9;
	v8 =	vld.idx.msk [tilespmem:v25+s16+$0x0], $0xffff  }
0x560: {  	v9 =	vunpack.i.u.bf16.f32 v9;
	[tilespmem:s15+$0x127E0] =	vst v34  }
0x561: {  	v33 =	vadd.s32 $0x7, v1;
	v30 =	vunpack.i.l.bf16.f32 v5;
	[tilespmem:s15+$0x12CE0] =	vst v9  }
0x562: {  	v35 =	vor.u32 $0x3, v3;
	v5 =	vunpack.i.u.bf16.f32 v5;
	[tilespmem:s15+$0x127D0] =	vst v30;
	v7 =	vld.idx.msk [tilespmem:v31+s16+$0x0], $0xffff  }
0x563: {  	v41 =	vunpack.i.l.bf16.f32 v11;
	[tilespmem:s15+$0x12CD0] =	vst v5  }
0x564: {  	[tilespmem:s15+$0x177B0] =	vst v41;
	v6 =	vld.idx.msk [tilespmem:v27+s16+$0x0], $0xffff;
	v37 =	vunpack.i.l.bf16.f32 v8  }
0x565: {  	v39 =	vadd.s32 $0x4, v2;
	v8 =	vunpack.i.u.bf16.f32 v8;
	[tilespmem:s15+$0x127F0] =	vst v37  }
0x566: {  	v54 =	vunpack.i.u.bf16.f32 v11;
	v5 =	vld.idx.msk [tilespmem:v33+s16+$0x0], $0xffff;
	[tilespmem:s15+$0x12CF0] =	vst v8  }
0x567: {  	v36 =	vadd.s32 $0x4, v4;
	[tilespmem:s15+$0x17CB0] =	vst v54;
	v42 =	vunpack.i.l.bf16.f32 v7;
	v40 =	vld.idx.msk [tilespmem:v35+s16+$0x0], $0xffff  }
0x568: {  	v7 =	vunpack.i.u.bf16.f32 v7;
	[tilespmem:s15+$0x131E0] =	vst v42  }
0x569: {  	v0 =	vadd.s32 $0xB, v0;
	v38 =	vunpack.i.l.bf16.f32 v6;
	[tilespmem:s15+$0x136E0] =	vst v7  }
0x56a: {  	v43 =	vadd.s32 $0x4, v3;
	v6 =	vunpack.i.u.bf16.f32 v6;
	[tilespmem:s15+$0x131D0] =	vst v38;
	v8 =	vld.idx.msk [tilespmem:v39+s16+$0x0], $0xffff  }
0x56b: {  	v44 =	vunpack.i.l.bf16.f32 v5;
	[tilespmem:s15+$0x136D0] =	vst v6  }
0x56c: {  	v47 =	vadd.s32 $0x8, v1;
	[tilespmem:s15+$0x159C0] =	vst v44;
	v6 =	vld.idx.msk [tilespmem:v36+s16+$0x0], $0xffff;
	v46 =	vunpack.i.l.bf16.f32 v40  }
0x56d: {  	v49 =	vadd.s32 $0x5, v2;
	v10 =	vunpack.i.u.bf16.f32 v40;
	[tilespmem:s15+$0x131F0] =	vst v46  }
0x56e: {  	v0 =	vld.idx.msk [tilespmem:v0+s16+$0x0], $0xffff;
	v5 =	vunpack.i.u.bf16.f32 v5;
	[tilespmem:s15+$0x136F0] =	vst v10  }
0x56f: {  	v45 =	vadd.s32 $0x5, v4;
	[tilespmem:s15+$0x15EC0] =	vst v5;
	v51 =	vunpack.i.l.bf16.f32 v8;
	v9 =	vld.idx.msk [tilespmem:v43+s16+$0x0], $0xffff  }
0x570: {  	v52 =	vunpack.i.u.bf16.f32 v8;
	[tilespmem:s15+$0x13BE0] =	vst v51  }
0x571: {  	v55 =	vld.idx.msk [tilespmem:v47+s16+$0x0], $0xffff;
	v48 =	vunpack.i.l.bf16.f32 v6;
	[tilespmem:s15+$0x140E0] =	vst v52  }
0x572: {  	v53 =	vadd.s32 $0x5, v3;
	v6 =	vunpack.i.u.bf16.f32 v6;
	[tilespmem:s15+$0x13BD0] =	vst v48;
	v57 =	vld.idx.msk [tilespmem:v49+s16+$0x0], $0xffff  }
0x573: {  	v18 =	vunpack.i.l.bf16.f32 v0;
	[tilespmem:s15+$0x140D0] =	vst v6  }
0x574: {  	[tilespmem:s15+$0x181B0] =	vst v18;
	v50 =	vld.idx.msk [tilespmem:v45+s16+$0x0], $0xffff;
	v58 =	vunpack.i.l.bf16.f32 v9  }
0x575: {  	v60 =	vadd.s32 $0x6, v2;
	v9 =	vunpack.i.u.bf16.f32 v9;
	[tilespmem:s15+$0x13BF0] =	vst v58  }
0x576: {  	v61 =	vunpack.i.l.bf16.f32 v55;
	[tilespmem:s15+$0x140F0] =	vst v9  }
0x577: {  	v56 =	vadd.s32 $0x6, v4;
	[tilespmem:s15+$0x163C0] =	vst v61;
	v63 =	vunpack.i.l.bf16.f32 v57;
	v6 =	vld.idx.msk [tilespmem:v53+s16+$0x0], $0xffff  }
0x578: {  	v8 =	vunpack.i.u.bf16.f32 v57;
	[tilespmem:s15+$0x145E0] =	vst v63  }
0x579: {  	v62 =	vadd.s32 $0x9, v1;
	v59 =	vunpack.i.l.bf16.f32 v50;
	[tilespmem:s15+$0x14AE0] =	vst v8  }
0x57a: {  	v12 =	vadd.s32 $0x6, v3;
	v5 =	vunpack.i.u.bf16.f32 v50;
	[tilespmem:s15+$0x145D0] =	vst v59;
	v9 =	vld.idx.msk [tilespmem:v60+s16+$0x0], $0xffff  }
0x57b: {  	v11 =	vunpack.i.u.bf16.f32 v55;
	[tilespmem:s15+$0x14AD0] =	vst v5  }
0x57c: {  	[tilespmem:s15+$0x168C0] =	vst v11;
	v7 =	vld.idx.msk [tilespmem:v56+s16+$0x0], $0xffff;
	v14 =	vunpack.i.l.bf16.f32 v6  }
0x57d: {  	v17 =	vadd.s32 $0x7, v2;
	v6 =	vunpack.i.u.bf16.f32 v6;
	[tilespmem:s15+$0x145F0] =	vst v14  }
0x57e: {  	v0 =	vunpack.i.u.bf16.f32 v0;
	v5 =	vld.idx.msk [tilespmem:v62+s16+$0x0], $0xffff;
	[tilespmem:s15+$0x14AF0] =	vst v6  }
0x57f: {  	v13 =	vadd.s32 $0x7, v4;
	[tilespmem:s15+$0x186B0] =	vst v0;
	v19 =	vunpack.i.l.bf16.f32 v9;
	v10 =	vld.idx.msk [tilespmem:v12+s16+$0x0], $0xffff  }
0x580: {  	v9 =	vunpack.i.u.bf16.f32 v9;
	[tilespmem:s15+$0x14FE0] =	vst v19  }
0x581: {  	v15 =	vunpack.i.l.bf16.f32 v7;
	[tilespmem:s15+$0x154E0] =	vst v9  }
0x582: {  	v20 =	vadd.s32 $0x7, v3;
	v16 =	vunpack.i.u.bf16.f32 v7;
	[tilespmem:s15+$0x14FD0] =	vst v15;
	v7 =	vld.idx.msk [tilespmem:v17+s16+$0x0], $0xffff  }
0x583: {  	v21 =	vunpack.i.l.bf16.f32 v5;
	[tilespmem:s15+$0x154D0] =	vst v16  }
0x584: {  	v24 =	vadd.s32 $0xA, v1;
	[tilespmem:s15+$0x16DC0] =	vst v21;
	v6 =	vld.idx.msk [tilespmem:v13+s16+$0x0], $0xffff;
	v23 =	vunpack.i.l.bf16.f32 v10  }
0x585: {  	v26 =	vadd.s32 $0x8, v2;
	v37 =	vld [tilespmem:s15+$0x19B0];
	v10 =	vunpack.i.u.bf16.f32 v10;
	[tilespmem:s15+$0x14FF0] =	vst v23  }
0x586: {  	v5 =	vunpack.i.u.bf16.f32 v5;
	[tilespmem:s15+$0x154F0] =	vst v10  }
0x587: {  	v22 =	vadd.s32 $0x8, v4;
	[tilespmem:s15+$0x172C0] =	vst v5;
	v28 =	vunpack.i.l.bf16.f32 v7;
	v8 =	vld.idx.msk [tilespmem:v20+s16+$0x0], $0xffff  }
0x588: {  	v7 =	vunpack.i.u.bf16.f32 v7;
	[tilespmem:s15+$0x159E0] =	vst v28  }
0x589: {  	v30 =	vld.idx.msk [tilespmem:v24+s16+$0x0], $0xffff;
	v25 =	vunpack.i.l.bf16.f32 v6;
	[tilespmem:s15+$0x15EE0] =	vst v7  }
0x58a: {  	v29 =	vadd.s32 $0x8, v3;
	v42 =	vcvt.s32.f32 v37;
	v6 =	vunpack.i.u.bf16.f32 v6;
	[tilespmem:s15+$0x159D0] =	vst v25;
	v7 =	vld.idx.msk [tilespmem:v26+s16+$0x0], $0xffff  }
0x58b: {  	[tilespmem:s15+$0x15ED0] =	vst v6  }
0x58c: {  	[tilespmem:s15+$0x18BB0] =	vst v42;
	v27 =	vld.idx.msk [tilespmem:v22+s16+$0x0], $0xffff;
	v32 =	vunpack.i.l.bf16.f32 v8  }
0x58d: {  	v34 =	vadd.s32 $0x9, v2;
	v8 =	vunpack.i.u.bf16.f32 v8;
	[tilespmem:s15+$0x159F0] =	vst v32  }
0x58e: {  	v35 =	vunpack.i.l.bf16.f32 v30;
	[tilespmem:s15+$0x15EF0] =	vst v8  }
0x58f: {  	v31 =	vadd.s32 $0x9, v4;
	[tilespmem:s15+$0x177C0] =	vst v35;
	v36 =	vunpack.i.l.bf16.f32 v7;
	v6 =	vld.idx.msk [tilespmem:v29+s16+$0x0], $0xffff  }
0x590: {  	v48 =	vld [tilespmem:s15+$0x19C0];
	v7 =	vunpack.i.u.bf16.f32 v7;
	[tilespmem:s15+$0x163E0] =	vst v36  }
0x591: {  	v1 =	vadd.s32 $0xB, v1;
	v33 =	vunpack.i.l.bf16.f32 v27;
	[tilespmem:s15+$0x168E0] =	vst v7  }
0x592: {  	v38 =	vadd.s32 $0x9, v3;
	v5 =	vunpack.i.u.bf16.f32 v27;
	[tilespmem:s15+$0x163D0] =	vst v33;
	v8 =	vld.idx.msk [tilespmem:v34+s16+$0x0], $0xffff  }
0x593: {  	v9 =	vunpack.i.u.bf16.f32 v30;
	[tilespmem:s15+$0x168D0] =	vst v5  }
0x594: {  	[tilespmem:s15+$0x17CC0] =	vst v9;
	v0 =	vld.idx.msk [tilespmem:v31+s16+$0x0], $0xffff;
	v40 =	vunpack.i.l.bf16.f32 v6  }
0x595: {  	v43 =	vadd.s32 $0xA, v2;
	v54 =	vcvt.s32.f32 v48;
	v6 =	vunpack.i.u.bf16.f32 v6;
	[tilespmem:s15+$0x163F0] =	vst v40  }
0x596: {  	v1 =	vld.idx.msk [tilespmem:v1+s16+$0x0], $0xffff;
	[tilespmem:s15+$0x168F0] =	vst v6  }
0x597: {  	v39 =	vadd.s32 $0xA, v4;
	[tilespmem:s15+$0x18BC0] =	vst v54;
	v44 =	vunpack.i.l.bf16.f32 v8;
	v5 =	vld.idx.msk [tilespmem:v38+s16+$0x0], $0xffff  }
0x598: {  	v8 =	vunpack.i.u.bf16.f32 v8;
	[tilespmem:s15+$0x16DE0] =	vst v44  }
0x599: {  	v41 =	vunpack.i.l.bf16.f32 v0;
	[tilespmem:s15+$0x172E0] =	vst v8  }
0x59a: {  	v45 =	vadd.s32 $0xA, v3;
	v0 =	vunpack.i.u.bf16.f32 v0;
	[tilespmem:s15+$0x16DD0] =	vst v41;
	v6 =	vld.idx.msk [tilespmem:v43+s16+$0x0], $0xffff  }
0x59b: {  	v46 =	vunpack.i.l.bf16.f32 v1;
	[tilespmem:s15+$0x172D0] =	vst v0  }
0x59c: {  	[tilespmem:s15+$0x181C0] =	vst v46;
	v0 =	vld.idx.msk [tilespmem:v39+s16+$0x0], $0xffff;
	v47 =	vunpack.i.l.bf16.f32 v5  }
0x59d: {  	v2 =	vadd.s32 $0xB, v2;
	v57 =	vld [tilespmem:s15+$0x19E0];
	v5 =	vunpack.i.u.bf16.f32 v5;
	[tilespmem:s15+$0x16DF0] =	vst v47  }
0x59e: {  	v51 =	vunpack.i.u.bf16.f32 v1;
	[tilespmem:s15+$0x172F0] =	vst v5  }
0x59f: {  	v4 =	vadd.s32 $0xB, v4;
	[tilespmem:s15+$0x186C0] =	vst v51;
	v53 =	vunpack.i.l.bf16.f32 v6;
	v50 =	vld.idx.msk [tilespmem:v45+s16+$0x0], $0xffff  }
0x5a0: {  	v55 =	vld [tilespmem:s15+$0x19D0];
	v6 =	vunpack.i.u.bf16.f32 v6;
	[tilespmem:s15+$0x177E0] =	vst v53  }
0x5a1: {  	v49 =	vunpack.i.l.bf16.f32 v0;
	[tilespmem:s15+$0x17CE0] =	vst v6  }
0x5a2: {  	v3 =	vadd.s32 $0xB, v3;
	v61 =	vcvt.s32.f32 v57;
	v0 =	vunpack.i.u.bf16.f32 v0;
	[tilespmem:s15+$0x177D0] =	vst v49;
	v2 =	vld.idx.msk [tilespmem:v2+s16+$0x0], $0xffff  }
0x5a3: {  	[tilespmem:s15+$0x17CD0] =	vst v0  }
0x5a4: {  	[tilespmem:s15+$0x18BE0] =	vst v61;
	v52 =	vld.idx.msk [tilespmem:v4+s16+$0x0], $0xffff;
	v56 =	vunpack.i.l.bf16.f32 v50  }
0x5a5: {  	v59 =	vld [tilespmem:s15+$0x19F0];
	v1 =	vcvt.s32.f32 v55;
	v5 =	vunpack.i.u.bf16.f32 v50;
	[tilespmem:s15+$0x177F0] =	vst v56  }
0x5a6: {  	[tilespmem:s15+$0x17CF0] =	vst v5  }
0x5a7: {  	[tilespmem:s15+$0x18BD0] =	vst v1;
	v60 =	vunpack.i.l.bf16.f32 v2;
	v3 =	vld.idx.msk [tilespmem:v3+s16+$0x0], $0xffff  }
0x5a8: {  	v2 =	vunpack.i.u.bf16.f32 v2;
	[tilespmem:s15+$0x181E0] =	vst v60  }
0x5a9: {  	p0 =	slt.u32 s10, $0x40;
	v0 =	vunpack.i.u.bf16.f32 v52;
	[tilespmem:s15+$0x186E0] =	vst v2  }
.Ltmp4:
0x5aa: {  	v58 =	vunpack.i.l.bf16.f32 v52;
	[tilespmem:s15+$0x186D0] =	vst v0;
	v0 =	vcvt.s32.f32 v59;
	(pc) =	sbr.rel @p0 .LBB2_9-.Ltmp4, $4  }
0x5ab: {  	[tilespmem:s15+$0x181D0] =	vst v58  }
0x5ac: {  	[tilespmem:s15+$0x18BF0] =	vst v0;
	v62 =	vunpack.i.l.bf16.f32 v3  }
0x5ad: {  	v63 =	vunpack.i.u.bf16.f32 v3;
	[tilespmem:s15+$0x181F0] =	vst v62  }
0x5ae: {  	s10 =	sadd.s32 $0x10, s10;
	[tilespmem:s15+$0x186F0] =	vst v63  }
0x5af: {  	s3 =	sadd.s32 s4, s3;
	s10 =	simm.s32 $0xD700  }
0x5b0: {  	[hbm4b:s3+s5] =	stream.linear.scatter [tilespmem:s10], [sflag:$0x4], $0x500, $0x38;
	[tilespmem:$0x1A200] =	vst v63  }
0x5b1: {  	s7 =	sadd.s32 s4, s7;
	s15 =	simm.s32 $0xDC00  }
0x5b2: {  	[hbm4b:s7+s5] =	stream.linear.scatter [tilespmem:s15], [sflag:$0x4], $0x500, $0x38;
	[tilespmem:$0x1A200] =	vst v63  }
0x5b3: {  	s17 =	sadd.s32 s4, s9;
	s18 =	simm.s32 $0xE100  }
0x5b4: {  	[hbm4b:s17+s5] =	stream.linear.scatter [tilespmem:s18], [sflag:$0x4], $0x500, $0x38;
	[tilespmem:$0x1A200] =	vst v63  }
0x5b5: {  	s10 =	sadd.s32 $0x12C000, s3;
	s15 =	simm.s32 $0xE600  }
0x5b6: {  	[hbm4b:s10+s5] =	stream.linear.scatter [tilespmem:s15], [sflag:$0x4], $0x500, $0x38;
	[tilespmem:$0x1A200] =	vst v63  }
0x5b7: {  	s17 =	sadd.s32 $0x190000, s3;
	s18 =	simm.s32 $0xEB00  }
0x5b8: {  	[hbm4b:s17+s5] =	stream.linear.scatter [tilespmem:s18], [sflag:$0x4], $0x500, $0x38;
	[tilespmem:$0x1A200] =	vst v63  }
0x5b9: {  	s10 =	sadd.s32 $0x1F4000, s3;
	s15 =	simm.s32 $0xF000  }
0x5ba: {  	[hbm4b:s10+s5] =	stream.linear.scatter [tilespmem:s15], [sflag:$0x4], $0x500, $0x38;
	[tilespmem:$0x1A200] =	vst v63  }
0x5bb: {  	s17 =	sadd.s32 $0x258000, s3;
	s18 =	simm.s32 $0xF500  }
0x5bc: {  	[hbm4b:s17+s5] =	stream.linear.scatter [tilespmem:s18], [sflag:$0x4], $0x500, $0x38;
	[tilespmem:$0x1A200] =	vst v63  }
0x5bd: {  	s10 =	sadd.s32 $0x2BC000, s3;
	s15 =	simm.s32 $0xFA00  }
0x5be: {  	[hbm4b:s10+s5] =	stream.linear.scatter [tilespmem:s15], [sflag:$0x4], $0x500, $0x38;
	[tilespmem:$0x1A200] =	vst v63  }
0x5bf: {  	s17 =	sadd.s32 $0x320000, s3;
	s18 =	simm.s32 $0xFF00  }
0x5c0: {  	[hbm4b:s17+s5] =	stream.linear.scatter [tilespmem:s18], [sflag:$0x4], $0x500, $0x38;
	[tilespmem:$0x1A200] =	vst v63  }
0x5c1: {  	s10 =	sadd.s32 $0x384000, s3;
	s15 =	simm.s32 $0x10400  }
0x5c2: {  	[hbm4b:s10+s5] =	stream.linear.scatter [tilespmem:s15], [sflag:$0x4], $0x500, $0x38;
	[tilespmem:$0x1A200] =	vst v63  }
0x5c3: {  	s17 =	sadd.s32 $0x3E8000, s3;
	s18 =	simm.s32 $0x10900  }
0x5c4: {  	[hbm4b:s17+s5] =	stream.linear.scatter [tilespmem:s18], [sflag:$0x4], $0x500, $0x38;
	[tilespmem:$0x1A200] =	vst v63  }
0x5c5: {  	s10 =	sadd.s32 $0x44C000, s3;
	s15 =	simm.s32 $0x10E00  }
0x5c6: {  	[hbm4b:s10+s5] =	stream.linear.scatter [tilespmem:s15], [sflag:$0x4], $0x500, $0x38;
	[tilespmem:$0x1A200] =	vst v63  }
0x5c7: {  	s17 =	sadd.s32 $0x4B0000, s3;
	s18 =	simm.s32 $0x11300  }
0x5c8: {  	[hbm4b:s17+s5] =	stream.linear.scatter [tilespmem:s18], [sflag:$0x4], $0x500, $0x38;
	[tilespmem:$0x1A200] =	vst v63  }
0x5c9: {  	s10 =	sadd.s32 $0x514000, s3;
	s15 =	simm.s32 $0x11800  }
0x5ca: {  	[hbm4b:s10+s5] =	stream.linear.scatter [tilespmem:s15], [sflag:$0x4], $0x500, $0x38;
	[tilespmem:$0x1A200] =	vst v63  }
0x5cb: {  	s17 =	sadd.s32 $0x578000, s3;
	s18 =	simm.s32 $0x11D00  }
0x5cc: {  	[hbm4b:s17+s5] =	stream.linear.scatter [tilespmem:s18], [sflag:$0x4], $0x500, $0x38;
	[tilespmem:$0x1A200] =	vst v63  }
0x5cd: {  	s10 =	sadd.s32 $0x5DC000, s3;
	s15 =	simm.s32 $0x12200  }
0x5ce: {  	[hbm4b:s10+s5] =	stream.linear.scatter [tilespmem:s15], [sflag:$0x4], $0x500, $0x38;
	[tilespmem:$0x1A200] =	vst v63  }
0x5cf: {  	s17 =	sadd.s32 $0x640000, s3;
	s18 =	simm.s32 $0x12700  }
0x5d0: {  	[hbm4b:s17+s5] =	stream.linear.scatter [tilespmem:s18], [sflag:$0x4], $0x500, $0x38;
	[tilespmem:$0x1A200] =	vst v63  }
0x5d1: {  	s10 =	sadd.s32 $0x6A4000, s3;
	s15 =	simm.s32 $0x12C00  }
0x5d2: {  	[hbm4b:s10+s5] =	stream.linear.scatter [tilespmem:s15], [sflag:$0x4], $0x500, $0x38;
	[tilespmem:$0x1A200] =	vst v63  }
0x5d3: {  	s17 =	sadd.s32 $0x708000, s3;
	s18 =	simm.s32 $0x13100  }
0x5d4: {  	[hbm4b:s17+s5] =	stream.linear.scatter [tilespmem:s18], [sflag:$0x4], $0x500, $0x38;
	[tilespmem:$0x1A200] =	vst v63  }
0x5d5: {  	s10 =	sadd.s32 $0x76C000, s3;
	s15 =	simm.s32 $0x13600  }
0x5d6: {  	[hbm4b:s10+s5] =	stream.linear.scatter [tilespmem:s15], [sflag:$0x4], $0x500, $0x38;
	[tilespmem:$0x1A200] =	vst v63  }
0x5d7: {  	s17 =	sadd.s32 $0x7D0000, s3;
	s18 =	simm.s32 $0x13B00  }
0x5d8: {  	[hbm4b:s17+s5] =	stream.linear.scatter [tilespmem:s18], [sflag:$0x4], $0x500, $0x38;
	[tilespmem:$0x1A200] =	vst v63  }
0x5d9: {  	s10 =	sadd.s32 $0x834000, s3;
	s15 =	simm.s32 $0x14000  }
0x5da: {  	[hbm4b:s10+s5] =	stream.linear.scatter [tilespmem:s15], [sflag:$0x4], $0x500, $0x38;
	[tilespmem:$0x1A200] =	vst v63  }
0x5db: {  	s17 =	sadd.s32 $0x898000, s3;
	s18 =	simm.s32 $0x14500  }
0x5dc: {  	[hbm4b:s17+s5] =	stream.linear.scatter [tilespmem:s18], [sflag:$0x4], $0x500, $0x38;
	[tilespmem:$0x1A200] =	vst v63  }
0x5dd: {  	s10 =	sadd.s32 $0x8FC000, s3;
	s15 =	simm.s32 $0x14A00  }
0x5de: {  	[hbm4b:s10+s5] =	stream.linear.scatter [tilespmem:s15], [sflag:$0x4], $0x500, $0x38;
	[tilespmem:$0x1A200] =	vst v63  }
0x5df: {  	s17 =	sadd.s32 $0x960000, s3  }
0x5e0: {  	[hbm4b:s17+s5] =	stream.linear.scatter [tilespmem:s12], [sflag:$0x4], $0x500, $0x38;
	[tilespmem:$0x1A200] =	vst v63  }
0x5e1: {  	s18 =	sadd.s32 $0x9C4000, s3  }
0x5e2: {  	[hbm4b:s18+s5] =	stream.linear.scatter [tilespmem:s19], [sflag:$0x4], $0x500, $0x38;
	[tilespmem:$0x1A200] =	vst v63  }
0x5e3: {  	s9 =	sadd.s32 $0xA28000, s3  }
0x5e4: {  	[hbm4b:s9+s5] =	stream.linear.scatter [tilespmem:s20], [sflag:$0x4], $0x500, $0x38;
	[tilespmem:$0x1A200] =	vst v63  }
0x5e5: {  	s10 =	sadd.s32 $0xA8C000, s3  }
0x5e6: {  	[hbm4b:s10+s5] =	stream.linear.scatter [tilespmem:s21], [sflag:$0x4], $0x500, $0x38;
	[tilespmem:$0x1A200] =	vst v63  }
0x5e7: {  	s15 =	sadd.s32 $0xAF0000, s3  }
0x5e8: {  	[hbm4b:s15+s5] =	stream.linear.scatter [tilespmem:s23], [sflag:$0x4], $0x500, $0x38;
	[tilespmem:$0x1A200] =	vst v63  }
0x5e9: {  	s17 =	sadd.s32 $0xB54000, s3  }
0x5ea: {  	[hbm4b:s17+s5] =	stream.linear.scatter [tilespmem:s24], [sflag:$0x4], $0x500, $0x38;
	[tilespmem:$0x1A200] =	vst v63  }
0x5eb: {  	s18 =	sadd.s32 $0xBB8000, s3  }
0x5ec: {  	[hbm4b:s18+s5] =	stream.linear.scatter [tilespmem:s25], [sflag:$0x4], $0x500, $0x38;
	[tilespmem:$0x1A200] =	vst v63  }
0x5ed: {  	s9 =	sadd.s32 $0xC1C000, s3  }
0x5ee: {  	[hbm4b:s9+s5] =	stream.linear.scatter [tilespmem:s26], [sflag:$0x4], $0x500, $0x38;
	[tilespmem:$0x1A200] =	vst v63  }
0x5ef: {  	s10 =	sadd.s32 $0xC80000, s3  }
0x5f0: {  	[hbm4b:s10+s5] =	stream.linear.scatter [tilespmem:s28], [sflag:$0x4], $0x500, $0x38;
	[tilespmem:$0x1A200] =	vst v63  }
0x5f1: {  	s0 =	sadd.s32 $0x1, s0;
	s15 =	sadd.s32 $0xCE4000, s3  }
0x5f2: {  	[hbm4b:s15+s5] =	stream.linear.scatter [tilespmem:s29], [sflag:$0x4], $0x500, $0x38;
	[tilespmem:$0x1A200] =	vst v63  }
0x5f3: {  	p0 =	sne.s32 s0, $0x28;
	s17 =	sadd.s32 $0xD48000, s3  }
0x5f4: {  	[hbm4b:s17+s5] =	stream.linear.scatter [tilespmem:s30], [sflag:$0x4], $0x500, $0x38;
	[tilespmem:$0x1A200] =	vst v63  }
.Ltmp5:
0x5f5: {  	_ = 	snop;
	(pc) =	sbr.rel @p0 .LBB2_2-.Ltmp5, $4  }
0x5f6: {  	s18 =	sadd.s32 $0xDAC000, s3  }
0x5f7: {  	[hbm4b:s18+s5] =	stream.linear.scatter [tilespmem:s31], [sflag:$0x4], $0x500, $0x38;
	[tilespmem:$0x1A200] =	vst v63  }
0x5f8: {  	s3 =	sadd.s32 $0xE10000, s3  }
0x5f9: {  	[hbm4b:s3+s5] =	stream.linear.scatter [tilespmem:s2], [sflag:$0x4], $0x500, $0x38;
	[tilespmem:$0x1A200] =	vst v63  }
0x5fa: {  	s0 =	simm.s32 $0x3  }
0x5fb: {  	_ =	swait.ge [sflag:s0], $0xB900  }
0x5fc: {  	[sflag:s0] =	ssyncset.done $0x0  }
0x5fd: {  	[sflag:s0] =	ssyncadd.s32 $0xFFFF4700  }
0x5fe: {  	_ =	swait.ge [sflag:s8], $0xB900  }
0x5ff: {  	s3 =	rddreg [dreg:$0xa]  }
0x600: {  	s18 =	rddreg [dreg:$0x9];
	s3 =	sadd.s32 $0x1, s3  }
0x601: {  	p0 =	sne.s32 s3, s18  }
.Ltmp6:
0x602: {  	_ = 	snop;
	(pc) =	sbr.rel @p0 .LBB2_1-.Ltmp6, $3  }
0x603: {  	_ =	sdelay $0x1  }
0x604: {  	[sflag:s8] =	ssyncset.done $0x0  }
0x605: {  	[sflag:s8] =	ssyncadd.s32 $0xFFFF4700  }
0x606: {  	_ =	sfence.sel $0x180000  }
0x607: {  	[bflag:$0x0] =	sbarrier.arrive $0xFFFF  }
0x608: {  	_ =	strace $0x90000047  }
0x609: {  	s0 =	stileid.u32;
	[bflag:$0x2] =	sbarrier.arrive $0xFFFF  }
0x60a: {  	p0 =	sne.s32 s0, $0x0;
	s0 =	rddreg [dreg:$0x3]  }
0x60b: {  	s0 =	sadd.s32 @!p0 $0x100000, s0  }
0x60c: {  	[sflag:s0] =	ssyncadd.tile.s32 @!p0 $0x1;
	_ =	shalt  }
.Lfunc_end2:
_tile_overlayer_lowered:
.L_overlay_start_2:
0x60d: {  	(tag) =	ssettag $0x2  }
0x60e: {  	s0 =	rddreg [dreg:$0x0];
	s2 =	stileid.u32  }
0x60f: {  	s1 =	rddreg [dreg:$0x1];
	p0 =	sne.s32 s2, $0x0  }
0x610: {  	s3 =	rddreg [dreg:$0x2];
	[bflag:$0x3] =	sbarrier.arrive $0xFFFF;
	s2 =	simm.s32 @!p0 $0x1C05  }
0x611: {  	[timem:s3], [sflag:s2] =	dma.local @!p0 [hbm:s0], s1  }
0x612: {  	s0 =	simm.s32 @!p0 $0x5  }
0x613: {  	_ =	swait.ge @!p0 [sflag:s0], s1  }
0x614: {  	s1 =	ssub.s32 @!p0 $0x0, s1;
	[sflag:s0] =	ssyncset.done @!p0 $0x0  }
0x615: {  	[sflag:s0] =	ssyncadd.s32 @!p0 s1  }
0x616: {  	[bflag:$0x3] =	sbarrier.arrive $0xFFFF  }
0x617: {  	_ =	shalt  }

</sc_bundles>
